<compile_context>
chip_gen: v7x
topology: tpu7x:2x2x1
jax: 0.10.2.dev20260603
libtpu: 0.0.44.dev20260713+nightly
codegen_flags: <defaults>
</compile_context>

<pallas_src>
import functools

import jax
import jax.numpy as jnp
from jax import lax
from jax.experimental import pallas as pl
from jax.experimental.pallas import tpu as pltpu
from jax.experimental.pallas import tpu_sc as plsc

N = 65536
M = 8192
DV = 4
E = N * DV
T_RRD = 6
T_BP = 5
EPS = 1e-9

NT = 16
VW = N // NT
EW = VW * DV
CS = M // NT
NCH = VW // 128

LN2 = 0.6931471805599453
SQRT2 = 1.4142135


def _log16(x):
    bits = lax.bitcast_convert_type(x, jnp.int32)
    k = lax.shift_right_logical(bits, 23) - 127
    mbits = (bits & jnp.int32(0x007FFFFF)) | jnp.int32(0x3F800000)
    m = lax.bitcast_convert_type(mbits, jnp.float32)
    big = m > SQRT2
    m = jnp.where(big, m * 0.5, m)
    k = k + jnp.where(big, jnp.int32(1), jnp.int32(0))
    s = (m - 1.0) / (m + 1.0)
    s2 = s * s
    p = jnp.float32(2.0 / 5.0) + s2 * jnp.float32(2.0 / 7.0)
    p = jnp.float32(2.0 / 3.0) + s2 * p
    p = jnp.float32(2.0) + s2 * p
    return k.astype(jnp.float32) * jnp.float32(LN2) + s * p


def _body(chn_hbm, chk_hbm, perms_hbm, bl_hbm, out_hbm,
          m_b, la_b, idx_b, tlog_b, tsgn_b, llrp_b, marg_b,
          llr0_b, soft_b, prm_b, acc_b, rb3_b, bl_b,
          part_s, tot_s, n_s, sem):
    t = lax.axis_index("s")
    vbase = t * VW

    pltpu.sync_copy(chn_hbm.at[pl.ds(vbase, VW)], llr0_b)
    pltpu.sync_copy(chk_hbm.at[t], idx_b)
    pltpu.sync_copy(bl_hbm, bl_b)

    z16 = jnp.zeros((16,), jnp.float32)
    blv = bl_b[...]
    beta = 1.0 / (1.0 + jnp.exp(-blv))
    ombeta = 1.0 - beta

    @plsc.parallel_loop(0, VW // 16, unroll=4)
    def _cp(i):
        s = pl.ds(i * 16, 16)
        soft_b[s] = llr0_b[s]

    def outer(o, oc):
        @plsc.parallel_loop(0, VW // 16, unroll=4)
        def _mix(i):
            s = pl.ds(i * 16, 16)
            marg_b[s] = ombeta * llr0_b[s] + beta * soft_b[s]
        pltpu.sync_copy(marg_b, n_s.at[pl.ds(vbase, VW)])
        pltpu.sync_copy(perms_hbm.at[o, t], prm_b)
        plsc.subcore_barrier()

        descs = []
        for j in range(NCH):
            descs.append(pltpu.async_copy(
                n_s.at[prm_b.at[j]], llrp_b.at[pl.ds(j * 128, 128)], sem))
        for d in descs:
            d.wait()

        @plsc.parallel_loop(0, VW // 16, unroll=4)
        def _ini(i):
            s = pl.ds(i * 16, 16)
            x = llrp_b[s]
            for dd in range(DV):
                m_b[pl.ds(dd * VW + i * 16, 16)] = x

        def bp(_it, bc):
            @plsc.parallel_loop(0, M // 16, unroll=4)
            def _z(i):
                s = pl.ds(i * 16, 16)
                tlog_b[s] = z16
                tsgn_b[s] = z16

            @plsc.parallel_loop(0, EW // 16, unroll=4)
            def _pa(i):
                s = pl.ds(i * 16, 16)
                m = m_b[s]
                idx = idx_b[s] & jnp.int32(0x1FFF)
                am = jnp.abs(m)
                e = jnp.exp(-am)
                ta = (1.0 - e) / (1.0 + e)
                la = _log16(ta + EPS)
                isneg = m < 0.0
                negi = jnp.where(isneg, jnp.int32(1), jnp.int32(0))
                neg = jnp.where(isneg, 1.0, 0.0)
                la_b[s] = la
                idx_b[s] = idx | lax.shift_left(negi, 13)
                plsc.addupdate_scatter(tlog_b, [idx], la)
                plsc.addupdate_scatter(tsgn_b, [idx], neg)

            pltpu.sync_copy(tlog_b, part_s.at[t, 0])
            pltpu.sync_copy(tsgn_b, part_s.at[t, 1])
            plsc.subcore_barrier()

            pltpu.sync_copy(part_s.at[:, :, pl.ds(t * CS, CS)], rb3_b)

            @plsc.parallel_loop(0, CS // 16, unroll=2)
            def _red(i):
                s = pl.ds(i * 16, 16)
                vl = rb3_b[0, 0, s]
                vc = rb3_b[0, 1, s]
                for j in range(1, NT):
                    vl = vl + rb3_b[j, 0, s]
                    vc = vc + rb3_b[j, 1, s]
                acc_b[0, s] = vl
                par = (vc.astype(jnp.int32) & 1).astype(jnp.float32)
                acc_b[1, s] = 1.0 - 2.0 * par

            pltpu.sync_copy(acc_b.at[0], tot_s.at[0, pl.ds(t * CS, CS)])
            pltpu.sync_copy(acc_b.at[1], tot_s.at[1, pl.ds(t * CS, CS)])
            plsc.subcore_barrier()
            pltpu.sync_copy(tot_s.at[0], tlog_b)
            pltpu.sync_copy(tot_s.at[1], tsgn_b)

            @plsc.parallel_loop(0, EW // 16, unroll=4)
            def _pb(i):
                s = pl.ds(i * 16, 16)
                idxp = idx_b[s]
                idx = idxp & jnp.int32(0x1FFF)
                gl = plsc.load_gather(tlog_b, [idx])
                gs = plsc.load_gather(tsgn_b, [idx])
                la = la_b[s]
                sgn = 1.0 - 2.0 * (lax.shift_right_logical(idxp, 13) & 1).astype(jnp.float32)
                prod = (gs * sgn) * jnp.exp(gl - la)
                prod = jnp.clip(prod, -1.0 + 1e-7, 1.0 - 1e-7)
                m_b[s] = _log16((1.0 + prod) / (1.0 - prod))

            @plsc.parallel_loop(0, VW // 16, unroll=4)
            def _pc(i):
                s = pl.ds(i * 16, 16)
                mg = llrp_b[s]
                for dd in range(DV):
                    mg = mg + m_b[pl.ds(dd * VW + i * 16, 16)]
                marg_b[s] = mg
                for dd in range(DV):
                    sd = pl.ds(dd * VW + i * 16, 16)
                    m_b[sd] = mg - m_b[sd]
            return bc
        lax.fori_loop(0, T_BP, bp, 0)

        descs = []
        for j in range(NCH):
            descs.append(pltpu.async_copy(
                marg_b.at[pl.ds(j * 128, 128)], n_s.at[prm_b.at[j]], sem))
        for d in descs:
            d.wait()
        plsc.subcore_barrier()
        pltpu.sync_copy(n_s.at[pl.ds(vbase, VW)], soft_b)
        pltpu.sync_copy(soft_b, out_hbm.at[o, pl.ds(vbase, VW)])
        return oc
    lax.fori_loop(0, T_RRD, outer, 0)


@jax.jit
def kernel(chn_llr, edge_index, perms, beta_logit):
    chk_idx = edge_index[1]
    chk_r = chk_idx.reshape(NT, VW, DV).transpose(0, 2, 1).reshape(NT, EW)
    perms_r = perms.reshape(T_RRD, NT, NCH, 128)
    bl16 = jnp.broadcast_to(beta_logit.astype(jnp.float32), (16,))

    mesh = plsc.VectorSubcoreMesh(
        core_axis_name="c", subcore_axis_name="s", num_cores=1)
    run = functools.partial(
        pl.kernel,
        out_type=jax.ShapeDtypeStruct((T_RRD, N), jnp.float32),
        mesh=mesh,
        compiler_params=pltpu.CompilerParams(needs_layout_passes=False),
        scratch_types=[
            pltpu.VMEM((EW,), jnp.float32),
            pltpu.VMEM((EW,), jnp.float32),
            pltpu.VMEM((EW,), jnp.int32),
            pltpu.VMEM((M,), jnp.float32),
            pltpu.VMEM((M,), jnp.float32),
            pltpu.VMEM((VW,), jnp.float32),
            pltpu.VMEM((VW,), jnp.float32),
            pltpu.VMEM((VW,), jnp.float32),
            pltpu.VMEM((VW,), jnp.float32),
            pltpu.VMEM((NCH, 128), jnp.int32),
            pltpu.VMEM((2, CS), jnp.float32),
            pltpu.VMEM((NT, 2, CS), jnp.float32),
            pltpu.VMEM((16,), jnp.float32),
            pltpu.VMEM_SHARED((NT, 2, M), jnp.float32),
            pltpu.VMEM_SHARED((2, M), jnp.float32),
            pltpu.VMEM_SHARED((N,), jnp.float32),
            pltpu.SemaphoreType.DMA,
        ],
    )(_body)
    return run(chn_llr, chk_r, perms_r, bl16)

# --- scband reference (transcript-rebuilt; emitter-appended) ---
"""Pipeline reference for scband-rrd-bp-decoder-85882166051336 (READ-ONLY COPY).

The authoritative reference and input builder live on the scoring server;
editing this copy changes nothing except your own understanding.
"""

import jax, jax.numpy as jnp
import numpy as np

N = 65536   # variable nodes (code length)
M = 8192    # check nodes
DV = 4      # variable degree
E = N * DV  # edges in Tanner graph
T_RRD = 6   # outer RRD iterations
T_BP = 5    # inner BP iterations per outer iteration
EPS = 1e-9


def setup_inputs(seed: int = 0) -> dict:
    key = jax.random.key(seed)
    k1, k2, k3 = jax.random.split(key, 3)
    chn_llr = jax.random.normal(k1, (N,), dtype=jnp.float32) * 2.0
    # Tanner graph: each variable node connects to DV random check nodes
    var_idx = jnp.repeat(jnp.arange(N, dtype=jnp.int32), DV)
    chk_idx = jax.random.randint(k2, (E,), 0, M, dtype=jnp.int32)
    edge_index = jnp.stack([var_idx, chk_idx])
    # precomputed code automorphisms (random permutations), one per outer iter
    perms = jnp.stack([
        jax.random.permutation(jax.random.fold_in(k3, t), N)
        for t in range(T_RRD)
    ]).astype(jnp.int32)
    beta_logit = jnp.array([np.log(0.9 / (1.0 - 0.9))], dtype=jnp.float32)
    return {"chn_llr": chn_llr, "edge_index": edge_index, "perms": perms,
            "beta_logit": beta_logit}


def _bp_decode(llr, var_idx, chk_idx):
    # Sum-product BP on the Tanner graph (log-tanh domain check update).
    m_vc = llr[var_idx]
    outs = []
    for _ in range(T_BP):
        # ---- check-node update (exclude-self product via segment_sum in log domain)
        t = jnp.tanh(0.5 * m_vc)
        sgn = jnp.where(t >= 0, 1.0, -1.0)
        log_abs = jnp.log(jnp.abs(t) + EPS)
        seg_log = jax.ops.segment_sum(log_abs, chk_idx, num_segments=M)
        neg = (t < 0).astype(jnp.int32)
        seg_neg = jax.ops.segment_sum(neg, chk_idx, num_segments=M)
        sign_chk = 1.0 - 2.0 * (seg_neg % 2).astype(jnp.float32)
        excl_log = seg_log[chk_idx] - log_abs
        excl_sign = sign_chk[chk_idx] * sgn  # divide out own sign (sgn^2 = 1)
        prod = excl_sign * jnp.exp(excl_log)
        prod = jnp.clip(prod, -1.0 + 1e-7, 1.0 - 1e-7)
        m_cv = 2.0 * jnp.arctanh(prod)
        # ---- variable-node update (exclude-self sum via segment_sum)
        sum_cv = jax.ops.segment_sum(m_cv, var_idx, num_segments=N)
        marg = llr + sum_cv
        m_vc = marg[var_idx] - m_cv
        outs.append(marg)
    return outs


def reference(chn_llr, edge_index, perms, beta_logit):
    var_idx = edge_index[0]
    chk_idx = edge_index[1]
    beta = jax.nn.sigmoid(beta_logit[0])
    soft_out = chn_llr
    all_out = []
    for t in range(T_RRD):
        # mixing(chn_llr, soft_out, beta)
        soft_in = (1.0 - beta) * chn_llr + beta * soft_out
        perm = perms[t]
        soft_in_p = soft_in[perm]
        outs = _bp_decode(soft_in_p, var_idx, chk_idx)
        inv_perm = jnp.argsort(perm)
        outs = [o[inv_perm] for o in outs]
        soft_out = outs[-1]
        all_out.append(soft_out)
    return jnp.stack(all_out)  # [T_RRD, N]

if __name__ == "__main__":
    import jax
    _d = setup_inputs()
    print(jax.jit(kernel)(*tuple(_d.values())))

</pallas_src>

<mosaic_0001>
#map = affine_map<(d0, d1) -> (0)>
#map1 = affine_map<(d0, d1) -> (0, 0)>
#map2 = affine_map<(d0, d1) -> (0, 0, 0, 0)>
module attributes {stable_mosaic.version = 14 : i64} {
  func.func @_body(%arg0: i32, %arg1: i32, %arg2: memref<65536xf32, #tpu.memory_space<hbm>>, %arg3: memref<16x16384xi32, #tpu.memory_space<hbm>>, %arg4: memref<6x16x32x128xi32, #tpu.memory_space<hbm>>, %arg5: memref<16xf32, #tpu.memory_space<hbm>>, %arg6: memref<6x65536xf32, #tpu.memory_space<hbm>>, %arg7: memref<16384xf32, #tpu.memory_space<vmem>>, %arg8: memref<16384xf32, #tpu.memory_space<vmem>>, %arg9: memref<16384xi32, #tpu.memory_space<vmem>>, %arg10: memref<8192xf32, #tpu.memory_space<vmem>>, %arg11: memref<8192xf32, #tpu.memory_space<vmem>>, %arg12: memref<4096xf32, #tpu.memory_space<vmem>>, %arg13: memref<4096xf32, #tpu.memory_space<vmem>>, %arg14: memref<4096xf32, #tpu.memory_space<vmem>>, %arg15: memref<4096xf32, #tpu.memory_space<vmem>>, %arg16: memref<32x128xi32, #tpu.memory_space<vmem>>, %arg17: memref<2x512xf32, #tpu.memory_space<vmem>>, %arg18: memref<16x2x512xf32, #tpu.memory_space<vmem>>, %arg19: memref<16xf32, #tpu.memory_space<vmem>>, %arg20: memref<16x2x8192xf32, #tpu.memory_space<vmem_shared>>, %arg21: memref<2x8192xf32, #tpu.memory_space<vmem_shared>>, %arg22: memref<65536xf32, #tpu.memory_space<vmem_shared>>, %arg23: memref<!tpu.dma_semaphore, #tpu.memory_space<semaphore_mem>>) attributes {dimension_semantics = [#tpu.dimension_semantics<core_parallel>, #tpu.dimension_semantics<subcore_parallel>], iteration_bounds = array<i64: 1, 16>, scalar_prefetch = 0 : i64, scratch_operands = 17 : i64, tpu.core_type = #tpu.core_type<sc_vector_subcore>, window_params = [{transform_indices = #map}, {transform_indices = #map1}, {transform_indices = #map2}, {transform_indices = #map}, {transform_indices = #map1}]} {
    %mul3A = arith.constant 4096 : i32
    %mul3A_0 = arith.muli %arg1, %mul3A : i32
    "tpu.region"() ({
      %run_scoped3A = tpu.sem_alloc : memref<!tpu.dma_semaphore, #tpu.memory_space<semaphore_mem>>
      %dma_start3A = tpu.memref_slice %arg2[%mul3A_0] : memref<65536xf32, #tpu.memory_space<hbm>> -> memref<4096xf32, #tpu.memory_space<hbm>>
      %dma_start3A_18 = tpu.memref_slice %arg2[%mul3A_0] : memref<65536xf32, #tpu.memory_space<hbm>> -> memref<4096xf32, #tpu.memory_space<hbm>>
      tpu.enqueue_dma source(%dma_start3A_18 : memref<4096xf32, #tpu.memory_space<hbm>>) target(%arg14 : memref<4096xf32, #tpu.memory_space<vmem>>) target_semaphore(%run_scoped3A : memref<!tpu.dma_semaphore, #tpu.memory_space<semaphore_mem>>)
      %dma_wait3A = tpu.memref_slice %arg2[%mul3A_0] : memref<65536xf32, #tpu.memory_space<hbm>> -> memref<4096xf32, #tpu.memory_space<hbm>>
      %dma_wait3A_19 = tpu.memref_slice %arg2[%mul3A_0] : memref<65536xf32, #tpu.memory_space<hbm>> -> memref<4096xf32, #tpu.memory_space<hbm>>
      tpu.wait_dma2 semaphore(%run_scoped3A : memref<!tpu.dma_semaphore, #tpu.memory_space<semaphore_mem>>) src(%dma_wait3A_19 : memref<4096xf32, #tpu.memory_space<hbm>>) dst(%arg14 : memref<4096xf32, #tpu.memory_space<vmem>>)
      tpu.yield
    }) : () -> ()
    "tpu.region"() ({
      %run_scoped3A = tpu.sem_alloc : memref<!tpu.dma_semaphore, #tpu.memory_space<semaphore_mem>>
      %dma_start3A = arith.constant 0 : i32
      %dma_start3A_18 = tpu.memref_slice %arg3[%arg1, %dma_start3A] : memref<16x16384xi32, #tpu.memory_space<hbm>> -> memref<1x16384xi32, #tpu.memory_space<hbm>>
      %dma_start3A_19 = tpu.memref_squeeze %dma_start3A_18 : memref<1x16384xi32, #tpu.memory_space<hbm>> -> memref<16384xi32, #tpu.memory_space<hbm>>
      %dma_start3A_20 = arith.constant 0 : i32
      %dma_start3A_21 = tpu.memref_slice %arg3[%arg1, %dma_start3A_20] : memref<16x16384xi32, #tpu.memory_space<hbm>> -> memref<1x16384xi32, #tpu.memory_space<hbm>>
      %dma_start3A_22 = tpu.memref_squeeze %dma_start3A_21 : memref<1x16384xi32, #tpu.memory_space<hbm>> -> memref<16384xi32, #tpu.memory_space<hbm>>
      tpu.enqueue_dma source(%dma_start3A_22 : memref<16384xi32, #tpu.memory_space<hbm>>) target(%arg9 : memref<16384xi32, #tpu.memory_space<vmem>>) target_semaphore(%run_scoped3A : memref<!tpu.dma_semaphore, #tpu.memory_space<semaphore_mem>>)
      %dma_wait3A = arith.constant 0 : i32
      %dma_wait3A_23 = tpu.memref_slice %arg3[%arg1, %dma_wait3A] : memref<16x16384xi32, #tpu.memory_space<hbm>> -> memref<1x16384xi32, #tpu.memory_space<hbm>>
      %dma_wait3A_24 = tpu.memref_squeeze %dma_wait3A_23 : memref<1x16384xi32, #tpu.memory_space<hbm>> -> memref<16384xi32, #tpu.memory_space<hbm>>
      %dma_wait3A_25 = arith.constant 0 : i32
      %dma_wait3A_26 = tpu.memref_slice %arg3[%arg1, %dma_wait3A_25] : memref<16x16384xi32, #tpu.memory_space<hbm>> -> memref<1x16384xi32, #tpu.memory_space<hbm>>
      %dma_wait3A_27 = tpu.memref_squeeze %dma_wait3A_26 : memref<1x16384xi32, #tpu.memory_space<hbm>> -> memref<16384xi32, #tpu.memory_space<hbm>>
      tpu.wait_dma2 semaphore(%run_scoped3A : memref<!tpu.dma_semaphore, #tpu.memory_space<semaphore_mem>>) src(%dma_wait3A_27 : memref<16384xi32, #tpu.memory_space<hbm>>) dst(%arg9 : memref<16384xi32, #tpu.memory_space<vmem>>)
      tpu.yield
    }) : () -> ()
    "tpu.region"() ({
      %run_scoped3A = tpu.sem_alloc : memref<!tpu.dma_semaphore, #tpu.memory_space<semaphore_mem>>
      tpu.enqueue_dma source(%arg5 : memref<16xf32, #tpu.memory_space<hbm>>) target(%arg19 : memref<16xf32, #tpu.memory_space<vmem>>) target_semaphore(%run_scoped3A : memref<!tpu.dma_semaphore, #tpu.memory_space<semaphore_mem>>)
      tpu.wait_dma2 semaphore(%run_scoped3A : memref<!tpu.dma_semaphore, #tpu.memory_space<semaphore_mem>>) src(%arg5 : memref<16xf32, #tpu.memory_space<hbm>>) dst(%arg19 : memref<16xf32, #tpu.memory_space<vmem>>)
      tpu.yield
    }) : () -> ()
    %broadcast_in_dim3A = arith.constant 0.000000e+00 : f32
    %broadcast_in_dim3A_1 = vector.broadcast %broadcast_in_dim3A : f32 to vector<16xf32>
    %get3A = arith.constant 0 : index
    %get3A_2 = tpu.vector_load %arg19[%get3A] {strides = array<i32>} : memref<16xf32, #tpu.memory_space<vmem>>, vector<16xf32>,
    %neg3A = arith.constant 0.000000e+00 : f32
    %neg3A_3 = vector.broadcast %neg3A : f32 to vector<16xf32>
    %neg3A_4 = arith.subf %neg3A_3, %get3A_2 : vector<16xf32>
    %exp3A = math.exp %neg3A_4 : vector<16xf32>
    %add3A = arith.constant 1.000000e+00 : f32
    %add3A_5 = vector.broadcast %add3A : f32 to vector<16xf32>
    %add3A_6 = arith.addf %add3A_5, %exp3A : vector<16xf32>
    %div3A = arith.constant 1.000000e+00 : f32
    %div3A_7 = vector.broadcast %div3A : f32 to vector<16xf32>
    %div3A_8 = arith.divf %div3A_7, %add3A_6 : vector<16xf32>
    %sub3A = arith.constant 1.000000e+00 : f32
    %sub3A_9 = vector.broadcast %sub3A : f32 to vector<16xf32>
    %sub3A_10 = arith.subf %sub3A_9, %div3A_8 : vector<16xf32>
    %parallel_loop3A = arith.constant 0 : i32
    %parallel_loop3A_11 = arith.constant 256 : i32
    %parallel_loop3A_12 = arith.constant 1 : i32
    scf.for %parallel_loop3A_18 = %parallel_loop3A to %parallel_loop3A_11 step %parallel_loop3A_12  : i32 {
      %parallel_loop3A_19 = arith.constant 16 : i32
      %parallel_loop3A_20 = arith.muli %parallel_loop3A_18, %parallel_loop3A_19 : i32
      %parallel_loop3A_21 = arith.index_cast %parallel_loop3A_20 : i32 to index
      %parallel_loop3A_22 = tpu.vector_load %arg14[%parallel_loop3A_21] {strides = array<i32>} : memref<4096xf32, #tpu.memory_space<vmem>>, vector<16xf32>,
      %parallel_loop3A_23 = arith.index_cast %parallel_loop3A_20 : i32 to index
      %parallel_loop3A_24 = tpu.vector_load %arg15[%parallel_loop3A_23] {strides = array<i32>} : memref<4096xf32, #tpu.memory_space<vmem>>, vector<16xf32>,
      tpu.vector_store %arg15[%parallel_loop3A_23], %parallel_loop3A_22 {strides = array<i32>} : memref<4096xf32, #tpu.memory_space<vmem>>, vector<16xf32>,
    } {sc.loop_unroll_factor = 4 : i64, sc.parallel_access}
    %scan3A = arith.constant 0 : i32
    %scan3A_13 = arith.constant 0 : i32
    %scan3A_14 = arith.constant 6 : i32
    %scan3A_15 = arith.addi %scan3A_13, %scan3A_14 : i32
    %scan3A_16 = arith.constant 1 : i32
    scf.for %scan3A_18 = %scan3A_13 to %scan3A_15 step %scan3A_16  : i32 {
      %parallel_loop3A_19 = arith.constant 0 : i32
      %parallel_loop3A_20 = arith.constant 256 : i32
      %parallel_loop3A_21 = arith.constant 1 : i32
      scf.for %parallel_loop3A_1054 = %parallel_loop3A_19 to %parallel_loop3A_20 step %parallel_loop3A_21  : i32 {
        %parallel_loop3A_1055 = arith.constant 16 : i32
        %parallel_loop3A_1056 = arith.muli %parallel_loop3A_1054, %parallel_loop3A_1055 : i32
        %parallel_loop3A_1057 = arith.index_cast %parallel_loop3A_1056 : i32 to index
        %parallel_loop3A_1058 = tpu.vector_load %arg14[%parallel_loop3A_1057] {strides = array<i32>} : memref<4096xf32, #tpu.memory_space<vmem>>, vector<16xf32>,
        %parallel_loop3A_1059 = arith.mulf %sub3A_10, %parallel_loop3A_1058 : vector<16xf32>
        %parallel_loop3A_1060 = arith.index_cast %parallel_loop3A_1056 : i32 to index
        %parallel_loop3A_1061 = tpu.vector_load %arg15[%parallel_loop3A_1060] {strides = array<i32>} : memref<4096xf32, #tpu.memory_space<vmem>>, vector<16xf32>,
        %parallel_loop3A_1062 = arith.mulf %div3A_8, %parallel_loop3A_1061 : vector<16xf32>
        %parallel_loop3A_1063 = arith.addf %parallel_loop3A_1059, %parallel_loop3A_1062 : vector<16xf32>
        %parallel_loop3A_1064 = arith.index_cast %parallel_loop3A_1056 : i32 to index
        %parallel_loop3A_1065 = tpu.vector_load %arg13[%parallel_loop3A_1064] {strides = array<i32>} : memref<4096xf32, #tpu.memory_space<vmem>>, vector<16xf32>,
        tpu.vector_store %arg13[%parallel_loop3A_1064], %parallel_loop3A_1063 {strides = array<i32>} : memref<4096xf32, #tpu.memory_space<vmem>>, vector<16xf32>,
      } {sc.loop_unroll_factor = 4 : i64, sc.parallel_access}
      "tpu.region"() ({
        %run_scoped3A = tpu.sem_alloc : memref<!tpu.dma_semaphore, #tpu.memory_space<semaphore_mem>>
        %dma_start3A_1054 = tpu.memref_slice %arg22[%mul3A_0] : memref<65536xf32, #tpu.memory_space<vmem_shared>> -> memref<4096xf32, #tpu.memory_space<vmem_shared>>
        %dma_start3A_1055 = tpu.memref_slice %arg22[%mul3A_0] : memref<65536xf32, #tpu.memory_space<vmem_shared>> -> memref<4096xf32, #tpu.memory_space<vmem_shared>>
        tpu.enqueue_dma source(%arg13 : memref<4096xf32, #tpu.memory_space<vmem>>) target(%dma_start3A_1055 : memref<4096xf32, #tpu.memory_space<vmem_shared>>) target_semaphore(%run_scoped3A : memref<!tpu.dma_semaphore, #tpu.memory_space<semaphore_mem>>)
        %dma_wait3A_1056 = tpu.memref_slice %arg22[%mul3A_0] : memref<65536xf32, #tpu.memory_space<vmem_shared>> -> memref<4096xf32, #tpu.memory_space<vmem_shared>>
        %dma_wait3A_1057 = tpu.memref_slice %arg22[%mul3A_0] : memref<65536xf32, #tpu.memory_space<vmem_shared>> -> memref<4096xf32, #tpu.memory_space<vmem_shared>>
        tpu.wait_dma2 semaphore(%run_scoped3A : memref<!tpu.dma_semaphore, #tpu.memory_space<semaphore_mem>>) src(%arg13 : memref<4096xf32, #tpu.memory_space<vmem>>) dst(%dma_wait3A_1057 : memref<4096xf32, #tpu.memory_space<vmem_shared>>)
        tpu.yield
      }) : () -> ()
      "tpu.region"() ({
        %run_scoped3A = tpu.sem_alloc : memref<!tpu.dma_semaphore, #tpu.memory_space<semaphore_mem>>
        %dma_start3A_1054 = arith.constant 0 : i32
        %dma_start3A_1055 = arith.constant 0 : i32
        %dma_start3A_1056 = tpu.memref_slice %arg4[%scan3A_18, %arg1, %dma_start3A_1054, %dma_start3A_1055] : memref<6x16x32x128xi32, #tpu.memory_space<hbm>> -> memref<1x1x32x128xi32, #tpu.memory_space<hbm>>
        %dma_start3A_1057 = tpu.memref_squeeze %dma_start3A_1056 : memref<1x1x32x128xi32, #tpu.memory_space<hbm>> -> memref<32x128xi32, #tpu.memory_space<hbm>>
        %dma_start3A_1058 = arith.constant 0 : i32
        %dma_start3A_1059 = arith.constant 0 : i32
        %dma_start3A_1060 = tpu.memref_slice %arg4[%scan3A_18, %arg1, %dma_start3A_1058, %dma_start3A_1059] : memref<6x16x32x128xi32, #tpu.memory_space<hbm>> -> memref<1x1x32x128xi32, #tpu.memory_space<hbm>>
        %dma_start3A_1061 = tpu.memref_squeeze %dma_start3A_1060 : memref<1x1x32x128xi32, #tpu.memory_space<hbm>> -> memref<32x128xi32, #tpu.memory_space<hbm>>
        tpu.enqueue_dma source(%dma_start3A_1061 : memref<32x128xi32, #tpu.memory_space<hbm>>) target(%arg16 : memref<32x128xi32, #tpu.memory_space<vmem>>) target_semaphore(%run_scoped3A : memref<!tpu.dma_semaphore, #tpu.memory_space<semaphore_mem>>)
        %dma_wait3A_1062 = arith.constant 0 : i32
        %dma_wait3A_1063 = arith.constant 0 : i32
        %dma_wait3A_1064 = tpu.memref_slice %arg4[%scan3A_18, %arg1, %dma_wait3A_1062, %dma_wait3A_1063] : memref<6x16x32x128xi32, #tpu.memory_space<hbm>> -> memref<1x1x32x128xi32, #tpu.memory_space<hbm>>
        %dma_wait3A_1065 = tpu.memref_squeeze %dma_wait3A_1064 : memref<1x1x32x128xi32, #tpu.memory_space<hbm>> -> memref<32x128xi32, #tpu.memory_space<hbm>>
        %dma_wait3A_1066 = arith.constant 0 : i32
        %dma_wait3A_1067 = arith.constant 0 : i32
        %dma_wait3A_1068 = tpu.memref_slice %arg4[%scan3A_18, %arg1, %dma_wait3A_1066, %dma_wait3A_1067] : memref<6x16x32x128xi32, #tpu.memory_space<hbm>> -> memref<1x1x32x128xi32, #tpu.memory_space<hbm>>
        %dma_wait3A_1069 = tpu.memref_squeeze %dma_wait3A_1068 : memref<1x1x32x128xi32, #tpu.memory_space<hbm>> -> memref<32x128xi32, #tpu.memory_space<hbm>>
        tpu.wait_dma2 semaphore(%run_scoped3A : memref<!tpu.dma_semaphore, #tpu.memory_space<semaphore_mem>>) src(%dma_wait3A_1069 : memref<32x128xi32, #tpu.memory_space<hbm>>) dst(%arg16 : memref<32x128xi32, #tpu.memory_space<vmem>>)
        tpu.yield
      }) : () -> ()
      %barrier3A = arith.constant 0 : index
      tpu.barrier barrier_id(%barrier3A)
      %dma_start3A = arith.constant 0 : i32
      %dma_start3A_22 = arith.constant 0 : i32
      %dma_start3A_23 = tpu.memref_slice %arg12[%dma_start3A_22] : memref<4096xf32, #tpu.memory_space<vmem>> -> memref<128xf32, #tpu.memory_space<vmem>>
      %dma_start3A_24 = arith.constant 0 : i32
      %dma_start3A_25 = tpu.memref_slice %arg16[%dma_start3A, %dma_start3A_24] : memref<32x128xi32, #tpu.memory_space<vmem>> -> memref<1x128xi32, #tpu.memory_space<vmem>>
      %dma_start3A_26 = tpu.memref_squeeze %dma_start3A_25 : memref<1x128xi32, #tpu.memory_space<vmem>> -> memref<128xi32, #tpu.memory_space<vmem>>
      %dma_start3A_27 = arith.constant 0 : i32
      %dma_start3A_28 = tpu.memref_slice %arg22[%dma_start3A_27] : memref<65536xf32, #tpu.memory_space<vmem_shared>> -> memref<65536xf32, #tpu.memory_space<vmem_shared>>
      tpu.enqueue_indirect_dma source(%dma_start3A_28 : memref<65536xf32, #tpu.memory_space<vmem_shared>>) target(%dma_start3A_23 : memref<128xf32, #tpu.memory_space<vmem>>) offsets(%dma_start3A_26 : memref<128xi32, #tpu.memory_space<vmem>>) semaphore(%arg23 : memref<!tpu.dma_semaphore, #tpu.memory_space<semaphore_mem>>)
      %dma_start3A_29 = arith.constant 1 : i32
      %dma_start3A_30 = arith.constant 128 : i32
      %dma_start3A_31 = tpu.memref_slice %arg12[%dma_start3A_30] : memref<4096xf32, #tpu.memory_space<vmem>> -> memref<128xf32, #tpu.memory_space<vmem>>
      %dma_start3A_32 = arith.constant 0 : i32
      %dma_start3A_33 = tpu.memref_slice %arg16[%dma_start3A_29, %dma_start3A_32] : memref<32x128xi32, #tpu.memory_space<vmem>> -> memref<1x128xi32, #tpu.memory_space<vmem>>
      %dma_start3A_34 = tpu.memref_squeeze %dma_start3A_33 : memref<1x128xi32, #tpu.memory_space<vmem>> -> memref<128xi32, #tpu.memory_space<vmem>>
      %dma_start3A_35 = arith.constant 0 : i32
      %dma_start3A_36 = tpu.memref_slice %arg22[%dma_start3A_35] : memref<65536xf32, #tpu.memory_space<vmem_shared>> -> memref<65536xf32, #tpu.memory_space<vmem_shared>>
      tpu.enqueue_indirect_dma source(%dma_start3A_36 : memref<65536xf32, #tpu.memory_space<vmem_shared>>) target(%dma_start3A_31 : memref<128xf32, #tpu.memory_space<vmem>>) offsets(%dma_start3A_34 : memref<128xi32, #tpu.memory_space<vmem>>) semaphore(%arg23 : memref<!tpu.dma_semaphore, #tpu.memory_space<semaphore_mem>>)
      %dma_start3A_37 = arith.constant 2 : i32
      %dma_start3A_38 = arith.constant 256 : i32
      %dma_start3A_39 = tpu.memref_slice %arg12[%dma_start3A_38] : memref<4096xf32, #tpu.memory_space<vmem>> -> memref<128xf32, #tpu.memory_space<vmem>>
      %dma_start3A_40 = arith.constant 0 : i32
      %dma_start3A_41 = tpu.memref_slice %arg16[%dma_start3A_37, %dma_start3A_40] : memref<32x128xi32, #tpu.memory_space<vmem>> -> memref<1x128xi32, #tpu.memory_space<vmem>>
      %dma_start3A_42 = tpu.memref_squeeze %dma_start3A_41 : memref<1x128xi32, #tpu.memory_space<vmem>> -> memref<128xi32, #tpu.memory_space<vmem>>
      %dma_start3A_43 = arith.constant 0 : i32
      %dma_start3A_44 = tpu.memref_slice %arg22[%dma_start3A_43] : memref<65536xf32, #tpu.memory_space<vmem_shared>> -> memref<65536xf32, #tpu.memory_space<vmem_shared>>
      tpu.enqueue_indirect_dma source(%dma_start3A_44 : memref<65536xf32, #tpu.memory_space<vmem_shared>>) target(%dma_start3A_39 : memref<128xf32, #tpu.memory_space<vmem>>) offsets(%dma_start3A_42 : memref<128xi32, #tpu.memory_space<vmem>>) semaphore(%arg23 : memref<!tpu.dma_semaphore, #tpu.memory_space<semaphore_mem>>)
      %dma_start3A_45 = arith.constant 3 : i32
      %dma_start3A_46 = arith.constant 384 : i32
      %dma_start3A_47 = tpu.memref_slice %arg12[%dma_start3A_46] : memref<4096xf32, #tpu.memory_space<vmem>> -> memref<128xf32, #tpu.memory_space<vmem>>
      %dma_start3A_48 = arith.constant 0 : i32
      %dma_start3A_49 = tpu.memref_slice %arg16[%dma_start3A_45, %dma_start3A_48] : memref<32x128xi32, #tpu.memory_space<vmem>> -> memref<1x128xi32, #tpu.memory_space<vmem>>
      %dma_start3A_50 = tpu.memref_squeeze %dma_start3A_49 : memref<1x128xi32, #tpu.memory_space<vmem>> -> memref<128xi32, #tpu.memory_space<vmem>>
      %dma_start3A_51 = arith.constant 0 : i32
      %dma_start3A_52 = tpu.memref_slice %arg22[%dma_start3A_51] : memref<65536xf32, #tpu.memory_space<vmem_shared>> -> memref<65536xf32, #tpu.memory_space<vmem_shared>>
      tpu.enqueue_indirect_dma source(%dma_start3A_52 : memref<65536xf32, #tpu.memory_space<vmem_shared>>) target(%dma_start3A_47 : memref<128xf32, #tpu.memory_space<vmem>>) offsets(%dma_start3A_50 : memref<128xi32, #tpu.memory_space<vmem>>) semaphore(%arg23 : memref<!tpu.dma_semaphore, #tpu.memory_space<semaphore_mem>>)
      %dma_start3A_53 = arith.constant 4 : i32
      %dma_start3A_54 = arith.constant 512 : i32
      %dma_start3A_55 = tpu.memref_slice %arg12[%dma_start3A_54] : memref<4096xf32, #tpu.memory_space<vmem>> -> memref<128xf32, #tpu.memory_space<vmem>>
      %dma_start3A_56 = arith.constant 0 : i32
      %dma_start3A_57 = tpu.memref_slice %arg16[%dma_start3A_53, %dma_start3A_56] : memref<32x128xi32, #tpu.memory_space<vmem>> -> memref<1x128xi32, #tpu.memory_space<vmem>>
      %dma_start3A_58 = tpu.memref_squeeze %dma_start3A_57 : memref<1x128xi32, #tpu.memory_space<vmem>> -> memref<128xi32, #tpu.memory_space<vmem>>
      %dma_start3A_59 = arith.constant 0 : i32
      %dma_start3A_60 = tpu.memref_slice %arg22[%dma_start3A_59] : memref<65536xf32, #tpu.memory_space<vmem_shared>> -> memref<65536xf32, #tpu.memory_space<vmem_shared>>
      tpu.enqueue_indirect_dma source(%dma_start3A_60 : memref<65536xf32, #tpu.memory_space<vmem_shared>>) target(%dma_start3A_55 : memref<128xf32, #tpu.memory_space<vmem>>) offsets(%dma_start3A_58 : memref<128xi32, #tpu.memory_space<vmem>>) semaphore(%arg23 : memref<!tpu.dma_semaphore, #tpu.memory_space<semaphore_mem>>)
      %dma_start3A_61 = arith.constant 5 : i32
      %dma_start3A_62 = arith.constant 640 : i32
      %dma_start3A_63 = tpu.memref_slice %arg12[%dma_start3A_62] : memref<4096xf32, #tpu.memory_space<vmem>> -> memref<128xf32, #tpu.memory_space<vmem>>
      %dma_start3A_64 = arith.constant 0 : i32
      %dma_start3A_65 = tpu.memref_slice %arg16[%dma_start3A_61, %dma_start3A_64] : memref<32x128xi32, #tpu.memory_space<vmem>> -> memref<1x128xi32, #tpu.memory_space<vmem>>
      %dma_start3A_66 = tpu.memref_squeeze %dma_start3A_65 : memref<1x128xi32, #tpu.memory_space<vmem>> -> memref<128xi32, #tpu.memory_space<vmem>>
      %dma_start3A_67 = arith.constant 0 : i32
      %dma_start3A_68 = tpu.memref_slice %arg22[%dma_start3A_67] : memref<65536xf32, #tpu.memory_space<vmem_shared>> -> memref<65536xf32, #tpu.memory_space<vmem_shared>>
      tpu.enqueue_indirect_dma source(%dma_start3A_68 : memref<65536xf32, #tpu.memory_space<vmem_shared>>) target(%dma_start3A_63 : memref<128xf32, #tpu.memory_space<vmem>>) offsets(%dma_start3A_66 : memref<128xi32, #tpu.memory_space<vmem>>) semaphore(%arg23 : memref<!tpu.dma_semaphore, #tpu.memory_space<semaphore_mem>>)
      %dma_start3A_69 = arith.constant 6 : i32
      %dma_start3A_70 = arith.constant 768 : i32
      %dma_start3A_71 = tpu.memref_slice %arg12[%dma_start3A_70] : memref<4096xf32, #tpu.memory_space<vmem>> -> memref<128xf32, #tpu.memory_space<vmem>>
      %dma_start3A_72 = arith.constant 0 : i32
      %dma_start3A_73 = tpu.memref_slice %arg16[%dma_start3A_69, %dma_start3A_72] : memref<32x128xi32, #tpu.memory_space<vmem>> -> memref<1x128xi32, #tpu.memory_space<vmem>>
      %dma_start3A_74 = tpu.memref_squeeze %dma_start3A_73 : memref<1x128xi32, #tpu.memory_space<vmem>> -> memref<128xi32, #tpu.memory_space<vmem>>
      %dma_start3A_75 = arith.constant 0 : i32
      %dma_start3A_76 = tpu.memref_slice %arg22[%dma_start3A_75] : memref<65536xf32, #tpu.memory_space<vmem_shared>> -> memref<65536xf32, #tpu.memory_space<vmem_shared>>
      tpu.enqueue_indirect_dma source(%dma_start3A_76 : memref<65536xf32, #tpu.memory_space<vmem_shared>>) target(%dma_start3A_71 : memref<128xf32, #tpu.memory_space<vmem>>) offsets(%dma_start3A_74 : memref<128xi32, #tpu.memory_space<vmem>>) semaphore(%arg23 : memref<!tpu.dma_semaphore, #tpu.memory_space<semaphore_mem>>)
      %dma_start3A_77 = arith.constant 7 : i32
      %dma_start3A_78 = arith.constant 896 : i32
      %dma_start3A_79 = tpu.memref_slice %arg12[%dma_start3A_78] : memref<4096xf32, #tpu.memory_space<vmem>> -> memref<128xf32, #tpu.memory_space<vmem>>
      %dma_start3A_80 = arith.constant 0 : i32
      %dma_start3A_81 = tpu.memref_slice %arg16[%dma_start3A_77, %dma_start3A_80] : memref<32x128xi32, #tpu.memory_space<vmem>> -> memref<1x128xi32, #tpu.memory_space<vmem>>
      %dma_start3A_82 = tpu.memref_squeeze %dma_start3A_81 : memref<1x128xi32, #tpu.memory_space<vmem>> -> memref<128xi32, #tpu.memory_space<vmem>>
      %dma_start3A_83 = arith.constant 0 : i32
      %dma_start3A_84 = tpu.memref_slice %arg22[%dma_start3A_83] : memref<65536xf32, #tpu.memory_space<vmem_shared>> -> memref<65536xf32, #tpu.memory_space<vmem_shared>>
      tpu.enqueue_indirect_dma source(%dma_start3A_84 : memref<65536xf32, #tpu.memory_space<vmem_shared>>) target(%dma_start3A_79 : memref<128xf32, #tpu.memory_space<vmem>>) offsets(%dma_start3A_82 : memref<128xi32, #tpu.memory_space<vmem>>) semaphore(%arg23 : memref<!tpu.dma_semaphore, #tpu.memory_space<semaphore_mem>>)
      %dma_start3A_85 = arith.constant 8 : i32
      %dma_start3A_86 = arith.constant 1024 : i32
      %dma_start3A_87 = tpu.memref_slice %arg12[%dma_start3A_86] : memref<4096xf32, #tpu.memory_space<vmem>> -> memref<128xf32, #tpu.memory_space<vmem>>
      %dma_start3A_88 = arith.constant 0 : i32
      %dma_start3A_89 = tpu.memref_slice %arg16[%dma_start3A_85, %dma_start3A_88] : memref<32x128xi32, #tpu.memory_space<vmem>> -> memref<1x128xi32, #tpu.memory_space<vmem>>
      %dma_start3A_90 = tpu.memref_squeeze %dma_start3A_89 : memref<1x128xi32, #tpu.memory_space<vmem>> -> memref<128xi32, #tpu.memory_space<vmem>>
      %dma_start3A_91 = arith.constant 0 : i32
      %dma_start3A_92 = tpu.memref_slice %arg22[%dma_start3A_91] : memref<65536xf32, #tpu.memory_space<vmem_shared>> -> memref<65536xf32, #tpu.memory_space<vmem_shared>>
      tpu.enqueue_indirect_dma source(%dma_start3A_92 : memref<65536xf32, #tpu.memory_space<vmem_shared>>) target(%dma_start3A_87 : memref<128xf32, #tpu.memory_space<vmem>>) offsets(%dma_start3A_90 : memref<128xi32, #tpu.memory_space<vmem>>) semaphore(%arg23 : memref<!tpu.dma_semaphore, #tpu.memory_space<semaphore_mem>>)
      %dma_start3A_93 = arith.constant 9 : i32
      %dma_start3A_94 = arith.constant 1152 : i32
      %dma_start3A_95 = tpu.memref_slice %arg12[%dma_start3A_94] : memref<4096xf32, #tpu.memory_space<vmem>> -> memref<128xf32, #tpu.memory_space<vmem>>
      %dma_start3A_96 = arith.constant 0 : i32
      %dma_start3A_97 = tpu.memref_slice %arg16[%dma_start3A_93, %dma_start3A_96] : memref<32x128xi32, #tpu.memory_space<vmem>> -> memref<1x128xi32, #tpu.memory_space<vmem>>
      %dma_start3A_98 = tpu.memref_squeeze %dma_start3A_97 : memref<1x128xi32, #tpu.memory_space<vmem>> -> memref<128xi32, #tpu.memory_space<vmem>>
      %dma_start3A_99 = arith.constant 0 : i32
      %dma_start3A_100 = tpu.memref_slice %arg22[%dma_start3A_99] : memref<65536xf32, #tpu.memory_space<vmem_shared>> -> memref<65536xf32, #tpu.memory_space<vmem_shared>>
      tpu.enqueue_indirect_dma source(%dma_start3A_100 : memref<65536xf32, #tpu.memory_space<vmem_shared>>) target(%dma_start3A_95 : memref<128xf32, #tpu.memory_space<vmem>>) offsets(%dma_start3A_98 : memref<128xi32, #tpu.memory_space<vmem>>) semaphore(%arg23 : memref<!tpu.dma_semaphore, #tpu.memory_space<semaphore_mem>>)
      %dma_start3A_101 = arith.constant 10 : i32
      %dma_start3A_102 = arith.constant 1280 : i32
      %dma_start3A_103 = tpu.memref_slice %arg12[%dma_start3A_102] : memref<4096xf32, #tpu.memory_space<vmem>> -> memref<128xf32, #tpu.memory_space<vmem>>
      %dma_start3A_104 = arith.constant 0 : i32
      %dma_start3A_105 = tpu.memref_slice %arg16[%dma_start3A_101, %dma_start3A_104] : memref<32x128xi32, #tpu.memory_space<vmem>> -> memref<1x128xi32, #tpu.memory_space<vmem>>
      %dma_start3A_106 = tpu.memref_squeeze %dma_start3A_105 : memref<1x128xi32, #tpu.memory_space<vmem>> -> memref<128xi32, #tpu.memory_space<vmem>>
      %dma_start3A_107 = arith.constant 0 : i32
      %dma_start3A_108 = tpu.memref_slice %arg22[%dma_start3A_107] : memref<65536xf32, #tpu.memory_space<vmem_shared>> -> memref<65536xf32, #tpu.memory_space<vmem_shared>>
      tpu.enqueue_indirect_dma source(%dma_start3A_108 : memref<65536xf32, #tpu.memory_space<vmem_shared>>) target(%dma_start3A_103 : memref<128xf32, #tpu.memory_space<vmem>>) offsets(%dma_start3A_106 : memref<128xi32, #tpu.memory_space<vmem>>) semaphore(%arg23 : memref<!tpu.dma_semaphore, #tpu.memory_space<semaphore_mem>>)
      %dma_start3A_109 = arith.constant 11 : i32
      %dma_start3A_110 = arith.constant 1408 : i32
      %dma_start3A_111 = tpu.memref_slice %arg12[%dma_start3A_110] : memref<4096xf32, #tpu.memory_space<vmem>> -> memref<128xf32, #tpu.memory_space<vmem>>
      %dma_start3A_112 = arith.constant 0 : i32
      %dma_start3A_113 = tpu.memref_slice %arg16[%dma_start3A_109, %dma_start3A_112] : memref<32x128xi32, #tpu.memory_space<vmem>> -> memref<1x128xi32, #tpu.memory_space<vmem>>
      %dma_start3A_114 = tpu.memref_squeeze %dma_start3A_113 : memref<1x128xi32, #tpu.memory_space<vmem>> -> memref<128xi32, #tpu.memory_space<vmem>>
      %dma_start3A_115 = arith.constant 0 : i32
      %dma_start3A_116 = tpu.memref_slice %arg22[%dma_start3A_115] : memref<65536xf32, #tpu.memory_space<vmem_shared>> -> memref<65536xf32, #tpu.memory_space<vmem_shared>>
      tpu.enqueue_indirect_dma source(%dma_start3A_116 : memref<65536xf32, #tpu.memory_space<vmem_shared>>) target(%dma_start3A_111 : memref<128xf32, #tpu.memory_space<vmem>>) offsets(%dma_start3A_114 : memref<128xi32, #tpu.memory_space<vmem>>) semaphore(%arg23 : memref<!tpu.dma_semaphore, #tpu.memory_space<semaphore_mem>>)
      %dma_start3A_117 = arith.constant 12 : i32
      %dma_start3A_118 = arith.constant 1536 : i32
      %dma_start3A_119 = tpu.memref_slice %arg12[%dma_start3A_118] : memref<4096xf32, #tpu.memory_space<vmem>> -> memref<128xf32, #tpu.memory_space<vmem>>
      %dma_start3A_120 = arith.constant 0 : i32
      %dma_start3A_121 = tpu.memref_slice %arg16[%dma_start3A_117, %dma_start3A_120] : memref<32x128xi32, #tpu.memory_space<vmem>> -> memref<1x128xi32, #tpu.memory_space<vmem>>
      %dma_start3A_122 = tpu.memref_squeeze %dma_start3A_121 : memref<1x128xi32, #tpu.memory_space<vmem>> -> memref<128xi32, #tpu.memory_space<vmem>>
      %dma_start3A_123 = arith.constant 0 : i32
      %dma_start3A_124 = tpu.memref_slice %arg22[%dma_start3A_123] : memref<65536xf32, #tpu.memory_space<vmem_shared>> -> memref<65536xf32, #tpu.memory_space<vmem_shared>>
      tpu.enqueue_indirect_dma source(%dma_start3A_124 : memref<65536xf32, #tpu.memory_space<vmem_shared>>) target(%dma_start3A_119 : memref<128xf32, #tpu.memory_space<vmem>>) offsets(%dma_start3A_122 : memref<128xi32, #tpu.memory_space<vmem>>) semaphore(%arg23 : memref<!tpu.dma_semaphore, #tpu.memory_space<semaphore_mem>>)
      %dma_start3A_125 = arith.constant 13 : i32
      %dma_start3A_126 = arith.constant 1664 : i32
      %dma_start3A_127 = tpu.memref_slice %arg12[%dma_start3A_126] : memref<4096xf32, #tpu.memory_space<vmem>> -> memref<128xf32, #tpu.memory_space<vmem>>
      %dma_start3A_128 = arith.constant 0 : i32
      %dma_start3A_129 = tpu.memref_slice %arg16[%dma_start3A_125, %dma_start3A_128] : memref<32x128xi32, #tpu.memory_space<vmem>> -> memref<1x128xi32, #tpu.memory_space<vmem>>
      %dma_start3A_130 = tpu.memref_squeeze %dma_start3A_129 : memref<1x128xi32, #tpu.memory_space<vmem>> -> memref<128xi32, #tpu.memory_space<vmem>>
      %dma_start3A_131 = arith.constant 0 : i32
      %dma_start3A_132 = tpu.memref_slice %arg22[%dma_start3A_131] : memref<65536xf32, #tpu.memory_space<vmem_shared>> -> memref<65536xf32, #tpu.memory_space<vmem_shared>>
      tpu.enqueue_indirect_dma source(%dma_start3A_132 : memref<65536xf32, #tpu.memory_space<vmem_shared>>) target(%dma_start3A_127 : memref<128xf32, #tpu.memory_space<vmem>>) offsets(%dma_start3A_130 : memref<128xi32, #tpu.memory_space<vmem>>) semaphore(%arg23 : memref<!tpu.dma_semaphore, #tpu.memory_space<semaphore_mem>>)
      %dma_start3A_133 = arith.constant 14 : i32
      %dma_start3A_134 = arith.constant 1792 : i32
      %dma_start3A_135 = tpu.memref_slice %arg12[%dma_start3A_134] : memref<4096xf32, #tpu.memory_space<vmem>> -> memref<128xf32, #tpu.memory_space<vmem>>
      %dma_start3A_136 = arith.constant 0 : i32
      %dma_start3A_137 = tpu.memref_slice %arg16[%dma_start3A_133, %dma_start3A_136] : memref<32x128xi32, #tpu.memory_space<vmem>> -> memref<1x128xi32, #tpu.memory_space<vmem>>
      %dma_start3A_138 = tpu.memref_squeeze %dma_start3A_137 : memref<1x128xi32, #tpu.memory_space<vmem>> -> memref<128xi32, #tpu.memory_space<vmem>>
      %dma_start3A_139 = arith.constant 0 : i32
      %dma_start3A_140 = tpu.memref_slice %arg22[%dma_start3A_139] : memref<65536xf32, #tpu.memory_space<vmem_shared>> -> memref<65536xf32, #tpu.memory_space<vmem_shared>>
      tpu.enqueue_indirect_dma source(%dma_start3A_140 : memref<65536xf32, #tpu.memory_space<vmem_shared>>) target(%dma_start3A_135 : memref<128xf32, #tpu.memory_space<vmem>>) offsets(%dma_start3A_138 : memref<128xi32, #tpu.memory_space<vmem>>) semaphore(%arg23 : memref<!tpu.dma_semaphore, #tpu.memory_space<semaphore_mem>>)
      %dma_start3A_141 = arith.constant 15 : i32
      %dma_start3A_142 = arith.constant 1920 : i32
      %dma_start3A_143 = tpu.memref_slice %arg12[%dma_start3A_142] : memref<4096xf32, #tpu.memory_space<vmem>> -> memref<128xf32, #tpu.memory_space<vmem>>
      %dma_start3A_144 = arith.constant 0 : i32
      %dma_start3A_145 = tpu.memref_slice %arg16[%dma_start3A_141, %dma_start3A_144] : memref<32x128xi32, #tpu.memory_space<vmem>> -> memref<1x128xi32, #tpu.memory_space<vmem>>
      %dma_start3A_146 = tpu.memref_squeeze %dma_start3A_145 : memref<1x128xi32, #tpu.memory_space<vmem>> -> memref<128xi32, #tpu.memory_space<vmem>>
      %dma_start3A_147 = arith.constant 0 : i32
      %dma_start3A_148 = tpu.memref_slice %arg22[%dma_start3A_147] : memref<65536xf32, #tpu.memory_space<vmem_shared>> -> memref<65536xf32, #tpu.memory_space<vmem_shared>>
      tpu.enqueue_indirect_dma source(%dma_start3A_148 : memref<65536xf32, #tpu.memory_space<vmem_shared>>) target(%dma_start3A_143 : memref<128xf32, #tpu.memory_space<vmem>>) offsets(%dma_start3A_146 : memref<128xi32, #tpu.memory_space<vmem>>) semaphore(%arg23 : memref<!tpu.dma_semaphore, #tpu.memory_space<semaphore_mem>>)
      %dma_start3A_149 = arith.constant 16 : i32
      %dma_start3A_150 = arith.constant 2048 : i32
      %dma_start3A_151 = tpu.memref_slice %arg12[%dma_start3A_150] : memref<4096xf32, #tpu.memory_space<vmem>> -> memref<128xf32, #tpu.memory_space<vmem>>
      %dma_start3A_152 = arith.constant 0 : i32
      %dma_start3A_153 = tpu.memref_slice %arg16[%dma_start3A_149, %dma_start3A_152] : memref<32x128xi32, #tpu.memory_space<vmem>> -> memref<1x128xi32, #tpu.memory_space<vmem>>
      %dma_start3A_154 = tpu.memref_squeeze %dma_start3A_153 : memref<1x128xi32, #tpu.memory_space<vmem>> -> memref<128xi32, #tpu.memory_space<vmem>>
      %dma_start3A_155 = arith.constant 0 : i32
      %dma_start3A_156 = tpu.memref_slice %arg22[%dma_start3A_155] : memref<65536xf32, #tpu.memory_space<vmem_shared>> -> memref<65536xf32, #tpu.memory_space<vmem_shared>>
      tpu.enqueue_indirect_dma source(%dma_start3A_156 : memref<65536xf32, #tpu.memory_space<vmem_shared>>) target(%dma_start3A_151 : memref<128xf32, #tpu.memory_space<vmem>>) offsets(%dma_start3A_154 : memref<128xi32, #tpu.memory_space<vmem>>) semaphore(%arg23 : memref<!tpu.dma_semaphore, #tpu.memory_space<semaphore_mem>>)
      %dma_start3A_157 = arith.constant 17 : i32
      %dma_start3A_158 = arith.constant 2176 : i32
      %dma_start3A_159 = tpu.memref_slice %arg12[%dma_start3A_158] : memref<4096xf32, #tpu.memory_space<vmem>> -> memref<128xf32, #tpu.memory_space<vmem>>
      %dma_start3A_160 = arith.constant 0 : i32
      %dma_start3A_161 = tpu.memref_slice %arg16[%dma_start3A_157, %dma_start3A_160] : memref<32x128xi32, #tpu.memory_space<vmem>> -> memref<1x128xi32, #tpu.memory_space<vmem>>
      %dma_start3A_162 = tpu.memref_squeeze %dma_start3A_161 : memref<1x128xi32, #tpu.memory_space<vmem>> -> memref<128xi32, #tpu.memory_space<vmem>>
      %dma_start3A_163 = arith.constant 0 : i32
      %dma_start3A_164 = tpu.memref_slice %arg22[%dma_start3A_163] : memref<65536xf32, #tpu.memory_space<vmem_shared>> -> memref<65536xf32, #tpu.memory_space<vmem_shared>>
      tpu.enqueue_indirect_dma source(%dma_start3A_164 : memref<65536xf32, #tpu.memory_space<vmem_shared>>) target(%dma_start3A_159 : memref<128xf32, #tpu.memory_space<vmem>>) offsets(%dma_start3A_162 : memref<128xi32, #tpu.memory_space<vmem>>) semaphore(%arg23 : memref<!tpu.dma_semaphore, #tpu.memory_space<semaphore_mem>>)
      %dma_start3A_165 = arith.constant 18 : i32
      %dma_start3A_166 = arith.constant 2304 : i32
      %dma_start3A_167 = tpu.memref_slice %arg12[%dma_start3A_166] : memref<4096xf32, #tpu.memory_space<vmem>> -> memref<128xf32, #tpu.memory_space<vmem>>
      %dma_start3A_168 = arith.constant 0 : i32
      %dma_start3A_169 = tpu.memref_slice %arg16[%dma_start3A_165, %dma_start3A_168] : memref<32x128xi32, #tpu.memory_space<vmem>> -> memref<1x128xi32, #tpu.memory_space<vmem>>
      %dma_start3A_170 = tpu.memref_squeeze %dma_start3A_169 : memref<1x128xi32, #tpu.memory_space<vmem>> -> memref<128xi32, #tpu.memory_space<vmem>>
      %dma_start3A_171 = arith.constant 0 : i32
      %dma_start3A_172 = tpu.memref_slice %arg22[%dma_start3A_171] : memref<65536xf32, #tpu.memory_space<vmem_shared>> -> memref<65536xf32, #tpu.memory_space<vmem_shared>>
      tpu.enqueue_indirect_dma source(%dma_start3A_172 : memref<65536xf32, #tpu.memory_space<vmem_shared>>) target(%dma_start3A_167 : memref<128xf32, #tpu.memory_space<vmem>>) offsets(%dma_start3A_170 : memref<128xi32, #tpu.memory_space<vmem>>) semaphore(%arg23 : memref<!tpu.dma_semaphore, #tpu.memory_space<semaphore_mem>>)
      %dma_start3A_173 = arith.constant 19 : i32
      %dma_start3A_174 = arith.constant 2432 : i32
      %dma_start3A_175 = tpu.memref_slice %arg12[%dma_start3A_174] : memref<4096xf32, #tpu.memory_space<vmem>> -> memref<128xf32, #tpu.memory_space<vmem>>
      %dma_start3A_176 = arith.constant 0 : i32
      %dma_start3A_177 = tpu.memref_slice %arg16[%dma_start3A_173, %dma_start3A_176] : memref<32x128xi32, #tpu.memory_space<vmem>> -> memref<1x128xi32, #tpu.memory_space<vmem>>
      %dma_start3A_178 = tpu.memref_squeeze %dma_start3A_177 : memref<1x128xi32, #tpu.memory_space<vmem>> -> memref<128xi32, #tpu.memory_space<vmem>>
      %dma_start3A_179 = arith.constant 0 : i32
      %dma_start3A_180 = tpu.memref_slice %arg22[%dma_start3A_179] : memref<65536xf32, #tpu.memory_space<vmem_shared>> -> memref<65536xf32, #tpu.memory_space<vmem_shared>>
      tpu.enqueue_indirect_dma source(%dma_start3A_180 : memref<65536xf32, #tpu.memory_space<vmem_shared>>) target(%dma_start3A_175 : memref<128xf32, #tpu.memory_space<vmem>>) offsets(%dma_start3A_178 : memref<128xi32, #tpu.memory_space<vmem>>) semaphore(%arg23 : memref<!tpu.dma_semaphore, #tpu.memory_space<semaphore_mem>>)
      %dma_start3A_181 = arith.constant 20 : i32
      %dma_start3A_182 = arith.constant 2560 : i32
      %dma_start3A_183 = tpu.memref_slice %arg12[%dma_start3A_182] : memref<4096xf32, #tpu.memory_space<vmem>> -> memref<128xf32, #tpu.memory_space<vmem>>
      %dma_start3A_184 = arith.constant 0 : i32
      %dma_start3A_185 = tpu.memref_slice %arg16[%dma_start3A_181, %dma_start3A_184] : memref<32x128xi32, #tpu.memory_space<vmem>> -> memref<1x128xi32, #tpu.memory_space<vmem>>
      %dma_start3A_186 = tpu.memref_squeeze %dma_start3A_185 : memref<1x128xi32, #tpu.memory_space<vmem>> -> memref<128xi32, #tpu.memory_space<vmem>>
      %dma_start3A_187 = arith.constant 0 : i32
      %dma_start3A_188 = tpu.memref_slice %arg22[%dma_start3A_187] : memref<65536xf32, #tpu.memory_space<vmem_shared>> -> memref<65536xf32, #tpu.memory_space<vmem_shared>>
      tpu.enqueue_indirect_dma source(%dma_start3A_188 : memref<65536xf32, #tpu.memory_space<vmem_shared>>) target(%dma_start3A_183 : memref<128xf32, #tpu.memory_space<vmem>>) offsets(%dma_start3A_186 : memref<128xi32, #tpu.memory_space<vmem>>) semaphore(%arg23 : memref<!tpu.dma_semaphore, #tpu.memory_space<semaphore_mem>>)
      %dma_start3A_189 = arith.constant 21 : i32
      %dma_start3A_190 = arith.constant 2688 : i32
      %dma_start3A_191 = tpu.memref_slice %arg12[%dma_start3A_190] : memref<4096xf32, #tpu.memory_space<vmem>> -> memref<128xf32, #tpu.memory_space<vmem>>
      %dma_start3A_192 = arith.constant 0 : i32
      %dma_start3A_193 = tpu.memref_slice %arg16[%dma_start3A_189, %dma_start3A_192] : memref<32x128xi32, #tpu.memory_space<vmem>> -> memref<1x128xi32, #tpu.memory_space<vmem>>
      %dma_start3A_194 = tpu.memref_squeeze %dma_start3A_193 : memref<1x128xi32, #tpu.memory_space<vmem>> -> memref<128xi32, #tpu.memory_space<vmem>>
      %dma_start3A_195 = arith.constant 0 : i32
      %dma_start3A_196 = tpu.memref_slice %arg22[%dma_start3A_195] : memref<65536xf32, #tpu.memory_space<vmem_shared>> -> memref<65536xf32, #tpu.memory_space<vmem_shared>>
      tpu.enqueue_indirect_dma source(%dma_start3A_196 : memref<65536xf32, #tpu.memory_space<vmem_shared>>) target(%dma_start3A_191 : memref<128xf32, #tpu.memory_space<vmem>>) offsets(%dma_start3A_194 : memref<128xi32, #tpu.memory_space<vmem>>) semaphore(%arg23 : memref<!tpu.dma_semaphore, #tpu.memory_space<semaphore_mem>>)
      %dma_start3A_197 = arith.constant 22 : i32
      %dma_start3A_198 = arith.constant 2816 : i32
      %dma_start3A_199 = tpu.memref_slice %arg12[%dma_start3A_198] : memref<4096xf32, #tpu.memory_space<vmem>> -> memref<128xf32, #tpu.memory_space<vmem>>
      %dma_start3A_200 = arith.constant 0 : i32
      %dma_start3A_201 = tpu.memref_slice %arg16[%dma_start3A_197, %dma_start3A_200] : memref<32x128xi32, #tpu.memory_space<vmem>> -> memref<1x128xi32, #tpu.memory_space<vmem>>
      %dma_start3A_202 = tpu.memref_squeeze %dma_start3A_201 : memref<1x128xi32, #tpu.memory_space<vmem>> -> memref<128xi32, #tpu.memory_space<vmem>>
      %dma_start3A_203 = arith.constant 0 : i32
      %dma_start3A_204 = tpu.memref_slice %arg22[%dma_start3A_203] : memref<65536xf32, #tpu.memory_space<vmem_shared>> -> memref<65536xf32, #tpu.memory_space<vmem_shared>>
      tpu.enqueue_indirect_dma source(%dma_start3A_204 : memref<65536xf32, #tpu.memory_space<vmem_shared>>) target(%dma_start3A_199 : memref<128xf32, #tpu.memory_space<vmem>>) offsets(%dma_start3A_202 : memref<128xi32, #tpu.memory_space<vmem>>) semaphore(%arg23 : memref<!tpu.dma_semaphore, #tpu.memory_space<semaphore_mem>>)
      %dma_start3A_205 = arith.constant 23 : i32
      %dma_start3A_206 = arith.constant 2944 : i32
      %dma_start3A_207 = tpu.memref_slice %arg12[%dma_start3A_206] : memref<4096xf32, #tpu.memory_space<vmem>> -> memref<128xf32, #tpu.memory_space<vmem>>
      %dma_start3A_208 = arith.constant 0 : i32
      %dma_start3A_209 = tpu.memref_slice %arg16[%dma_start3A_205, %dma_start3A_208] : memref<32x128xi32, #tpu.memory_space<vmem>> -> memref<1x128xi32, #tpu.memory_space<vmem>>
      %dma_start3A_210 = tpu.memref_squeeze %dma_start3A_209 : memref<1x128xi32, #tpu.memory_space<vmem>> -> memref<128xi32, #tpu.memory_space<vmem>>
      %dma_start3A_211 = arith.constant 0 : i32
      %dma_start3A_212 = tpu.memref_slice %arg22[%dma_start3A_211] : memref<65536xf32, #tpu.memory_space<vmem_shared>> -> memref<65536xf32, #tpu.memory_space<vmem_shared>>
      tpu.enqueue_indirect_dma source(%dma_start3A_212 : memref<65536xf32, #tpu.memory_space<vmem_shared>>) target(%dma_start3A_207 : memref<128xf32, #tpu.memory_space<vmem>>) offsets(%dma_start3A_210 : memref<128xi32, #tpu.memory_space<vmem>>) semaphore(%arg23 : memref<!tpu.dma_semaphore, #tpu.memory_space<semaphore_mem>>)
      %dma_start3A_213 = arith.constant 24 : i32
      %dma_start3A_214 = arith.constant 3072 : i32
      %dma_start3A_215 = tpu.memref_slice %arg12[%dma_start3A_214] : memref<4096xf32, #tpu.memory_space<vmem>> -> memref<128xf32, #tpu.memory_space<vmem>>
      %dma_start3A_216 = arith.constant 0 : i32
      %dma_start3A_217 = tpu.memref_slice %arg16[%dma_start3A_213, %dma_start3A_216] : memref<32x128xi32, #tpu.memory_space<vmem>> -> memref<1x128xi32, #tpu.memory_space<vmem>>
      %dma_start3A_218 = tpu.memref_squeeze %dma_start3A_217 : memref<1x128xi32, #tpu.memory_space<vmem>> -> memref<128xi32, #tpu.memory_space<vmem>>
      %dma_start3A_219 = arith.constant 0 : i32
      %dma_start3A_220 = tpu.memref_slice %arg22[%dma_start3A_219] : memref<65536xf32, #tpu.memory_space<vmem_shared>> -> memref<65536xf32, #tpu.memory_space<vmem_shared>>
      tpu.enqueue_indirect_dma source(%dma_start3A_220 : memref<65536xf32, #tpu.memory_space<vmem_shared>>) target(%dma_start3A_215 : memref<128xf32, #tpu.memory_space<vmem>>) offsets(%dma_start3A_218 : memref<128xi32, #tpu.memory_space<vmem>>) semaphore(%arg23 : memref<!tpu.dma_semaphore, #tpu.memory_space<semaphore_mem>>)
      %dma_start3A_221 = arith.constant 25 : i32
      %dma_start3A_222 = arith.constant 3200 : i32
      %dma_start3A_223 = tpu.memref_slice %arg12[%dma_start3A_222] : memref<4096xf32, #tpu.memory_space<vmem>> -> memref<128xf32, #tpu.memory_space<vmem>>
      %dma_start3A_224 = arith.constant 0 : i32
      %dma_start3A_225 = tpu.memref_slice %arg16[%dma_start3A_221, %dma_start3A_224] : memref<32x128xi32, #tpu.memory_space<vmem>> -> memref<1x128xi32, #tpu.memory_space<vmem>>
      %dma_start3A_226 = tpu.memref_squeeze %dma_start3A_225 : memref<1x128xi32, #tpu.memory_space<vmem>> -> memref<128xi32, #tpu.memory_space<vmem>>
      %dma_start3A_227 = arith.constant 0 : i32
      %dma_start3A_228 = tpu.memref_slice %arg22[%dma_start3A_227] : memref<65536xf32, #tpu.memory_space<vmem_shared>> -> memref<65536xf32, #tpu.memory_space<vmem_shared>>
      tpu.enqueue_indirect_dma source(%dma_start3A_228 : memref<65536xf32, #tpu.memory_space<vmem_shared>>) target(%dma_start3A_223 : memref<128xf32, #tpu.memory_space<vmem>>) offsets(%dma_start3A_226 : memref<128xi32, #tpu.memory_space<vmem>>) semaphore(%arg23 : memref<!tpu.dma_semaphore, #tpu.memory_space<semaphore_mem>>)
      %dma_start3A_229 = arith.constant 26 : i32
      %dma_start3A_230 = arith.constant 3328 : i32
      %dma_start3A_231 = tpu.memref_slice %arg12[%dma_start3A_230] : memref<4096xf32, #tpu.memory_space<vmem>> -> memref<128xf32, #tpu.memory_space<vmem>>
      %dma_start3A_232 = arith.constant 0 : i32
      %dma_start3A_233 = tpu.memref_slice %arg16[%dma_start3A_229, %dma_start3A_232] : memref<32x128xi32, #tpu.memory_space<vmem>> -> memref<1x128xi32, #tpu.memory_space<vmem>>
      %dma_start3A_234 = tpu.memref_squeeze %dma_start3A_233 : memref<1x128xi32, #tpu.memory_space<vmem>> -> memref<128xi32, #tpu.memory_space<vmem>>
      %dma_start3A_235 = arith.constant 0 : i32
      %dma_start3A_236 = tpu.memref_slice %arg22[%dma_start3A_235] : memref<65536xf32, #tpu.memory_space<vmem_shared>> -> memref<65536xf32, #tpu.memory_space<vmem_shared>>
      tpu.enqueue_indirect_dma source(%dma_start3A_236 : memref<65536xf32, #tpu.memory_space<vmem_shared>>) target(%dma_start3A_231 : memref<128xf32, #tpu.memory_space<vmem>>) offsets(%dma_start3A_234 : memref<128xi32, #tpu.memory_space<vmem>>) semaphore(%arg23 : memref<!tpu.dma_semaphore, #tpu.memory_space<semaphore_mem>>)
      %dma_start3A_237 = arith.constant 27 : i32
      %dma_start3A_238 = arith.constant 3456 : i32
      %dma_start3A_239 = tpu.memref_slice %arg12[%dma_start3A_238] : memref<4096xf32, #tpu.memory_space<vmem>> -> memref<128xf32, #tpu.memory_space<vmem>>
      %dma_start3A_240 = arith.constant 0 : i32
      %dma_start3A_241 = tpu.memref_slice %arg16[%dma_start3A_237, %dma_start3A_240] : memref<32x128xi32, #tpu.memory_space<vmem>> -> memref<1x128xi32, #tpu.memory_space<vmem>>
      %dma_start3A_242 = tpu.memref_squeeze %dma_start3A_241 : memref<1x128xi32, #tpu.memory_space<vmem>> -> memref<128xi32, #tpu.memory_space<vmem>>
      %dma_start3A_243 = arith.constant 0 : i32
      %dma_start3A_244 = tpu.memref_slice %arg22[%dma_start3A_243] : memref<65536xf32, #tpu.memory_space<vmem_shared>> -> memref<65536xf32, #tpu.memory_space<vmem_shared>>
      tpu.enqueue_indirect_dma source(%dma_start3A_244 : memref<65536xf32, #tpu.memory_space<vmem_shared>>) target(%dma_start3A_239 : memref<128xf32, #tpu.memory_space<vmem>>) offsets(%dma_start3A_242 : memref<128xi32, #tpu.memory_space<vmem>>) semaphore(%arg23 : memref<!tpu.dma_semaphore, #tpu.memory_space<semaphore_mem>>)
      %dma_start3A_245 = arith.constant 28 : i32
      %dma_start3A_246 = arith.constant 3584 : i32
      %dma_start3A_247 = tpu.memref_slice %arg12[%dma_start3A_246] : memref<4096xf32, #tpu.memory_space<vmem>> -> memref<128xf32, #tpu.memory_space<vmem>>
      %dma_start3A_248 = arith.constant 0 : i32
      %dma_start3A_249 = tpu.memref_slice %arg16[%dma_start3A_245, %dma_start3A_248] : memref<32x128xi32, #tpu.memory_space<vmem>> -> memref<1x128xi32, #tpu.memory_space<vmem>>
      %dma_start3A_250 = tpu.memref_squeeze %dma_start3A_249 : memref<1x128xi32, #tpu.memory_space<vmem>> -> memref<128xi32, #tpu.memory_space<vmem>>
      %dma_start3A_251 = arith.constant 0 : i32
      %dma_start3A_252 = tpu.memref_slice %arg22[%dma_start3A_251] : memref<65536xf32, #tpu.memory_space<vmem_shared>> -> memref<65536xf32, #tpu.memory_space<vmem_shared>>
      tpu.enqueue_indirect_dma source(%dma_start3A_252 : memref<65536xf32, #tpu.memory_space<vmem_shared>>) target(%dma_start3A_247 : memref<128xf32, #tpu.memory_space<vmem>>) offsets(%dma_start3A_250 : memref<128xi32, #tpu.memory_space<vmem>>) semaphore(%arg23 : memref<!tpu.dma_semaphore, #tpu.memory_space<semaphore_mem>>)
      %dma_start3A_253 = arith.constant 29 : i32
      %dma_start3A_254 = arith.constant 3712 : i32
      %dma_start3A_255 = tpu.memref_slice %arg12[%dma_start3A_254] : memref<4096xf32, #tpu.memory_space<vmem>> -> memref<128xf32, #tpu.memory_space<vmem>>
      %dma_start3A_256 = arith.constant 0 : i32
      %dma_start3A_257 = tpu.memref_slice %arg16[%dma_start3A_253, %dma_start3A_256] : memref<32x128xi32, #tpu.memory_space<vmem>> -> memref<1x128xi32, #tpu.memory_space<vmem>>
      %dma_start3A_258 = tpu.memref_squeeze %dma_start3A_257 : memref<1x128xi32, #tpu.memory_space<vmem>> -> memref<128xi32, #tpu.memory_space<vmem>>
      %dma_start3A_259 = arith.constant 0 : i32
      %dma_start3A_260 = tpu.memref_slice %arg22[%dma_start3A_259] : memref<65536xf32, #tpu.memory_space<vmem_shared>> -> memref<65536xf32, #tpu.memory_space<vmem_shared>>
      tpu.enqueue_indirect_dma source(%dma_start3A_260 : memref<65536xf32, #tpu.memory_space<vmem_shared>>) target(%dma_start3A_255 : memref<128xf32, #tpu.memory_space<vmem>>) offsets(%dma_start3A_258 : memref<128xi32, #tpu.memory_space<vmem>>) semaphore(%arg23 : memref<!tpu.dma_semaphore, #tpu.memory_space<semaphore_mem>>)
      %dma_start3A_261 = arith.constant 30 : i32
      %dma_start3A_262 = arith.constant 3840 : i32
      %dma_start3A_263 = tpu.memref_slice %arg12[%dma_start3A_262] : memref<4096xf32, #tpu.memory_space<vmem>> -> memref<128xf32, #tpu.memory_space<vmem>>
      %dma_start3A_264 = arith.constant 0 : i32
      %dma_start3A_265 = tpu.memref_slice %arg16[%dma_start3A_261, %dma_start3A_264] : memref<32x128xi32, #tpu.memory_space<vmem>> -> memref<1x128xi32, #tpu.memory_space<vmem>>
      %dma_start3A_266 = tpu.memref_squeeze %dma_start3A_265 : memref<1x128xi32, #tpu.memory_space<vmem>> -> memref<128xi32, #tpu.memory_space<vmem>>
      %dma_start3A_267 = arith.constant 0 : i32
      %dma_start3A_268 = tpu.memref_slice %arg22[%dma_start3A_267] : memref<65536xf32, #tpu.memory_space<vmem_shared>> -> memref<65536xf32, #tpu.memory_space<vmem_shared>>
      tpu.enqueue_indirect_dma source(%dma_start3A_268 : memref<65536xf32, #tpu.memory_space<vmem_shared>>) target(%dma_start3A_263 : memref<128xf32, #tpu.memory_space<vmem>>) offsets(%dma_start3A_266 : memref<128xi32, #tpu.memory_space<vmem>>) semaphore(%arg23 : memref<!tpu.dma_semaphore, #tpu.memory_space<semaphore_mem>>)
      %dma_start3A_269 = arith.constant 31 : i32
      %dma_start3A_270 = arith.constant 3968 : i32
      %dma_start3A_271 = tpu.memref_slice %arg12[%dma_start3A_270] : memref<4096xf32, #tpu.memory_space<vmem>> -> memref<128xf32, #tpu.memory_space<vmem>>
      %dma_start3A_272 = arith.constant 0 : i32
      %dma_start3A_273 = tpu.memref_slice %arg16[%dma_start3A_269, %dma_start3A_272] : memref<32x128xi32, #tpu.memory_space<vmem>> -> memref<1x128xi32, #tpu.memory_space<vmem>>
      %dma_start3A_274 = tpu.memref_squeeze %dma_start3A_273 : memref<1x128xi32, #tpu.memory_space<vmem>> -> memref<128xi32, #tpu.memory_space<vmem>>
      %dma_start3A_275 = arith.constant 0 : i32
      %dma_start3A_276 = tpu.memref_slice %arg22[%dma_start3A_275] : memref<65536xf32, #tpu.memory_space<vmem_shared>> -> memref<65536xf32, #tpu.memory_space<vmem_shared>>
      tpu.enqueue_indirect_dma source(%dma_start3A_276 : memref<65536xf32, #tpu.memory_space<vmem_shared>>) target(%dma_start3A_271 : memref<128xf32, #tpu.memory_space<vmem>>) offsets(%dma_start3A_274 : memref<128xi32, #tpu.memory_space<vmem>>) semaphore(%arg23 : memref<!tpu.dma_semaphore, #tpu.memory_space<semaphore_mem>>)
      %dma_wait3A = arith.constant 0 : i32
      %dma_wait3A_277 = arith.constant 0 : i32
      %dma_wait3A_278 = tpu.memref_slice %arg12[%dma_wait3A_277] : memref<4096xf32, #tpu.memory_space<vmem>> -> memref<128xf32, #tpu.memory_space<vmem>>
      %dma_wait3A_279 = arith.constant 0 : i32
      %dma_wait3A_280 = tpu.memref_slice %arg16[%dma_wait3A, %dma_wait3A_279] : memref<32x128xi32, #tpu.memory_space<vmem>> -> memref<1x128xi32, #tpu.memory_space<vmem>>
      %dma_wait3A_281 = tpu.memref_squeeze %dma_wait3A_280 : memref<1x128xi32, #tpu.memory_space<vmem>> -> memref<128xi32, #tpu.memory_space<vmem>>
      %dma_wait3A_282 = arith.constant 0 : i32
      %dma_wait3A_283 = tpu.memref_slice %arg22[%dma_wait3A_282] : memref<65536xf32, #tpu.memory_space<vmem_shared>> -> memref<65536xf32, #tpu.memory_space<vmem_shared>>
      tpu.wait_indirect_dma semaphore(%arg23 : memref<!tpu.dma_semaphore, #tpu.memory_space<semaphore_mem>>) src(%dma_wait3A_283 : memref<65536xf32, #tpu.memory_space<vmem_shared>>) dst(%dma_wait3A_278 : memref<128xf32, #tpu.memory_space<vmem>>)
      %dma_wait3A_284 = arith.constant 1 : i32
      %dma_wait3A_285 = arith.constant 128 : i32
      %dma_wait3A_286 = tpu.memref_slice %arg12[%dma_wait3A_285] : memref<4096xf32, #tpu.memory_space<vmem>> -> memref<128xf32, #tpu.memory_space<vmem>>
      %dma_wait3A_287 = arith.constant 0 : i32
      %dma_wait3A_288 = tpu.memref_slice %arg16[%dma_wait3A_284, %dma_wait3A_287] : memref<32x128xi32, #tpu.memory_space<vmem>> -> memref<1x128xi32, #tpu.memory_space<vmem>>
      %dma_wait3A_289 = tpu.memref_squeeze %dma_wait3A_288 : memref<1x128xi32, #tpu.memory_space<vmem>> -> memref<128xi32, #tpu.memory_space<vmem>>
      %dma_wait3A_290 = arith.constant 0 : i32
      %dma_wait3A_291 = tpu.memref_slice %arg22[%dma_wait3A_290] : memref<65536xf32, #tpu.memory_space<vmem_shared>> -> memref<65536xf32, #tpu.memory_space<vmem_shared>>
      tpu.wait_indirect_dma semaphore(%arg23 : memref<!tpu.dma_semaphore, #tpu.memory_space<semaphore_mem>>) src(%dma_wait3A_291 : memref<65536xf32, #tpu.memory_space<vmem_shared>>) dst(%dma_wait3A_286 : memref<128xf32, #tpu.memory_space<vmem>>)
      %dma_wait3A_292 = arith.constant 2 : i32
      %dma_wait3A_293 = arith.constant 256 : i32
      %dma_wait3A_294 = tpu.memref_slice %arg12[%dma_wait3A_293] : memref<4096xf32, #tpu.memory_space<vmem>> -> memref<128xf32, #tpu.memory_space<vmem>>
      %dma_wait3A_295 = arith.constant 0 : i32
      %dma_wait3A_296 = tpu.memref_slice %arg16[%dma_wait3A_292, %dma_wait3A_295] : memref<32x128xi32, #tpu.memory_space<vmem>> -> memref<1x128xi32, #tpu.memory_space<vmem>>
      %dma_wait3A_297 = tpu.memref_squeeze %dma_wait3A_296 : memref<1x128xi32, #tpu.memory_space<vmem>> -> memref<128xi32, #tpu.memory_space<vmem>>
      %dma_wait3A_298 = arith.constant 0 : i32
      %dma_wait3A_299 = tpu.memref_slice %arg22[%dma_wait3A_298] : memref<65536xf32, #tpu.memory_space<vmem_shared>> -> memref<65536xf32, #tpu.memory_space<vmem_shared>>
      tpu.wait_indirect_dma semaphore(%arg23 : memref<!tpu.dma_semaphore, #tpu.memory_space<semaphore_mem>>) src(%dma_wait3A_299 : memref<65536xf32, #tpu.memory_space<vmem_shared>>) dst(%dma_wait3A_294 : memref<128xf32, #tpu.memory_space<vmem>>)
      %dma_wait3A_300 = arith.constant 3 : i32
      %dma_wait3A_301 = arith.constant 384 : i32
      %dma_wait3A_302 = tpu.memref_slice %arg12[%dma_wait3A_301] : memref<4096xf32, #tpu.memory_space<vmem>> -> memref<128xf32, #tpu.memory_space<vmem>>
      %dma_wait3A_303 = arith.constant 0 : i32
      %dma_wait3A_304 = tpu.memref_slice %arg16[%dma_wait3A_300, %dma_wait3A_303] : memref<32x128xi32, #tpu.memory_space<vmem>> -> memref<1x128xi32, #tpu.memory_space<vmem>>
      %dma_wait3A_305 = tpu.memref_squeeze %dma_wait3A_304 : memref<1x128xi32, #tpu.memory_space<vmem>> -> memref<128xi32, #tpu.memory_space<vmem>>
      %dma_wait3A_306 = arith.constant 0 : i32
      %dma_wait3A_307 = tpu.memref_slice %arg22[%dma_wait3A_306] : memref<65536xf32, #tpu.memory_space<vmem_shared>> -> memref<65536xf32, #tpu.memory_space<vmem_shared>>
      tpu.wait_indirect_dma semaphore(%arg23 : memref<!tpu.dma_semaphore, #tpu.memory_space<semaphore_mem>>) src(%dma_wait3A_307 : memref<65536xf32, #tpu.memory_space<vmem_shared>>) dst(%dma_wait3A_302 : memref<128xf32, #tpu.memory_space<vmem>>)
      %dma_wait3A_308 = arith.constant 4 : i32
      %dma_wait3A_309 = arith.constant 512 : i32
      %dma_wait3A_310 = tpu.memref_slice %arg12[%dma_wait3A_309] : memref<4096xf32, #tpu.memory_space<vmem>> -> memref<128xf32, #tpu.memory_space<vmem>>
      %dma_wait3A_311 = arith.constant 0 : i32
      %dma_wait3A_312 = tpu.memref_slice %arg16[%dma_wait3A_308, %dma_wait3A_311] : memref<32x128xi32, #tpu.memory_space<vmem>> -> memref<1x128xi32, #tpu.memory_space<vmem>>
      %dma_wait3A_313 = tpu.memref_squeeze %dma_wait3A_312 : memref<1x128xi32, #tpu.memory_space<vmem>> -> memref<128xi32, #tpu.memory_space<vmem>>
      %dma_wait3A_314 = arith.constant 0 : i32
      %dma_wait3A_315 = tpu.memref_slice %arg22[%dma_wait3A_314] : memref<65536xf32, #tpu.memory_space<vmem_shared>> -> memref<65536xf32, #tpu.memory_space<vmem_shared>>
      tpu.wait_indirect_dma semaphore(%arg23 : memref<!tpu.dma_semaphore, #tpu.memory_space<semaphore_mem>>) src(%dma_wait3A_315 : memref<65536xf32, #tpu.memory_space<vmem_shared>>) dst(%dma_wait3A_310 : memref<128xf32, #tpu.memory_space<vmem>>)
      %dma_wait3A_316 = arith.constant 5 : i32
      %dma_wait3A_317 = arith.constant 640 : i32
      %dma_wait3A_318 = tpu.memref_slice %arg12[%dma_wait3A_317] : memref<4096xf32, #tpu.memory_space<vmem>> -> memref<128xf32, #tpu.memory_space<vmem>>
      %dma_wait3A_319 = arith.constant 0 : i32
      %dma_wait3A_320 = tpu.memref_slice %arg16[%dma_wait3A_316, %dma_wait3A_319] : memref<32x128xi32, #tpu.memory_space<vmem>> -> memref<1x128xi32, #tpu.memory_space<vmem>>
      %dma_wait3A_321 = tpu.memref_squeeze %dma_wait3A_320 : memref<1x128xi32, #tpu.memory_space<vmem>> -> memref<128xi32, #tpu.memory_space<vmem>>
      %dma_wait3A_322 = arith.constant 0 : i32
      %dma_wait3A_323 = tpu.memref_slice %arg22[%dma_wait3A_322] : memref<65536xf32, #tpu.memory_space<vmem_shared>> -> memref<65536xf32, #tpu.memory_space<vmem_shared>>
      tpu.wait_indirect_dma semaphore(%arg23 : memref<!tpu.dma_semaphore, #tpu.memory_space<semaphore_mem>>) src(%dma_wait3A_323 : memref<65536xf32, #tpu.memory_space<vmem_shared>>) dst(%dma_wait3A_318 : memref<128xf32, #tpu.memory_space<vmem>>)
      %dma_wait3A_324 = arith.constant 6 : i32
      %dma_wait3A_325 = arith.constant 768 : i32
      %dma_wait3A_326 = tpu.memref_slice %arg12[%dma_wait3A_325] : memref<4096xf32, #tpu.memory_space<vmem>> -> memref<128xf32, #tpu.memory_space<vmem>>
      %dma_wait3A_327 = arith.constant 0 : i32
      %dma_wait3A_328 = tpu.memref_slice %arg16[%dma_wait3A_324, %dma_wait3A_327] : memref<32x128xi32, #tpu.memory_space<vmem>> -> memref<1x128xi32, #tpu.memory_space<vmem>>
      %dma_wait3A_329 = tpu.memref_squeeze %dma_wait3A_328 : memref<1x128xi32, #tpu.memory_space<vmem>> -> memref<128xi32, #tpu.memory_space<vmem>>
      %dma_wait3A_330 = arith.constant 0 : i32
      %dma_wait3A_331 = tpu.memref_slice %arg22[%dma_wait3A_330] : memref<65536xf32, #tpu.memory_space<vmem_shared>> -> memref<65536xf32, #tpu.memory_space<vmem_shared>>
      tpu.wait_indirect_dma semaphore(%arg23 : memref<!tpu.dma_semaphore, #tpu.memory_space<semaphore_mem>>) src(%dma_wait3A_331 : memref<65536xf32, #tpu.memory_space<vmem_shared>>) dst(%dma_wait3A_326 : memref<128xf32, #tpu.memory_space<vmem>>)
      %dma_wait3A_332 = arith.constant 7 : i32
      %dma_wait3A_333 = arith.constant 896 : i32
      %dma_wait3A_334 = tpu.memref_slice %arg12[%dma_wait3A_333] : memref<4096xf32, #tpu.memory_space<vmem>> -> memref<128xf32, #tpu.memory_space<vmem>>
      %dma_wait3A_335 = arith.constant 0 : i32
      %dma_wait3A_336 = tpu.memref_slice %arg16[%dma_wait3A_332, %dma_wait3A_335] : memref<32x128xi32, #tpu.memory_space<vmem>> -> memref<1x128xi32, #tpu.memory_space<vmem>>
      %dma_wait3A_337 = tpu.memref_squeeze %dma_wait3A_336 : memref<1x128xi32, #tpu.memory_space<vmem>> -> memref<128xi32, #tpu.memory_space<vmem>>
      %dma_wait3A_338 = arith.constant 0 : i32
      %dma_wait3A_339 = tpu.memref_slice %arg22[%dma_wait3A_338] : memref<65536xf32, #tpu.memory_space<vmem_shared>> -> memref<65536xf32, #tpu.memory_space<vmem_shared>>
      tpu.wait_indirect_dma semaphore(%arg23 : memref<!tpu.dma_semaphore, #tpu.memory_space<semaphore_mem>>) src(%dma_wait3A_339 : memref<65536xf32, #tpu.memory_space<vmem_shared>>) dst(%dma_wait3A_334 : memref<128xf32, #tpu.memory_space<vmem>>)
      %dma_wait3A_340 = arith.constant 8 : i32
      %dma_wait3A_341 = arith.constant 1024 : i32
      %dma_wait3A_342 = tpu.memref_slice %arg12[%dma_wait3A_341] : memref<4096xf32, #tpu.memory_space<vmem>> -> memref<128xf32, #tpu.memory_space<vmem>>
      %dma_wait3A_343 = arith.constant 0 : i32
      %dma_wait3A_344 = tpu.memref_slice %arg16[%dma_wait3A_340, %dma_wait3A_343] : memref<32x128xi32, #tpu.memory_space<vmem>> -> memref<1x128xi32, #tpu.memory_space<vmem>>
      %dma_wait3A_345 = tpu.memref_squeeze %dma_wait3A_344 : memref<1x128xi32, #tpu.memory_space<vmem>> -> memref<128xi32, #tpu.memory_space<vmem>>
      %dma_wait3A_346 = arith.constant 0 : i32
      %dma_wait3A_347 = tpu.memref_slice %arg22[%dma_wait3A_346] : memref<65536xf32, #tpu.memory_space<vmem_shared>> -> memref<65536xf32, #tpu.memory_space<vmem_shared>>
      tpu.wait_indirect_dma semaphore(%arg23 : memref<!tpu.dma_semaphore, #tpu.memory_space<semaphore_mem>>) src(%dma_wait3A_347 : memref<65536xf32, #tpu.memory_space<vmem_shared>>) dst(%dma_wait3A_342 : memref<128xf32, #tpu.memory_space<vmem>>)
      %dma_wait3A_348 = arith.constant 9 : i32
      %dma_wait3A_349 = arith.constant 1152 : i32
      %dma_wait3A_350 = tpu.memref_slice %arg12[%dma_wait3A_349] : memref<4096xf32, #tpu.memory_space<vmem>> -> memref<128xf32, #tpu.memory_space<vmem>>
      %dma_wait3A_351 = arith.constant 0 : i32
      %dma_wait3A_352 = tpu.memref_slice %arg16[%dma_wait3A_348, %dma_wait3A_351] : memref<32x128xi32, #tpu.memory_space<vmem>> -> memref<1x128xi32, #tpu.memory_space<vmem>>
      %dma_wait3A_353 = tpu.memref_squeeze %dma_wait3A_352 : memref<1x128xi32, #tpu.memory_space<vmem>> -> memref<128xi32, #tpu.memory_space<vmem>>
      %dma_wait3A_354 = arith.constant 0 : i32
      %dma_wait3A_355 = tpu.memref_slice %arg22[%dma_wait3A_354] : memref<65536xf32, #tpu.memory_space<vmem_shared>> -> memref<65536xf32, #tpu.memory_space<vmem_shared>>
      tpu.wait_indirect_dma semaphore(%arg23 : memref<!tpu.dma_semaphore, #tpu.memory_space<semaphore_mem>>) src(%dma_wait3A_355 : memref<65536xf32, #tpu.memory_space<vmem_shared>>) dst(%dma_wait3A_350 : memref<128xf32, #tpu.memory_space<vmem>>)
      %dma_wait3A_356 = arith.constant 10 : i32
      %dma_wait3A_357 = arith.constant 1280 : i32
      %dma_wait3A_358 = tpu.memref_slice %arg12[%dma_wait3A_357] : memref<4096xf32, #tpu.memory_space<vmem>> -> memref<128xf32, #tpu.memory_space<vmem>>
      %dma_wait3A_359 = arith.constant 0 : i32
      %dma_wait3A_360 = tpu.memref_slice %arg16[%dma_wait3A_356, %dma_wait3A_359] : memref<32x128xi32, #tpu.memory_space<vmem>> -> memref<1x128xi32, #tpu.memory_space<vmem>>
      %dma_wait3A_361 = tpu.memref_squeeze %dma_wait3A_360 : memref<1x128xi32, #tpu.memory_space<vmem>> -> memref<128xi32, #tpu.memory_space<vmem>>
      %dma_wait3A_362 = arith.constant 0 : i32
      %dma_wait3A_363 = tpu.memref_slice %arg22[%dma_wait3A_362] : memref<65536xf32, #tpu.memory_space<vmem_shared>> -> memref<65536xf32, #tpu.memory_space<vmem_shared>>
      tpu.wait_indirect_dma semaphore(%arg23 : memref<!tpu.dma_semaphore, #tpu.memory_space<semaphore_mem>>) src(%dma_wait3A_363 : memref<65536xf32, #tpu.memory_space<vmem_shared>>) dst(%dma_wait3A_358 : memref<128xf32, #tpu.memory_space<vmem>>)
      %dma_wait3A_364 = arith.constant 11 : i32
      %dma_wait3A_365 = arith.constant 1408 : i32
      %dma_wait3A_366 = tpu.memref_slice %arg12[%dma_wait3A_365] : memref<4096xf32, #tpu.memory_space<vmem>> -> memref<128xf32, #tpu.memory_space<vmem>>
      %dma_wait3A_367 = arith.constant 0 : i32
      %dma_wait3A_368 = tpu.memref_slice %arg16[%dma_wait3A_364, %dma_wait3A_367] : memref<32x128xi32, #tpu.memory_space<vmem>> -> memref<1x128xi32, #tpu.memory_space<vmem>>
      %dma_wait3A_369 = tpu.memref_squeeze %dma_wait3A_368 : memref<1x128xi32, #tpu.memory_space<vmem>> -> memref<128xi32, #tpu.memory_space<vmem>>
      %dma_wait3A_370 = arith.constant 0 : i32
      %dma_wait3A_371 = tpu.memref_slice %arg22[%dma_wait3A_370] : memref<65536xf32, #tpu.memory_space<vmem_shared>> -> memref<65536xf32, #tpu.memory_space<vmem_shared>>
      tpu.wait_indirect_dma semaphore(%arg23 : memref<!tpu.dma_semaphore, #tpu.memory_space<semaphore_mem>>) src(%dma_wait3A_371 : memref<65536xf32, #tpu.memory_space<vmem_shared>>) dst(%dma_wait3A_366 : memref<128xf32, #tpu.memory_space<vmem>>)
      %dma_wait3A_372 = arith.constant 12 : i32
      %dma_wait3A_373 = arith.constant 1536 : i32
      %dma_wait3A_374 = tpu.memref_slice %arg12[%dma_wait3A_373] : memref<4096xf32, #tpu.memory_space<vmem>> -> memref<128xf32, #tpu.memory_space<vmem>>
      %dma_wait3A_375 = arith.constant 0 : i32
      %dma_wait3A_376 = tpu.memref_slice %arg16[%dma_wait3A_372, %dma_wait3A_375] : memref<32x128xi32, #tpu.memory_space<vmem>> -> memref<1x128xi32, #tpu.memory_space<vmem>>
      %dma_wait3A_377 = tpu.memref_squeeze %dma_wait3A_376 : memref<1x128xi32, #tpu.memory_space<vmem>> -> memref<128xi32, #tpu.memory_space<vmem>>
      %dma_wait3A_378 = arith.constant 0 : i32
      %dma_wait3A_379 = tpu.memref_slice %arg22[%dma_wait3A_378] : memref<65536xf32, #tpu.memory_space<vmem_shared>> -> memref<65536xf32, #tpu.memory_space<vmem_shared>>
      tpu.wait_indirect_dma semaphore(%arg23 : memref<!tpu.dma_semaphore, #tpu.memory_space<semaphore_mem>>) src(%dma_wait3A_379 : memref<65536xf32, #tpu.memory_space<vmem_shared>>) dst(%dma_wait3A_374 : memref<128xf32, #tpu.memory_space<vmem>>)
      %dma_wait3A_380 = arith.constant 13 : i32
      %dma_wait3A_381 = arith.constant 1664 : i32
      %dma_wait3A_382 = tpu.memref_slice %arg12[%dma_wait3A_381] : memref<4096xf32, #tpu.memory_space<vmem>> -> memref<128xf32, #tpu.memory_space<vmem>>
      %dma_wait3A_383 = arith.constant 0 : i32
      %dma_wait3A_384 = tpu.memref_slice %arg16[%dma_wait3A_380, %dma_wait3A_383] : memref<32x128xi32, #tpu.memory_space<vmem>> -> memref<1x128xi32, #tpu.memory_space<vmem>>
      %dma_wait3A_385 = tpu.memref_squeeze %dma_wait3A_384 : memref<1x128xi32, #tpu.memory_space<vmem>> -> memref<128xi32, #tpu.memory_space<vmem>>
      %dma_wait3A_386 = arith.constant 0 : i32
      %dma_wait3A_387 = tpu.memref_slice %arg22[%dma_wait3A_386] : memref<65536xf32, #tpu.memory_space<vmem_shared>> -> memref<65536xf32, #tpu.memory_space<vmem_shared>>
      tpu.wait_indirect_dma semaphore(%arg23 : memref<!tpu.dma_semaphore, #tpu.memory_space<semaphore_mem>>) src(%dma_wait3A_387 : memref<65536xf32, #tpu.memory_space<vmem_shared>>) dst(%dma_wait3A_382 : memref<128xf32, #tpu.memory_space<vmem>>)
      %dma_wait3A_388 = arith.constant 14 : i32
      %dma_wait3A_389 = arith.constant 1792 : i32
      %dma_wait3A_390 = tpu.memref_slice %arg12[%dma_wait3A_389] : memref<4096xf32, #tpu.memory_space<vmem>> -> memref<128xf32, #tpu.memory_space<vmem>>
      %dma_wait3A_391 = arith.constant 0 : i32
      %dma_wait3A_392 = tpu.memref_slice %arg16[%dma_wait3A_388, %dma_wait3A_391] : memref<32x128xi32, #tpu.memory_space<vmem>> -> memref<1x128xi32, #tpu.memory_space<vmem>>
      %dma_wait3A_393 = tpu.memref_squeeze %dma_wait3A_392 : memref<1x128xi32, #tpu.memory_space<vmem>> -> memref<128xi32, #tpu.memory_space<vmem>>
      %dma_wait3A_394 = arith.constant 0 : i32
      %dma_wait3A_395 = tpu.memref_slice %arg22[%dma_wait3A_394] : memref<65536xf32, #tpu.memory_space<vmem_shared>> -> memref<65536xf32, #tpu.memory_space<vmem_shared>>
      tpu.wait_indirect_dma semaphore(%arg23 : memref<!tpu.dma_semaphore, #tpu.memory_space<semaphore_mem>>) src(%dma_wait3A_395 : memref<65536xf32, #tpu.memory_space<vmem_shared>>) dst(%dma_wait3A_390 : memref<128xf32, #tpu.memory_space<vmem>>)
      %dma_wait3A_396 = arith.constant 15 : i32
      %dma_wait3A_397 = arith.constant 1920 : i32
      %dma_wait3A_398 = tpu.memref_slice %arg12[%dma_wait3A_397] : memref<4096xf32, #tpu.memory_space<vmem>> -> memref<128xf32, #tpu.memory_space<vmem>>
      %dma_wait3A_399 = arith.constant 0 : i32
      %dma_wait3A_400 = tpu.memref_slice %arg16[%dma_wait3A_396, %dma_wait3A_399] : memref<32x128xi32, #tpu.memory_space<vmem>> -> memref<1x128xi32, #tpu.memory_space<vmem>>
      %dma_wait3A_401 = tpu.memref_squeeze %dma_wait3A_400 : memref<1x128xi32, #tpu.memory_space<vmem>> -> memref<128xi32, #tpu.memory_space<vmem>>
      %dma_wait3A_402 = arith.constant 0 : i32
      %dma_wait3A_403 = tpu.memref_slice %arg22[%dma_wait3A_402] : memref<65536xf32, #tpu.memory_space<vmem_shared>> -> memref<65536xf32, #tpu.memory_space<vmem_shared>>
      tpu.wait_indirect_dma semaphore(%arg23 : memref<!tpu.dma_semaphore, #tpu.memory_space<semaphore_mem>>) src(%dma_wait3A_403 : memref<65536xf32, #tpu.memory_space<vmem_shared>>) dst(%dma_wait3A_398 : memref<128xf32, #tpu.memory_space<vmem>>)
      %dma_wait3A_404 = arith.constant 16 : i32
      %dma_wait3A_405 = arith.constant 2048 : i32
      %dma_wait3A_406 = tpu.memref_slice %arg12[%dma_wait3A_405] : memref<4096xf32, #tpu.memory_space<vmem>> -> memref<128xf32, #tpu.memory_space<vmem>>
      %dma_wait3A_407 = arith.constant 0 : i32
      %dma_wait3A_408 = tpu.memref_slice %arg16[%dma_wait3A_404, %dma_wait3A_407] : memref<32x128xi32, #tpu.memory_space<vmem>> -> memref<1x128xi32, #tpu.memory_space<vmem>>
      %dma_wait3A_409 = tpu.memref_squeeze %dma_wait3A_408 : memref<1x128xi32, #tpu.memory_space<vmem>> -> memref<128xi32, #tpu.memory_space<vmem>>
      %dma_wait3A_410 = arith.constant 0 : i32
      %dma_wait3A_411 = tpu.memref_slice %arg22[%dma_wait3A_410] : memref<65536xf32, #tpu.memory_space<vmem_shared>> -> memref<65536xf32, #tpu.memory_space<vmem_shared>>
      tpu.wait_indirect_dma semaphore(%arg23 : memref<!tpu.dma_semaphore, #tpu.memory_space<semaphore_mem>>) src(%dma_wait3A_411 : memref<65536xf32, #tpu.memory_space<vmem_shared>>) dst(%dma_wait3A_406 : memref<128xf32, #tpu.memory_space<vmem>>)
      %dma_wait3A_412 = arith.constant 17 : i32
      %dma_wait3A_413 = arith.constant 2176 : i32
      %dma_wait3A_414 = tpu.memref_slice %arg12[%dma_wait3A_413] : memref<4096xf32, #tpu.memory_space<vmem>> -> memref<128xf32, #tpu.memory_space<vmem>>
      %dma_wait3A_415 = arith.constant 0 : i32
      %dma_wait3A_416 = tpu.memref_slice %arg16[%dma_wait3A_412, %dma_wait3A_415] : memref<32x128xi32, #tpu.memory_space<vmem>> -> memref<1x128xi32, #tpu.memory_space<vmem>>
      %dma_wait3A_417 = tpu.memref_squeeze %dma_wait3A_416 : memref<1x128xi32, #tpu.memory_space<vmem>> -> memref<128xi32, #tpu.memory_space<vmem>>
      %dma_wait3A_418 = arith.constant 0 : i32
      %dma_wait3A_419 = tpu.memref_slice %arg22[%dma_wait3A_418] : memref<65536xf32, #tpu.memory_space<vmem_shared>> -> memref<65536xf32, #tpu.memory_space<vmem_shared>>
      tpu.wait_indirect_dma semaphore(%arg23 : memref<!tpu.dma_semaphore, #tpu.memory_space<semaphore_mem>>) src(%dma_wait3A_419 : memref<65536xf32, #tpu.memory_space<vmem_shared>>) dst(%dma_wait3A_414 : memref<128xf32, #tpu.memory_space<vmem>>)
      %dma_wait3A_420 = arith.constant 18 : i32
      %dma_wait3A_421 = arith.constant 2304 : i32
      %dma_wait3A_422 = tpu.memref_slice %arg12[%dma_wait3A_421] : memref<4096xf32, #tpu.memory_space<vmem>> -> memref<128xf32, #tpu.memory_space<vmem>>
      %dma_wait3A_423 = arith.constant 0 : i32
      %dma_wait3A_424 = tpu.memref_slice %arg16[%dma_wait3A_420, %dma_wait3A_423] : memref<32x128xi32, #tpu.memory_space<vmem>> -> memref<1x128xi32, #tpu.memory_space<vmem>>
      %dma_wait3A_425 = tpu.memref_squeeze %dma_wait3A_424 : memref<1x128xi32, #tpu.memory_space<vmem>> -> memref<128xi32, #tpu.memory_space<vmem>>
      %dma_wait3A_426 = arith.constant 0 : i32
      %dma_wait3A_427 = tpu.memref_slice %arg22[%dma_wait3A_426] : memref<65536xf32, #tpu.memory_space<vmem_shared>> -> memref<65536xf32, #tpu.memory_space<vmem_shared>>
      tpu.wait_indirect_dma semaphore(%arg23 : memref<!tpu.dma_semaphore, #tpu.memory_space<semaphore_mem>>) src(%dma_wait3A_427 : memref<65536xf32, #tpu.memory_space<vmem_shared>>) dst(%dma_wait3A_422 : memref<128xf32, #tpu.memory_space<vmem>>)
      %dma_wait3A_428 = arith.constant 19 : i32
      %dma_wait3A_429 = arith.constant 2432 : i32
      %dma_wait3A_430 = tpu.memref_slice %arg12[%dma_wait3A_429] : memref<4096xf32, #tpu.memory_space<vmem>> -> memref<128xf32, #tpu.memory_space<vmem>>
      %dma_wait3A_431 = arith.constant 0 : i32
      %dma_wait3A_432 = tpu.memref_slice %arg16[%dma_wait3A_428, %dma_wait3A_431] : memref<32x128xi32, #tpu.memory_space<vmem>> -> memref<1x128xi32, #tpu.memory_space<vmem>>
      %dma_wait3A_433 = tpu.memref_squeeze %dma_wait3A_432 : memref<1x128xi32, #tpu.memory_space<vmem>> -> memref<128xi32, #tpu.memory_space<vmem>>
      %dma_wait3A_434 = arith.constant 0 : i32
      %dma_wait3A_435 = tpu.memref_slice %arg22[%dma_wait3A_434] : memref<65536xf32, #tpu.memory_space<vmem_shared>> -> memref<65536xf32, #tpu.memory_space<vmem_shared>>
      tpu.wait_indirect_dma semaphore(%arg23 : memref<!tpu.dma_semaphore, #tpu.memory_space<semaphore_mem>>) src(%dma_wait3A_435 : memref<65536xf32, #tpu.memory_space<vmem_shared>>) dst(%dma_wait3A_430 : memref<128xf32, #tpu.memory_space<vmem>>)
      %dma_wait3A_436 = arith.constant 20 : i32
      %dma_wait3A_437 = arith.constant 2560 : i32
      %dma_wait3A_438 = tpu.memref_slice %arg12[%dma_wait3A_437] : memref<4096xf32, #tpu.memory_space<vmem>> -> memref<128xf32, #tpu.memory_space<vmem>>
      %dma_wait3A_439 = arith.constant 0 : i32
      %dma_wait3A_440 = tpu.memref_slice %arg16[%dma_wait3A_436, %dma_wait3A_439] : memref<32x128xi32, #tpu.memory_space<vmem>> -> memref<1x128xi32, #tpu.memory_space<vmem>>
      %dma_wait3A_441 = tpu.memref_squeeze %dma_wait3A_440 : memref<1x128xi32, #tpu.memory_space<vmem>> -> memref<128xi32, #tpu.memory_space<vmem>>
      %dma_wait3A_442 = arith.constant 0 : i32
      %dma_wait3A_443 = tpu.memref_slice %arg22[%dma_wait3A_442] : memref<65536xf32, #tpu.memory_space<vmem_shared>> -> memref<65536xf32, #tpu.memory_space<vmem_shared>>
      tpu.wait_indirect_dma semaphore(%arg23 : memref<!tpu.dma_semaphore, #tpu.memory_space<semaphore_mem>>) src(%dma_wait3A_443 : memref<65536xf32, #tpu.memory_space<vmem_shared>>) dst(%dma_wait3A_438 : memref<128xf32, #tpu.memory_space<vmem>>)
      %dma_wait3A_444 = arith.constant 21 : i32
      %dma_wait3A_445 = arith.constant 2688 : i32
      %dma_wait3A_446 = tpu.memref_slice %arg12[%dma_wait3A_445] : memref<4096xf32, #tpu.memory_space<vmem>> -> memref<128xf32, #tpu.memory_space<vmem>>
      %dma_wait3A_447 = arith.constant 0 : i32
      %dma_wait3A_448 = tpu.memref_slice %arg16[%dma_wait3A_444, %dma_wait3A_447] : memref<32x128xi32, #tpu.memory_space<vmem>> -> memref<1x128xi32, #tpu.memory_space<vmem>>
      %dma_wait3A_449 = tpu.memref_squeeze %dma_wait3A_448 : memref<1x128xi32, #tpu.memory_space<vmem>> -> memref<128xi32, #tpu.memory_space<vmem>>
      %dma_wait3A_450 = arith.constant 0 : i32
      %dma_wait3A_451 = tpu.memref_slice %arg22[%dma_wait3A_450] : memref<65536xf32, #tpu.memory_space<vmem_shared>> -> memref<65536xf32, #tpu.memory_space<vmem_shared>>
      tpu.wait_indirect_dma semaphore(%arg23 : memref<!tpu.dma_semaphore, #tpu.memory_space<semaphore_mem>>) src(%dma_wait3A_451 : memref<65536xf32, #tpu.memory_space<vmem_shared>>) dst(%dma_wait3A_446 : memref<128xf32, #tpu.memory_space<vmem>>)
      %dma_wait3A_452 = arith.constant 22 : i32
      %dma_wait3A_453 = arith.constant 2816 : i32
      %dma_wait3A_454 = tpu.memref_slice %arg12[%dma_wait3A_453] : memref<4096xf32, #tpu.memory_space<vmem>> -> memref<128xf32, #tpu.memory_space<vmem>>
      %dma_wait3A_455 = arith.constant 0 : i32
      %dma_wait3A_456 = tpu.memref_slice %arg16[%dma_wait3A_452, %dma_wait3A_455] : memref<32x128xi32, #tpu.memory_space<vmem>> -> memref<1x128xi32, #tpu.memory_space<vmem>>
      %dma_wait3A_457 = tpu.memref_squeeze %dma_wait3A_456 : memref<1x128xi32, #tpu.memory_space<vmem>> -> memref<128xi32, #tpu.memory_space<vmem>>
      %dma_wait3A_458 = arith.constant 0 : i32
      %dma_wait3A_459 = tpu.memref_slice %arg22[%dma_wait3A_458] : memref<65536xf32, #tpu.memory_space<vmem_shared>> -> memref<65536xf32, #tpu.memory_space<vmem_shared>>
      tpu.wait_indirect_dma semaphore(%arg23 : memref<!tpu.dma_semaphore, #tpu.memory_space<semaphore_mem>>) src(%dma_wait3A_459 : memref<65536xf32, #tpu.memory_space<vmem_shared>>) dst(%dma_wait3A_454 : memref<128xf32, #tpu.memory_space<vmem>>)
      %dma_wait3A_460 = arith.constant 23 : i32
      %dma_wait3A_461 = arith.constant 2944 : i32
      %dma_wait3A_462 = tpu.memref_slice %arg12[%dma_wait3A_461] : memref<4096xf32, #tpu.memory_space<vmem>> -> memref<128xf32, #tpu.memory_space<vmem>>
      %dma_wait3A_463 = arith.constant 0 : i32
      %dma_wait3A_464 = tpu.memref_slice %arg16[%dma_wait3A_460, %dma_wait3A_463] : memref<32x128xi32, #tpu.memory_space<vmem>> -> memref<1x128xi32, #tpu.memory_space<vmem>>
      %dma_wait3A_465 = tpu.memref_squeeze %dma_wait3A_464 : memref<1x128xi32, #tpu.memory_space<vmem>> -> memref<128xi32, #tpu.memory_space<vmem>>
      %dma_wait3A_466 = arith.constant 0 : i32
      %dma_wait3A_467 = tpu.memref_slice %arg22[%dma_wait3A_466] : memref<65536xf32, #tpu.memory_space<vmem_shared>> -> memref<65536xf32, #tpu.memory_space<vmem_shared>>
      tpu.wait_indirect_dma semaphore(%arg23 : memref<!tpu.dma_semaphore, #tpu.memory_space<semaphore_mem>>) src(%dma_wait3A_467 : memref<65536xf32, #tpu.memory_space<vmem_shared>>) dst(%dma_wait3A_462 : memref<128xf32, #tpu.memory_space<vmem>>)
      %dma_wait3A_468 = arith.constant 24 : i32
      %dma_wait3A_469 = arith.constant 3072 : i32
      %dma_wait3A_470 = tpu.memref_slice %arg12[%dma_wait3A_469] : memref<4096xf32, #tpu.memory_space<vmem>> -> memref<128xf32, #tpu.memory_space<vmem>>
      %dma_wait3A_471 = arith.constant 0 : i32
      %dma_wait3A_472 = tpu.memref_slice %arg16[%dma_wait3A_468, %dma_wait3A_471] : memref<32x128xi32, #tpu.memory_space<vmem>> -> memref<1x128xi32, #tpu.memory_space<vmem>>
      %dma_wait3A_473 = tpu.memref_squeeze %dma_wait3A_472 : memref<1x128xi32, #tpu.memory_space<vmem>> -> memref<128xi32, #tpu.memory_space<vmem>>
      %dma_wait3A_474 = arith.constant 0 : i32
      %dma_wait3A_475 = tpu.memref_slice %arg22[%dma_wait3A_474] : memref<65536xf32, #tpu.memory_space<vmem_shared>> -> memref<65536xf32, #tpu.memory_space<vmem_shared>>
      tpu.wait_indirect_dma semaphore(%arg23 : memref<!tpu.dma_semaphore, #tpu.memory_space<semaphore_mem>>) src(%dma_wait3A_475 : memref<65536xf32, #tpu.memory_space<vmem_shared>>) dst(%dma_wait3A_470 : memref<128xf32, #tpu.memory_space<vmem>>)
      %dma_wait3A_476 = arith.constant 25 : i32
      %dma_wait3A_477 = arith.constant 3200 : i32
      %dma_wait3A_478 = tpu.memref_slice %arg12[%dma_wait3A_477] : memref<4096xf32, #tpu.memory_space<vmem>> -> memref<128xf32, #tpu.memory_space<vmem>>
      %dma_wait3A_479 = arith.constant 0 : i32
      %dma_wait3A_480 = tpu.memref_slice %arg16[%dma_wait3A_476, %dma_wait3A_479] : memref<32x128xi32, #tpu.memory_space<vmem>> -> memref<1x128xi32, #tpu.memory_space<vmem>>
      %dma_wait3A_481 = tpu.memref_squeeze %dma_wait3A_480 : memref<1x128xi32, #tpu.memory_space<vmem>> -> memref<128xi32, #tpu.memory_space<vmem>>
      %dma_wait3A_482 = arith.constant 0 : i32
      %dma_wait3A_483 = tpu.memref_slice %arg22[%dma_wait3A_482] : memref<65536xf32, #tpu.memory_space<vmem_shared>> -> memref<65536xf32, #tpu.memory_space<vmem_shared>>
      tpu.wait_indirect_dma semaphore(%arg23 : memref<!tpu.dma_semaphore, #tpu.memory_space<semaphore_mem>>) src(%dma_wait3A_483 : memref<65536xf32, #tpu.memory_space<vmem_shared>>) dst(%dma_wait3A_478 : memref<128xf32, #tpu.memory_space<vmem>>)
      %dma_wait3A_484 = arith.constant 26 : i32
      %dma_wait3A_485 = arith.constant 3328 : i32
      %dma_wait3A_486 = tpu.memref_slice %arg12[%dma_wait3A_485] : memref<4096xf32, #tpu.memory_space<vmem>> -> memref<128xf32, #tpu.memory_space<vmem>>
      %dma_wait3A_487 = arith.constant 0 : i32
      %dma_wait3A_488 = tpu.memref_slice %arg16[%dma_wait3A_484, %dma_wait3A_487] : memref<32x128xi32, #tpu.memory_space<vmem>> -> memref<1x128xi32, #tpu.memory_space<vmem>>
      %dma_wait3A_489 = tpu.memref_squeeze %dma_wait3A_488 : memref<1x128xi32, #tpu.memory_space<vmem>> -> memref<128xi32, #tpu.memory_space<vmem>>
      %dma_wait3A_490 = arith.constant 0 : i32
      %dma_wait3A_491 = tpu.memref_slice %arg22[%dma_wait3A_490] : memref<65536xf32, #tpu.memory_space<vmem_shared>> -> memref<65536xf32, #tpu.memory_space<vmem_shared>>
      tpu.wait_indirect_dma semaphore(%arg23 : memref<!tpu.dma_semaphore, #tpu.memory_space<semaphore_mem>>) src(%dma_wait3A_491 : memref<65536xf32, #tpu.memory_space<vmem_shared>>) dst(%dma_wait3A_486 : memref<128xf32, #tpu.memory_space<vmem>>)
      %dma_wait3A_492 = arith.constant 27 : i32
      %dma_wait3A_493 = arith.constant 3456 : i32
      %dma_wait3A_494 = tpu.memref_slice %arg12[%dma_wait3A_493] : memref<4096xf32, #tpu.memory_space<vmem>> -> memref<128xf32, #tpu.memory_space<vmem>>
      %dma_wait3A_495 = arith.constant 0 : i32
      %dma_wait3A_496 = tpu.memref_slice %arg16[%dma_wait3A_492, %dma_wait3A_495] : memref<32x128xi32, #tpu.memory_space<vmem>> -> memref<1x128xi32, #tpu.memory_space<vmem>>
      %dma_wait3A_497 = tpu.memref_squeeze %dma_wait3A_496 : memref<1x128xi32, #tpu.memory_space<vmem>> -> memref<128xi32, #tpu.memory_space<vmem>>
      %dma_wait3A_498 = arith.constant 0 : i32
      %dma_wait3A_499 = tpu.memref_slice %arg22[%dma_wait3A_498] : memref<65536xf32, #tpu.memory_space<vmem_shared>> -> memref<65536xf32, #tpu.memory_space<vmem_shared>>
      tpu.wait_indirect_dma semaphore(%arg23 : memref<!tpu.dma_semaphore, #tpu.memory_space<semaphore_mem>>) src(%dma_wait3A_499 : memref<65536xf32, #tpu.memory_space<vmem_shared>>) dst(%dma_wait3A_494 : memref<128xf32, #tpu.memory_space<vmem>>)
      %dma_wait3A_500 = arith.constant 28 : i32
      %dma_wait3A_501 = arith.constant 3584 : i32
      %dma_wait3A_502 = tpu.memref_slice %arg12[%dma_wait3A_501] : memref<4096xf32, #tpu.memory_space<vmem>> -> memref<128xf32, #tpu.memory_space<vmem>>
      %dma_wait3A_503 = arith.constant 0 : i32
      %dma_wait3A_504 = tpu.memref_slice %arg16[%dma_wait3A_500, %dma_wait3A_503] : memref<32x128xi32, #tpu.memory_space<vmem>> -> memref<1x128xi32, #tpu.memory_space<vmem>>
      %dma_wait3A_505 = tpu.memref_squeeze %dma_wait3A_504 : memref<1x128xi32, #tpu.memory_space<vmem>> -> memref<128xi32, #tpu.memory_space<vmem>>
      %dma_wait3A_506 = arith.constant 0 : i32
      %dma_wait3A_507 = tpu.memref_slice %arg22[%dma_wait3A_506] : memref<65536xf32, #tpu.memory_space<vmem_shared>> -> memref<65536xf32, #tpu.memory_space<vmem_shared>>
      tpu.wait_indirect_dma semaphore(%arg23 : memref<!tpu.dma_semaphore, #tpu.memory_space<semaphore_mem>>) src(%dma_wait3A_507 : memref<65536xf32, #tpu.memory_space<vmem_shared>>) dst(%dma_wait3A_502 : memref<128xf32, #tpu.memory_space<vmem>>)
      %dma_wait3A_508 = arith.constant 29 : i32
      %dma_wait3A_509 = arith.constant 3712 : i32
      %dma_wait3A_510 = tpu.memref_slice %arg12[%dma_wait3A_509] : memref<4096xf32, #tpu.memory_space<vmem>> -> memref<128xf32, #tpu.memory_space<vmem>>
      %dma_wait3A_511 = arith.constant 0 : i32
      %dma_wait3A_512 = tpu.memref_slice %arg16[%dma_wait3A_508, %dma_wait3A_511] : memref<32x128xi32, #tpu.memory_space<vmem>> -> memref<1x128xi32, #tpu.memory_space<vmem>>
      %dma_wait3A_513 = tpu.memref_squeeze %dma_wait3A_512 : memref<1x128xi32, #tpu.memory_space<vmem>> -> memref<128xi32, #tpu.memory_space<vmem>>
      %dma_wait3A_514 = arith.constant 0 : i32
      %dma_wait3A_515 = tpu.memref_slice %arg22[%dma_wait3A_514] : memref<65536xf32, #tpu.memory_space<vmem_shared>> -> memref<65536xf32, #tpu.memory_space<vmem_shared>>
      tpu.wait_indirect_dma semaphore(%arg23 : memref<!tpu.dma_semaphore, #tpu.memory_space<semaphore_mem>>) src(%dma_wait3A_515 : memref<65536xf32, #tpu.memory_space<vmem_shared>>) dst(%dma_wait3A_510 : memref<128xf32, #tpu.memory_space<vmem>>)
      %dma_wait3A_516 = arith.constant 30 : i32
      %dma_wait3A_517 = arith.constant 3840 : i32
      %dma_wait3A_518 = tpu.memref_slice %arg12[%dma_wait3A_517] : memref<4096xf32, #tpu.memory_space<vmem>> -> memref<128xf32, #tpu.memory_space<vmem>>
      %dma_wait3A_519 = arith.constant 0 : i32
      %dma_wait3A_520 = tpu.memref_slice %arg16[%dma_wait3A_516, %dma_wait3A_519] : memref<32x128xi32, #tpu.memory_space<vmem>> -> memref<1x128xi32, #tpu.memory_space<vmem>>
      %dma_wait3A_521 = tpu.memref_squeeze %dma_wait3A_520 : memref<1x128xi32, #tpu.memory_space<vmem>> -> memref<128xi32, #tpu.memory_space<vmem>>
      %dma_wait3A_522 = arith.constant 0 : i32
      %dma_wait3A_523 = tpu.memref_slice %arg22[%dma_wait3A_522] : memref<65536xf32, #tpu.memory_space<vmem_shared>> -> memref<65536xf32, #tpu.memory_space<vmem_shared>>
      tpu.wait_indirect_dma semaphore(%arg23 : memref<!tpu.dma_semaphore, #tpu.memory_space<semaphore_mem>>) src(%dma_wait3A_523 : memref<65536xf32, #tpu.memory_space<vmem_shared>>) dst(%dma_wait3A_518 : memref<128xf32, #tpu.memory_space<vmem>>)
      %dma_wait3A_524 = arith.constant 31 : i32
      %dma_wait3A_525 = arith.constant 3968 : i32
      %dma_wait3A_526 = tpu.memref_slice %arg12[%dma_wait3A_525] : memref<4096xf32, #tpu.memory_space<vmem>> -> memref<128xf32, #tpu.memory_space<vmem>>
      %dma_wait3A_527 = arith.constant 0 : i32
      %dma_wait3A_528 = tpu.memref_slice %arg16[%dma_wait3A_524, %dma_wait3A_527] : memref<32x128xi32, #tpu.memory_space<vmem>> -> memref<1x128xi32, #tpu.memory_space<vmem>>
      %dma_wait3A_529 = tpu.memref_squeeze %dma_wait3A_528 : memref<1x128xi32, #tpu.memory_space<vmem>> -> memref<128xi32, #tpu.memory_space<vmem>>
      %dma_wait3A_530 = arith.constant 0 : i32
      %dma_wait3A_531 = tpu.memref_slice %arg22[%dma_wait3A_530] : memref<65536xf32, #tpu.memory_space<vmem_shared>> -> memref<65536xf32, #tpu.memory_space<vmem_shared>>
      tpu.wait_indirect_dma semaphore(%arg23 : memref<!tpu.dma_semaphore, #tpu.memory_space<semaphore_mem>>) src(%dma_wait3A_531 : memref<65536xf32, #tpu.memory_space<vmem_shared>>) dst(%dma_wait3A_526 : memref<128xf32, #tpu.memory_space<vmem>>)
      %parallel_loop3A_532 = arith.constant 0 : i32
      %parallel_loop3A_533 = arith.constant 256 : i32
      %parallel_loop3A_534 = arith.constant 1 : i32
      scf.for %parallel_loop3A_1054 = %parallel_loop3A_532 to %parallel_loop3A_533 step %parallel_loop3A_534  : i32 {
        %parallel_loop3A_1055 = arith.constant 16 : i32
        %parallel_loop3A_1056 = arith.muli %parallel_loop3A_1054, %parallel_loop3A_1055 : i32
        %parallel_loop3A_1057 = arith.index_cast %parallel_loop3A_1056 : i32 to index
        %parallel_loop3A_1058 = tpu.vector_load %arg12[%parallel_loop3A_1057] {strides = array<i32>} : memref<4096xf32, #tpu.memory_space<vmem>>, vector<16xf32>,
        %parallel_loop3A_1059 = arith.constant 16 : i32
        %parallel_loop3A_1060 = arith.muli %parallel_loop3A_1054, %parallel_loop3A_1059 : i32
        %parallel_loop3A_1061 = arith.constant 0 : i32
        %parallel_loop3A_1062 = arith.addi %parallel_loop3A_1061, %parallel_loop3A_1060 : i32
        %parallel_loop3A_1063 = arith.index_cast %parallel_loop3A_1062 : i32 to index
        %parallel_loop3A_1064 = tpu.vector_load %arg7[%parallel_loop3A_1063] {strides = array<i32>} : memref<16384xf32, #tpu.memory_space<vmem>>, vector<16xf32>,
        tpu.vector_store %arg7[%parallel_loop3A_1063], %parallel_loop3A_1058 {strides = array<i32>} : memref<16384xf32, #tpu.memory_space<vmem>>, vector<16xf32>,
        %parallel_loop3A_1065 = arith.constant 16 : i32
        %parallel_loop3A_1066 = arith.muli %parallel_loop3A_1054, %parallel_loop3A_1065 : i32
        %parallel_loop3A_1067 = arith.constant 4096 : i32
        %parallel_loop3A_1068 = arith.addi %parallel_loop3A_1067, %parallel_loop3A_1066 : i32
        %parallel_loop3A_1069 = arith.index_cast %parallel_loop3A_1068 : i32 to index
        %parallel_loop3A_1070 = tpu.vector_load %arg7[%parallel_loop3A_1069] {strides = array<i32>} : memref<16384xf32, #tpu.memory_space<vmem>>, vector<16xf32>,
        tpu.vector_store %arg7[%parallel_loop3A_1069], %parallel_loop3A_1058 {strides = array<i32>} : memref<16384xf32, #tpu.memory_space<vmem>>, vector<16xf32>,
        %parallel_loop3A_1071 = arith.constant 16 : i32
        %parallel_loop3A_1072 = arith.muli %parallel_loop3A_1054, %parallel_loop3A_1071 : i32
        %parallel_loop3A_1073 = arith.constant 8192 : i32
        %parallel_loop3A_1074 = arith.addi %parallel_loop3A_1073, %parallel_loop3A_1072 : i32
        %parallel_loop3A_1075 = arith.index_cast %parallel_loop3A_1074 : i32 to index
        %parallel_loop3A_1076 = tpu.vector_load %arg7[%parallel_loop3A_1075] {strides = array<i32>} : memref<16384xf32, #tpu.memory_space<vmem>>, vector<16xf32>,
        tpu.vector_store %arg7[%parallel_loop3A_1075], %parallel_loop3A_1058 {strides = array<i32>} : memref<16384xf32, #tpu.memory_space<vmem>>, vector<16xf32>,
        %parallel_loop3A_1077 = arith.constant 16 : i32
        %parallel_loop3A_1078 = arith.muli %parallel_loop3A_1054, %parallel_loop3A_1077 : i32
        %parallel_loop3A_1079 = arith.constant 12288 : i32
        %parallel_loop3A_1080 = arith.addi %parallel_loop3A_1079, %parallel_loop3A_1078 : i32
        %parallel_loop3A_1081 = arith.index_cast %parallel_loop3A_1080 : i32 to index
        %parallel_loop3A_1082 = tpu.vector_load %arg7[%parallel_loop3A_1081] {strides = array<i32>} : memref<16384xf32, #tpu.memory_space<vmem>>, vector<16xf32>,
        tpu.vector_store %arg7[%parallel_loop3A_1081], %parallel_loop3A_1058 {strides = array<i32>} : memref<16384xf32, #tpu.memory_space<vmem>>, vector<16xf32>,
      } {sc.loop_unroll_factor = 4 : i64, sc.parallel_access}
      %scan3A_535 = arith.constant 0 : i32
      %scan3A_536 = arith.constant 0 : i32
      %scan3A_537 = arith.constant 5 : i32
      %scan3A_538 = arith.addi %scan3A_536, %scan3A_537 : i32
      %scan3A_539 = arith.constant 1 : i32
      scf.for %scan3A_1054 = %scan3A_536 to %scan3A_538 step %scan3A_539  : i32 {
        %parallel_loop3A_1055 = arith.constant 0 : i32
        %parallel_loop3A_1056 = arith.constant 512 : i32
        %parallel_loop3A_1057 = arith.constant 1 : i32
        scf.for %parallel_loop3A_1085 = %parallel_loop3A_1055 to %parallel_loop3A_1056 step %parallel_loop3A_1057  : i32 {
          %parallel_loop3A_1086 = arith.constant 16 : i32
          %parallel_loop3A_1087 = arith.muli %parallel_loop3A_1085, %parallel_loop3A_1086 : i32
          %parallel_loop3A_1088 = arith.index_cast %parallel_loop3A_1087 : i32 to index
          %parallel_loop3A_1089 = tpu.vector_load %arg10[%parallel_loop3A_1088] {strides = array<i32>} : memref<8192xf32, #tpu.memory_space<vmem>>, vector<16xf32>,
          tpu.vector_store %arg10[%parallel_loop3A_1088], %broadcast_in_dim3A_1 {strides = array<i32>} : memref<8192xf32, #tpu.memory_space<vmem>>, vector<16xf32>,
          %parallel_loop3A_1090 = arith.index_cast %parallel_loop3A_1087 : i32 to index
          %parallel_loop3A_1091 = tpu.vector_load %arg11[%parallel_loop3A_1090] {strides = array<i32>} : memref<8192xf32, #tpu.memory_space<vmem>>, vector<16xf32>,
          tpu.vector_store %arg11[%parallel_loop3A_1090], %broadcast_in_dim3A_1 {strides = array<i32>} : memref<8192xf32, #tpu.memory_space<vmem>>, vector<16xf32>,
        } {sc.loop_unroll_factor = 4 : i64, sc.parallel_access}
        %parallel_loop3A_1058 = arith.constant 0 : i32
        %parallel_loop3A_1059 = arith.constant 1024 : i32
        %parallel_loop3A_1060 = arith.constant 1 : i32
        scf.for %parallel_loop3A_1085 = %parallel_loop3A_1058 to %parallel_loop3A_1059 step %parallel_loop3A_1060  : i32 {
          %parallel_loop3A_1086 = arith.constant 16 : i32
          %parallel_loop3A_1087 = arith.muli %parallel_loop3A_1085, %parallel_loop3A_1086 : i32
          %parallel_loop3A_1088 = arith.index_cast %parallel_loop3A_1087 : i32 to index
          %parallel_loop3A_1089 = tpu.vector_load %arg7[%parallel_loop3A_1088] {strides = array<i32>} : memref<16384xf32, #tpu.memory_space<vmem>>, vector<16xf32>,
          %parallel_loop3A_1090 = arith.index_cast %parallel_loop3A_1087 : i32 to index
          %parallel_loop3A_1091 = tpu.vector_load %arg9[%parallel_loop3A_1090] {strides = array<i32>} : memref<16384xi32, #tpu.memory_space<vmem>>, vector<16xi32>,
          %parallel_loop3A_1092 = arith.constant 8191 : i32
          %parallel_loop3A_1093 = vector.broadcast %parallel_loop3A_1092 : i32 to vector<16xi32>
          %parallel_loop3A_1094 = arith.andi %parallel_loop3A_1091, %parallel_loop3A_1093 : vector<16xi32>
          %parallel_loop3A_1095 = math.absf %parallel_loop3A_1089 : vector<16xf32>
          %parallel_loop3A_1096 = arith.constant 0.000000e+00 : f32
          %parallel_loop3A_1097 = vector.broadcast %parallel_loop3A_1096 : f32 to vector<16xf32>
          %parallel_loop3A_1098 = arith.subf %parallel_loop3A_1097, %parallel_loop3A_1095 : vector<16xf32>
          %parallel_loop3A_1099 = math.exp %parallel_loop3A_1098 : vector<16xf32>
          %parallel_loop3A_1100 = arith.constant 1.000000e+00 : f32
          %parallel_loop3A_1101 = vector.broadcast %parallel_loop3A_1100 : f32 to vector<16xf32>
          %parallel_loop3A_1102 = arith.subf %parallel_loop3A_1101, %parallel_loop3A_1099 : vector<16xf32>
          %parallel_loop3A_1103 = arith.constant 1.000000e+00 : f32
          %parallel_loop3A_1104 = vector.broadcast %parallel_loop3A_1103 : f32 to vector<16xf32>
          %parallel_loop3A_1105 = arith.addf %parallel_loop3A_1104, %parallel_loop3A_1099 : vector<16xf32>
          %parallel_loop3A_1106 = arith.divf %parallel_loop3A_1102, %parallel_loop3A_1105 : vector<16xf32>
          %parallel_loop3A_1107 = arith.constant 9.99999971E-10 : f32
          %parallel_loop3A_1108 = vector.broadcast %parallel_loop3A_1107 : f32 to vector<16xf32>
          %parallel_loop3A_1109 = arith.addf %parallel_loop3A_1106, %parallel_loop3A_1108 : vector<16xf32>
          %parallel_loop3A_1110 = tpu.bitcast %parallel_loop3A_1109 : vector<16xf32> -> vector<16xi32>
          %parallel_loop3A_1111 = arith.constant 23 : i32
          %parallel_loop3A_1112 = vector.broadcast %parallel_loop3A_1111 : i32 to vector<16xi32>
          %parallel_loop3A_1113 = arith.shrui %parallel_loop3A_1110, %parallel_loop3A_1112 : vector<16xi32>
          %parallel_loop3A_1114 = arith.constant 127 : i32
          %parallel_loop3A_1115 = vector.broadcast %parallel_loop3A_1114 : i32 to vector<16xi32>
          %parallel_loop3A_1116 = arith.subi %parallel_loop3A_1113, %parallel_loop3A_1115 : vector<16xi32>
          %parallel_loop3A_1117 = arith.constant 8388607 : i32
          %parallel_loop3A_1118 = vector.broadcast %parallel_loop3A_1117 : i32 to vector<16xi32>
          %parallel_loop3A_1119 = arith.andi %parallel_loop3A_1110, %parallel_loop3A_1118 : vector<16xi32>
          %parallel_loop3A_1120 = arith.constant 1065353216 : i32
          %parallel_loop3A_1121 = vector.broadcast %parallel_loop3A_1120 : i32 to vector<16xi32>
          %parallel_loop3A_1122 = arith.ori %parallel_loop3A_1119, %parallel_loop3A_1121 : vector<16xi32>
          %parallel_loop3A_1123 = tpu.bitcast %parallel_loop3A_1122 : vector<16xi32> -> vector<16xf32>
          %parallel_loop3A_1124 = arith.constant 1.41421354 : f32
          %parallel_loop3A_1125 = vector.broadcast %parallel_loop3A_1124 : f32 to vector<16xf32>
          %parallel_loop3A_1126 = arith.cmpf ogt, %parallel_loop3A_1123, %parallel_loop3A_1125 : vector<16xf32>
          %parallel_loop3A_1127 = arith.constant 5.000000e-01 : f32
          %parallel_loop3A_1128 = vector.broadcast %parallel_loop3A_1127 : f32 to vector<16xf32>
          %parallel_loop3A_1129 = arith.mulf %parallel_loop3A_1123, %parallel_loop3A_1128 : vector<16xf32>
          %parallel_loop3A_1130 = arith.select %parallel_loop3A_1126, %parallel_loop3A_1129, %parallel_loop3A_1123 : vector<16xi1>, vector<16xf32>
          %parallel_loop3A_1131 = arith.constant 1 : i32
          %parallel_loop3A_1132 = arith.constant 0 : i32
          %parallel_loop3A_1133 = vector.broadcast %parallel_loop3A_1131 : i32 to vector<16xi32>
          %parallel_loop3A_1134 = vector.broadcast %parallel_loop3A_1132 : i32 to vector<16xi32>
          %parallel_loop3A_1135 = arith.select %parallel_loop3A_1126, %parallel_loop3A_1133, %parallel_loop3A_1134 : vector<16xi1>, vector<16xi32>
          %parallel_loop3A_1136 = arith.addi %parallel_loop3A_1116, %parallel_loop3A_1135 : vector<16xi32>
          %parallel_loop3A_1137 = arith.constant 1.000000e+00 : f32
          %parallel_loop3A_1138 = vector.broadcast %parallel_loop3A_1137 : f32 to vector<16xf32>
          %parallel_loop3A_1139 = arith.subf %parallel_loop3A_1130, %parallel_loop3A_1138 : vector<16xf32>
          %parallel_loop3A_1140 = arith.constant 1.000000e+00 : f32
          %parallel_loop3A_1141 = vector.broadcast %parallel_loop3A_1140 : f32 to vector<16xf32>
          %parallel_loop3A_1142 = arith.addf %parallel_loop3A_1130, %parallel_loop3A_1141 : vector<16xf32>
          %parallel_loop3A_1143 = arith.divf %parallel_loop3A_1139, %parallel_loop3A_1142 : vector<16xf32>
          %parallel_loop3A_1144 = arith.mulf %parallel_loop3A_1143, %parallel_loop3A_1143 : vector<16xf32>
          %parallel_loop3A_1145 = arith.constant 0.285714298 : f32
          %parallel_loop3A_1146 = vector.broadcast %parallel_loop3A_1145 : f32 to vector<16xf32>
          %parallel_loop3A_1147 = arith.mulf %parallel_loop3A_1144, %parallel_loop3A_1146 : vector<16xf32>
          %parallel_loop3A_1148 = arith.constant 4.000000e-01 : f32
          %parallel_loop3A_1149 = vector.broadcast %parallel_loop3A_1148 : f32 to vector<16xf32>
          %parallel_loop3A_1150 = arith.addf %parallel_loop3A_1149, %parallel_loop3A_1147 : vector<16xf32>
          %parallel_loop3A_1151 = arith.mulf %parallel_loop3A_1144, %parallel_loop3A_1150 : vector<16xf32>
          %parallel_loop3A_1152 = arith.constant 0.666666686 : f32
          %parallel_loop3A_1153 = vector.broadcast %parallel_loop3A_1152 : f32 to vector<16xf32>
          %parallel_loop3A_1154 = arith.addf %parallel_loop3A_1153, %parallel_loop3A_1151 : vector<16xf32>
          %parallel_loop3A_1155 = arith.mulf %parallel_loop3A_1144, %parallel_loop3A_1154 : vector<16xf32>
          %parallel_loop3A_1156 = arith.constant 2.000000e+00 : f32
          %parallel_loop3A_1157 = vector.broadcast %parallel_loop3A_1156 : f32 to vector<16xf32>
          %parallel_loop3A_1158 = arith.addf %parallel_loop3A_1157, %parallel_loop3A_1155 : vector<16xf32>
          %parallel_loop3A_1159 = arith.sitofp %parallel_loop3A_1136 : vector<16xi32> to vector<16xf32>
          %parallel_loop3A_1160 = arith.constant 0.693147182 : f32
          %parallel_loop3A_1161 = vector.broadcast %parallel_loop3A_1160 : f32 to vector<16xf32>
          %parallel_loop3A_1162 = arith.mulf %parallel_loop3A_1159, %parallel_loop3A_1161 : vector<16xf32>
          %parallel_loop3A_1163 = arith.mulf %parallel_loop3A_1143, %parallel_loop3A_1158 : vector<16xf32>
          %parallel_loop3A_1164 = arith.addf %parallel_loop3A_1162, %parallel_loop3A_1163 : vector<16xf32>
          %parallel_loop3A_1165 = arith.constant 0.000000e+00 : f32
          %parallel_loop3A_1166 = vector.broadcast %parallel_loop3A_1165 : f32 to vector<16xf32>
          %parallel_loop3A_1167 = arith.cmpf olt, %parallel_loop3A_1089, %parallel_loop3A_1166 : vector<16xf32>
          %parallel_loop3A_1168 = arith.constant 1 : i32
          %parallel_loop3A_1169 = arith.constant 0 : i32
          %parallel_loop3A_1170 = vector.broadcast %parallel_loop3A_1168 : i32 to vector<16xi32>
          %parallel_loop3A_1171 = vector.broadcast %parallel_loop3A_1169 : i32 to vector<16xi32>
          %parallel_loop3A_1172 = arith.select %parallel_loop3A_1167, %parallel_loop3A_1170, %parallel_loop3A_1171 : vector<16xi1>, vector<16xi32>
          %parallel_loop3A_1173 = arith.constant 1.000000e+00 : f32
          %parallel_loop3A_1174 = arith.constant 0.000000e+00 : f32
          %parallel_loop3A_1175 = vector.broadcast %parallel_loop3A_1173 : f32 to vector<16xf32>
          %parallel_loop3A_1176 = vector.broadcast %parallel_loop3A_1174 : f32 to vector<16xf32>
          %parallel_loop3A_1177 = arith.select %parallel_loop3A_1167, %parallel_loop3A_1175, %parallel_loop3A_1176 : vector<16xi1>, vector<16xf32>
          %parallel_loop3A_1178 = arith.index_cast %parallel_loop3A_1087 : i32 to index
          %parallel_loop3A_1179 = tpu.vector_load %arg8[%parallel_loop3A_1178] {strides = array<i32>} : memref<16384xf32, #tpu.memory_space<vmem>>, vector<16xf32>,
          tpu.vector_store %arg8[%parallel_loop3A_1178], %parallel_loop3A_1164 {strides = array<i32>} : memref<16384xf32, #tpu.memory_space<vmem>>, vector<16xf32>,
          %parallel_loop3A_1180 = arith.constant 13 : i32
          %parallel_loop3A_1181 = vector.broadcast %parallel_loop3A_1180 : i32 to vector<16xi32>
          %parallel_loop3A_1182 = arith.shli %parallel_loop3A_1172, %parallel_loop3A_1181 : vector<16xi32>
          %parallel_loop3A_1183 = arith.ori %parallel_loop3A_1094, %parallel_loop3A_1182 : vector<16xi32>
          %parallel_loop3A_1184 = arith.index_cast %parallel_loop3A_1087 : i32 to index
          %parallel_loop3A_1185 = tpu.vector_load %arg9[%parallel_loop3A_1184] {strides = array<i32>} : memref<16384xi32, #tpu.memory_space<vmem>>, vector<16xi32>,
          tpu.vector_store %arg9[%parallel_loop3A_1184], %parallel_loop3A_1183 {strides = array<i32>} : memref<16384xi32, #tpu.memory_space<vmem>>, vector<16xi32>,
          tpu.vector_store_idx %arg10[%parallel_loop3A_1094], %parallel_loop3A_1164 {add = true} : memref<8192xf32, #tpu.memory_space<vmem>>[vector<16xi32>], vector<16xf32>,
          tpu.vector_store_idx %arg11[%parallel_loop3A_1094], %parallel_loop3A_1177 {add = true} : memref<8192xf32, #tpu.memory_space<vmem>>[vector<16xi32>], vector<16xf32>,
        } {sc.loop_unroll_factor = 4 : i64, sc.parallel_access}
        %run_scoped3A = arith.constant 0 : i32
        "tpu.region"() ({
          %run_scoped3A_1085 = tpu.sem_alloc : memref<!tpu.dma_semaphore, #tpu.memory_space<semaphore_mem>>
          %dma_start3A_1086 = arith.constant 0 : i32
          %dma_start3A_1087 = tpu.memref_slice %arg20[%arg1, %run_scoped3A, %dma_start3A_1086] : memref<16x2x8192xf32, #tpu.memory_space<vmem_shared>> -> memref<1x1x8192xf32, #tpu.memory_space<vmem_shared>>
          %dma_start3A_1088 = tpu.memref_squeeze %dma_start3A_1087 : memref<1x1x8192xf32, #tpu.memory_space<vmem_shared>> -> memref<8192xf32, #tpu.memory_space<vmem_shared>>
          %dma_start3A_1089 = arith.constant 0 : i32
          %dma_start3A_1090 = tpu.memref_slice %arg20[%arg1, %run_scoped3A, %dma_start3A_1089] : memref<16x2x8192xf32, #tpu.memory_space<vmem_shared>> -> memref<1x1x8192xf32, #tpu.memory_space<vmem_shared>>
          %dma_start3A_1091 = tpu.memref_squeeze %dma_start3A_1090 : memref<1x1x8192xf32, #tpu.memory_space<vmem_shared>> -> memref<8192xf32, #tpu.memory_space<vmem_shared>>
          tpu.enqueue_dma source(%arg10 : memref<8192xf32, #tpu.memory_space<vmem>>) target(%dma_start3A_1091 : memref<8192xf32, #tpu.memory_space<vmem_shared>>) target_semaphore(%run_scoped3A_1085 : memref<!tpu.dma_semaphore, #tpu.memory_space<semaphore_mem>>)
          %dma_wait3A_1092 = arith.constant 0 : i32
          %dma_wait3A_1093 = tpu.memref_slice %arg20[%arg1, %run_scoped3A, %dma_wait3A_1092] : memref<16x2x8192xf32, #tpu.memory_space<vmem_shared>> -> memref<1x1x8192xf32, #tpu.memory_space<vmem_shared>>
          %dma_wait3A_1094 = tpu.memref_squeeze %dma_wait3A_1093 : memref<1x1x8192xf32, #tpu.memory_space<vmem_shared>> -> memref<8192xf32, #tpu.memory_space<vmem_shared>>
          %dma_wait3A_1095 = arith.constant 0 : i32
          %dma_wait3A_1096 = tpu.memref_slice %arg20[%arg1, %run_scoped3A, %dma_wait3A_1095] : memref<16x2x8192xf32, #tpu.memory_space<vmem_shared>> -> memref<1x1x8192xf32, #tpu.memory_space<vmem_shared>>
          %dma_wait3A_1097 = tpu.memref_squeeze %dma_wait3A_1096 : memref<1x1x8192xf32, #tpu.memory_space<vmem_shared>> -> memref<8192xf32, #tpu.memory_space<vmem_shared>>
          tpu.wait_dma2 semaphore(%run_scoped3A_1085 : memref<!tpu.dma_semaphore, #tpu.memory_space<semaphore_mem>>) src(%arg10 : memref<8192xf32, #tpu.memory_space<vmem>>) dst(%dma_wait3A_1097 : memref<8192xf32, #tpu.memory_space<vmem_shared>>)
          tpu.yield
        }) : () -> ()
        %run_scoped3A_1061 = arith.constant 1 : i32
        "tpu.region"() ({
          %run_scoped3A_1085 = tpu.sem_alloc : memref<!tpu.dma_semaphore, #tpu.memory_space<semaphore_mem>>
          %dma_start3A_1086 = arith.constant 0 : i32
          %dma_start3A_1087 = tpu.memref_slice %arg20[%arg1, %run_scoped3A_1061, %dma_start3A_1086] : memref<16x2x8192xf32, #tpu.memory_space<vmem_shared>> -> memref<1x1x8192xf32, #tpu.memory_space<vmem_shared>>
          %dma_start3A_1088 = tpu.memref_squeeze %dma_start3A_1087 : memref<1x1x8192xf32, #tpu.memory_space<vmem_shared>> -> memref<8192xf32, #tpu.memory_space<vmem_shared>>
          %dma_start3A_1089 = arith.constant 0 : i32
          %dma_start3A_1090 = tpu.memref_slice %arg20[%arg1, %run_scoped3A_1061, %dma_start3A_1089] : memref<16x2x8192xf32, #tpu.memory_space<vmem_shared>> -> memref<1x1x8192xf32, #tpu.memory_space<vmem_shared>>
          %dma_start3A_1091 = tpu.memref_squeeze %dma_start3A_1090 : memref<1x1x8192xf32, #tpu.memory_space<vmem_shared>> -> memref<8192xf32, #tpu.memory_space<vmem_shared>>
          tpu.enqueue_dma source(%arg11 : memref<8192xf32, #tpu.memory_space<vmem>>) target(%dma_start3A_1091 : memref<8192xf32, #tpu.memory_space<vmem_shared>>) target_semaphore(%run_scoped3A_1085 : memref<!tpu.dma_semaphore, #tpu.memory_space<semaphore_mem>>)
          %dma_wait3A_1092 = arith.constant 0 : i32
          %dma_wait3A_1093 = tpu.memref_slice %arg20[%arg1, %run_scoped3A_1061, %dma_wait3A_1092] : memref<16x2x8192xf32, #tpu.memory_space<vmem_shared>> -> memref<1x1x8192xf32, #tpu.memory_space<vmem_shared>>
          %dma_wait3A_1094 = tpu.memref_squeeze %dma_wait3A_1093 : memref<1x1x8192xf32, #tpu.memory_space<vmem_shared>> -> memref<8192xf32, #tpu.memory_space<vmem_shared>>
          %dma_wait3A_1095 = arith.constant 0 : i32
          %dma_wait3A_1096 = tpu.memref_slice %arg20[%arg1, %run_scoped3A_1061, %dma_wait3A_1095] : memref<16x2x8192xf32, #tpu.memory_space<vmem_shared>> -> memref<1x1x8192xf32, #tpu.memory_space<vmem_shared>>
          %dma_wait3A_1097 = tpu.memref_squeeze %dma_wait3A_1096 : memref<1x1x8192xf32, #tpu.memory_space<vmem_shared>> -> memref<8192xf32, #tpu.memory_space<vmem_shared>>
          tpu.wait_dma2 semaphore(%run_scoped3A_1085 : memref<!tpu.dma_semaphore, #tpu.memory_space<semaphore_mem>>) src(%arg11 : memref<8192xf32, #tpu.memory_space<vmem>>) dst(%dma_wait3A_1097 : memref<8192xf32, #tpu.memory_space<vmem_shared>>)
          tpu.yield
        }) : () -> ()
        %barrier3A_1062 = arith.constant 0 : index
        tpu.barrier barrier_id(%barrier3A_1062)
        %mul3A_1063 = arith.constant 512 : i32
        %mul3A_1064 = arith.muli %arg1, %mul3A_1063 : i32
        "tpu.region"() ({
          %run_scoped3A_1085 = tpu.sem_alloc : memref<!tpu.dma_semaphore, #tpu.memory_space<semaphore_mem>>
          %dma_start3A_1086 = arith.constant 0 : i32
          %dma_start3A_1087 = arith.constant 0 : i32
          %dma_start3A_1088 = tpu.memref_slice %arg20[%dma_start3A_1086, %dma_start3A_1087, %mul3A_1064] : memref<16x2x8192xf32, #tpu.memory_space<vmem_shared>> -> memref<16x2x512xf32, #tpu.memory_space<vmem_shared>>
          %dma_start3A_1089 = arith.constant 0 : i32
          %dma_start3A_1090 = arith.constant 0 : i32
          %dma_start3A_1091 = tpu.memref_slice %arg20[%dma_start3A_1089, %dma_start3A_1090, %mul3A_1064] : memref<16x2x8192xf32, #tpu.memory_space<vmem_shared>> -> memref<16x2x512xf32, #tpu.memory_space<vmem_shared>>
          tpu.enqueue_dma source(%dma_start3A_1091 : memref<16x2x512xf32, #tpu.memory_space<vmem_shared>>) target(%arg18 : memref<16x2x512xf32, #tpu.memory_space<vmem>>) target_semaphore(%run_scoped3A_1085 : memref<!tpu.dma_semaphore, #tpu.memory_space<semaphore_mem>>)
          %dma_wait3A_1092 = arith.constant 0 : i32
          %dma_wait3A_1093 = arith.constant 0 : i32
          %dma_wait3A_1094 = tpu.memref_slice %arg20[%dma_wait3A_1092, %dma_wait3A_1093, %mul3A_1064] : memref<16x2x8192xf32, #tpu.memory_space<vmem_shared>> -> memref<16x2x512xf32, #tpu.memory_space<vmem_shared>>
          %dma_wait3A_1095 = arith.constant 0 : i32
          %dma_wait3A_1096 = arith.constant 0 : i32
          %dma_wait3A_1097 = tpu.memref_slice %arg20[%dma_wait3A_1095, %dma_wait3A_1096, %mul3A_1064] : memref<16x2x8192xf32, #tpu.memory_space<vmem_shared>> -> memref<16x2x512xf32, #tpu.memory_space<vmem_shared>>
          tpu.wait_dma2 semaphore(%run_scoped3A_1085 : memref<!tpu.dma_semaphore, #tpu.memory_space<semaphore_mem>>) src(%dma_wait3A_1097 : memref<16x2x512xf32, #tpu.memory_space<vmem_shared>>) dst(%arg18 : memref<16x2x512xf32, #tpu.memory_space<vmem>>)
          tpu.yield
        }) : () -> ()
        %parallel_loop3A_1065 = arith.constant 0 : i32
        %parallel_loop3A_1066 = arith.constant 32 : i32
        %parallel_loop3A_1067 = arith.constant 1 : i32
        scf.for %parallel_loop3A_1085 = %parallel_loop3A_1065 to %parallel_loop3A_1066 step %parallel_loop3A_1067  : i32 {
          %parallel_loop3A_1086 = arith.constant 16 : i32
          %parallel_loop3A_1087 = arith.muli %parallel_loop3A_1085, %parallel_loop3A_1086 : i32
          %parallel_loop3A_1088 = arith.constant 0 : i32
          %parallel_loop3A_1089 = arith.constant 0 : i32
          %parallel_loop3A_1090 = arith.index_cast %parallel_loop3A_1088 : i32 to index
          %parallel_loop3A_1091 = arith.index_cast %parallel_loop3A_1089 : i32 to index
          %parallel_loop3A_1092 = arith.index_cast %parallel_loop3A_1087 : i32 to index
          %parallel_loop3A_1093 = tpu.vector_load %arg18[%parallel_loop3A_1090, %parallel_loop3A_1091, %parallel_loop3A_1092] {strides = array<i32>} : memref<16x2x512xf32, #tpu.memory_space<vmem>>, vector<16xf32>,
          %parallel_loop3A_1094 = arith.constant 0 : i32
          %parallel_loop3A_1095 = arith.constant 1 : i32
          %parallel_loop3A_1096 = arith.index_cast %parallel_loop3A_1094 : i32 to index
          %parallel_loop3A_1097 = arith.index_cast %parallel_loop3A_1095 : i32 to index
          %parallel_loop3A_1098 = arith.index_cast %parallel_loop3A_1087 : i32 to index
          %parallel_loop3A_1099 = tpu.vector_load %arg18[%parallel_loop3A_1096, %parallel_loop3A_1097, %parallel_loop3A_1098] {strides = array<i32>} : memref<16x2x512xf32, #tpu.memory_space<vmem>>, vector<16xf32>,
          %parallel_loop3A_1100 = arith.constant 1 : i32
          %parallel_loop3A_1101 = arith.constant 0 : i32
          %parallel_loop3A_1102 = arith.index_cast %parallel_loop3A_1100 : i32 to index
          %parallel_loop3A_1103 = arith.index_cast %parallel_loop3A_1101 : i32 to index
          %parallel_loop3A_1104 = arith.index_cast %parallel_loop3A_1087 : i32 to index
          %parallel_loop3A_1105 = tpu.vector_load %arg18[%parallel_loop3A_1102, %parallel_loop3A_1103, %parallel_loop3A_1104] {strides = array<i32>} : memref<16x2x512xf32, #tpu.memory_space<vmem>>, vector<16xf32>,
          %parallel_loop3A_1106 = arith.addf %parallel_loop3A_1093, %parallel_loop3A_1105 : vector<16xf32>
          %parallel_loop3A_1107 = arith.constant 1 : i32
          %parallel_loop3A_1108 = arith.constant 1 : i32
          %parallel_loop3A_1109 = arith.index_cast %parallel_loop3A_1107 : i32 to index
          %parallel_loop3A_1110 = arith.index_cast %parallel_loop3A_1108 : i32 to index
          %parallel_loop3A_1111 = arith.index_cast %parallel_loop3A_1087 : i32 to index
          %parallel_loop3A_1112 = tpu.vector_load %arg18[%parallel_loop3A_1109, %parallel_loop3A_1110, %parallel_loop3A_1111] {strides = array<i32>} : memref<16x2x512xf32, #tpu.memory_space<vmem>>, vector<16xf32>,
          %parallel_loop3A_1113 = arith.addf %parallel_loop3A_1099, %parallel_loop3A_1112 : vector<16xf32>
          %parallel_loop3A_1114 = arith.constant 2 : i32
          %parallel_loop3A_1115 = arith.constant 0 : i32
          %parallel_loop3A_1116 = arith.index_cast %parallel_loop3A_1114 : i32 to index
          %parallel_loop3A_1117 = arith.index_cast %parallel_loop3A_1115 : i32 to index
          %parallel_loop3A_1118 = arith.index_cast %parallel_loop3A_1087 : i32 to index
          %parallel_loop3A_1119 = tpu.vector_load %arg18[%parallel_loop3A_1116, %parallel_loop3A_1117, %parallel_loop3A_1118] {strides = array<i32>} : memref<16x2x512xf32, #tpu.memory_space<vmem>>, vector<16xf32>,
          %parallel_loop3A_1120 = arith.addf %parallel_loop3A_1106, %parallel_loop3A_1119 : vector<16xf32>
          %parallel_loop3A_1121 = arith.constant 2 : i32
          %parallel_loop3A_1122 = arith.constant 1 : i32
          %parallel_loop3A_1123 = arith.index_cast %parallel_loop3A_1121 : i32 to index
          %parallel_loop3A_1124 = arith.index_cast %parallel_loop3A_1122 : i32 to index
          %parallel_loop3A_1125 = arith.index_cast %parallel_loop3A_1087 : i32 to index
          %parallel_loop3A_1126 = tpu.vector_load %arg18[%parallel_loop3A_1123, %parallel_loop3A_1124, %parallel_loop3A_1125] {strides = array<i32>} : memref<16x2x512xf32, #tpu.memory_space<vmem>>, vector<16xf32>,
          %parallel_loop3A_1127 = arith.addf %parallel_loop3A_1113, %parallel_loop3A_1126 : vector<16xf32>
          %parallel_loop3A_1128 = arith.constant 3 : i32
          %parallel_loop3A_1129 = arith.constant 0 : i32
          %parallel_loop3A_1130 = arith.index_cast %parallel_loop3A_1128 : i32 to index
          %parallel_loop3A_1131 = arith.index_cast %parallel_loop3A_1129 : i32 to index
          %parallel_loop3A_1132 = arith.index_cast %parallel_loop3A_1087 : i32 to index
          %parallel_loop3A_1133 = tpu.vector_load %arg18[%parallel_loop3A_1130, %parallel_loop3A_1131, %parallel_loop3A_1132] {strides = array<i32>} : memref<16x2x512xf32, #tpu.memory_space<vmem>>, vector<16xf32>,
          %parallel_loop3A_1134 = arith.addf %parallel_loop3A_1120, %parallel_loop3A_1133 : vector<16xf32>
          %parallel_loop3A_1135 = arith.constant 3 : i32
          %parallel_loop3A_1136 = arith.constant 1 : i32
          %parallel_loop3A_1137 = arith.index_cast %parallel_loop3A_1135 : i32 to index
          %parallel_loop3A_1138 = arith.index_cast %parallel_loop3A_1136 : i32 to index
          %parallel_loop3A_1139 = arith.index_cast %parallel_loop3A_1087 : i32 to index
          %parallel_loop3A_1140 = tpu.vector_load %arg18[%parallel_loop3A_1137, %parallel_loop3A_1138, %parallel_loop3A_1139] {strides = array<i32>} : memref<16x2x512xf32, #tpu.memory_space<vmem>>, vector<16xf32>,
          %parallel_loop3A_1141 = arith.addf %parallel_loop3A_1127, %parallel_loop3A_1140 : vector<16xf32>
          %parallel_loop3A_1142 = arith.constant 4 : i32
          %parallel_loop3A_1143 = arith.constant 0 : i32
          %parallel_loop3A_1144 = arith.index_cast %parallel_loop3A_1142 : i32 to index
          %parallel_loop3A_1145 = arith.index_cast %parallel_loop3A_1143 : i32 to index
          %parallel_loop3A_1146 = arith.index_cast %parallel_loop3A_1087 : i32 to index
          %parallel_loop3A_1147 = tpu.vector_load %arg18[%parallel_loop3A_1144, %parallel_loop3A_1145, %parallel_loop3A_1146] {strides = array<i32>} : memref<16x2x512xf32, #tpu.memory_space<vmem>>, vector<16xf32>,
          %parallel_loop3A_1148 = arith.addf %parallel_loop3A_1134, %parallel_loop3A_1147 : vector<16xf32>
          %parallel_loop3A_1149 = arith.constant 4 : i32
          %parallel_loop3A_1150 = arith.constant 1 : i32
          %parallel_loop3A_1151 = arith.index_cast %parallel_loop3A_1149 : i32 to index
          %parallel_loop3A_1152 = arith.index_cast %parallel_loop3A_1150 : i32 to index
          %parallel_loop3A_1153 = arith.index_cast %parallel_loop3A_1087 : i32 to index
          %parallel_loop3A_1154 = tpu.vector_load %arg18[%parallel_loop3A_1151, %parallel_loop3A_1152, %parallel_loop3A_1153] {strides = array<i32>} : memref<16x2x512xf32, #tpu.memory_space<vmem>>, vector<16xf32>,
          %parallel_loop3A_1155 = arith.addf %parallel_loop3A_1141, %parallel_loop3A_1154 : vector<16xf32>
          %parallel_loop3A_1156 = arith.constant 5 : i32
          %parallel_loop3A_1157 = arith.constant 0 : i32
          %parallel_loop3A_1158 = arith.index_cast %parallel_loop3A_1156 : i32 to index
          %parallel_loop3A_1159 = arith.index_cast %parallel_loop3A_1157 : i32 to index
          %parallel_loop3A_1160 = arith.index_cast %parallel_loop3A_1087 : i32 to index
          %parallel_loop3A_1161 = tpu.vector_load %arg18[%parallel_loop3A_1158, %parallel_loop3A_1159, %parallel_loop3A_1160] {strides = array<i32>} : memref<16x2x512xf32, #tpu.memory_space<vmem>>, vector<16xf32>,
          %parallel_loop3A_1162 = arith.addf %parallel_loop3A_1148, %parallel_loop3A_1161 : vector<16xf32>
          %parallel_loop3A_1163 = arith.constant 5 : i32
          %parallel_loop3A_1164 = arith.constant 1 : i32
          %parallel_loop3A_1165 = arith.index_cast %parallel_loop3A_1163 : i32 to index
          %parallel_loop3A_1166 = arith.index_cast %parallel_loop3A_1164 : i32 to index
          %parallel_loop3A_1167 = arith.index_cast %parallel_loop3A_1087 : i32 to index
          %parallel_loop3A_1168 = tpu.vector_load %arg18[%parallel_loop3A_1165, %parallel_loop3A_1166, %parallel_loop3A_1167] {strides = array<i32>} : memref<16x2x512xf32, #tpu.memory_space<vmem>>, vector<16xf32>,
          %parallel_loop3A_1169 = arith.addf %parallel_loop3A_1155, %parallel_loop3A_1168 : vector<16xf32>
          %parallel_loop3A_1170 = arith.constant 6 : i32
          %parallel_loop3A_1171 = arith.constant 0 : i32
          %parallel_loop3A_1172 = arith.index_cast %parallel_loop3A_1170 : i32 to index
          %parallel_loop3A_1173 = arith.index_cast %parallel_loop3A_1171 : i32 to index
          %parallel_loop3A_1174 = arith.index_cast %parallel_loop3A_1087 : i32 to index
          %parallel_loop3A_1175 = tpu.vector_load %arg18[%parallel_loop3A_1172, %parallel_loop3A_1173, %parallel_loop3A_1174] {strides = array<i32>} : memref<16x2x512xf32, #tpu.memory_space<vmem>>, vector<16xf32>,
          %parallel_loop3A_1176 = arith.addf %parallel_loop3A_1162, %parallel_loop3A_1175 : vector<16xf32>
          %parallel_loop3A_1177 = arith.constant 6 : i32
          %parallel_loop3A_1178 = arith.constant 1 : i32
          %parallel_loop3A_1179 = arith.index_cast %parallel_loop3A_1177 : i32 to index
          %parallel_loop3A_1180 = arith.index_cast %parallel_loop3A_1178 : i32 to index
          %parallel_loop3A_1181 = arith.index_cast %parallel_loop3A_1087 : i32 to index
          %parallel_loop3A_1182 = tpu.vector_load %arg18[%parallel_loop3A_1179, %parallel_loop3A_1180, %parallel_loop3A_1181] {strides = array<i32>} : memref<16x2x512xf32, #tpu.memory_space<vmem>>, vector<16xf32>,
          %parallel_loop3A_1183 = arith.addf %parallel_loop3A_1169, %parallel_loop3A_1182 : vector<16xf32>
          %parallel_loop3A_1184 = arith.constant 7 : i32
          %parallel_loop3A_1185 = arith.constant 0 : i32
          %parallel_loop3A_1186 = arith.index_cast %parallel_loop3A_1184 : i32 to index
          %parallel_loop3A_1187 = arith.index_cast %parallel_loop3A_1185 : i32 to index
          %parallel_loop3A_1188 = arith.index_cast %parallel_loop3A_1087 : i32 to index
          %parallel_loop3A_1189 = tpu.vector_load %arg18[%parallel_loop3A_1186, %parallel_loop3A_1187, %parallel_loop3A_1188] {strides = array<i32>} : memref<16x2x512xf32, #tpu.memory_space<vmem>>, vector<16xf32>,
          %parallel_loop3A_1190 = arith.addf %parallel_loop3A_1176, %parallel_loop3A_1189 : vector<16xf32>
          %parallel_loop3A_1191 = arith.constant 7 : i32
          %parallel_loop3A_1192 = arith.constant 1 : i32
          %parallel_loop3A_1193 = arith.index_cast %parallel_loop3A_1191 : i32 to index
          %parallel_loop3A_1194 = arith.index_cast %parallel_loop3A_1192 : i32 to index
          %parallel_loop3A_1195 = arith.index_cast %parallel_loop3A_1087 : i32 to index
          %parallel_loop3A_1196 = tpu.vector_load %arg18[%parallel_loop3A_1193, %parallel_loop3A_1194, %parallel_loop3A_1195] {strides = array<i32>} : memref<16x2x512xf32, #tpu.memory_space<vmem>>, vector<16xf32>,
          %parallel_loop3A_1197 = arith.addf %parallel_loop3A_1183, %parallel_loop3A_1196 : vector<16xf32>
          %parallel_loop3A_1198 = arith.constant 8 : i32
          %parallel_loop3A_1199 = arith.constant 0 : i32
          %parallel_loop3A_1200 = arith.index_cast %parallel_loop3A_1198 : i32 to index
          %parallel_loop3A_1201 = arith.index_cast %parallel_loop3A_1199 : i32 to index
          %parallel_loop3A_1202 = arith.index_cast %parallel_loop3A_1087 : i32 to index
          %parallel_loop3A_1203 = tpu.vector_load %arg18[%parallel_loop3A_1200, %parallel_loop3A_1201, %parallel_loop3A_1202] {strides = array<i32>} : memref<16x2x512xf32, #tpu.memory_space<vmem>>, vector<16xf32>,
          %parallel_loop3A_1204 = arith.addf %parallel_loop3A_1190, %parallel_loop3A_1203 : vector<16xf32>
          %parallel_loop3A_1205 = arith.constant 8 : i32
          %parallel_loop3A_1206 = arith.constant 1 : i32
          %parallel_loop3A_1207 = arith.index_cast %parallel_loop3A_1205 : i32 to index
          %parallel_loop3A_1208 = arith.index_cast %parallel_loop3A_1206 : i32 to index
          %parallel_loop3A_1209 = arith.index_cast %parallel_loop3A_1087 : i32 to index
          %parallel_loop3A_1210 = tpu.vector_load %arg18[%parallel_loop3A_1207, %parallel_loop3A_1208, %parallel_loop3A_1209] {strides = array<i32>} : memref<16x2x512xf32, #tpu.memory_space<vmem>>, vector<16xf32>,
          %parallel_loop3A_1211 = arith.addf %parallel_loop3A_1197, %parallel_loop3A_1210 : vector<16xf32>
          %parallel_loop3A_1212 = arith.constant 9 : i32
          %parallel_loop3A_1213 = arith.constant 0 : i32
          %parallel_loop3A_1214 = arith.index_cast %parallel_loop3A_1212 : i32 to index
          %parallel_loop3A_1215 = arith.index_cast %parallel_loop3A_1213 : i32 to index
          %parallel_loop3A_1216 = arith.index_cast %parallel_loop3A_1087 : i32 to index
          %parallel_loop3A_1217 = tpu.vector_load %arg18[%parallel_loop3A_1214, %parallel_loop3A_1215, %parallel_loop3A_1216] {strides = array<i32>} : memref<16x2x512xf32, #tpu.memory_space<vmem>>, vector<16xf32>,
          %parallel_loop3A_1218 = arith.addf %parallel_loop3A_1204, %parallel_loop3A_1217 : vector<16xf32>
          %parallel_loop3A_1219 = arith.constant 9 : i32
          %parallel_loop3A_1220 = arith.constant 1 : i32
          %parallel_loop3A_1221 = arith.index_cast %parallel_loop3A_1219 : i32 to index
          %parallel_loop3A_1222 = arith.index_cast %parallel_loop3A_1220 : i32 to index
          %parallel_loop3A_1223 = arith.index_cast %parallel_loop3A_1087 : i32 to index
          %parallel_loop3A_1224 = tpu.vector_load %arg18[%parallel_loop3A_1221, %parallel_loop3A_1222, %parallel_loop3A_1223] {strides = array<i32>} : memref<16x2x512xf32, #tpu.memory_space<vmem>>, vector<16xf32>,
          %parallel_loop3A_1225 = arith.addf %parallel_loop3A_1211, %parallel_loop3A_1224 : vector<16xf32>
          %parallel_loop3A_1226 = arith.constant 10 : i32
          %parallel_loop3A_1227 = arith.constant 0 : i32
          %parallel_loop3A_1228 = arith.index_cast %parallel_loop3A_1226 : i32 to index
          %parallel_loop3A_1229 = arith.index_cast %parallel_loop3A_1227 : i32 to index
          %parallel_loop3A_1230 = arith.index_cast %parallel_loop3A_1087 : i32 to index
          %parallel_loop3A_1231 = tpu.vector_load %arg18[%parallel_loop3A_1228, %parallel_loop3A_1229, %parallel_loop3A_1230] {strides = array<i32>} : memref<16x2x512xf32, #tpu.memory_space<vmem>>, vector<16xf32>,
          %parallel_loop3A_1232 = arith.addf %parallel_loop3A_1218, %parallel_loop3A_1231 : vector<16xf32>
          %parallel_loop3A_1233 = arith.constant 10 : i32
          %parallel_loop3A_1234 = arith.constant 1 : i32
          %parallel_loop3A_1235 = arith.index_cast %parallel_loop3A_1233 : i32 to index
          %parallel_loop3A_1236 = arith.index_cast %parallel_loop3A_1234 : i32 to index
          %parallel_loop3A_1237 = arith.index_cast %parallel_loop3A_1087 : i32 to index
          %parallel_loop3A_1238 = tpu.vector_load %arg18[%parallel_loop3A_1235, %parallel_loop3A_1236, %parallel_loop3A_1237] {strides = array<i32>} : memref<16x2x512xf32, #tpu.memory_space<vmem>>, vector<16xf32>,
          %parallel_loop3A_1239 = arith.addf %parallel_loop3A_1225, %parallel_loop3A_1238 : vector<16xf32>
          %parallel_loop3A_1240 = arith.constant 11 : i32
          %parallel_loop3A_1241 = arith.constant 0 : i32
          %parallel_loop3A_1242 = arith.index_cast %parallel_loop3A_1240 : i32 to index
          %parallel_loop3A_1243 = arith.index_cast %parallel_loop3A_1241 : i32 to index
          %parallel_loop3A_1244 = arith.index_cast %parallel_loop3A_1087 : i32 to index
          %parallel_loop3A_1245 = tpu.vector_load %arg18[%parallel_loop3A_1242, %parallel_loop3A_1243, %parallel_loop3A_1244] {strides = array<i32>} : memref<16x2x512xf32, #tpu.memory_space<vmem>>, vector<16xf32>,
          %parallel_loop3A_1246 = arith.addf %parallel_loop3A_1232, %parallel_loop3A_1245 : vector<16xf32>
          %parallel_loop3A_1247 = arith.constant 11 : i32
          %parallel_loop3A_1248 = arith.constant 1 : i32
          %parallel_loop3A_1249 = arith.index_cast %parallel_loop3A_1247 : i32 to index
          %parallel_loop3A_1250 = arith.index_cast %parallel_loop3A_1248 : i32 to index
          %parallel_loop3A_1251 = arith.index_cast %parallel_loop3A_1087 : i32 to index
          %parallel_loop3A_1252 = tpu.vector_load %arg18[%parallel_loop3A_1249, %parallel_loop3A_1250, %parallel_loop3A_1251] {strides = array<i32>} : memref<16x2x512xf32, #tpu.memory_space<vmem>>, vector<16xf32>,
          %parallel_loop3A_1253 = arith.addf %parallel_loop3A_1239, %parallel_loop3A_1252 : vector<16xf32>
          %parallel_loop3A_1254 = arith.constant 12 : i32
          %parallel_loop3A_1255 = arith.constant 0 : i32
          %parallel_loop3A_1256 = arith.index_cast %parallel_loop3A_1254 : i32 to index
          %parallel_loop3A_1257 = arith.index_cast %parallel_loop3A_1255 : i32 to index
          %parallel_loop3A_1258 = arith.index_cast %parallel_loop3A_1087 : i32 to index
          %parallel_loop3A_1259 = tpu.vector_load %arg18[%parallel_loop3A_1256, %parallel_loop3A_1257, %parallel_loop3A_1258] {strides = array<i32>} : memref<16x2x512xf32, #tpu.memory_space<vmem>>, vector<16xf32>,
          %parallel_loop3A_1260 = arith.addf %parallel_loop3A_1246, %parallel_loop3A_1259 : vector<16xf32>
          %parallel_loop3A_1261 = arith.constant 12 : i32
          %parallel_loop3A_1262 = arith.constant 1 : i32
          %parallel_loop3A_1263 = arith.index_cast %parallel_loop3A_1261 : i32 to index
          %parallel_loop3A_1264 = arith.index_cast %parallel_loop3A_1262 : i32 to index
          %parallel_loop3A_1265 = arith.index_cast %parallel_loop3A_1087 : i32 to index
          %parallel_loop3A_1266 = tpu.vector_load %arg18[%parallel_loop3A_1263, %parallel_loop3A_1264, %parallel_loop3A_1265] {strides = array<i32>} : memref<16x2x512xf32, #tpu.memory_space<vmem>>, vector<16xf32>,
          %parallel_loop3A_1267 = arith.addf %parallel_loop3A_1253, %parallel_loop3A_1266 : vector<16xf32>
          %parallel_loop3A_1268 = arith.constant 13 : i32
          %parallel_loop3A_1269 = arith.constant 0 : i32
          %parallel_loop3A_1270 = arith.index_cast %parallel_loop3A_1268 : i32 to index
          %parallel_loop3A_1271 = arith.index_cast %parallel_loop3A_1269 : i32 to index
          %parallel_loop3A_1272 = arith.index_cast %parallel_loop3A_1087 : i32 to index
          %parallel_loop3A_1273 = tpu.vector_load %arg18[%parallel_loop3A_1270, %parallel_loop3A_1271, %parallel_loop3A_1272] {strides = array<i32>} : memref<16x2x512xf32, #tpu.memory_space<vmem>>, vector<16xf32>,
          %parallel_loop3A_1274 = arith.addf %parallel_loop3A_1260, %parallel_loop3A_1273 : vector<16xf32>
          %parallel_loop3A_1275 = arith.constant 13 : i32
          %parallel_loop3A_1276 = arith.constant 1 : i32
          %parallel_loop3A_1277 = arith.index_cast %parallel_loop3A_1275 : i32 to index
          %parallel_loop3A_1278 = arith.index_cast %parallel_loop3A_1276 : i32 to index
          %parallel_loop3A_1279 = arith.index_cast %parallel_loop3A_1087 : i32 to index
          %parallel_loop3A_1280 = tpu.vector_load %arg18[%parallel_loop3A_1277, %parallel_loop3A_1278, %parallel_loop3A_1279] {strides = array<i32>} : memref<16x2x512xf32, #tpu.memory_space<vmem>>, vector<16xf32>,
          %parallel_loop3A_1281 = arith.addf %parallel_loop3A_1267, %parallel_loop3A_1280 : vector<16xf32>
          %parallel_loop3A_1282 = arith.constant 14 : i32
          %parallel_loop3A_1283 = arith.constant 0 : i32
          %parallel_loop3A_1284 = arith.index_cast %parallel_loop3A_1282 : i32 to index
          %parallel_loop3A_1285 = arith.index_cast %parallel_loop3A_1283 : i32 to index
          %parallel_loop3A_1286 = arith.index_cast %parallel_loop3A_1087 : i32 to index
          %parallel_loop3A_1287 = tpu.vector_load %arg18[%parallel_loop3A_1284, %parallel_loop3A_1285, %parallel_loop3A_1286] {strides = array<i32>} : memref<16x2x512xf32, #tpu.memory_space<vmem>>, vector<16xf32>,
          %parallel_loop3A_1288 = arith.addf %parallel_loop3A_1274, %parallel_loop3A_1287 : vector<16xf32>
          %parallel_loop3A_1289 = arith.constant 14 : i32
          %parallel_loop3A_1290 = arith.constant 1 : i32
          %parallel_loop3A_1291 = arith.index_cast %parallel_loop3A_1289 : i32 to index
          %parallel_loop3A_1292 = arith.index_cast %parallel_loop3A_1290 : i32 to index
          %parallel_loop3A_1293 = arith.index_cast %parallel_loop3A_1087 : i32 to index
          %parallel_loop3A_1294 = tpu.vector_load %arg18[%parallel_loop3A_1291, %parallel_loop3A_1292, %parallel_loop3A_1293] {strides = array<i32>} : memref<16x2x512xf32, #tpu.memory_space<vmem>>, vector<16xf32>,
          %parallel_loop3A_1295 = arith.addf %parallel_loop3A_1281, %parallel_loop3A_1294 : vector<16xf32>
          %parallel_loop3A_1296 = arith.constant 15 : i32
          %parallel_loop3A_1297 = arith.constant 0 : i32
          %parallel_loop3A_1298 = arith.index_cast %parallel_loop3A_1296 : i32 to index
          %parallel_loop3A_1299 = arith.index_cast %parallel_loop3A_1297 : i32 to index
          %parallel_loop3A_1300 = arith.index_cast %parallel_loop3A_1087 : i32 to index
          %parallel_loop3A_1301 = tpu.vector_load %arg18[%parallel_loop3A_1298, %parallel_loop3A_1299, %parallel_loop3A_1300] {strides = array<i32>} : memref<16x2x512xf32, #tpu.memory_space<vmem>>, vector<16xf32>,
          %parallel_loop3A_1302 = arith.addf %parallel_loop3A_1288, %parallel_loop3A_1301 : vector<16xf32>
          %parallel_loop3A_1303 = arith.constant 15 : i32
          %parallel_loop3A_1304 = arith.constant 1 : i32
          %parallel_loop3A_1305 = arith.index_cast %parallel_loop3A_1303 : i32 to index
          %parallel_loop3A_1306 = arith.index_cast %parallel_loop3A_1304 : i32 to index
          %parallel_loop3A_1307 = arith.index_cast %parallel_loop3A_1087 : i32 to index
          %parallel_loop3A_1308 = tpu.vector_load %arg18[%parallel_loop3A_1305, %parallel_loop3A_1306, %parallel_loop3A_1307] {strides = array<i32>} : memref<16x2x512xf32, #tpu.memory_space<vmem>>, vector<16xf32>,
          %parallel_loop3A_1309 = arith.addf %parallel_loop3A_1295, %parallel_loop3A_1308 : vector<16xf32>
          %parallel_loop3A_1310 = arith.constant 0 : i32
          %parallel_loop3A_1311 = arith.index_cast %parallel_loop3A_1310 : i32 to index
          %parallel_loop3A_1312 = arith.index_cast %parallel_loop3A_1087 : i32 to index
          %parallel_loop3A_1313 = tpu.vector_load %arg17[%parallel_loop3A_1311, %parallel_loop3A_1312] {strides = array<i32>} : memref<2x512xf32, #tpu.memory_space<vmem>>, vector<16xf32>,
          tpu.vector_store %arg17[%parallel_loop3A_1311, %parallel_loop3A_1312], %parallel_loop3A_1302 {strides = array<i32>} : memref<2x512xf32, #tpu.memory_space<vmem>>, vector<16xf32>,
          %parallel_loop3A_1314 = arith.fptosi %parallel_loop3A_1309 : vector<16xf32> to vector<16xi32>
          %parallel_loop3A_1315 = arith.constant 1 : i32
          %parallel_loop3A_1316 = vector.broadcast %parallel_loop3A_1315 : i32 to vector<16xi32>
          %parallel_loop3A_1317 = arith.andi %parallel_loop3A_1314, %parallel_loop3A_1316 : vector<16xi32>
          %parallel_loop3A_1318 = arith.sitofp %parallel_loop3A_1317 : vector<16xi32> to vector<16xf32>
          %parallel_loop3A_1319 = arith.constant 2.000000e+00 : f32
          %parallel_loop3A_1320 = vector.broadcast %parallel_loop3A_1319 : f32 to vector<16xf32>
          %parallel_loop3A_1321 = arith.mulf %parallel_loop3A_1320, %parallel_loop3A_1318 : vector<16xf32>
          %parallel_loop3A_1322 = arith.constant 1.000000e+00 : f32
          %parallel_loop3A_1323 = vector.broadcast %parallel_loop3A_1322 : f32 to vector<16xf32>
          %parallel_loop3A_1324 = arith.subf %parallel_loop3A_1323, %parallel_loop3A_1321 : vector<16xf32>
          %parallel_loop3A_1325 = arith.constant 1 : i32
          %parallel_loop3A_1326 = arith.index_cast %parallel_loop3A_1325 : i32 to index
          %parallel_loop3A_1327 = arith.index_cast %parallel_loop3A_1087 : i32 to index
          %parallel_loop3A_1328 = tpu.vector_load %arg17[%parallel_loop3A_1326, %parallel_loop3A_1327] {strides = array<i32>} : memref<2x512xf32, #tpu.memory_space<vmem>>, vector<16xf32>,
          tpu.vector_store %arg17[%parallel_loop3A_1326, %parallel_loop3A_1327], %parallel_loop3A_1324 {strides = array<i32>} : memref<2x512xf32, #tpu.memory_space<vmem>>, vector<16xf32>,
        } {sc.loop_unroll_factor = 2 : i64, sc.parallel_access}
        %mul3A_1068 = arith.constant 512 : i32
        %mul3A_1069 = arith.muli %arg1, %mul3A_1068 : i32
        %run_scoped3A_1070 = arith.constant 0 : i32
        %run_scoped3A_1071 = arith.constant 0 : i32
        "tpu.region"() ({
          %run_scoped3A_1085 = tpu.sem_alloc : memref<!tpu.dma_semaphore, #tpu.memory_space<semaphore_mem>>
          %dma_start3A_1086 = arith.constant 0 : i32
          %dma_start3A_1087 = tpu.memref_slice %arg17[%run_scoped3A_1070, %dma_start3A_1086] : memref<2x512xf32, #tpu.memory_space<vmem>> -> memref<1x512xf32, #tpu.memory_space<vmem>>
          %dma_start3A_1088 = tpu.memref_squeeze %dma_start3A_1087 : memref<1x512xf32, #tpu.memory_space<vmem>> -> memref<512xf32, #tpu.memory_space<vmem>>
          %dma_start3A_1089 = tpu.memref_slice %arg21[%run_scoped3A_1071, %mul3A_1069] : memref<2x8192xf32, #tpu.memory_space<vmem_shared>> -> memref<1x512xf32, #tpu.memory_space<vmem_shared>>
          %dma_start3A_1090 = tpu.memref_squeeze %dma_start3A_1089 : memref<1x512xf32, #tpu.memory_space<vmem_shared>> -> memref<512xf32, #tpu.memory_space<vmem_shared>>
          %dma_start3A_1091 = tpu.memref_slice %arg21[%run_scoped3A_1071, %mul3A_1069] : memref<2x8192xf32, #tpu.memory_space<vmem_shared>> -> memref<1x512xf32, #tpu.memory_space<vmem_shared>>
          %dma_start3A_1092 = tpu.memref_squeeze %dma_start3A_1091 : memref<1x512xf32, #tpu.memory_space<vmem_shared>> -> memref<512xf32, #tpu.memory_space<vmem_shared>>
          %dma_start3A_1093 = arith.constant 0 : i32
          %dma_start3A_1094 = tpu.memref_slice %arg17[%run_scoped3A_1070, %dma_start3A_1093] : memref<2x512xf32, #tpu.memory_space<vmem>> -> memref<1x512xf32, #tpu.memory_space<vmem>>
          %dma_start3A_1095 = tpu.memref_squeeze %dma_start3A_1094 : memref<1x512xf32, #tpu.memory_space<vmem>> -> memref<512xf32, #tpu.memory_space<vmem>>
          tpu.enqueue_dma source(%dma_start3A_1095 : memref<512xf32, #tpu.memory_space<vmem>>) target(%dma_start3A_1092 : memref<512xf32, #tpu.memory_space<vmem_shared>>) target_semaphore(%run_scoped3A_1085 : memref<!tpu.dma_semaphore, #tpu.memory_space<semaphore_mem>>)
          %dma_wait3A_1096 = arith.constant 0 : i32
          %dma_wait3A_1097 = tpu.memref_slice %arg17[%run_scoped3A_1070, %dma_wait3A_1096] : memref<2x512xf32, #tpu.memory_space<vmem>> -> memref<1x512xf32, #tpu.memory_space<vmem>>
          %dma_wait3A_1098 = tpu.memref_squeeze %dma_wait3A_1097 : memref<1x512xf32, #tpu.memory_space<vmem>> -> memref<512xf32, #tpu.memory_space<vmem>>
          %dma_wait3A_1099 = tpu.memref_slice %arg21[%run_scoped3A_1071, %mul3A_1069] : memref<2x8192xf32, #tpu.memory_space<vmem_shared>> -> memref<1x512xf32, #tpu.memory_space<vmem_shared>>
          %dma_wait3A_1100 = tpu.memref_squeeze %dma_wait3A_1099 : memref<1x512xf32, #tpu.memory_space<vmem_shared>> -> memref<512xf32, #tpu.memory_space<vmem_shared>>
          %dma_wait3A_1101 = tpu.memref_slice %arg21[%run_scoped3A_1071, %mul3A_1069] : memref<2x8192xf32, #tpu.memory_space<vmem_shared>> -> memref<1x512xf32, #tpu.memory_space<vmem_shared>>
          %dma_wait3A_1102 = tpu.memref_squeeze %dma_wait3A_1101 : memref<1x512xf32, #tpu.memory_space<vmem_shared>> -> memref<512xf32, #tpu.memory_space<vmem_shared>>
          %dma_wait3A_1103 = arith.constant 0 : i32
          %dma_wait3A_1104 = tpu.memref_slice %arg17[%run_scoped3A_1070, %dma_wait3A_1103] : memref<2x512xf32, #tpu.memory_space<vmem>> -> memref<1x512xf32, #tpu.memory_space<vmem>>
          %dma_wait3A_1105 = tpu.memref_squeeze %dma_wait3A_1104 : memref<1x512xf32, #tpu.memory_space<vmem>> -> memref<512xf32, #tpu.memory_space<vmem>>
          tpu.wait_dma2 semaphore(%run_scoped3A_1085 : memref<!tpu.dma_semaphore, #tpu.memory_space<semaphore_mem>>) src(%dma_wait3A_1105 : memref<512xf32, #tpu.memory_space<vmem>>) dst(%dma_wait3A_1102 : memref<512xf32, #tpu.memory_space<vmem_shared>>)
          tpu.yield
        }) : () -> ()
        %mul3A_1072 = arith.constant 512 : i32
        %mul3A_1073 = arith.muli %arg1, %mul3A_1072 : i32
        %run_scoped3A_1074 = arith.constant 1 : i32
        %run_scoped3A_1075 = arith.constant 1 : i32
        "tpu.region"() ({
          %run_scoped3A_1085 = tpu.sem_alloc : memref<!tpu.dma_semaphore, #tpu.memory_space<semaphore_mem>>
          %dma_start3A_1086 = arith.constant 0 : i32
          %dma_start3A_1087 = tpu.memref_slice %arg17[%run_scoped3A_1074, %dma_start3A_1086] : memref<2x512xf32, #tpu.memory_space<vmem>> -> memref<1x512xf32, #tpu.memory_space<vmem>>
          %dma_start3A_1088 = tpu.memref_squeeze %dma_start3A_1087 : memref<1x512xf32, #tpu.memory_space<vmem>> -> memref<512xf32, #tpu.memory_space<vmem>>
          %dma_start3A_1089 = tpu.memref_slice %arg21[%run_scoped3A_1075, %mul3A_1073] : memref<2x8192xf32, #tpu.memory_space<vmem_shared>> -> memref<1x512xf32, #tpu.memory_space<vmem_shared>>
          %dma_start3A_1090 = tpu.memref_squeeze %dma_start3A_1089 : memref<1x512xf32, #tpu.memory_space<vmem_shared>> -> memref<512xf32, #tpu.memory_space<vmem_shared>>
          %dma_start3A_1091 = tpu.memref_slice %arg21[%run_scoped3A_1075, %mul3A_1073] : memref<2x8192xf32, #tpu.memory_space<vmem_shared>> -> memref<1x512xf32, #tpu.memory_space<vmem_shared>>
          %dma_start3A_1092 = tpu.memref_squeeze %dma_start3A_1091 : memref<1x512xf32, #tpu.memory_space<vmem_shared>> -> memref<512xf32, #tpu.memory_space<vmem_shared>>
          %dma_start3A_1093 = arith.constant 0 : i32
          %dma_start3A_1094 = tpu.memref_slice %arg17[%run_scoped3A_1074, %dma_start3A_1093] : memref<2x512xf32, #tpu.memory_space<vmem>> -> memref<1x512xf32, #tpu.memory_space<vmem>>
          %dma_start3A_1095 = tpu.memref_squeeze %dma_start3A_1094 : memref<1x512xf32, #tpu.memory_space<vmem>> -> memref<512xf32, #tpu.memory_space<vmem>>
          tpu.enqueue_dma source(%dma_start3A_1095 : memref<512xf32, #tpu.memory_space<vmem>>) target(%dma_start3A_1092 : memref<512xf32, #tpu.memory_space<vmem_shared>>) target_semaphore(%run_scoped3A_1085 : memref<!tpu.dma_semaphore, #tpu.memory_space<semaphore_mem>>)
          %dma_wait3A_1096 = arith.constant 0 : i32
          %dma_wait3A_1097 = tpu.memref_slice %arg17[%run_scoped3A_1074, %dma_wait3A_1096] : memref<2x512xf32, #tpu.memory_space<vmem>> -> memref<1x512xf32, #tpu.memory_space<vmem>>
          %dma_wait3A_1098 = tpu.memref_squeeze %dma_wait3A_1097 : memref<1x512xf32, #tpu.memory_space<vmem>> -> memref<512xf32, #tpu.memory_space<vmem>>
          %dma_wait3A_1099 = tpu.memref_slice %arg21[%run_scoped3A_1075, %mul3A_1073] : memref<2x8192xf32, #tpu.memory_space<vmem_shared>> -> memref<1x512xf32, #tpu.memory_space<vmem_shared>>
          %dma_wait3A_1100 = tpu.memref_squeeze %dma_wait3A_1099 : memref<1x512xf32, #tpu.memory_space<vmem_shared>> -> memref<512xf32, #tpu.memory_space<vmem_shared>>
          %dma_wait3A_1101 = tpu.memref_slice %arg21[%run_scoped3A_1075, %mul3A_1073] : memref<2x8192xf32, #tpu.memory_space<vmem_shared>> -> memref<1x512xf32, #tpu.memory_space<vmem_shared>>
          %dma_wait3A_1102 = tpu.memref_squeeze %dma_wait3A_1101 : memref<1x512xf32, #tpu.memory_space<vmem_shared>> -> memref<512xf32, #tpu.memory_space<vmem_shared>>
          %dma_wait3A_1103 = arith.constant 0 : i32
          %dma_wait3A_1104 = tpu.memref_slice %arg17[%run_scoped3A_1074, %dma_wait3A_1103] : memref<2x512xf32, #tpu.memory_space<vmem>> -> memref<1x512xf32, #tpu.memory_space<vmem>>
          %dma_wait3A_1105 = tpu.memref_squeeze %dma_wait3A_1104 : memref<1x512xf32, #tpu.memory_space<vmem>> -> memref<512xf32, #tpu.memory_space<vmem>>
          tpu.wait_dma2 semaphore(%run_scoped3A_1085 : memref<!tpu.dma_semaphore, #tpu.memory_space<semaphore_mem>>) src(%dma_wait3A_1105 : memref<512xf32, #tpu.memory_space<vmem>>) dst(%dma_wait3A_1102 : memref<512xf32, #tpu.memory_space<vmem_shared>>)
          tpu.yield
        }) : () -> ()
        %barrier3A_1076 = arith.constant 0 : index
        tpu.barrier barrier_id(%barrier3A_1076)
        %run_scoped3A_1077 = arith.constant 0 : i32
        "tpu.region"() ({
          %run_scoped3A_1085 = tpu.sem_alloc : memref<!tpu.dma_semaphore, #tpu.memory_space<semaphore_mem>>
          %dma_start3A_1086 = arith.constant 0 : i32
          %dma_start3A_1087 = tpu.memref_slice %arg21[%run_scoped3A_1077, %dma_start3A_1086] : memref<2x8192xf32, #tpu.memory_space<vmem_shared>> -> memref<1x8192xf32, #tpu.memory_space<vmem_shared>>
          %dma_start3A_1088 = tpu.memref_squeeze %dma_start3A_1087 : memref<1x8192xf32, #tpu.memory_space<vmem_shared>> -> memref<8192xf32, #tpu.memory_space<vmem_shared>>
          %dma_start3A_1089 = arith.constant 0 : i32
          %dma_start3A_1090 = tpu.memref_slice %arg21[%run_scoped3A_1077, %dma_start3A_1089] : memref<2x8192xf32, #tpu.memory_space<vmem_shared>> -> memref<1x8192xf32, #tpu.memory_space<vmem_shared>>
          %dma_start3A_1091 = tpu.memref_squeeze %dma_start3A_1090 : memref<1x8192xf32, #tpu.memory_space<vmem_shared>> -> memref<8192xf32, #tpu.memory_space<vmem_shared>>
          tpu.enqueue_dma source(%dma_start3A_1091 : memref<8192xf32, #tpu.memory_space<vmem_shared>>) target(%arg10 : memref<8192xf32, #tpu.memory_space<vmem>>) target_semaphore(%run_scoped3A_1085 : memref<!tpu.dma_semaphore, #tpu.memory_space<semaphore_mem>>)
          %dma_wait3A_1092 = arith.constant 0 : i32
          %dma_wait3A_1093 = tpu.memref_slice %arg21[%run_scoped3A_1077, %dma_wait3A_1092] : memref<2x8192xf32, #tpu.memory_space<vmem_shared>> -> memref<1x8192xf32, #tpu.memory_space<vmem_shared>>
          %dma_wait3A_1094 = tpu.memref_squeeze %dma_wait3A_1093 : memref<1x8192xf32, #tpu.memory_space<vmem_shared>> -> memref<8192xf32, #tpu.memory_space<vmem_shared>>
          %dma_wait3A_1095 = arith.constant 0 : i32
          %dma_wait3A_1096 = tpu.memref_slice %arg21[%run_scoped3A_1077, %dma_wait3A_1095] : memref<2x8192xf32, #tpu.memory_space<vmem_shared>> -> memref<1x8192xf32, #tpu.memory_space<vmem_shared>>
          %dma_wait3A_1097 = tpu.memref_squeeze %dma_wait3A_1096 : memref<1x8192xf32, #tpu.memory_space<vmem_shared>> -> memref<8192xf32, #tpu.memory_space<vmem_shared>>
          tpu.wait_dma2 semaphore(%run_scoped3A_1085 : memref<!tpu.dma_semaphore, #tpu.memory_space<semaphore_mem>>) src(%dma_wait3A_1097 : memref<8192xf32, #tpu.memory_space<vmem_shared>>) dst(%arg10 : memref<8192xf32, #tpu.memory_space<vmem>>)
          tpu.yield
        }) : () -> ()
        %run_scoped3A_1078 = arith.constant 1 : i32
        "tpu.region"() ({
          %run_scoped3A_1085 = tpu.sem_alloc : memref<!tpu.dma_semaphore, #tpu.memory_space<semaphore_mem>>
          %dma_start3A_1086 = arith.constant 0 : i32
          %dma_start3A_1087 = tpu.memref_slice %arg21[%run_scoped3A_1078, %dma_start3A_1086] : memref<2x8192xf32, #tpu.memory_space<vmem_shared>> -> memref<1x8192xf32, #tpu.memory_space<vmem_shared>>
          %dma_start3A_1088 = tpu.memref_squeeze %dma_start3A_1087 : memref<1x8192xf32, #tpu.memory_space<vmem_shared>> -> memref<8192xf32, #tpu.memory_space<vmem_shared>>
          %dma_start3A_1089 = arith.constant 0 : i32
          %dma_start3A_1090 = tpu.memref_slice %arg21[%run_scoped3A_1078, %dma_start3A_1089] : memref<2x8192xf32, #tpu.memory_space<vmem_shared>> -> memref<1x8192xf32, #tpu.memory_space<vmem_shared>>
          %dma_start3A_1091 = tpu.memref_squeeze %dma_start3A_1090 : memref<1x8192xf32, #tpu.memory_space<vmem_shared>> -> memref<8192xf32, #tpu.memory_space<vmem_shared>>
          tpu.enqueue_dma source(%dma_start3A_1091 : memref<8192xf32, #tpu.memory_space<vmem_shared>>) target(%arg11 : memref<8192xf32, #tpu.memory_space<vmem>>) target_semaphore(%run_scoped3A_1085 : memref<!tpu.dma_semaphore, #tpu.memory_space<semaphore_mem>>)
          %dma_wait3A_1092 = arith.constant 0 : i32
          %dma_wait3A_1093 = tpu.memref_slice %arg21[%run_scoped3A_1078, %dma_wait3A_1092] : memref<2x8192xf32, #tpu.memory_space<vmem_shared>> -> memref<1x8192xf32, #tpu.memory_space<vmem_shared>>
          %dma_wait3A_1094 = tpu.memref_squeeze %dma_wait3A_1093 : memref<1x8192xf32, #tpu.memory_space<vmem_shared>> -> memref<8192xf32, #tpu.memory_space<vmem_shared>>
          %dma_wait3A_1095 = arith.constant 0 : i32
          %dma_wait3A_1096 = tpu.memref_slice %arg21[%run_scoped3A_1078, %dma_wait3A_1095] : memref<2x8192xf32, #tpu.memory_space<vmem_shared>> -> memref<1x8192xf32, #tpu.memory_space<vmem_shared>>
          %dma_wait3A_1097 = tpu.memref_squeeze %dma_wait3A_1096 : memref<1x8192xf32, #tpu.memory_space<vmem_shared>> -> memref<8192xf32, #tpu.memory_space<vmem_shared>>
          tpu.wait_dma2 semaphore(%run_scoped3A_1085 : memref<!tpu.dma_semaphore, #tpu.memory_space<semaphore_mem>>) src(%dma_wait3A_1097 : memref<8192xf32, #tpu.memory_space<vmem_shared>>) dst(%arg11 : memref<8192xf32, #tpu.memory_space<vmem>>)
          tpu.yield
        }) : () -> ()
        %parallel_loop3A_1079 = arith.constant 0 : i32
        %parallel_loop3A_1080 = arith.constant 1024 : i32
        %parallel_loop3A_1081 = arith.constant 1 : i32
        scf.for %parallel_loop3A_1085 = %parallel_loop3A_1079 to %parallel_loop3A_1080 step %parallel_loop3A_1081  : i32 {
          %parallel_loop3A_1086 = arith.constant 16 : i32
          %parallel_loop3A_1087 = arith.muli %parallel_loop3A_1085, %parallel_loop3A_1086 : i32
          %parallel_loop3A_1088 = arith.index_cast %parallel_loop3A_1087 : i32 to index
          %parallel_loop3A_1089 = tpu.vector_load %arg9[%parallel_loop3A_1088] {strides = array<i32>} : memref<16384xi32, #tpu.memory_space<vmem>>, vector<16xi32>,
          %parallel_loop3A_1090 = arith.constant 8191 : i32
          %parallel_loop3A_1091 = vector.broadcast %parallel_loop3A_1090 : i32 to vector<16xi32>
          %parallel_loop3A_1092 = arith.andi %parallel_loop3A_1089, %parallel_loop3A_1091 : vector<16xi32>
          %parallel_loop3A_1093 = tpu.vector_load_idx %arg10[%parallel_loop3A_1092] : memref<8192xf32, #tpu.memory_space<vmem>>[vector<16xi32>], vector<16xf32>,
          %parallel_loop3A_1094 = tpu.vector_load_idx %arg11[%parallel_loop3A_1092] : memref<8192xf32, #tpu.memory_space<vmem>>[vector<16xi32>], vector<16xf32>,
          %parallel_loop3A_1095 = arith.index_cast %parallel_loop3A_1087 : i32 to index
          %parallel_loop3A_1096 = tpu.vector_load %arg8[%parallel_loop3A_1095] {strides = array<i32>} : memref<16384xf32, #tpu.memory_space<vmem>>, vector<16xf32>,
          %parallel_loop3A_1097 = arith.constant 13 : i32
          %parallel_loop3A_1098 = vector.broadcast %parallel_loop3A_1097 : i32 to vector<16xi32>
          %parallel_loop3A_1099 = arith.shrui %parallel_loop3A_1089, %parallel_loop3A_1098 : vector<16xi32>
          %parallel_loop3A_1100 = arith.constant 1 : i32
          %parallel_loop3A_1101 = vector.broadcast %parallel_loop3A_1100 : i32 to vector<16xi32>
          %parallel_loop3A_1102 = arith.andi %parallel_loop3A_1099, %parallel_loop3A_1101 : vector<16xi32>
          %parallel_loop3A_1103 = arith.sitofp %parallel_loop3A_1102 : vector<16xi32> to vector<16xf32>
          %parallel_loop3A_1104 = arith.constant 2.000000e+00 : f32
          %parallel_loop3A_1105 = vector.broadcast %parallel_loop3A_1104 : f32 to vector<16xf32>
          %parallel_loop3A_1106 = arith.mulf %parallel_loop3A_1105, %parallel_loop3A_1103 : vector<16xf32>
          %parallel_loop3A_1107 = arith.constant 1.000000e+00 : f32
          %parallel_loop3A_1108 = vector.broadcast %parallel_loop3A_1107 : f32 to vector<16xf32>
          %parallel_loop3A_1109 = arith.subf %parallel_loop3A_1108, %parallel_loop3A_1106 : vector<16xf32>
          %parallel_loop3A_1110 = arith.mulf %parallel_loop3A_1094, %parallel_loop3A_1109 : vector<16xf32>
          %parallel_loop3A_1111 = arith.subf %parallel_loop3A_1093, %parallel_loop3A_1096 : vector<16xf32>
          %parallel_loop3A_1112 = math.exp %parallel_loop3A_1111 : vector<16xf32>
          %parallel_loop3A_1113 = arith.mulf %parallel_loop3A_1110, %parallel_loop3A_1112 : vector<16xf32>
          %parallel_loop3A_1114 = arith.constant -0.99999988 : f32
          %parallel_loop3A_1115 = arith.constant 0.99999988 : f32
          %parallel_loop3A_1116 = vector.broadcast %parallel_loop3A_1114 : f32 to vector<16xf32>
          %parallel_loop3A_1117 = arith.maximumf %parallel_loop3A_1116, %parallel_loop3A_1113 : vector<16xf32>
          %parallel_loop3A_1118 = vector.broadcast %parallel_loop3A_1115 : f32 to vector<16xf32>
          %parallel_loop3A_1119 = arith.minimumf %parallel_loop3A_1118, %parallel_loop3A_1117 : vector<16xf32>
          %parallel_loop3A_1120 = arith.constant 1.000000e+00 : f32
          %parallel_loop3A_1121 = vector.broadcast %parallel_loop3A_1120 : f32 to vector<16xf32>
          %parallel_loop3A_1122 = arith.addf %parallel_loop3A_1121, %parallel_loop3A_1119 : vector<16xf32>
          %parallel_loop3A_1123 = arith.constant 1.000000e+00 : f32
          %parallel_loop3A_1124 = vector.broadcast %parallel_loop3A_1123 : f32 to vector<16xf32>
          %parallel_loop3A_1125 = arith.subf %parallel_loop3A_1124, %parallel_loop3A_1119 : vector<16xf32>
          %parallel_loop3A_1126 = arith.divf %parallel_loop3A_1122, %parallel_loop3A_1125 : vector<16xf32>
          %parallel_loop3A_1127 = tpu.bitcast %parallel_loop3A_1126 : vector<16xf32> -> vector<16xi32>
          %parallel_loop3A_1128 = arith.constant 23 : i32
          %parallel_loop3A_1129 = vector.broadcast %parallel_loop3A_1128 : i32 to vector<16xi32>
          %parallel_loop3A_1130 = arith.shrui %parallel_loop3A_1127, %parallel_loop3A_1129 : vector<16xi32>
          %parallel_loop3A_1131 = arith.constant 127 : i32
          %parallel_loop3A_1132 = vector.broadcast %parallel_loop3A_1131 : i32 to vector<16xi32>
          %parallel_loop3A_1133 = arith.subi %parallel_loop3A_1130, %parallel_loop3A_1132 : vector<16xi32>
          %parallel_loop3A_1134 = arith.constant 8388607 : i32
          %parallel_loop3A_1135 = vector.broadcast %parallel_loop3A_1134 : i32 to vector<16xi32>
          %parallel_loop3A_1136 = arith.andi %parallel_loop3A_1127, %parallel_loop3A_1135 : vector<16xi32>
          %parallel_loop3A_1137 = arith.constant 1065353216 : i32
          %parallel_loop3A_1138 = vector.broadcast %parallel_loop3A_1137 : i32 to vector<16xi32>
          %parallel_loop3A_1139 = arith.ori %parallel_loop3A_1136, %parallel_loop3A_1138 : vector<16xi32>
          %parallel_loop3A_1140 = tpu.bitcast %parallel_loop3A_1139 : vector<16xi32> -> vector<16xf32>
          %parallel_loop3A_1141 = arith.constant 1.41421354 : f32
          %parallel_loop3A_1142 = vector.broadcast %parallel_loop3A_1141 : f32 to vector<16xf32>
          %parallel_loop3A_1143 = arith.cmpf ogt, %parallel_loop3A_1140, %parallel_loop3A_1142 : vector<16xf32>
          %parallel_loop3A_1144 = arith.constant 5.000000e-01 : f32
          %parallel_loop3A_1145 = vector.broadcast %parallel_loop3A_1144 : f32 to vector<16xf32>
          %parallel_loop3A_1146 = arith.mulf %parallel_loop3A_1140, %parallel_loop3A_1145 : vector<16xf32>
          %parallel_loop3A_1147 = arith.select %parallel_loop3A_1143, %parallel_loop3A_1146, %parallel_loop3A_1140 : vector<16xi1>, vector<16xf32>
          %parallel_loop3A_1148 = arith.constant 1 : i32
          %parallel_loop3A_1149 = arith.constant 0 : i32
          %parallel_loop3A_1150 = vector.broadcast %parallel_loop3A_1148 : i32 to vector<16xi32>
          %parallel_loop3A_1151 = vector.broadcast %parallel_loop3A_1149 : i32 to vector<16xi32>
          %parallel_loop3A_1152 = arith.select %parallel_loop3A_1143, %parallel_loop3A_1150, %parallel_loop3A_1151 : vector<16xi1>, vector<16xi32>
          %parallel_loop3A_1153 = arith.addi %parallel_loop3A_1133, %parallel_loop3A_1152 : vector<16xi32>
          %parallel_loop3A_1154 = arith.constant 1.000000e+00 : f32
          %parallel_loop3A_1155 = vector.broadcast %parallel_loop3A_1154 : f32 to vector<16xf32>
          %parallel_loop3A_1156 = arith.subf %parallel_loop3A_1147, %parallel_loop3A_1155 : vector<16xf32>
          %parallel_loop3A_1157 = arith.constant 1.000000e+00 : f32
          %parallel_loop3A_1158 = vector.broadcast %parallel_loop3A_1157 : f32 to vector<16xf32>
          %parallel_loop3A_1159 = arith.addf %parallel_loop3A_1147, %parallel_loop3A_1158 : vector<16xf32>
          %parallel_loop3A_1160 = arith.divf %parallel_loop3A_1156, %parallel_loop3A_1159 : vector<16xf32>
          %parallel_loop3A_1161 = arith.mulf %parallel_loop3A_1160, %parallel_loop3A_1160 : vector<16xf32>
          %parallel_loop3A_1162 = arith.constant 0.285714298 : f32
          %parallel_loop3A_1163 = vector.broadcast %parallel_loop3A_1162 : f32 to vector<16xf32>
          %parallel_loop3A_1164 = arith.mulf %parallel_loop3A_1161, %parallel_loop3A_1163 : vector<16xf32>
          %parallel_loop3A_1165 = arith.constant 4.000000e-01 : f32
          %parallel_loop3A_1166 = vector.broadcast %parallel_loop3A_1165 : f32 to vector<16xf32>
          %parallel_loop3A_1167 = arith.addf %parallel_loop3A_1166, %parallel_loop3A_1164 : vector<16xf32>
          %parallel_loop3A_1168 = arith.mulf %parallel_loop3A_1161, %parallel_loop3A_1167 : vector<16xf32>
          %parallel_loop3A_1169 = arith.constant 0.666666686 : f32
          %parallel_loop3A_1170 = vector.broadcast %parallel_loop3A_1169 : f32 to vector<16xf32>
          %parallel_loop3A_1171 = arith.addf %parallel_loop3A_1170, %parallel_loop3A_1168 : vector<16xf32>
          %parallel_loop3A_1172 = arith.mulf %parallel_loop3A_1161, %parallel_loop3A_1171 : vector<16xf32>
          %parallel_loop3A_1173 = arith.constant 2.000000e+00 : f32
          %parallel_loop3A_1174 = vector.broadcast %parallel_loop3A_1173 : f32 to vector<16xf32>
          %parallel_loop3A_1175 = arith.addf %parallel_loop3A_1174, %parallel_loop3A_1172 : vector<16xf32>
          %parallel_loop3A_1176 = arith.sitofp %parallel_loop3A_1153 : vector<16xi32> to vector<16xf32>
          %parallel_loop3A_1177 = arith.constant 0.693147182 : f32
          %parallel_loop3A_1178 = vector.broadcast %parallel_loop3A_1177 : f32 to vector<16xf32>
          %parallel_loop3A_1179 = arith.mulf %parallel_loop3A_1176, %parallel_loop3A_1178 : vector<16xf32>
          %parallel_loop3A_1180 = arith.mulf %parallel_loop3A_1160, %parallel_loop3A_1175 : vector<16xf32>
          %parallel_loop3A_1181 = arith.addf %parallel_loop3A_1179, %parallel_loop3A_1180 : vector<16xf32>
          %parallel_loop3A_1182 = arith.index_cast %parallel_loop3A_1087 : i32 to index
          %parallel_loop3A_1183 = tpu.vector_load %arg7[%parallel_loop3A_1182] {strides = array<i32>} : memref<16384xf32, #tpu.memory_space<vmem>>, vector<16xf32>,
          tpu.vector_store %arg7[%parallel_loop3A_1182], %parallel_loop3A_1181 {strides = array<i32>} : memref<16384xf32, #tpu.memory_space<vmem>>, vector<16xf32>,
        } {sc.loop_unroll_factor = 4 : i64, sc.parallel_access}
        %parallel_loop3A_1082 = arith.constant 0 : i32
        %parallel_loop3A_1083 = arith.constant 256 : i32
        %parallel_loop3A_1084 = arith.constant 1 : i32
        scf.for %parallel_loop3A_1085 = %parallel_loop3A_1082 to %parallel_loop3A_1083 step %parallel_loop3A_1084  : i32 {
          %parallel_loop3A_1086 = arith.constant 16 : i32
          %parallel_loop3A_1087 = arith.muli %parallel_loop3A_1085, %parallel_loop3A_1086 : i32
          %parallel_loop3A_1088 = arith.index_cast %parallel_loop3A_1087 : i32 to index
          %parallel_loop3A_1089 = tpu.vector_load %arg12[%parallel_loop3A_1088] {strides = array<i32>} : memref<4096xf32, #tpu.memory_space<vmem>>, vector<16xf32>,
          %parallel_loop3A_1090 = arith.constant 16 : i32
          %parallel_loop3A_1091 = arith.muli %parallel_loop3A_1085, %parallel_loop3A_1090 : i32
          %parallel_loop3A_1092 = arith.constant 0 : i32
          %parallel_loop3A_1093 = arith.addi %parallel_loop3A_1092, %parallel_loop3A_1091 : i32
          %parallel_loop3A_1094 = arith.index_cast %parallel_loop3A_1093 : i32 to index
          %parallel_loop3A_1095 = tpu.vector_load %arg7[%parallel_loop3A_1094] {strides = array<i32>} : memref<16384xf32, #tpu.memory_space<vmem>>, vector<16xf32>,
          %parallel_loop3A_1096 = arith.addf %parallel_loop3A_1089, %parallel_loop3A_1095 : vector<16xf32>
          %parallel_loop3A_1097 = arith.constant 16 : i32
          %parallel_loop3A_1098 = arith.muli %parallel_loop3A_1085, %parallel_loop3A_1097 : i32
          %parallel_loop3A_1099 = arith.constant 4096 : i32
          %parallel_loop3A_1100 = arith.addi %parallel_loop3A_1099, %parallel_loop3A_1098 : i32
          %parallel_loop3A_1101 = arith.index_cast %parallel_loop3A_1100 : i32 to index
          %parallel_loop3A_1102 = tpu.vector_load %arg7[%parallel_loop3A_1101] {strides = array<i32>} : memref<16384xf32, #tpu.memory_space<vmem>>, vector<16xf32>,
          %parallel_loop3A_1103 = arith.addf %parallel_loop3A_1096, %parallel_loop3A_1102 : vector<16xf32>
          %parallel_loop3A_1104 = arith.constant 16 : i32
          %parallel_loop3A_1105 = arith.muli %parallel_loop3A_1085, %parallel_loop3A_1104 : i32
          %parallel_loop3A_1106 = arith.constant 8192 : i32
          %parallel_loop3A_1107 = arith.addi %parallel_loop3A_1106, %parallel_loop3A_1105 : i32
          %parallel_loop3A_1108 = arith.index_cast %parallel_loop3A_1107 : i32 to index
          %parallel_loop3A_1109 = tpu.vector_load %arg7[%parallel_loop3A_1108] {strides = array<i32>} : memref<16384xf32, #tpu.memory_space<vmem>>, vector<16xf32>,
          %parallel_loop3A_1110 = arith.addf %parallel_loop3A_1103, %parallel_loop3A_1109 : vector<16xf32>
          %parallel_loop3A_1111 = arith.constant 16 : i32
          %parallel_loop3A_1112 = arith.muli %parallel_loop3A_1085, %parallel_loop3A_1111 : i32
          %parallel_loop3A_1113 = arith.constant 12288 : i32
          %parallel_loop3A_1114 = arith.addi %parallel_loop3A_1113, %parallel_loop3A_1112 : i32
          %parallel_loop3A_1115 = arith.index_cast %parallel_loop3A_1114 : i32 to index
          %parallel_loop3A_1116 = tpu.vector_load %arg7[%parallel_loop3A_1115] {strides = array<i32>} : memref<16384xf32, #tpu.memory_space<vmem>>, vector<16xf32>,
          %parallel_loop3A_1117 = arith.addf %parallel_loop3A_1110, %parallel_loop3A_1116 : vector<16xf32>
          %parallel_loop3A_1118 = arith.index_cast %parallel_loop3A_1087 : i32 to index
          %parallel_loop3A_1119 = tpu.vector_load %arg13[%parallel_loop3A_1118] {strides = array<i32>} : memref<4096xf32, #tpu.memory_space<vmem>>, vector<16xf32>,
          tpu.vector_store %arg13[%parallel_loop3A_1118], %parallel_loop3A_1117 {strides = array<i32>} : memref<4096xf32, #tpu.memory_space<vmem>>, vector<16xf32>,
          %parallel_loop3A_1120 = arith.constant 16 : i32
          %parallel_loop3A_1121 = arith.muli %parallel_loop3A_1085, %parallel_loop3A_1120 : i32
          %parallel_loop3A_1122 = arith.constant 0 : i32
          %parallel_loop3A_1123 = arith.addi %parallel_loop3A_1122, %parallel_loop3A_1121 : i32
          %parallel_loop3A_1124 = arith.index_cast %parallel_loop3A_1123 : i32 to index
          %parallel_loop3A_1125 = tpu.vector_load %arg7[%parallel_loop3A_1124] {strides = array<i32>} : memref<16384xf32, #tpu.memory_space<vmem>>, vector<16xf32>,
          %parallel_loop3A_1126 = arith.subf %parallel_loop3A_1117, %parallel_loop3A_1125 : vector<16xf32>
          %parallel_loop3A_1127 = arith.index_cast %parallel_loop3A_1123 : i32 to index
          %parallel_loop3A_1128 = tpu.vector_load %arg7[%parallel_loop3A_1127] {strides = array<i32>} : memref<16384xf32, #tpu.memory_space<vmem>>, vector<16xf32>,
          tpu.vector_store %arg7[%parallel_loop3A_1127], %parallel_loop3A_1126 {strides = array<i32>} : memref<16384xf32, #tpu.memory_space<vmem>>, vector<16xf32>,
          %parallel_loop3A_1129 = arith.constant 16 : i32
          %parallel_loop3A_1130 = arith.muli %parallel_loop3A_1085, %parallel_loop3A_1129 : i32
          %parallel_loop3A_1131 = arith.constant 4096 : i32
          %parallel_loop3A_1132 = arith.addi %parallel_loop3A_1131, %parallel_loop3A_1130 : i32
          %parallel_loop3A_1133 = arith.index_cast %parallel_loop3A_1132 : i32 to index
          %parallel_loop3A_1134 = tpu.vector_load %arg7[%parallel_loop3A_1133] {strides = array<i32>} : memref<16384xf32, #tpu.memory_space<vmem>>, vector<16xf32>,
          %parallel_loop3A_1135 = arith.subf %parallel_loop3A_1117, %parallel_loop3A_1134 : vector<16xf32>
          %parallel_loop3A_1136 = arith.index_cast %parallel_loop3A_1132 : i32 to index
          %parallel_loop3A_1137 = tpu.vector_load %arg7[%parallel_loop3A_1136] {strides = array<i32>} : memref<16384xf32, #tpu.memory_space<vmem>>, vector<16xf32>,
          tpu.vector_store %arg7[%parallel_loop3A_1136], %parallel_loop3A_1135 {strides = array<i32>} : memref<16384xf32, #tpu.memory_space<vmem>>, vector<16xf32>,
          %parallel_loop3A_1138 = arith.constant 16 : i32
          %parallel_loop3A_1139 = arith.muli %parallel_loop3A_1085, %parallel_loop3A_1138 : i32
          %parallel_loop3A_1140 = arith.constant 8192 : i32
          %parallel_loop3A_1141 = arith.addi %parallel_loop3A_1140, %parallel_loop3A_1139 : i32
          %parallel_loop3A_1142 = arith.index_cast %parallel_loop3A_1141 : i32 to index
          %parallel_loop3A_1143 = tpu.vector_load %arg7[%parallel_loop3A_1142] {strides = array<i32>} : memref<16384xf32, #tpu.memory_space<vmem>>, vector<16xf32>,
          %parallel_loop3A_1144 = arith.subf %parallel_loop3A_1117, %parallel_loop3A_1143 : vector<16xf32>
          %parallel_loop3A_1145 = arith.index_cast %parallel_loop3A_1141 : i32 to index
          %parallel_loop3A_1146 = tpu.vector_load %arg7[%parallel_loop3A_1145] {strides = array<i32>} : memref<16384xf32, #tpu.memory_space<vmem>>, vector<16xf32>,
          tpu.vector_store %arg7[%parallel_loop3A_1145], %parallel_loop3A_1144 {strides = array<i32>} : memref<16384xf32, #tpu.memory_space<vmem>>, vector<16xf32>,
          %parallel_loop3A_1147 = arith.constant 16 : i32
          %parallel_loop3A_1148 = arith.muli %parallel_loop3A_1085, %parallel_loop3A_1147 : i32
          %parallel_loop3A_1149 = arith.constant 12288 : i32
          %parallel_loop3A_1150 = arith.addi %parallel_loop3A_1149, %parallel_loop3A_1148 : i32
          %parallel_loop3A_1151 = arith.index_cast %parallel_loop3A_1150 : i32 to index
          %parallel_loop3A_1152 = tpu.vector_load %arg7[%parallel_loop3A_1151] {strides = array<i32>} : memref<16384xf32, #tpu.memory_space<vmem>>, vector<16xf32>,
          %parallel_loop3A_1153 = arith.subf %parallel_loop3A_1117, %parallel_loop3A_1152 : vector<16xf32>
          %parallel_loop3A_1154 = arith.index_cast %parallel_loop3A_1150 : i32 to index
          %parallel_loop3A_1155 = tpu.vector_load %arg7[%parallel_loop3A_1154] {strides = array<i32>} : memref<16384xf32, #tpu.memory_space<vmem>>, vector<16xf32>,
          tpu.vector_store %arg7[%parallel_loop3A_1154], %parallel_loop3A_1153 {strides = array<i32>} : memref<16384xf32, #tpu.memory_space<vmem>>, vector<16xf32>,
        } {sc.loop_unroll_factor = 4 : i64, sc.parallel_access}
      }
      %scan3A_540 = arith.constant 5 : i32
      %dma_start3A_541 = arith.constant 0 : i32
      %dma_start3A_542 = arith.constant 0 : i32
      %dma_start3A_543 = tpu.memref_slice %arg13[%dma_start3A_542] : memref<4096xf32, #tpu.memory_space<vmem>> -> memref<128xf32, #tpu.memory_space<vmem>>
      %dma_start3A_544 = arith.constant 0 : i32
      %dma_start3A_545 = tpu.memref_slice %arg16[%dma_start3A_541, %dma_start3A_544] : memref<32x128xi32, #tpu.memory_space<vmem>> -> memref<1x128xi32, #tpu.memory_space<vmem>>
      %dma_start3A_546 = tpu.memref_squeeze %dma_start3A_545 : memref<1x128xi32, #tpu.memory_space<vmem>> -> memref<128xi32, #tpu.memory_space<vmem>>
      %dma_start3A_547 = arith.constant 0 : i32
      %dma_start3A_548 = tpu.memref_slice %arg22[%dma_start3A_547] : memref<65536xf32, #tpu.memory_space<vmem_shared>> -> memref<65536xf32, #tpu.memory_space<vmem_shared>>
      tpu.enqueue_indirect_dma source(%dma_start3A_543 : memref<128xf32, #tpu.memory_space<vmem>>) target(%dma_start3A_548 : memref<65536xf32, #tpu.memory_space<vmem_shared>>) offsets(%dma_start3A_546 : memref<128xi32, #tpu.memory_space<vmem>>) semaphore(%arg23 : memref<!tpu.dma_semaphore, #tpu.memory_space<semaphore_mem>>)
      %dma_start3A_549 = arith.constant 1 : i32
      %dma_start3A_550 = arith.constant 128 : i32
      %dma_start3A_551 = tpu.memref_slice %arg13[%dma_start3A_550] : memref<4096xf32, #tpu.memory_space<vmem>> -> memref<128xf32, #tpu.memory_space<vmem>>
      %dma_start3A_552 = arith.constant 0 : i32
      %dma_start3A_553 = tpu.memref_slice %arg16[%dma_start3A_549, %dma_start3A_552] : memref<32x128xi32, #tpu.memory_space<vmem>> -> memref<1x128xi32, #tpu.memory_space<vmem>>
      %dma_start3A_554 = tpu.memref_squeeze %dma_start3A_553 : memref<1x128xi32, #tpu.memory_space<vmem>> -> memref<128xi32, #tpu.memory_space<vmem>>
      %dma_start3A_555 = arith.constant 0 : i32
      %dma_start3A_556 = tpu.memref_slice %arg22[%dma_start3A_555] : memref<65536xf32, #tpu.memory_space<vmem_shared>> -> memref<65536xf32, #tpu.memory_space<vmem_shared>>
      tpu.enqueue_indirect_dma source(%dma_start3A_551 : memref<128xf32, #tpu.memory_space<vmem>>) target(%dma_start3A_556 : memref<65536xf32, #tpu.memory_space<vmem_shared>>) offsets(%dma_start3A_554 : memref<128xi32, #tpu.memory_space<vmem>>) semaphore(%arg23 : memref<!tpu.dma_semaphore, #tpu.memory_space<semaphore_mem>>)
      %dma_start3A_557 = arith.constant 2 : i32
      %dma_start3A_558 = arith.constant 256 : i32
      %dma_start3A_559 = tpu.memref_slice %arg13[%dma_start3A_558] : memref<4096xf32, #tpu.memory_space<vmem>> -> memref<128xf32, #tpu.memory_space<vmem>>
      %dma_start3A_560 = arith.constant 0 : i32
      %dma_start3A_561 = tpu.memref_slice %arg16[%dma_start3A_557, %dma_start3A_560] : memref<32x128xi32, #tpu.memory_space<vmem>> -> memref<1x128xi32, #tpu.memory_space<vmem>>
      %dma_start3A_562 = tpu.memref_squeeze %dma_start3A_561 : memref<1x128xi32, #tpu.memory_space<vmem>> -> memref<128xi32, #tpu.memory_space<vmem>>
      %dma_start3A_563 = arith.constant 0 : i32
      %dma_start3A_564 = tpu.memref_slice %arg22[%dma_start3A_563] : memref<65536xf32, #tpu.memory_space<vmem_shared>> -> memref<65536xf32, #tpu.memory_space<vmem_shared>>
      tpu.enqueue_indirect_dma source(%dma_start3A_559 : memref<128xf32, #tpu.memory_space<vmem>>) target(%dma_start3A_564 : memref<65536xf32, #tpu.memory_space<vmem_shared>>) offsets(%dma_start3A_562 : memref<128xi32, #tpu.memory_space<vmem>>) semaphore(%arg23 : memref<!tpu.dma_semaphore, #tpu.memory_space<semaphore_mem>>)
      %dma_start3A_565 = arith.constant 3 : i32
      %dma_start3A_566 = arith.constant 384 : i32
      %dma_start3A_567 = tpu.memref_slice %arg13[%dma_start3A_566] : memref<4096xf32, #tpu.memory_space<vmem>> -> memref<128xf32, #tpu.memory_space<vmem>>
      %dma_start3A_568 = arith.constant 0 : i32
      %dma_start3A_569 = tpu.memref_slice %arg16[%dma_start3A_565, %dma_start3A_568] : memref<32x128xi32, #tpu.memory_space<vmem>> -> memref<1x128xi32, #tpu.memory_space<vmem>>
      %dma_start3A_570 = tpu.memref_squeeze %dma_start3A_569 : memref<1x128xi32, #tpu.memory_space<vmem>> -> memref<128xi32, #tpu.memory_space<vmem>>
      %dma_start3A_571 = arith.constant 0 : i32
      %dma_start3A_572 = tpu.memref_slice %arg22[%dma_start3A_571] : memref<65536xf32, #tpu.memory_space<vmem_shared>> -> memref<65536xf32, #tpu.memory_space<vmem_shared>>
      tpu.enqueue_indirect_dma source(%dma_start3A_567 : memref<128xf32, #tpu.memory_space<vmem>>) target(%dma_start3A_572 : memref<65536xf32, #tpu.memory_space<vmem_shared>>) offsets(%dma_start3A_570 : memref<128xi32, #tpu.memory_space<vmem>>) semaphore(%arg23 : memref<!tpu.dma_semaphore, #tpu.memory_space<semaphore_mem>>)
      %dma_start3A_573 = arith.constant 4 : i32
      %dma_start3A_574 = arith.constant 512 : i32
      %dma_start3A_575 = tpu.memref_slice %arg13[%dma_start3A_574] : memref<4096xf32, #tpu.memory_space<vmem>> -> memref<128xf32, #tpu.memory_space<vmem>>
      %dma_start3A_576 = arith.constant 0 : i32
      %dma_start3A_577 = tpu.memref_slice %arg16[%dma_start3A_573, %dma_start3A_576] : memref<32x128xi32, #tpu.memory_space<vmem>> -> memref<1x128xi32, #tpu.memory_space<vmem>>
      %dma_start3A_578 = tpu.memref_squeeze %dma_start3A_577 : memref<1x128xi32, #tpu.memory_space<vmem>> -> memref<128xi32, #tpu.memory_space<vmem>>
      %dma_start3A_579 = arith.constant 0 : i32
      %dma_start3A_580 = tpu.memref_slice %arg22[%dma_start3A_579] : memref<65536xf32, #tpu.memory_space<vmem_shared>> -> memref<65536xf32, #tpu.memory_space<vmem_shared>>
      tpu.enqueue_indirect_dma source(%dma_start3A_575 : memref<128xf32, #tpu.memory_space<vmem>>) target(%dma_start3A_580 : memref<65536xf32, #tpu.memory_space<vmem_shared>>) offsets(%dma_start3A_578 : memref<128xi32, #tpu.memory_space<vmem>>) semaphore(%arg23 : memref<!tpu.dma_semaphore, #tpu.memory_space<semaphore_mem>>)
      %dma_start3A_581 = arith.constant 5 : i32
      %dma_start3A_582 = arith.constant 640 : i32
      %dma_start3A_583 = tpu.memref_slice %arg13[%dma_start3A_582] : memref<4096xf32, #tpu.memory_space<vmem>> -> memref<128xf32, #tpu.memory_space<vmem>>
      %dma_start3A_584 = arith.constant 0 : i32
      %dma_start3A_585 = tpu.memref_slice %arg16[%dma_start3A_581, %dma_start3A_584] : memref<32x128xi32, #tpu.memory_space<vmem>> -> memref<1x128xi32, #tpu.memory_space<vmem>>
      %dma_start3A_586 = tpu.memref_squeeze %dma_start3A_585 : memref<1x128xi32, #tpu.memory_space<vmem>> -> memref<128xi32, #tpu.memory_space<vmem>>
      %dma_start3A_587 = arith.constant 0 : i32
      %dma_start3A_588 = tpu.memref_slice %arg22[%dma_start3A_587] : memref<65536xf32, #tpu.memory_space<vmem_shared>> -> memref<65536xf32, #tpu.memory_space<vmem_shared>>
      tpu.enqueue_indirect_dma source(%dma_start3A_583 : memref<128xf32, #tpu.memory_space<vmem>>) target(%dma_start3A_588 : memref<65536xf32, #tpu.memory_space<vmem_shared>>) offsets(%dma_start3A_586 : memref<128xi32, #tpu.memory_space<vmem>>) semaphore(%arg23 : memref<!tpu.dma_semaphore, #tpu.memory_space<semaphore_mem>>)
      %dma_start3A_589 = arith.constant 6 : i32
      %dma_start3A_590 = arith.constant 768 : i32
      %dma_start3A_591 = tpu.memref_slice %arg13[%dma_start3A_590] : memref<4096xf32, #tpu.memory_space<vmem>> -> memref<128xf32, #tpu.memory_space<vmem>>
      %dma_start3A_592 = arith.constant 0 : i32
      %dma_start3A_593 = tpu.memref_slice %arg16[%dma_start3A_589, %dma_start3A_592] : memref<32x128xi32, #tpu.memory_space<vmem>> -> memref<1x128xi32, #tpu.memory_space<vmem>>
      %dma_start3A_594 = tpu.memref_squeeze %dma_start3A_593 : memref<1x128xi32, #tpu.memory_space<vmem>> -> memref<128xi32, #tpu.memory_space<vmem>>
      %dma_start3A_595 = arith.constant 0 : i32
      %dma_start3A_596 = tpu.memref_slice %arg22[%dma_start3A_595] : memref<65536xf32, #tpu.memory_space<vmem_shared>> -> memref<65536xf32, #tpu.memory_space<vmem_shared>>
      tpu.enqueue_indirect_dma source(%dma_start3A_591 : memref<128xf32, #tpu.memory_space<vmem>>) target(%dma_start3A_596 : memref<65536xf32, #tpu.memory_space<vmem_shared>>) offsets(%dma_start3A_594 : memref<128xi32, #tpu.memory_space<vmem>>) semaphore(%arg23 : memref<!tpu.dma_semaphore, #tpu.memory_space<semaphore_mem>>)
      %dma_start3A_597 = arith.constant 7 : i32
      %dma_start3A_598 = arith.constant 896 : i32
      %dma_start3A_599 = tpu.memref_slice %arg13[%dma_start3A_598] : memref<4096xf32, #tpu.memory_space<vmem>> -> memref<128xf32, #tpu.memory_space<vmem>>
      %dma_start3A_600 = arith.constant 0 : i32
      %dma_start3A_601 = tpu.memref_slice %arg16[%dma_start3A_597, %dma_start3A_600] : memref<32x128xi32, #tpu.memory_space<vmem>> -> memref<1x128xi32, #tpu.memory_space<vmem>>
      %dma_start3A_602 = tpu.memref_squeeze %dma_start3A_601 : memref<1x128xi32, #tpu.memory_space<vmem>> -> memref<128xi32, #tpu.memory_space<vmem>>
      %dma_start3A_603 = arith.constant 0 : i32
      %dma_start3A_604 = tpu.memref_slice %arg22[%dma_start3A_603] : memref<65536xf32, #tpu.memory_space<vmem_shared>> -> memref<65536xf32, #tpu.memory_space<vmem_shared>>
      tpu.enqueue_indirect_dma source(%dma_start3A_599 : memref<128xf32, #tpu.memory_space<vmem>>) target(%dma_start3A_604 : memref<65536xf32, #tpu.memory_space<vmem_shared>>) offsets(%dma_start3A_602 : memref<128xi32, #tpu.memory_space<vmem>>) semaphore(%arg23 : memref<!tpu.dma_semaphore, #tpu.memory_space<semaphore_mem>>)
      %dma_start3A_605 = arith.constant 8 : i32
      %dma_start3A_606 = arith.constant 1024 : i32
      %dma_start3A_607 = tpu.memref_slice %arg13[%dma_start3A_606] : memref<4096xf32, #tpu.memory_space<vmem>> -> memref<128xf32, #tpu.memory_space<vmem>>
      %dma_start3A_608 = arith.constant 0 : i32
      %dma_start3A_609 = tpu.memref_slice %arg16[%dma_start3A_605, %dma_start3A_608] : memref<32x128xi32, #tpu.memory_space<vmem>> -> memref<1x128xi32, #tpu.memory_space<vmem>>
      %dma_start3A_610 = tpu.memref_squeeze %dma_start3A_609 : memref<1x128xi32, #tpu.memory_space<vmem>> -> memref<128xi32, #tpu.memory_space<vmem>>
      %dma_start3A_611 = arith.constant 0 : i32
      %dma_start3A_612 = tpu.memref_slice %arg22[%dma_start3A_611] : memref<65536xf32, #tpu.memory_space<vmem_shared>> -> memref<65536xf32, #tpu.memory_space<vmem_shared>>
      tpu.enqueue_indirect_dma source(%dma_start3A_607 : memref<128xf32, #tpu.memory_space<vmem>>) target(%dma_start3A_612 : memref<65536xf32, #tpu.memory_space<vmem_shared>>) offsets(%dma_start3A_610 : memref<128xi32, #tpu.memory_space<vmem>>) semaphore(%arg23 : memref<!tpu.dma_semaphore, #tpu.memory_space<semaphore_mem>>)
      %dma_start3A_613 = arith.constant 9 : i32
      %dma_start3A_614 = arith.constant 1152 : i32
      %dma_start3A_615 = tpu.memref_slice %arg13[%dma_start3A_614] : memref<4096xf32, #tpu.memory_space<vmem>> -> memref<128xf32, #tpu.memory_space<vmem>>
      %dma_start3A_616 = arith.constant 0 : i32
      %dma_start3A_617 = tpu.memref_slice %arg16[%dma_start3A_613, %dma_start3A_616] : memref<32x128xi32, #tpu.memory_space<vmem>> -> memref<1x128xi32, #tpu.memory_space<vmem>>
      %dma_start3A_618 = tpu.memref_squeeze %dma_start3A_617 : memref<1x128xi32, #tpu.memory_space<vmem>> -> memref<128xi32, #tpu.memory_space<vmem>>
      %dma_start3A_619 = arith.constant 0 : i32
      %dma_start3A_620 = tpu.memref_slice %arg22[%dma_start3A_619] : memref<65536xf32, #tpu.memory_space<vmem_shared>> -> memref<65536xf32, #tpu.memory_space<vmem_shared>>
      tpu.enqueue_indirect_dma source(%dma_start3A_615 : memref<128xf32, #tpu.memory_space<vmem>>) target(%dma_start3A_620 : memref<65536xf32, #tpu.memory_space<vmem_shared>>) offsets(%dma_start3A_618 : memref<128xi32, #tpu.memory_space<vmem>>) semaphore(%arg23 : memref<!tpu.dma_semaphore, #tpu.memory_space<semaphore_mem>>)
      %dma_start3A_621 = arith.constant 10 : i32
      %dma_start3A_622 = arith.constant 1280 : i32
      %dma_start3A_623 = tpu.memref_slice %arg13[%dma_start3A_622] : memref<4096xf32, #tpu.memory_space<vmem>> -> memref<128xf32, #tpu.memory_space<vmem>>
      %dma_start3A_624 = arith.constant 0 : i32
      %dma_start3A_625 = tpu.memref_slice %arg16[%dma_start3A_621, %dma_start3A_624] : memref<32x128xi32, #tpu.memory_space<vmem>> -> memref<1x128xi32, #tpu.memory_space<vmem>>
      %dma_start3A_626 = tpu.memref_squeeze %dma_start3A_625 : memref<1x128xi32, #tpu.memory_space<vmem>> -> memref<128xi32, #tpu.memory_space<vmem>>
      %dma_start3A_627 = arith.constant 0 : i32
      %dma_start3A_628 = tpu.memref_slice %arg22[%dma_start3A_627] : memref<65536xf32, #tpu.memory_space<vmem_shared>> -> memref<65536xf32, #tpu.memory_space<vmem_shared>>
      tpu.enqueue_indirect_dma source(%dma_start3A_623 : memref<128xf32, #tpu.memory_space<vmem>>) target(%dma_start3A_628 : memref<65536xf32, #tpu.memory_space<vmem_shared>>) offsets(%dma_start3A_626 : memref<128xi32, #tpu.memory_space<vmem>>) semaphore(%arg23 : memref<!tpu.dma_semaphore, #tpu.memory_space<semaphore_mem>>)
      %dma_start3A_629 = arith.constant 11 : i32
      %dma_start3A_630 = arith.constant 1408 : i32
      %dma_start3A_631 = tpu.memref_slice %arg13[%dma_start3A_630] : memref<4096xf32, #tpu.memory_space<vmem>> -> memref<128xf32, #tpu.memory_space<vmem>>
      %dma_start3A_632 = arith.constant 0 : i32
      %dma_start3A_633 = tpu.memref_slice %arg16[%dma_start3A_629, %dma_start3A_632] : memref<32x128xi32, #tpu.memory_space<vmem>> -> memref<1x128xi32, #tpu.memory_space<vmem>>
      %dma_start3A_634 = tpu.memref_squeeze %dma_start3A_633 : memref<1x128xi32, #tpu.memory_space<vmem>> -> memref<128xi32, #tpu.memory_space<vmem>>
      %dma_start3A_635 = arith.constant 0 : i32
      %dma_start3A_636 = tpu.memref_slice %arg22[%dma_start3A_635] : memref<65536xf32, #tpu.memory_space<vmem_shared>> -> memref<65536xf32, #tpu.memory_space<vmem_shared>>
      tpu.enqueue_indirect_dma source(%dma_start3A_631 : memref<128xf32, #tpu.memory_space<vmem>>) target(%dma_start3A_636 : memref<65536xf32, #tpu.memory_space<vmem_shared>>) offsets(%dma_start3A_634 : memref<128xi32, #tpu.memory_space<vmem>>) semaphore(%arg23 : memref<!tpu.dma_semaphore, #tpu.memory_space<semaphore_mem>>)
      %dma_start3A_637 = arith.constant 12 : i32
      %dma_start3A_638 = arith.constant 1536 : i32
      %dma_start3A_639 = tpu.memref_slice %arg13[%dma_start3A_638] : memref<4096xf32, #tpu.memory_space<vmem>> -> memref<128xf32, #tpu.memory_space<vmem>>
      %dma_start3A_640 = arith.constant 0 : i32
      %dma_start3A_641 = tpu.memref_slice %arg16[%dma_start3A_637, %dma_start3A_640] : memref<32x128xi32, #tpu.memory_space<vmem>> -> memref<1x128xi32, #tpu.memory_space<vmem>>
      %dma_start3A_642 = tpu.memref_squeeze %dma_start3A_641 : memref<1x128xi32, #tpu.memory_space<vmem>> -> memref<128xi32, #tpu.memory_space<vmem>>
      %dma_start3A_643 = arith.constant 0 : i32
      %dma_start3A_644 = tpu.memref_slice %arg22[%dma_start3A_643] : memref<65536xf32, #tpu.memory_space<vmem_shared>> -> memref<65536xf32, #tpu.memory_space<vmem_shared>>
      tpu.enqueue_indirect_dma source(%dma_start3A_639 : memref<128xf32, #tpu.memory_space<vmem>>) target(%dma_start3A_644 : memref<65536xf32, #tpu.memory_space<vmem_shared>>) offsets(%dma_start3A_642 : memref<128xi32, #tpu.memory_space<vmem>>) semaphore(%arg23 : memref<!tpu.dma_semaphore, #tpu.memory_space<semaphore_mem>>)
      %dma_start3A_645 = arith.constant 13 : i32
      %dma_start3A_646 = arith.constant 1664 : i32
      %dma_start3A_647 = tpu.memref_slice %arg13[%dma_start3A_646] : memref<4096xf32, #tpu.memory_space<vmem>> -> memref<128xf32, #tpu.memory_space<vmem>>
      %dma_start3A_648 = arith.constant 0 : i32
      %dma_start3A_649 = tpu.memref_slice %arg16[%dma_start3A_645, %dma_start3A_648] : memref<32x128xi32, #tpu.memory_space<vmem>> -> memref<1x128xi32, #tpu.memory_space<vmem>>
      %dma_start3A_650 = tpu.memref_squeeze %dma_start3A_649 : memref<1x128xi32, #tpu.memory_space<vmem>> -> memref<128xi32, #tpu.memory_space<vmem>>
      %dma_start3A_651 = arith.constant 0 : i32
      %dma_start3A_652 = tpu.memref_slice %arg22[%dma_start3A_651] : memref<65536xf32, #tpu.memory_space<vmem_shared>> -> memref<65536xf32, #tpu.memory_space<vmem_shared>>
      tpu.enqueue_indirect_dma source(%dma_start3A_647 : memref<128xf32, #tpu.memory_space<vmem>>) target(%dma_start3A_652 : memref<65536xf32, #tpu.memory_space<vmem_shared>>) offsets(%dma_start3A_650 : memref<128xi32, #tpu.memory_space<vmem>>) semaphore(%arg23 : memref<!tpu.dma_semaphore, #tpu.memory_space<semaphore_mem>>)
      %dma_start3A_653 = arith.constant 14 : i32
      %dma_start3A_654 = arith.constant 1792 : i32
      %dma_start3A_655 = tpu.memref_slice %arg13[%dma_start3A_654] : memref<4096xf32, #tpu.memory_space<vmem>> -> memref<128xf32, #tpu.memory_space<vmem>>
      %dma_start3A_656 = arith.constant 0 : i32
      %dma_start3A_657 = tpu.memref_slice %arg16[%dma_start3A_653, %dma_start3A_656] : memref<32x128xi32, #tpu.memory_space<vmem>> -> memref<1x128xi32, #tpu.memory_space<vmem>>
      %dma_start3A_658 = tpu.memref_squeeze %dma_start3A_657 : memref<1x128xi32, #tpu.memory_space<vmem>> -> memref<128xi32, #tpu.memory_space<vmem>>
      %dma_start3A_659 = arith.constant 0 : i32
      %dma_start3A_660 = tpu.memref_slice %arg22[%dma_start3A_659] : memref<65536xf32, #tpu.memory_space<vmem_shared>> -> memref<65536xf32, #tpu.memory_space<vmem_shared>>
      tpu.enqueue_indirect_dma source(%dma_start3A_655 : memref<128xf32, #tpu.memory_space<vmem>>) target(%dma_start3A_660 : memref<65536xf32, #tpu.memory_space<vmem_shared>>) offsets(%dma_start3A_658 : memref<128xi32, #tpu.memory_space<vmem>>) semaphore(%arg23 : memref<!tpu.dma_semaphore, #tpu.memory_space<semaphore_mem>>)
      %dma_start3A_661 = arith.constant 15 : i32
      %dma_start3A_662 = arith.constant 1920 : i32
      %dma_start3A_663 = tpu.memref_slice %arg13[%dma_start3A_662] : memref<4096xf32, #tpu.memory_space<vmem>> -> memref<128xf32, #tpu.memory_space<vmem>>
      %dma_start3A_664 = arith.constant 0 : i32
      %dma_start3A_665 = tpu.memref_slice %arg16[%dma_start3A_661, %dma_start3A_664] : memref<32x128xi32, #tpu.memory_space<vmem>> -> memref<1x128xi32, #tpu.memory_space<vmem>>
      %dma_start3A_666 = tpu.memref_squeeze %dma_start3A_665 : memref<1x128xi32, #tpu.memory_space<vmem>> -> memref<128xi32, #tpu.memory_space<vmem>>
      %dma_start3A_667 = arith.constant 0 : i32
      %dma_start3A_668 = tpu.memref_slice %arg22[%dma_start3A_667] : memref<65536xf32, #tpu.memory_space<vmem_shared>> -> memref<65536xf32, #tpu.memory_space<vmem_shared>>
      tpu.enqueue_indirect_dma source(%dma_start3A_663 : memref<128xf32, #tpu.memory_space<vmem>>) target(%dma_start3A_668 : memref<65536xf32, #tpu.memory_space<vmem_shared>>) offsets(%dma_start3A_666 : memref<128xi32, #tpu.memory_space<vmem>>) semaphore(%arg23 : memref<!tpu.dma_semaphore, #tpu.memory_space<semaphore_mem>>)
      %dma_start3A_669 = arith.constant 16 : i32
      %dma_start3A_670 = arith.constant 2048 : i32
      %dma_start3A_671 = tpu.memref_slice %arg13[%dma_start3A_670] : memref<4096xf32, #tpu.memory_space<vmem>> -> memref<128xf32, #tpu.memory_space<vmem>>
      %dma_start3A_672 = arith.constant 0 : i32
      %dma_start3A_673 = tpu.memref_slice %arg16[%dma_start3A_669, %dma_start3A_672] : memref<32x128xi32, #tpu.memory_space<vmem>> -> memref<1x128xi32, #tpu.memory_space<vmem>>
      %dma_start3A_674 = tpu.memref_squeeze %dma_start3A_673 : memref<1x128xi32, #tpu.memory_space<vmem>> -> memref<128xi32, #tpu.memory_space<vmem>>
      %dma_start3A_675 = arith.constant 0 : i32
      %dma_start3A_676 = tpu.memref_slice %arg22[%dma_start3A_675] : memref<65536xf32, #tpu.memory_space<vmem_shared>> -> memref<65536xf32, #tpu.memory_space<vmem_shared>>
      tpu.enqueue_indirect_dma source(%dma_start3A_671 : memref<128xf32, #tpu.memory_space<vmem>>) target(%dma_start3A_676 : memref<65536xf32, #tpu.memory_space<vmem_shared>>) offsets(%dma_start3A_674 : memref<128xi32, #tpu.memory_space<vmem>>) semaphore(%arg23 : memref<!tpu.dma_semaphore, #tpu.memory_space<semaphore_mem>>)
      %dma_start3A_677 = arith.constant 17 : i32
      %dma_start3A_678 = arith.constant 2176 : i32
      %dma_start3A_679 = tpu.memref_slice %arg13[%dma_start3A_678] : memref<4096xf32, #tpu.memory_space<vmem>> -> memref<128xf32, #tpu.memory_space<vmem>>
      %dma_start3A_680 = arith.constant 0 : i32
      %dma_start3A_681 = tpu.memref_slice %arg16[%dma_start3A_677, %dma_start3A_680] : memref<32x128xi32, #tpu.memory_space<vmem>> -> memref<1x128xi32, #tpu.memory_space<vmem>>
      %dma_start3A_682 = tpu.memref_squeeze %dma_start3A_681 : memref<1x128xi32, #tpu.memory_space<vmem>> -> memref<128xi32, #tpu.memory_space<vmem>>
      %dma_start3A_683 = arith.constant 0 : i32
      %dma_start3A_684 = tpu.memref_slice %arg22[%dma_start3A_683] : memref<65536xf32, #tpu.memory_space<vmem_shared>> -> memref<65536xf32, #tpu.memory_space<vmem_shared>>
      tpu.enqueue_indirect_dma source(%dma_start3A_679 : memref<128xf32, #tpu.memory_space<vmem>>) target(%dma_start3A_684 : memref<65536xf32, #tpu.memory_space<vmem_shared>>) offsets(%dma_start3A_682 : memref<128xi32, #tpu.memory_space<vmem>>) semaphore(%arg23 : memref<!tpu.dma_semaphore, #tpu.memory_space<semaphore_mem>>)
      %dma_start3A_685 = arith.constant 18 : i32
      %dma_start3A_686 = arith.constant 2304 : i32
      %dma_start3A_687 = tpu.memref_slice %arg13[%dma_start3A_686] : memref<4096xf32, #tpu.memory_space<vmem>> -> memref<128xf32, #tpu.memory_space<vmem>>
      %dma_start3A_688 = arith.constant 0 : i32
      %dma_start3A_689 = tpu.memref_slice %arg16[%dma_start3A_685, %dma_start3A_688] : memref<32x128xi32, #tpu.memory_space<vmem>> -> memref<1x128xi32, #tpu.memory_space<vmem>>
      %dma_start3A_690 = tpu.memref_squeeze %dma_start3A_689 : memref<1x128xi32, #tpu.memory_space<vmem>> -> memref<128xi32, #tpu.memory_space<vmem>>
      %dma_start3A_691 = arith.constant 0 : i32
      %dma_start3A_692 = tpu.memref_slice %arg22[%dma_start3A_691] : memref<65536xf32, #tpu.memory_space<vmem_shared>> -> memref<65536xf32, #tpu.memory_space<vmem_shared>>
      tpu.enqueue_indirect_dma source(%dma_start3A_687 : memref<128xf32, #tpu.memory_space<vmem>>) target(%dma_start3A_692 : memref<65536xf32, #tpu.memory_space<vmem_shared>>) offsets(%dma_start3A_690 : memref<128xi32, #tpu.memory_space<vmem>>) semaphore(%arg23 : memref<!tpu.dma_semaphore, #tpu.memory_space<semaphore_mem>>)
      %dma_start3A_693 = arith.constant 19 : i32
      %dma_start3A_694 = arith.constant 2432 : i32
      %dma_start3A_695 = tpu.memref_slice %arg13[%dma_start3A_694] : memref<4096xf32, #tpu.memory_space<vmem>> -> memref<128xf32, #tpu.memory_space<vmem>>
      %dma_start3A_696 = arith.constant 0 : i32
      %dma_start3A_697 = tpu.memref_slice %arg16[%dma_start3A_693, %dma_start3A_696] : memref<32x128xi32, #tpu.memory_space<vmem>> -> memref<1x128xi32, #tpu.memory_space<vmem>>
      %dma_start3A_698 = tpu.memref_squeeze %dma_start3A_697 : memref<1x128xi32, #tpu.memory_space<vmem>> -> memref<128xi32, #tpu.memory_space<vmem>>
      %dma_start3A_699 = arith.constant 0 : i32
      %dma_start3A_700 = tpu.memref_slice %arg22[%dma_start3A_699] : memref<65536xf32, #tpu.memory_space<vmem_shared>> -> memref<65536xf32, #tpu.memory_space<vmem_shared>>
      tpu.enqueue_indirect_dma source(%dma_start3A_695 : memref<128xf32, #tpu.memory_space<vmem>>) target(%dma_start3A_700 : memref<65536xf32, #tpu.memory_space<vmem_shared>>) offsets(%dma_start3A_698 : memref<128xi32, #tpu.memory_space<vmem>>) semaphore(%arg23 : memref<!tpu.dma_semaphore, #tpu.memory_space<semaphore_mem>>)
      %dma_start3A_701 = arith.constant 20 : i32
      %dma_start3A_702 = arith.constant 2560 : i32
      %dma_start3A_703 = tpu.memref_slice %arg13[%dma_start3A_702] : memref<4096xf32, #tpu.memory_space<vmem>> -> memref<128xf32, #tpu.memory_space<vmem>>
      %dma_start3A_704 = arith.constant 0 : i32
      %dma_start3A_705 = tpu.memref_slice %arg16[%dma_start3A_701, %dma_start3A_704] : memref<32x128xi32, #tpu.memory_space<vmem>> -> memref<1x128xi32, #tpu.memory_space<vmem>>
      %dma_start3A_706 = tpu.memref_squeeze %dma_start3A_705 : memref<1x128xi32, #tpu.memory_space<vmem>> -> memref<128xi32, #tpu.memory_space<vmem>>
      %dma_start3A_707 = arith.constant 0 : i32
      %dma_start3A_708 = tpu.memref_slice %arg22[%dma_start3A_707] : memref<65536xf32, #tpu.memory_space<vmem_shared>> -> memref<65536xf32, #tpu.memory_space<vmem_shared>>
      tpu.enqueue_indirect_dma source(%dma_start3A_703 : memref<128xf32, #tpu.memory_space<vmem>>) target(%dma_start3A_708 : memref<65536xf32, #tpu.memory_space<vmem_shared>>) offsets(%dma_start3A_706 : memref<128xi32, #tpu.memory_space<vmem>>) semaphore(%arg23 : memref<!tpu.dma_semaphore, #tpu.memory_space<semaphore_mem>>)
      %dma_start3A_709 = arith.constant 21 : i32
      %dma_start3A_710 = arith.constant 2688 : i32
      %dma_start3A_711 = tpu.memref_slice %arg13[%dma_start3A_710] : memref<4096xf32, #tpu.memory_space<vmem>> -> memref<128xf32, #tpu.memory_space<vmem>>
      %dma_start3A_712 = arith.constant 0 : i32
      %dma_start3A_713 = tpu.memref_slice %arg16[%dma_start3A_709, %dma_start3A_712] : memref<32x128xi32, #tpu.memory_space<vmem>> -> memref<1x128xi32, #tpu.memory_space<vmem>>
      %dma_start3A_714 = tpu.memref_squeeze %dma_start3A_713 : memref<1x128xi32, #tpu.memory_space<vmem>> -> memref<128xi32, #tpu.memory_space<vmem>>
      %dma_start3A_715 = arith.constant 0 : i32
      %dma_start3A_716 = tpu.memref_slice %arg22[%dma_start3A_715] : memref<65536xf32, #tpu.memory_space<vmem_shared>> -> memref<65536xf32, #tpu.memory_space<vmem_shared>>
      tpu.enqueue_indirect_dma source(%dma_start3A_711 : memref<128xf32, #tpu.memory_space<vmem>>) target(%dma_start3A_716 : memref<65536xf32, #tpu.memory_space<vmem_shared>>) offsets(%dma_start3A_714 : memref<128xi32, #tpu.memory_space<vmem>>) semaphore(%arg23 : memref<!tpu.dma_semaphore, #tpu.memory_space<semaphore_mem>>)
      %dma_start3A_717 = arith.constant 22 : i32
      %dma_start3A_718 = arith.constant 2816 : i32
      %dma_start3A_719 = tpu.memref_slice %arg13[%dma_start3A_718] : memref<4096xf32, #tpu.memory_space<vmem>> -> memref<128xf32, #tpu.memory_space<vmem>>
      %dma_start3A_720 = arith.constant 0 : i32
      %dma_start3A_721 = tpu.memref_slice %arg16[%dma_start3A_717, %dma_start3A_720] : memref<32x128xi32, #tpu.memory_space<vmem>> -> memref<1x128xi32, #tpu.memory_space<vmem>>
      %dma_start3A_722 = tpu.memref_squeeze %dma_start3A_721 : memref<1x128xi32, #tpu.memory_space<vmem>> -> memref<128xi32, #tpu.memory_space<vmem>>
      %dma_start3A_723 = arith.constant 0 : i32
      %dma_start3A_724 = tpu.memref_slice %arg22[%dma_start3A_723] : memref<65536xf32, #tpu.memory_space<vmem_shared>> -> memref<65536xf32, #tpu.memory_space<vmem_shared>>
      tpu.enqueue_indirect_dma source(%dma_start3A_719 : memref<128xf32, #tpu.memory_space<vmem>>) target(%dma_start3A_724 : memref<65536xf32, #tpu.memory_space<vmem_shared>>) offsets(%dma_start3A_722 : memref<128xi32, #tpu.memory_space<vmem>>) semaphore(%arg23 : memref<!tpu.dma_semaphore, #tpu.memory_space<semaphore_mem>>)
      %dma_start3A_725 = arith.constant 23 : i32
      %dma_start3A_726 = arith.constant 2944 : i32
      %dma_start3A_727 = tpu.memref_slice %arg13[%dma_start3A_726] : memref<4096xf32, #tpu.memory_space<vmem>> -> memref<128xf32, #tpu.memory_space<vmem>>
      %dma_start3A_728 = arith.constant 0 : i32
      %dma_start3A_729 = tpu.memref_slice %arg16[%dma_start3A_725, %dma_start3A_728] : memref<32x128xi32, #tpu.memory_space<vmem>> -> memref<1x128xi32, #tpu.memory_space<vmem>>
      %dma_start3A_730 = tpu.memref_squeeze %dma_start3A_729 : memref<1x128xi32, #tpu.memory_space<vmem>> -> memref<128xi32, #tpu.memory_space<vmem>>
      %dma_start3A_731 = arith.constant 0 : i32
      %dma_start3A_732 = tpu.memref_slice %arg22[%dma_start3A_731] : memref<65536xf32, #tpu.memory_space<vmem_shared>> -> memref<65536xf32, #tpu.memory_space<vmem_shared>>
      tpu.enqueue_indirect_dma source(%dma_start3A_727 : memref<128xf32, #tpu.memory_space<vmem>>) target(%dma_start3A_732 : memref<65536xf32, #tpu.memory_space<vmem_shared>>) offsets(%dma_start3A_730 : memref<128xi32, #tpu.memory_space<vmem>>) semaphore(%arg23 : memref<!tpu.dma_semaphore, #tpu.memory_space<semaphore_mem>>)
      %dma_start3A_733 = arith.constant 24 : i32
      %dma_start3A_734 = arith.constant 3072 : i32
      %dma_start3A_735 = tpu.memref_slice %arg13[%dma_start3A_734] : memref<4096xf32, #tpu.memory_space<vmem>> -> memref<128xf32, #tpu.memory_space<vmem>>
      %dma_start3A_736 = arith.constant 0 : i32
      %dma_start3A_737 = tpu.memref_slice %arg16[%dma_start3A_733, %dma_start3A_736] : memref<32x128xi32, #tpu.memory_space<vmem>> -> memref<1x128xi32, #tpu.memory_space<vmem>>
      %dma_start3A_738 = tpu.memref_squeeze %dma_start3A_737 : memref<1x128xi32, #tpu.memory_space<vmem>> -> memref<128xi32, #tpu.memory_space<vmem>>
      %dma_start3A_739 = arith.constant 0 : i32
      %dma_start3A_740 = tpu.memref_slice %arg22[%dma_start3A_739] : memref<65536xf32, #tpu.memory_space<vmem_shared>> -> memref<65536xf32, #tpu.memory_space<vmem_shared>>
      tpu.enqueue_indirect_dma source(%dma_start3A_735 : memref<128xf32, #tpu.memory_space<vmem>>) target(%dma_start3A_740 : memref<65536xf32, #tpu.memory_space<vmem_shared>>) offsets(%dma_start3A_738 : memref<128xi32, #tpu.memory_space<vmem>>) semaphore(%arg23 : memref<!tpu.dma_semaphore, #tpu.memory_space<semaphore_mem>>)
      %dma_start3A_741 = arith.constant 25 : i32
      %dma_start3A_742 = arith.constant 3200 : i32
      %dma_start3A_743 = tpu.memref_slice %arg13[%dma_start3A_742] : memref<4096xf32, #tpu.memory_space<vmem>> -> memref<128xf32, #tpu.memory_space<vmem>>
      %dma_start3A_744 = arith.constant 0 : i32
      %dma_start3A_745 = tpu.memref_slice %arg16[%dma_start3A_741, %dma_start3A_744] : memref<32x128xi32, #tpu.memory_space<vmem>> -> memref<1x128xi32, #tpu.memory_space<vmem>>
      %dma_start3A_746 = tpu.memref_squeeze %dma_start3A_745 : memref<1x128xi32, #tpu.memory_space<vmem>> -> memref<128xi32, #tpu.memory_space<vmem>>
      %dma_start3A_747 = arith.constant 0 : i32
      %dma_start3A_748 = tpu.memref_slice %arg22[%dma_start3A_747] : memref<65536xf32, #tpu.memory_space<vmem_shared>> -> memref<65536xf32, #tpu.memory_space<vmem_shared>>
      tpu.enqueue_indirect_dma source(%dma_start3A_743 : memref<128xf32, #tpu.memory_space<vmem>>) target(%dma_start3A_748 : memref<65536xf32, #tpu.memory_space<vmem_shared>>) offsets(%dma_start3A_746 : memref<128xi32, #tpu.memory_space<vmem>>) semaphore(%arg23 : memref<!tpu.dma_semaphore, #tpu.memory_space<semaphore_mem>>)
      %dma_start3A_749 = arith.constant 26 : i32
      %dma_start3A_750 = arith.constant 3328 : i32
      %dma_start3A_751 = tpu.memref_slice %arg13[%dma_start3A_750] : memref<4096xf32, #tpu.memory_space<vmem>> -> memref<128xf32, #tpu.memory_space<vmem>>
      %dma_start3A_752 = arith.constant 0 : i32
      %dma_start3A_753 = tpu.memref_slice %arg16[%dma_start3A_749, %dma_start3A_752] : memref<32x128xi32, #tpu.memory_space<vmem>> -> memref<1x128xi32, #tpu.memory_space<vmem>>
      %dma_start3A_754 = tpu.memref_squeeze %dma_start3A_753 : memref<1x128xi32, #tpu.memory_space<vmem>> -> memref<128xi32, #tpu.memory_space<vmem>>
      %dma_start3A_755 = arith.constant 0 : i32
      %dma_start3A_756 = tpu.memref_slice %arg22[%dma_start3A_755] : memref<65536xf32, #tpu.memory_space<vmem_shared>> -> memref<65536xf32, #tpu.memory_space<vmem_shared>>
      tpu.enqueue_indirect_dma source(%dma_start3A_751 : memref<128xf32, #tpu.memory_space<vmem>>) target(%dma_start3A_756 : memref<65536xf32, #tpu.memory_space<vmem_shared>>) offsets(%dma_start3A_754 : memref<128xi32, #tpu.memory_space<vmem>>) semaphore(%arg23 : memref<!tpu.dma_semaphore, #tpu.memory_space<semaphore_mem>>)
      %dma_start3A_757 = arith.constant 27 : i32
      %dma_start3A_758 = arith.constant 3456 : i32
      %dma_start3A_759 = tpu.memref_slice %arg13[%dma_start3A_758] : memref<4096xf32, #tpu.memory_space<vmem>> -> memref<128xf32, #tpu.memory_space<vmem>>
      %dma_start3A_760 = arith.constant 0 : i32
      %dma_start3A_761 = tpu.memref_slice %arg16[%dma_start3A_757, %dma_start3A_760] : memref<32x128xi32, #tpu.memory_space<vmem>> -> memref<1x128xi32, #tpu.memory_space<vmem>>
      %dma_start3A_762 = tpu.memref_squeeze %dma_start3A_761 : memref<1x128xi32, #tpu.memory_space<vmem>> -> memref<128xi32, #tpu.memory_space<vmem>>
      %dma_start3A_763 = arith.constant 0 : i32
      %dma_start3A_764 = tpu.memref_slice %arg22[%dma_start3A_763] : memref<65536xf32, #tpu.memory_space<vmem_shared>> -> memref<65536xf32, #tpu.memory_space<vmem_shared>>
      tpu.enqueue_indirect_dma source(%dma_start3A_759 : memref<128xf32, #tpu.memory_space<vmem>>) target(%dma_start3A_764 : memref<65536xf32, #tpu.memory_space<vmem_shared>>) offsets(%dma_start3A_762 : memref<128xi32, #tpu.memory_space<vmem>>) semaphore(%arg23 : memref<!tpu.dma_semaphore, #tpu.memory_space<semaphore_mem>>)
      %dma_start3A_765 = arith.constant 28 : i32
      %dma_start3A_766 = arith.constant 3584 : i32
      %dma_start3A_767 = tpu.memref_slice %arg13[%dma_start3A_766] : memref<4096xf32, #tpu.memory_space<vmem>> -> memref<128xf32, #tpu.memory_space<vmem>>
      %dma_start3A_768 = arith.constant 0 : i32
      %dma_start3A_769 = tpu.memref_slice %arg16[%dma_start3A_765, %dma_start3A_768] : memref<32x128xi32, #tpu.memory_space<vmem>> -> memref<1x128xi32, #tpu.memory_space<vmem>>
      %dma_start3A_770 = tpu.memref_squeeze %dma_start3A_769 : memref<1x128xi32, #tpu.memory_space<vmem>> -> memref<128xi32, #tpu.memory_space<vmem>>
      %dma_start3A_771 = arith.constant 0 : i32
      %dma_start3A_772 = tpu.memref_slice %arg22[%dma_start3A_771] : memref<65536xf32, #tpu.memory_space<vmem_shared>> -> memref<65536xf32, #tpu.memory_space<vmem_shared>>
      tpu.enqueue_indirect_dma source(%dma_start3A_767 : memref<128xf32, #tpu.memory_space<vmem>>) target(%dma_start3A_772 : memref<65536xf32, #tpu.memory_space<vmem_shared>>) offsets(%dma_start3A_770 : memref<128xi32, #tpu.memory_space<vmem>>) semaphore(%arg23 : memref<!tpu.dma_semaphore, #tpu.memory_space<semaphore_mem>>)
      %dma_start3A_773 = arith.constant 29 : i32
      %dma_start3A_774 = arith.constant 3712 : i32
      %dma_start3A_775 = tpu.memref_slice %arg13[%dma_start3A_774] : memref<4096xf32, #tpu.memory_space<vmem>> -> memref<128xf32, #tpu.memory_space<vmem>>
      %dma_start3A_776 = arith.constant 0 : i32
      %dma_start3A_777 = tpu.memref_slice %arg16[%dma_start3A_773, %dma_start3A_776] : memref<32x128xi32, #tpu.memory_space<vmem>> -> memref<1x128xi32, #tpu.memory_space<vmem>>
      %dma_start3A_778 = tpu.memref_squeeze %dma_start3A_777 : memref<1x128xi32, #tpu.memory_space<vmem>> -> memref<128xi32, #tpu.memory_space<vmem>>
      %dma_start3A_779 = arith.constant 0 : i32
      %dma_start3A_780 = tpu.memref_slice %arg22[%dma_start3A_779] : memref<65536xf32, #tpu.memory_space<vmem_shared>> -> memref<65536xf32, #tpu.memory_space<vmem_shared>>
      tpu.enqueue_indirect_dma source(%dma_start3A_775 : memref<128xf32, #tpu.memory_space<vmem>>) target(%dma_start3A_780 : memref<65536xf32, #tpu.memory_space<vmem_shared>>) offsets(%dma_start3A_778 : memref<128xi32, #tpu.memory_space<vmem>>) semaphore(%arg23 : memref<!tpu.dma_semaphore, #tpu.memory_space<semaphore_mem>>)
      %dma_start3A_781 = arith.constant 30 : i32
      %dma_start3A_782 = arith.constant 3840 : i32
      %dma_start3A_783 = tpu.memref_slice %arg13[%dma_start3A_782] : memref<4096xf32, #tpu.memory_space<vmem>> -> memref<128xf32, #tpu.memory_space<vmem>>
      %dma_start3A_784 = arith.constant 0 : i32
      %dma_start3A_785 = tpu.memref_slice %arg16[%dma_start3A_781, %dma_start3A_784] : memref<32x128xi32, #tpu.memory_space<vmem>> -> memref<1x128xi32, #tpu.memory_space<vmem>>
      %dma_start3A_786 = tpu.memref_squeeze %dma_start3A_785 : memref<1x128xi32, #tpu.memory_space<vmem>> -> memref<128xi32, #tpu.memory_space<vmem>>
      %dma_start3A_787 = arith.constant 0 : i32
      %dma_start3A_788 = tpu.memref_slice %arg22[%dma_start3A_787] : memref<65536xf32, #tpu.memory_space<vmem_shared>> -> memref<65536xf32, #tpu.memory_space<vmem_shared>>
      tpu.enqueue_indirect_dma source(%dma_start3A_783 : memref<128xf32, #tpu.memory_space<vmem>>) target(%dma_start3A_788 : memref<65536xf32, #tpu.memory_space<vmem_shared>>) offsets(%dma_start3A_786 : memref<128xi32, #tpu.memory_space<vmem>>) semaphore(%arg23 : memref<!tpu.dma_semaphore, #tpu.memory_space<semaphore_mem>>)
      %dma_start3A_789 = arith.constant 31 : i32
      %dma_start3A_790 = arith.constant 3968 : i32
      %dma_start3A_791 = tpu.memref_slice %arg13[%dma_start3A_790] : memref<4096xf32, #tpu.memory_space<vmem>> -> memref<128xf32, #tpu.memory_space<vmem>>
      %dma_start3A_792 = arith.constant 0 : i32
      %dma_start3A_793 = tpu.memref_slice %arg16[%dma_start3A_789, %dma_start3A_792] : memref<32x128xi32, #tpu.memory_space<vmem>> -> memref<1x128xi32, #tpu.memory_space<vmem>>
      %dma_start3A_794 = tpu.memref_squeeze %dma_start3A_793 : memref<1x128xi32, #tpu.memory_space<vmem>> -> memref<128xi32, #tpu.memory_space<vmem>>
      %dma_start3A_795 = arith.constant 0 : i32
      %dma_start3A_796 = tpu.memref_slice %arg22[%dma_start3A_795] : memref<65536xf32, #tpu.memory_space<vmem_shared>> -> memref<65536xf32, #tpu.memory_space<vmem_shared>>
      tpu.enqueue_indirect_dma source(%dma_start3A_791 : memref<128xf32, #tpu.memory_space<vmem>>) target(%dma_start3A_796 : memref<65536xf32, #tpu.memory_space<vmem_shared>>) offsets(%dma_start3A_794 : memref<128xi32, #tpu.memory_space<vmem>>) semaphore(%arg23 : memref<!tpu.dma_semaphore, #tpu.memory_space<semaphore_mem>>)
      %dma_wait3A_797 = arith.constant 0 : i32
      %dma_wait3A_798 = arith.constant 0 : i32
      %dma_wait3A_799 = tpu.memref_slice %arg13[%dma_wait3A_798] : memref<4096xf32, #tpu.memory_space<vmem>> -> memref<128xf32, #tpu.memory_space<vmem>>
      %dma_wait3A_800 = arith.constant 0 : i32
      %dma_wait3A_801 = tpu.memref_slice %arg16[%dma_wait3A_797, %dma_wait3A_800] : memref<32x128xi32, #tpu.memory_space<vmem>> -> memref<1x128xi32, #tpu.memory_space<vmem>>
      %dma_wait3A_802 = tpu.memref_squeeze %dma_wait3A_801 : memref<1x128xi32, #tpu.memory_space<vmem>> -> memref<128xi32, #tpu.memory_space<vmem>>
      %dma_wait3A_803 = arith.constant 0 : i32
      %dma_wait3A_804 = tpu.memref_slice %arg22[%dma_wait3A_803] : memref<65536xf32, #tpu.memory_space<vmem_shared>> -> memref<65536xf32, #tpu.memory_space<vmem_shared>>
      tpu.wait_indirect_dma semaphore(%arg23 : memref<!tpu.dma_semaphore, #tpu.memory_space<semaphore_mem>>) src(%dma_wait3A_799 : memref<128xf32, #tpu.memory_space<vmem>>) dst(%dma_wait3A_804 : memref<65536xf32, #tpu.memory_space<vmem_shared>>)
      %dma_wait3A_805 = arith.constant 1 : i32
      %dma_wait3A_806 = arith.constant 128 : i32
      %dma_wait3A_807 = tpu.memref_slice %arg13[%dma_wait3A_806] : memref<4096xf32, #tpu.memory_space<vmem>> -> memref<128xf32, #tpu.memory_space<vmem>>
      %dma_wait3A_808 = arith.constant 0 : i32
      %dma_wait3A_809 = tpu.memref_slice %arg16[%dma_wait3A_805, %dma_wait3A_808] : memref<32x128xi32, #tpu.memory_space<vmem>> -> memref<1x128xi32, #tpu.memory_space<vmem>>
      %dma_wait3A_810 = tpu.memref_squeeze %dma_wait3A_809 : memref<1x128xi32, #tpu.memory_space<vmem>> -> memref<128xi32, #tpu.memory_space<vmem>>
      %dma_wait3A_811 = arith.constant 0 : i32
      %dma_wait3A_812 = tpu.memref_slice %arg22[%dma_wait3A_811] : memref<65536xf32, #tpu.memory_space<vmem_shared>> -> memref<65536xf32, #tpu.memory_space<vmem_shared>>
      tpu.wait_indirect_dma semaphore(%arg23 : memref<!tpu.dma_semaphore, #tpu.memory_space<semaphore_mem>>) src(%dma_wait3A_807 : memref<128xf32, #tpu.memory_space<vmem>>) dst(%dma_wait3A_812 : memref<65536xf32, #tpu.memory_space<vmem_shared>>)
      %dma_wait3A_813 = arith.constant 2 : i32
      %dma_wait3A_814 = arith.constant 256 : i32
      %dma_wait3A_815 = tpu.memref_slice %arg13[%dma_wait3A_814] : memref<4096xf32, #tpu.memory_space<vmem>> -> memref<128xf32, #tpu.memory_space<vmem>>
      %dma_wait3A_816 = arith.constant 0 : i32
      %dma_wait3A_817 = tpu.memref_slice %arg16[%dma_wait3A_813, %dma_wait3A_816] : memref<32x128xi32, #tpu.memory_space<vmem>> -> memref<1x128xi32, #tpu.memory_space<vmem>>
      %dma_wait3A_818 = tpu.memref_squeeze %dma_wait3A_817 : memref<1x128xi32, #tpu.memory_space<vmem>> -> memref<128xi32, #tpu.memory_space<vmem>>
      %dma_wait3A_819 = arith.constant 0 : i32
      %dma_wait3A_820 = tpu.memref_slice %arg22[%dma_wait3A_819] : memref<65536xf32, #tpu.memory_space<vmem_shared>> -> memref<65536xf32, #tpu.memory_space<vmem_shared>>
      tpu.wait_indirect_dma semaphore(%arg23 : memref<!tpu.dma_semaphore, #tpu.memory_space<semaphore_mem>>) src(%dma_wait3A_815 : memref<128xf32, #tpu.memory_space<vmem>>) dst(%dma_wait3A_820 : memref<65536xf32, #tpu.memory_space<vmem_shared>>)
      %dma_wait3A_821 = arith.constant 3 : i32
      %dma_wait3A_822 = arith.constant 384 : i32
      %dma_wait3A_823 = tpu.memref_slice %arg13[%dma_wait3A_822] : memref<4096xf32, #tpu.memory_space<vmem>> -> memref<128xf32, #tpu.memory_space<vmem>>
      %dma_wait3A_824 = arith.constant 0 : i32
      %dma_wait3A_825 = tpu.memref_slice %arg16[%dma_wait3A_821, %dma_wait3A_824] : memref<32x128xi32, #tpu.memory_space<vmem>> -> memref<1x128xi32, #tpu.memory_space<vmem>>
      %dma_wait3A_826 = tpu.memref_squeeze %dma_wait3A_825 : memref<1x128xi32, #tpu.memory_space<vmem>> -> memref<128xi32, #tpu.memory_space<vmem>>
      %dma_wait3A_827 = arith.constant 0 : i32
      %dma_wait3A_828 = tpu.memref_slice %arg22[%dma_wait3A_827] : memref<65536xf32, #tpu.memory_space<vmem_shared>> -> memref<65536xf32, #tpu.memory_space<vmem_shared>>
      tpu.wait_indirect_dma semaphore(%arg23 : memref<!tpu.dma_semaphore, #tpu.memory_space<semaphore_mem>>) src(%dma_wait3A_823 : memref<128xf32, #tpu.memory_space<vmem>>) dst(%dma_wait3A_828 : memref<65536xf32, #tpu.memory_space<vmem_shared>>)
      %dma_wait3A_829 = arith.constant 4 : i32
      %dma_wait3A_830 = arith.constant 512 : i32
      %dma_wait3A_831 = tpu.memref_slice %arg13[%dma_wait3A_830] : memref<4096xf32, #tpu.memory_space<vmem>> -> memref<128xf32, #tpu.memory_space<vmem>>
      %dma_wait3A_832 = arith.constant 0 : i32
      %dma_wait3A_833 = tpu.memref_slice %arg16[%dma_wait3A_829, %dma_wait3A_832] : memref<32x128xi32, #tpu.memory_space<vmem>> -> memref<1x128xi32, #tpu.memory_space<vmem>>
      %dma_wait3A_834 = tpu.memref_squeeze %dma_wait3A_833 : memref<1x128xi32, #tpu.memory_space<vmem>> -> memref<128xi32, #tpu.memory_space<vmem>>
      %dma_wait3A_835 = arith.constant 0 : i32
      %dma_wait3A_836 = tpu.memref_slice %arg22[%dma_wait3A_835] : memref<65536xf32, #tpu.memory_space<vmem_shared>> -> memref<65536xf32, #tpu.memory_space<vmem_shared>>
      tpu.wait_indirect_dma semaphore(%arg23 : memref<!tpu.dma_semaphore, #tpu.memory_space<semaphore_mem>>) src(%dma_wait3A_831 : memref<128xf32, #tpu.memory_space<vmem>>) dst(%dma_wait3A_836 : memref<65536xf32, #tpu.memory_space<vmem_shared>>)
      %dma_wait3A_837 = arith.constant 5 : i32
      %dma_wait3A_838 = arith.constant 640 : i32
      %dma_wait3A_839 = tpu.memref_slice %arg13[%dma_wait3A_838] : memref<4096xf32, #tpu.memory_space<vmem>> -> memref<128xf32, #tpu.memory_space<vmem>>
      %dma_wait3A_840 = arith.constant 0 : i32
      %dma_wait3A_841 = tpu.memref_slice %arg16[%dma_wait3A_837, %dma_wait3A_840] : memref<32x128xi32, #tpu.memory_space<vmem>> -> memref<1x128xi32, #tpu.memory_space<vmem>>
      %dma_wait3A_842 = tpu.memref_squeeze %dma_wait3A_841 : memref<1x128xi32, #tpu.memory_space<vmem>> -> memref<128xi32, #tpu.memory_space<vmem>>
      %dma_wait3A_843 = arith.constant 0 : i32
      %dma_wait3A_844 = tpu.memref_slice %arg22[%dma_wait3A_843] : memref<65536xf32, #tpu.memory_space<vmem_shared>> -> memref<65536xf32, #tpu.memory_space<vmem_shared>>
      tpu.wait_indirect_dma semaphore(%arg23 : memref<!tpu.dma_semaphore, #tpu.memory_space<semaphore_mem>>) src(%dma_wait3A_839 : memref<128xf32, #tpu.memory_space<vmem>>) dst(%dma_wait3A_844 : memref<65536xf32, #tpu.memory_space<vmem_shared>>)
      %dma_wait3A_845 = arith.constant 6 : i32
      %dma_wait3A_846 = arith.constant 768 : i32
      %dma_wait3A_847 = tpu.memref_slice %arg13[%dma_wait3A_846] : memref<4096xf32, #tpu.memory_space<vmem>> -> memref<128xf32, #tpu.memory_space<vmem>>
      %dma_wait3A_848 = arith.constant 0 : i32
      %dma_wait3A_849 = tpu.memref_slice %arg16[%dma_wait3A_845, %dma_wait3A_848] : memref<32x128xi32, #tpu.memory_space<vmem>> -> memref<1x128xi32, #tpu.memory_space<vmem>>
      %dma_wait3A_850 = tpu.memref_squeeze %dma_wait3A_849 : memref<1x128xi32, #tpu.memory_space<vmem>> -> memref<128xi32, #tpu.memory_space<vmem>>
      %dma_wait3A_851 = arith.constant 0 : i32
      %dma_wait3A_852 = tpu.memref_slice %arg22[%dma_wait3A_851] : memref<65536xf32, #tpu.memory_space<vmem_shared>> -> memref<65536xf32, #tpu.memory_space<vmem_shared>>
      tpu.wait_indirect_dma semaphore(%arg23 : memref<!tpu.dma_semaphore, #tpu.memory_space<semaphore_mem>>) src(%dma_wait3A_847 : memref<128xf32, #tpu.memory_space<vmem>>) dst(%dma_wait3A_852 : memref<65536xf32, #tpu.memory_space<vmem_shared>>)
      %dma_wait3A_853 = arith.constant 7 : i32
      %dma_wait3A_854 = arith.constant 896 : i32
      %dma_wait3A_855 = tpu.memref_slice %arg13[%dma_wait3A_854] : memref<4096xf32, #tpu.memory_space<vmem>> -> memref<128xf32, #tpu.memory_space<vmem>>
      %dma_wait3A_856 = arith.constant 0 : i32
      %dma_wait3A_857 = tpu.memref_slice %arg16[%dma_wait3A_853, %dma_wait3A_856] : memref<32x128xi32, #tpu.memory_space<vmem>> -> memref<1x128xi32, #tpu.memory_space<vmem>>
      %dma_wait3A_858 = tpu.memref_squeeze %dma_wait3A_857 : memref<1x128xi32, #tpu.memory_space<vmem>> -> memref<128xi32, #tpu.memory_space<vmem>>
      %dma_wait3A_859 = arith.constant 0 : i32
      %dma_wait3A_860 = tpu.memref_slice %arg22[%dma_wait3A_859] : memref<65536xf32, #tpu.memory_space<vmem_shared>> -> memref<65536xf32, #tpu.memory_space<vmem_shared>>
      tpu.wait_indirect_dma semaphore(%arg23 : memref<!tpu.dma_semaphore, #tpu.memory_space<semaphore_mem>>) src(%dma_wait3A_855 : memref<128xf32, #tpu.memory_space<vmem>>) dst(%dma_wait3A_860 : memref<65536xf32, #tpu.memory_space<vmem_shared>>)
      %dma_wait3A_861 = arith.constant 8 : i32
      %dma_wait3A_862 = arith.constant 1024 : i32
      %dma_wait3A_863 = tpu.memref_slice %arg13[%dma_wait3A_862] : memref<4096xf32, #tpu.memory_space<vmem>> -> memref<128xf32, #tpu.memory_space<vmem>>
      %dma_wait3A_864 = arith.constant 0 : i32
      %dma_wait3A_865 = tpu.memref_slice %arg16[%dma_wait3A_861, %dma_wait3A_864] : memref<32x128xi32, #tpu.memory_space<vmem>> -> memref<1x128xi32, #tpu.memory_space<vmem>>
      %dma_wait3A_866 = tpu.memref_squeeze %dma_wait3A_865 : memref<1x128xi32, #tpu.memory_space<vmem>> -> memref<128xi32, #tpu.memory_space<vmem>>
      %dma_wait3A_867 = arith.constant 0 : i32
      %dma_wait3A_868 = tpu.memref_slice %arg22[%dma_wait3A_867] : memref<65536xf32, #tpu.memory_space<vmem_shared>> -> memref<65536xf32, #tpu.memory_space<vmem_shared>>
      tpu.wait_indirect_dma semaphore(%arg23 : memref<!tpu.dma_semaphore, #tpu.memory_space<semaphore_mem>>) src(%dma_wait3A_863 : memref<128xf32, #tpu.memory_space<vmem>>) dst(%dma_wait3A_868 : memref<65536xf32, #tpu.memory_space<vmem_shared>>)
      %dma_wait3A_869 = arith.constant 9 : i32
      %dma_wait3A_870 = arith.constant 1152 : i32
      %dma_wait3A_871 = tpu.memref_slice %arg13[%dma_wait3A_870] : memref<4096xf32, #tpu.memory_space<vmem>> -> memref<128xf32, #tpu.memory_space<vmem>>
      %dma_wait3A_872 = arith.constant 0 : i32
      %dma_wait3A_873 = tpu.memref_slice %arg16[%dma_wait3A_869, %dma_wait3A_872] : memref<32x128xi32, #tpu.memory_space<vmem>> -> memref<1x128xi32, #tpu.memory_space<vmem>>
      %dma_wait3A_874 = tpu.memref_squeeze %dma_wait3A_873 : memref<1x128xi32, #tpu.memory_space<vmem>> -> memref<128xi32, #tpu.memory_space<vmem>>
      %dma_wait3A_875 = arith.constant 0 : i32
      %dma_wait3A_876 = tpu.memref_slice %arg22[%dma_wait3A_875] : memref<65536xf32, #tpu.memory_space<vmem_shared>> -> memref<65536xf32, #tpu.memory_space<vmem_shared>>
      tpu.wait_indirect_dma semaphore(%arg23 : memref<!tpu.dma_semaphore, #tpu.memory_space<semaphore_mem>>) src(%dma_wait3A_871 : memref<128xf32, #tpu.memory_space<vmem>>) dst(%dma_wait3A_876 : memref<65536xf32, #tpu.memory_space<vmem_shared>>)
      %dma_wait3A_877 = arith.constant 10 : i32
      %dma_wait3A_878 = arith.constant 1280 : i32
      %dma_wait3A_879 = tpu.memref_slice %arg13[%dma_wait3A_878] : memref<4096xf32, #tpu.memory_space<vmem>> -> memref<128xf32, #tpu.memory_space<vmem>>
      %dma_wait3A_880 = arith.constant 0 : i32
      %dma_wait3A_881 = tpu.memref_slice %arg16[%dma_wait3A_877, %dma_wait3A_880] : memref<32x128xi32, #tpu.memory_space<vmem>> -> memref<1x128xi32, #tpu.memory_space<vmem>>
      %dma_wait3A_882 = tpu.memref_squeeze %dma_wait3A_881 : memref<1x128xi32, #tpu.memory_space<vmem>> -> memref<128xi32, #tpu.memory_space<vmem>>
      %dma_wait3A_883 = arith.constant 0 : i32
      %dma_wait3A_884 = tpu.memref_slice %arg22[%dma_wait3A_883] : memref<65536xf32, #tpu.memory_space<vmem_shared>> -> memref<65536xf32, #tpu.memory_space<vmem_shared>>
      tpu.wait_indirect_dma semaphore(%arg23 : memref<!tpu.dma_semaphore, #tpu.memory_space<semaphore_mem>>) src(%dma_wait3A_879 : memref<128xf32, #tpu.memory_space<vmem>>) dst(%dma_wait3A_884 : memref<65536xf32, #tpu.memory_space<vmem_shared>>)
      %dma_wait3A_885 = arith.constant 11 : i32
      %dma_wait3A_886 = arith.constant 1408 : i32
      %dma_wait3A_887 = tpu.memref_slice %arg13[%dma_wait3A_886] : memref<4096xf32, #tpu.memory_space<vmem>> -> memref<128xf32, #tpu.memory_space<vmem>>
      %dma_wait3A_888 = arith.constant 0 : i32
      %dma_wait3A_889 = tpu.memref_slice %arg16[%dma_wait3A_885, %dma_wait3A_888] : memref<32x128xi32, #tpu.memory_space<vmem>> -> memref<1x128xi32, #tpu.memory_space<vmem>>
      %dma_wait3A_890 = tpu.memref_squeeze %dma_wait3A_889 : memref<1x128xi32, #tpu.memory_space<vmem>> -> memref<128xi32, #tpu.memory_space<vmem>>
      %dma_wait3A_891 = arith.constant 0 : i32
      %dma_wait3A_892 = tpu.memref_slice %arg22[%dma_wait3A_891] : memref<65536xf32, #tpu.memory_space<vmem_shared>> -> memref<65536xf32, #tpu.memory_space<vmem_shared>>
      tpu.wait_indirect_dma semaphore(%arg23 : memref<!tpu.dma_semaphore, #tpu.memory_space<semaphore_mem>>) src(%dma_wait3A_887 : memref<128xf32, #tpu.memory_space<vmem>>) dst(%dma_wait3A_892 : memref<65536xf32, #tpu.memory_space<vmem_shared>>)
      %dma_wait3A_893 = arith.constant 12 : i32
      %dma_wait3A_894 = arith.constant 1536 : i32
      %dma_wait3A_895 = tpu.memref_slice %arg13[%dma_wait3A_894] : memref<4096xf32, #tpu.memory_space<vmem>> -> memref<128xf32, #tpu.memory_space<vmem>>
      %dma_wait3A_896 = arith.constant 0 : i32
      %dma_wait3A_897 = tpu.memref_slice %arg16[%dma_wait3A_893, %dma_wait3A_896] : memref<32x128xi32, #tpu.memory_space<vmem>> -> memref<1x128xi32, #tpu.memory_space<vmem>>
      %dma_wait3A_898 = tpu.memref_squeeze %dma_wait3A_897 : memref<1x128xi32, #tpu.memory_space<vmem>> -> memref<128xi32, #tpu.memory_space<vmem>>
      %dma_wait3A_899 = arith.constant 0 : i32
      %dma_wait3A_900 = tpu.memref_slice %arg22[%dma_wait3A_899] : memref<65536xf32, #tpu.memory_space<vmem_shared>> -> memref<65536xf32, #tpu.memory_space<vmem_shared>>
      tpu.wait_indirect_dma semaphore(%arg23 : memref<!tpu.dma_semaphore, #tpu.memory_space<semaphore_mem>>) src(%dma_wait3A_895 : memref<128xf32, #tpu.memory_space<vmem>>) dst(%dma_wait3A_900 : memref<65536xf32, #tpu.memory_space<vmem_shared>>)
      %dma_wait3A_901 = arith.constant 13 : i32
      %dma_wait3A_902 = arith.constant 1664 : i32
      %dma_wait3A_903 = tpu.memref_slice %arg13[%dma_wait3A_902] : memref<4096xf32, #tpu.memory_space<vmem>> -> memref<128xf32, #tpu.memory_space<vmem>>
      %dma_wait3A_904 = arith.constant 0 : i32
      %dma_wait3A_905 = tpu.memref_slice %arg16[%dma_wait3A_901, %dma_wait3A_904] : memref<32x128xi32, #tpu.memory_space<vmem>> -> memref<1x128xi32, #tpu.memory_space<vmem>>
      %dma_wait3A_906 = tpu.memref_squeeze %dma_wait3A_905 : memref<1x128xi32, #tpu.memory_space<vmem>> -> memref<128xi32, #tpu.memory_space<vmem>>
      %dma_wait3A_907 = arith.constant 0 : i32
      %dma_wait3A_908 = tpu.memref_slice %arg22[%dma_wait3A_907] : memref<65536xf32, #tpu.memory_space<vmem_shared>> -> memref<65536xf32, #tpu.memory_space<vmem_shared>>
      tpu.wait_indirect_dma semaphore(%arg23 : memref<!tpu.dma_semaphore, #tpu.memory_space<semaphore_mem>>) src(%dma_wait3A_903 : memref<128xf32, #tpu.memory_space<vmem>>) dst(%dma_wait3A_908 : memref<65536xf32, #tpu.memory_space<vmem_shared>>)
      %dma_wait3A_909 = arith.constant 14 : i32
      %dma_wait3A_910 = arith.constant 1792 : i32
      %dma_wait3A_911 = tpu.memref_slice %arg13[%dma_wait3A_910] : memref<4096xf32, #tpu.memory_space<vmem>> -> memref<128xf32, #tpu.memory_space<vmem>>
      %dma_wait3A_912 = arith.constant 0 : i32
      %dma_wait3A_913 = tpu.memref_slice %arg16[%dma_wait3A_909, %dma_wait3A_912] : memref<32x128xi32, #tpu.memory_space<vmem>> -> memref<1x128xi32, #tpu.memory_space<vmem>>
      %dma_wait3A_914 = tpu.memref_squeeze %dma_wait3A_913 : memref<1x128xi32, #tpu.memory_space<vmem>> -> memref<128xi32, #tpu.memory_space<vmem>>
      %dma_wait3A_915 = arith.constant 0 : i32
      %dma_wait3A_916 = tpu.memref_slice %arg22[%dma_wait3A_915] : memref<65536xf32, #tpu.memory_space<vmem_shared>> -> memref<65536xf32, #tpu.memory_space<vmem_shared>>
      tpu.wait_indirect_dma semaphore(%arg23 : memref<!tpu.dma_semaphore, #tpu.memory_space<semaphore_mem>>) src(%dma_wait3A_911 : memref<128xf32, #tpu.memory_space<vmem>>) dst(%dma_wait3A_916 : memref<65536xf32, #tpu.memory_space<vmem_shared>>)
      %dma_wait3A_917 = arith.constant 15 : i32
      %dma_wait3A_918 = arith.constant 1920 : i32
      %dma_wait3A_919 = tpu.memref_slice %arg13[%dma_wait3A_918] : memref<4096xf32, #tpu.memory_space<vmem>> -> memref<128xf32, #tpu.memory_space<vmem>>
      %dma_wait3A_920 = arith.constant 0 : i32
      %dma_wait3A_921 = tpu.memref_slice %arg16[%dma_wait3A_917, %dma_wait3A_920] : memref<32x128xi32, #tpu.memory_space<vmem>> -> memref<1x128xi32, #tpu.memory_space<vmem>>
      %dma_wait3A_922 = tpu.memref_squeeze %dma_wait3A_921 : memref<1x128xi32, #tpu.memory_space<vmem>> -> memref<128xi32, #tpu.memory_space<vmem>>
      %dma_wait3A_923 = arith.constant 0 : i32
      %dma_wait3A_924 = tpu.memref_slice %arg22[%dma_wait3A_923] : memref<65536xf32, #tpu.memory_space<vmem_shared>> -> memref<65536xf32, #tpu.memory_space<vmem_shared>>
      tpu.wait_indirect_dma semaphore(%arg23 : memref<!tpu.dma_semaphore, #tpu.memory_space<semaphore_mem>>) src(%dma_wait3A_919 : memref<128xf32, #tpu.memory_space<vmem>>) dst(%dma_wait3A_924 : memref<65536xf32, #tpu.memory_space<vmem_shared>>)
      %dma_wait3A_925 = arith.constant 16 : i32
      %dma_wait3A_926 = arith.constant 2048 : i32
      %dma_wait3A_927 = tpu.memref_slice %arg13[%dma_wait3A_926] : memref<4096xf32, #tpu.memory_space<vmem>> -> memref<128xf32, #tpu.memory_space<vmem>>
      %dma_wait3A_928 = arith.constant 0 : i32
      %dma_wait3A_929 = tpu.memref_slice %arg16[%dma_wait3A_925, %dma_wait3A_928] : memref<32x128xi32, #tpu.memory_space<vmem>> -> memref<1x128xi32, #tpu.memory_space<vmem>>
      %dma_wait3A_930 = tpu.memref_squeeze %dma_wait3A_929 : memref<1x128xi32, #tpu.memory_space<vmem>> -> memref<128xi32, #tpu.memory_space<vmem>>
      %dma_wait3A_931 = arith.constant 0 : i32
      %dma_wait3A_932 = tpu.memref_slice %arg22[%dma_wait3A_931] : memref<65536xf32, #tpu.memory_space<vmem_shared>> -> memref<65536xf32, #tpu.memory_space<vmem_shared>>
      tpu.wait_indirect_dma semaphore(%arg23 : memref<!tpu.dma_semaphore, #tpu.memory_space<semaphore_mem>>) src(%dma_wait3A_927 : memref<128xf32, #tpu.memory_space<vmem>>) dst(%dma_wait3A_932 : memref<65536xf32, #tpu.memory_space<vmem_shared>>)
      %dma_wait3A_933 = arith.constant 17 : i32
      %dma_wait3A_934 = arith.constant 2176 : i32
      %dma_wait3A_935 = tpu.memref_slice %arg13[%dma_wait3A_934] : memref<4096xf32, #tpu.memory_space<vmem>> -> memref<128xf32, #tpu.memory_space<vmem>>
      %dma_wait3A_936 = arith.constant 0 : i32
      %dma_wait3A_937 = tpu.memref_slice %arg16[%dma_wait3A_933, %dma_wait3A_936] : memref<32x128xi32, #tpu.memory_space<vmem>> -> memref<1x128xi32, #tpu.memory_space<vmem>>
      %dma_wait3A_938 = tpu.memref_squeeze %dma_wait3A_937 : memref<1x128xi32, #tpu.memory_space<vmem>> -> memref<128xi32, #tpu.memory_space<vmem>>
      %dma_wait3A_939 = arith.constant 0 : i32
      %dma_wait3A_940 = tpu.memref_slice %arg22[%dma_wait3A_939] : memref<65536xf32, #tpu.memory_space<vmem_shared>> -> memref<65536xf32, #tpu.memory_space<vmem_shared>>
      tpu.wait_indirect_dma semaphore(%arg23 : memref<!tpu.dma_semaphore, #tpu.memory_space<semaphore_mem>>) src(%dma_wait3A_935 : memref<128xf32, #tpu.memory_space<vmem>>) dst(%dma_wait3A_940 : memref<65536xf32, #tpu.memory_space<vmem_shared>>)
      %dma_wait3A_941 = arith.constant 18 : i32
      %dma_wait3A_942 = arith.constant 2304 : i32
      %dma_wait3A_943 = tpu.memref_slice %arg13[%dma_wait3A_942] : memref<4096xf32, #tpu.memory_space<vmem>> -> memref<128xf32, #tpu.memory_space<vmem>>
      %dma_wait3A_944 = arith.constant 0 : i32
      %dma_wait3A_945 = tpu.memref_slice %arg16[%dma_wait3A_941, %dma_wait3A_944] : memref<32x128xi32, #tpu.memory_space<vmem>> -> memref<1x128xi32, #tpu.memory_space<vmem>>
      %dma_wait3A_946 = tpu.memref_squeeze %dma_wait3A_945 : memref<1x128xi32, #tpu.memory_space<vmem>> -> memref<128xi32, #tpu.memory_space<vmem>>
      %dma_wait3A_947 = arith.constant 0 : i32
      %dma_wait3A_948 = tpu.memref_slice %arg22[%dma_wait3A_947] : memref<65536xf32, #tpu.memory_space<vmem_shared>> -> memref<65536xf32, #tpu.memory_space<vmem_shared>>
      tpu.wait_indirect_dma semaphore(%arg23 : memref<!tpu.dma_semaphore, #tpu.memory_space<semaphore_mem>>) src(%dma_wait3A_943 : memref<128xf32, #tpu.memory_space<vmem>>) dst(%dma_wait3A_948 : memref<65536xf32, #tpu.memory_space<vmem_shared>>)
      %dma_wait3A_949 = arith.constant 19 : i32
      %dma_wait3A_950 = arith.constant 2432 : i32
      %dma_wait3A_951 = tpu.memref_slice %arg13[%dma_wait3A_950] : memref<4096xf32, #tpu.memory_space<vmem>> -> memref<128xf32, #tpu.memory_space<vmem>>
      %dma_wait3A_952 = arith.constant 0 : i32
      %dma_wait3A_953 = tpu.memref_slice %arg16[%dma_wait3A_949, %dma_wait3A_952] : memref<32x128xi32, #tpu.memory_space<vmem>> -> memref<1x128xi32, #tpu.memory_space<vmem>>
      %dma_wait3A_954 = tpu.memref_squeeze %dma_wait3A_953 : memref<1x128xi32, #tpu.memory_space<vmem>> -> memref<128xi32, #tpu.memory_space<vmem>>
      %dma_wait3A_955 = arith.constant 0 : i32
      %dma_wait3A_956 = tpu.memref_slice %arg22[%dma_wait3A_955] : memref<65536xf32, #tpu.memory_space<vmem_shared>> -> memref<65536xf32, #tpu.memory_space<vmem_shared>>
      tpu.wait_indirect_dma semaphore(%arg23 : memref<!tpu.dma_semaphore, #tpu.memory_space<semaphore_mem>>) src(%dma_wait3A_951 : memref<128xf32, #tpu.memory_space<vmem>>) dst(%dma_wait3A_956 : memref<65536xf32, #tpu.memory_space<vmem_shared>>)
      %dma_wait3A_957 = arith.constant 20 : i32
      %dma_wait3A_958 = arith.constant 2560 : i32
      %dma_wait3A_959 = tpu.memref_slice %arg13[%dma_wait3A_958] : memref<4096xf32, #tpu.memory_space<vmem>> -> memref<128xf32, #tpu.memory_space<vmem>>
      %dma_wait3A_960 = arith.constant 0 : i32
      %dma_wait3A_961 = tpu.memref_slice %arg16[%dma_wait3A_957, %dma_wait3A_960] : memref<32x128xi32, #tpu.memory_space<vmem>> -> memref<1x128xi32, #tpu.memory_space<vmem>>
      %dma_wait3A_962 = tpu.memref_squeeze %dma_wait3A_961 : memref<1x128xi32, #tpu.memory_space<vmem>> -> memref<128xi32, #tpu.memory_space<vmem>>
      %dma_wait3A_963 = arith.constant 0 : i32
      %dma_wait3A_964 = tpu.memref_slice %arg22[%dma_wait3A_963] : memref<65536xf32, #tpu.memory_space<vmem_shared>> -> memref<65536xf32, #tpu.memory_space<vmem_shared>>
      tpu.wait_indirect_dma semaphore(%arg23 : memref<!tpu.dma_semaphore, #tpu.memory_space<semaphore_mem>>) src(%dma_wait3A_959 : memref<128xf32, #tpu.memory_space<vmem>>) dst(%dma_wait3A_964 : memref<65536xf32, #tpu.memory_space<vmem_shared>>)
      %dma_wait3A_965 = arith.constant 21 : i32
      %dma_wait3A_966 = arith.constant 2688 : i32
      %dma_wait3A_967 = tpu.memref_slice %arg13[%dma_wait3A_966] : memref<4096xf32, #tpu.memory_space<vmem>> -> memref<128xf32, #tpu.memory_space<vmem>>
      %dma_wait3A_968 = arith.constant 0 : i32
      %dma_wait3A_969 = tpu.memref_slice %arg16[%dma_wait3A_965, %dma_wait3A_968] : memref<32x128xi32, #tpu.memory_space<vmem>> -> memref<1x128xi32, #tpu.memory_space<vmem>>
      %dma_wait3A_970 = tpu.memref_squeeze %dma_wait3A_969 : memref<1x128xi32, #tpu.memory_space<vmem>> -> memref<128xi32, #tpu.memory_space<vmem>>
      %dma_wait3A_971 = arith.constant 0 : i32
      %dma_wait3A_972 = tpu.memref_slice %arg22[%dma_wait3A_971] : memref<65536xf32, #tpu.memory_space<vmem_shared>> -> memref<65536xf32, #tpu.memory_space<vmem_shared>>
      tpu.wait_indirect_dma semaphore(%arg23 : memref<!tpu.dma_semaphore, #tpu.memory_space<semaphore_mem>>) src(%dma_wait3A_967 : memref<128xf32, #tpu.memory_space<vmem>>) dst(%dma_wait3A_972 : memref<65536xf32, #tpu.memory_space<vmem_shared>>)
      %dma_wait3A_973 = arith.constant 22 : i32
      %dma_wait3A_974 = arith.constant 2816 : i32
      %dma_wait3A_975 = tpu.memref_slice %arg13[%dma_wait3A_974] : memref<4096xf32, #tpu.memory_space<vmem>> -> memref<128xf32, #tpu.memory_space<vmem>>
      %dma_wait3A_976 = arith.constant 0 : i32
      %dma_wait3A_977 = tpu.memref_slice %arg16[%dma_wait3A_973, %dma_wait3A_976] : memref<32x128xi32, #tpu.memory_space<vmem>> -> memref<1x128xi32, #tpu.memory_space<vmem>>
      %dma_wait3A_978 = tpu.memref_squeeze %dma_wait3A_977 : memref<1x128xi32, #tpu.memory_space<vmem>> -> memref<128xi32, #tpu.memory_space<vmem>>
      %dma_wait3A_979 = arith.constant 0 : i32
      %dma_wait3A_980 = tpu.memref_slice %arg22[%dma_wait3A_979] : memref<65536xf32, #tpu.memory_space<vmem_shared>> -> memref<65536xf32, #tpu.memory_space<vmem_shared>>
      tpu.wait_indirect_dma semaphore(%arg23 : memref<!tpu.dma_semaphore, #tpu.memory_space<semaphore_mem>>) src(%dma_wait3A_975 : memref<128xf32, #tpu.memory_space<vmem>>) dst(%dma_wait3A_980 : memref<65536xf32, #tpu.memory_space<vmem_shared>>)
      %dma_wait3A_981 = arith.constant 23 : i32
      %dma_wait3A_982 = arith.constant 2944 : i32
      %dma_wait3A_983 = tpu.memref_slice %arg13[%dma_wait3A_982] : memref<4096xf32, #tpu.memory_space<vmem>> -> memref<128xf32, #tpu.memory_space<vmem>>
      %dma_wait3A_984 = arith.constant 0 : i32
      %dma_wait3A_985 = tpu.memref_slice %arg16[%dma_wait3A_981, %dma_wait3A_984] : memref<32x128xi32, #tpu.memory_space<vmem>> -> memref<1x128xi32, #tpu.memory_space<vmem>>
      %dma_wait3A_986 = tpu.memref_squeeze %dma_wait3A_985 : memref<1x128xi32, #tpu.memory_space<vmem>> -> memref<128xi32, #tpu.memory_space<vmem>>
      %dma_wait3A_987 = arith.constant 0 : i32
      %dma_wait3A_988 = tpu.memref_slice %arg22[%dma_wait3A_987] : memref<65536xf32, #tpu.memory_space<vmem_shared>> -> memref<65536xf32, #tpu.memory_space<vmem_shared>>
      tpu.wait_indirect_dma semaphore(%arg23 : memref<!tpu.dma_semaphore, #tpu.memory_space<semaphore_mem>>) src(%dma_wait3A_983 : memref<128xf32, #tpu.memory_space<vmem>>) dst(%dma_wait3A_988 : memref<65536xf32, #tpu.memory_space<vmem_shared>>)
      %dma_wait3A_989 = arith.constant 24 : i32
      %dma_wait3A_990 = arith.constant 3072 : i32
      %dma_wait3A_991 = tpu.memref_slice %arg13[%dma_wait3A_990] : memref<4096xf32, #tpu.memory_space<vmem>> -> memref<128xf32, #tpu.memory_space<vmem>>
      %dma_wait3A_992 = arith.constant 0 : i32
      %dma_wait3A_993 = tpu.memref_slice %arg16[%dma_wait3A_989, %dma_wait3A_992] : memref<32x128xi32, #tpu.memory_space<vmem>> -> memref<1x128xi32, #tpu.memory_space<vmem>>
      %dma_wait3A_994 = tpu.memref_squeeze %dma_wait3A_993 : memref<1x128xi32, #tpu.memory_space<vmem>> -> memref<128xi32, #tpu.memory_space<vmem>>
      %dma_wait3A_995 = arith.constant 0 : i32
      %dma_wait3A_996 = tpu.memref_slice %arg22[%dma_wait3A_995] : memref<65536xf32, #tpu.memory_space<vmem_shared>> -> memref<65536xf32, #tpu.memory_space<vmem_shared>>
      tpu.wait_indirect_dma semaphore(%arg23 : memref<!tpu.dma_semaphore, #tpu.memory_space<semaphore_mem>>) src(%dma_wait3A_991 : memref<128xf32, #tpu.memory_space<vmem>>) dst(%dma_wait3A_996 : memref<65536xf32, #tpu.memory_space<vmem_shared>>)
      %dma_wait3A_997 = arith.constant 25 : i32
      %dma_wait3A_998 = arith.constant 3200 : i32
      %dma_wait3A_999 = tpu.memref_slice %arg13[%dma_wait3A_998] : memref<4096xf32, #tpu.memory_space<vmem>> -> memref<128xf32, #tpu.memory_space<vmem>>
      %dma_wait3A_1000 = arith.constant 0 : i32
      %dma_wait3A_1001 = tpu.memref_slice %arg16[%dma_wait3A_997, %dma_wait3A_1000] : memref<32x128xi32, #tpu.memory_space<vmem>> -> memref<1x128xi32, #tpu.memory_space<vmem>>
      %dma_wait3A_1002 = tpu.memref_squeeze %dma_wait3A_1001 : memref<1x128xi32, #tpu.memory_space<vmem>> -> memref<128xi32, #tpu.memory_space<vmem>>
      %dma_wait3A_1003 = arith.constant 0 : i32
      %dma_wait3A_1004 = tpu.memref_slice %arg22[%dma_wait3A_1003] : memref<65536xf32, #tpu.memory_space<vmem_shared>> -> memref<65536xf32, #tpu.memory_space<vmem_shared>>
      tpu.wait_indirect_dma semaphore(%arg23 : memref<!tpu.dma_semaphore, #tpu.memory_space<semaphore_mem>>) src(%dma_wait3A_999 : memref<128xf32, #tpu.memory_space<vmem>>) dst(%dma_wait3A_1004 : memref<65536xf32, #tpu.memory_space<vmem_shared>>)
      %dma_wait3A_1005 = arith.constant 26 : i32
      %dma_wait3A_1006 = arith.constant 3328 : i32
      %dma_wait3A_1007 = tpu.memref_slice %arg13[%dma_wait3A_1006] : memref<4096xf32, #tpu.memory_space<vmem>> -> memref<128xf32, #tpu.memory_space<vmem>>
      %dma_wait3A_1008 = arith.constant 0 : i32
      %dma_wait3A_1009 = tpu.memref_slice %arg16[%dma_wait3A_1005, %dma_wait3A_1008] : memref<32x128xi32, #tpu.memory_space<vmem>> -> memref<1x128xi32, #tpu.memory_space<vmem>>
      %dma_wait3A_1010 = tpu.memref_squeeze %dma_wait3A_1009 : memref<1x128xi32, #tpu.memory_space<vmem>> -> memref<128xi32, #tpu.memory_space<vmem>>
      %dma_wait3A_1011 = arith.constant 0 : i32
      %dma_wait3A_1012 = tpu.memref_slice %arg22[%dma_wait3A_1011] : memref<65536xf32, #tpu.memory_space<vmem_shared>> -> memref<65536xf32, #tpu.memory_space<vmem_shared>>
      tpu.wait_indirect_dma semaphore(%arg23 : memref<!tpu.dma_semaphore, #tpu.memory_space<semaphore_mem>>) src(%dma_wait3A_1007 : memref<128xf32, #tpu.memory_space<vmem>>) dst(%dma_wait3A_1012 : memref<65536xf32, #tpu.memory_space<vmem_shared>>)
      %dma_wait3A_1013 = arith.constant 27 : i32
      %dma_wait3A_1014 = arith.constant 3456 : i32
      %dma_wait3A_1015 = tpu.memref_slice %arg13[%dma_wait3A_1014] : memref<4096xf32, #tpu.memory_space<vmem>> -> memref<128xf32, #tpu.memory_space<vmem>>
      %dma_wait3A_1016 = arith.constant 0 : i32
      %dma_wait3A_1017 = tpu.memref_slice %arg16[%dma_wait3A_1013, %dma_wait3A_1016] : memref<32x128xi32, #tpu.memory_space<vmem>> -> memref<1x128xi32, #tpu.memory_space<vmem>>
      %dma_wait3A_1018 = tpu.memref_squeeze %dma_wait3A_1017 : memref<1x128xi32, #tpu.memory_space<vmem>> -> memref<128xi32, #tpu.memory_space<vmem>>
      %dma_wait3A_1019 = arith.constant 0 : i32
      %dma_wait3A_1020 = tpu.memref_slice %arg22[%dma_wait3A_1019] : memref<65536xf32, #tpu.memory_space<vmem_shared>> -> memref<65536xf32, #tpu.memory_space<vmem_shared>>
      tpu.wait_indirect_dma semaphore(%arg23 : memref<!tpu.dma_semaphore, #tpu.memory_space<semaphore_mem>>) src(%dma_wait3A_1015 : memref<128xf32, #tpu.memory_space<vmem>>) dst(%dma_wait3A_1020 : memref<65536xf32, #tpu.memory_space<vmem_shared>>)
      %dma_wait3A_1021 = arith.constant 28 : i32
      %dma_wait3A_1022 = arith.constant 3584 : i32
      %dma_wait3A_1023 = tpu.memref_slice %arg13[%dma_wait3A_1022] : memref<4096xf32, #tpu.memory_space<vmem>> -> memref<128xf32, #tpu.memory_space<vmem>>
      %dma_wait3A_1024 = arith.constant 0 : i32
      %dma_wait3A_1025 = tpu.memref_slice %arg16[%dma_wait3A_1021, %dma_wait3A_1024] : memref<32x128xi32, #tpu.memory_space<vmem>> -> memref<1x128xi32, #tpu.memory_space<vmem>>
      %dma_wait3A_1026 = tpu.memref_squeeze %dma_wait3A_1025 : memref<1x128xi32, #tpu.memory_space<vmem>> -> memref<128xi32, #tpu.memory_space<vmem>>
      %dma_wait3A_1027 = arith.constant 0 : i32
      %dma_wait3A_1028 = tpu.memref_slice %arg22[%dma_wait3A_1027] : memref<65536xf32, #tpu.memory_space<vmem_shared>> -> memref<65536xf32, #tpu.memory_space<vmem_shared>>
      tpu.wait_indirect_dma semaphore(%arg23 : memref<!tpu.dma_semaphore, #tpu.memory_space<semaphore_mem>>) src(%dma_wait3A_1023 : memref<128xf32, #tpu.memory_space<vmem>>) dst(%dma_wait3A_1028 : memref<65536xf32, #tpu.memory_space<vmem_shared>>)
      %dma_wait3A_1029 = arith.constant 29 : i32
      %dma_wait3A_1030 = arith.constant 3712 : i32
      %dma_wait3A_1031 = tpu.memref_slice %arg13[%dma_wait3A_1030] : memref<4096xf32, #tpu.memory_space<vmem>> -> memref<128xf32, #tpu.memory_space<vmem>>
      %dma_wait3A_1032 = arith.constant 0 : i32
      %dma_wait3A_1033 = tpu.memref_slice %arg16[%dma_wait3A_1029, %dma_wait3A_1032] : memref<32x128xi32, #tpu.memory_space<vmem>> -> memref<1x128xi32, #tpu.memory_space<vmem>>
      %dma_wait3A_1034 = tpu.memref_squeeze %dma_wait3A_1033 : memref<1x128xi32, #tpu.memory_space<vmem>> -> memref<128xi32, #tpu.memory_space<vmem>>
      %dma_wait3A_1035 = arith.constant 0 : i32
      %dma_wait3A_1036 = tpu.memref_slice %arg22[%dma_wait3A_1035] : memref<65536xf32, #tpu.memory_space<vmem_shared>> -> memref<65536xf32, #tpu.memory_space<vmem_shared>>
      tpu.wait_indirect_dma semaphore(%arg23 : memref<!tpu.dma_semaphore, #tpu.memory_space<semaphore_mem>>) src(%dma_wait3A_1031 : memref<128xf32, #tpu.memory_space<vmem>>) dst(%dma_wait3A_1036 : memref<65536xf32, #tpu.memory_space<vmem_shared>>)
      %dma_wait3A_1037 = arith.constant 30 : i32
      %dma_wait3A_1038 = arith.constant 3840 : i32
      %dma_wait3A_1039 = tpu.memref_slice %arg13[%dma_wait3A_1038] : memref<4096xf32, #tpu.memory_space<vmem>> -> memref<128xf32, #tpu.memory_space<vmem>>
      %dma_wait3A_1040 = arith.constant 0 : i32
      %dma_wait3A_1041 = tpu.memref_slice %arg16[%dma_wait3A_1037, %dma_wait3A_1040] : memref<32x128xi32, #tpu.memory_space<vmem>> -> memref<1x128xi32, #tpu.memory_space<vmem>>
      %dma_wait3A_1042 = tpu.memref_squeeze %dma_wait3A_1041 : memref<1x128xi32, #tpu.memory_space<vmem>> -> memref<128xi32, #tpu.memory_space<vmem>>
      %dma_wait3A_1043 = arith.constant 0 : i32
      %dma_wait3A_1044 = tpu.memref_slice %arg22[%dma_wait3A_1043] : memref<65536xf32, #tpu.memory_space<vmem_shared>> -> memref<65536xf32, #tpu.memory_space<vmem_shared>>
      tpu.wait_indirect_dma semaphore(%arg23 : memref<!tpu.dma_semaphore, #tpu.memory_space<semaphore_mem>>) src(%dma_wait3A_1039 : memref<128xf32, #tpu.memory_space<vmem>>) dst(%dma_wait3A_1044 : memref<65536xf32, #tpu.memory_space<vmem_shared>>)
      %dma_wait3A_1045 = arith.constant 31 : i32
      %dma_wait3A_1046 = arith.constant 3968 : i32
      %dma_wait3A_1047 = tpu.memref_slice %arg13[%dma_wait3A_1046] : memref<4096xf32, #tpu.memory_space<vmem>> -> memref<128xf32, #tpu.memory_space<vmem>>
      %dma_wait3A_1048 = arith.constant 0 : i32
      %dma_wait3A_1049 = tpu.memref_slice %arg16[%dma_wait3A_1045, %dma_wait3A_1048] : memref<32x128xi32, #tpu.memory_space<vmem>> -> memref<1x128xi32, #tpu.memory_space<vmem>>
      %dma_wait3A_1050 = tpu.memref_squeeze %dma_wait3A_1049 : memref<1x128xi32, #tpu.memory_space<vmem>> -> memref<128xi32, #tpu.memory_space<vmem>>
      %dma_wait3A_1051 = arith.constant 0 : i32
      %dma_wait3A_1052 = tpu.memref_slice %arg22[%dma_wait3A_1051] : memref<65536xf32, #tpu.memory_space<vmem_shared>> -> memref<65536xf32, #tpu.memory_space<vmem_shared>>
      tpu.wait_indirect_dma semaphore(%arg23 : memref<!tpu.dma_semaphore, #tpu.memory_space<semaphore_mem>>) src(%dma_wait3A_1047 : memref<128xf32, #tpu.memory_space<vmem>>) dst(%dma_wait3A_1052 : memref<65536xf32, #tpu.memory_space<vmem_shared>>)
      %barrier3A_1053 = arith.constant 0 : index
      tpu.barrier barrier_id(%barrier3A_1053)
      "tpu.region"() ({
        %run_scoped3A = tpu.sem_alloc : memref<!tpu.dma_semaphore, #tpu.memory_space<semaphore_mem>>
        %dma_start3A_1054 = tpu.memref_slice %arg22[%mul3A_0] : memref<65536xf32, #tpu.memory_space<vmem_shared>> -> memref<4096xf32, #tpu.memory_space<vmem_shared>>
        %dma_start3A_1055 = tpu.memref_slice %arg22[%mul3A_0] : memref<65536xf32, #tpu.memory_space<vmem_shared>> -> memref<4096xf32, #tpu.memory_space<vmem_shared>>
        tpu.enqueue_dma source(%dma_start3A_1055 : memref<4096xf32, #tpu.memory_space<vmem_shared>>) target(%arg15 : memref<4096xf32, #tpu.memory_space<vmem>>) target_semaphore(%run_scoped3A : memref<!tpu.dma_semaphore, #tpu.memory_space<semaphore_mem>>)
        %dma_wait3A_1056 = tpu.memref_slice %arg22[%mul3A_0] : memref<65536xf32, #tpu.memory_space<vmem_shared>> -> memref<4096xf32, #tpu.memory_space<vmem_shared>>
        %dma_wait3A_1057 = tpu.memref_slice %arg22[%mul3A_0] : memref<65536xf32, #tpu.memory_space<vmem_shared>> -> memref<4096xf32, #tpu.memory_space<vmem_shared>>
        tpu.wait_dma2 semaphore(%run_scoped3A : memref<!tpu.dma_semaphore, #tpu.memory_space<semaphore_mem>>) src(%dma_wait3A_1057 : memref<4096xf32, #tpu.memory_space<vmem_shared>>) dst(%arg15 : memref<4096xf32, #tpu.memory_space<vmem>>)
        tpu.yield
      }) : () -> ()
      "tpu.region"() ({
        %run_scoped3A = tpu.sem_alloc : memref<!tpu.dma_semaphore, #tpu.memory_space<semaphore_mem>>
        %dma_start3A_1054 = tpu.memref_slice %arg6[%scan3A_18, %mul3A_0] : memref<6x65536xf32, #tpu.memory_space<hbm>> -> memref<1x4096xf32, #tpu.memory_space<hbm>>
        %dma_start3A_1055 = tpu.memref_squeeze %dma_start3A_1054 : memref<1x4096xf32, #tpu.memory_space<hbm>> -> memref<4096xf32, #tpu.memory_space<hbm>>
        %dma_start3A_1056 = tpu.memref_slice %arg6[%scan3A_18, %mul3A_0] : memref<6x65536xf32, #tpu.memory_space<hbm>> -> memref<1x4096xf32, #tpu.memory_space<hbm>>
        %dma_start3A_1057 = tpu.memref_squeeze %dma_start3A_1056 : memref<1x4096xf32, #tpu.memory_space<hbm>> -> memref<4096xf32, #tpu.memory_space<hbm>>
        tpu.enqueue_dma source(%arg15 : memref<4096xf32, #tpu.memory_space<vmem>>) target(%dma_start3A_1057 : memref<4096xf32, #tpu.memory_space<hbm>>) target_semaphore(%run_scoped3A : memref<!tpu.dma_semaphore, #tpu.memory_space<semaphore_mem>>)
        %dma_wait3A_1058 = tpu.memref_slice %arg6[%scan3A_18, %mul3A_0] : memref<6x65536xf32, #tpu.memory_space<hbm>> -> memref<1x4096xf32, #tpu.memory_space<hbm>>
        %dma_wait3A_1059 = tpu.memref_squeeze %dma_wait3A_1058 : memref<1x4096xf32, #tpu.memory_space<hbm>> -> memref<4096xf32, #tpu.memory_space<hbm>>
        %dma_wait3A_1060 = tpu.memref_slice %arg6[%scan3A_18, %mul3A_0] : memref<6x65536xf32, #tpu.memory_space<hbm>> -> memref<1x4096xf32, #tpu.memory_space<hbm>>
        %dma_wait3A_1061 = tpu.memref_squeeze %dma_wait3A_1060 : memref<1x4096xf32, #tpu.memory_space<hbm>> -> memref<4096xf32, #tpu.memory_space<hbm>>
        tpu.wait_dma2 semaphore(%run_scoped3A : memref<!tpu.dma_semaphore, #tpu.memory_space<semaphore_mem>>) src(%arg15 : memref<4096xf32, #tpu.memory_space<vmem>>) dst(%dma_wait3A_1061 : memref<4096xf32, #tpu.memory_space<hbm>>)
        tpu.yield
      }) : () -> ()
    }
    %scan3A_17 = arith.constant 6 : i32
    return
  }
}

</mosaic_0001>

<sc_bundles>
// kernel: kernel.3.cloned.1.call-start
scs
__scs_entry_jumppad:
0x0: {  	(pc) =	sbr.rel $0x88, $3  }
0x1: {  	(tag) =	ssettag $0x0;
	lr =	simm.s32 $0x1  }
0x2: {  	[smem:$0x3F9D] =	sst lr;
	_ =	strace $0xD0000000  }
0x3: {  	_ = 	snop  }
0x4: {  	_ = 	snop  }
0x5: {  	_ = 	snop  }
0x6: {  	_ = 	snop  }
0x7: {  	_ = 	snop  }
__scs_overlays_trampoline_lowered:
0x8: {  	[smem:$0x3FAC] =	sst s0  }
0x9: {  	[smem:$0x3FAD] =	sst s1  }
0xa: {  	[smem:$0x3FAE] =	sst s2  }
0xb: {  	[smem:$0x3FAF] =	sst s3  }
0xc: {  	[smem:$0x3FB0] =	sst s4  }
0xd: {  	[smem:$0x3FB1] =	sst s5  }
0xe: {  	[smem:$0x3FB2] =	sst s6  }
0xf: {  	[smem:$0x3FB3] =	sst s7  }
0x10: {  	[smem:$0x3FB4] =	sst s8  }
0x11: {  	[smem:$0x3FB5] =	sst s9;
	s0 =	simm.s32 @!p0 $0x0  }
0x12: {  	s1 =	sld [smem:$0x3F9B];
	s0 =	simm.s32 @p0 $0x1  }
0x13: {  	[smem:$0x3FB6] =	sst s0;
	s0 =	simm.s32 @!p1 $0x0  }
0x14: {  	s2 =	sld [smem:$0x3F9A];
	s0 =	simm.s32 @p1 $0x1  }
0x15: {  	[smem:$0x3FB7] =	sst s0;
	s0 =	simm.s32 @!p2 $0x0  }
0x16: {  	s3 =	sld [smem:$0x3FDB];
	s0 =	simm.s32 @p2 $0x1  }
0x17: {  	s4 =	simm.s32 $0x1BF5;
	[smem:$0x3FB9] =	sst s0  }
0x18: {  	s0 =	sld [smem:$0x3F9C];
	_ =	swait.ge [sflag:s4], $0x0  }
0x19: {  	s7 =	sld [smem:$0x3F9D]  }
0x1a: {  	s8 =	sadd.s32 $0xFFFFE003, lr  }
0x1b: {  	s9 =	sadd.s32 $0xFFFFFEF7, lr;
	s5 =	simm.s32 $0xFFFFFFFF;
	p2 =	slt.u32 s8, $0xFFFFF086  }
0x1c: {  	p1 =	slt.u32 s9, $0xF7A;
	s5 =	simm.s32 @!p2 $0x0  }
0x1d: {  	s5 =	simm.s32 @p1 $0x1;
	p0 =	seq.s32 s7, s2  }
0x1e: {  	s7 =	smul.u32 @!p0 $0xF7A, s2;
	p2 =	seq.s32 @!p0 s5, $0x0  }
0x1f: {  	s9 =	smul.u32 $0xF7A, s1;
	s8 =	simm.s32 @!p0 $0x1BF5;
	p2 =	por !p2, p0  }
0x20: {  	[sflag:s8] =	ssyncset.s32 @!p0 $0xFFFFF086;
	s6 =	sadd.s32 @!p0 s3, s7;
	s7 =	simm.s32 @!p0 $0x108  }
0x21: {  	s3 =	sadd.s32 s3, s9;
	s6 =	sadd.s32 @!p0 $0x88, s6;
	s7 =	simm.s32 @p2 $0x1082  }
0x22: {  	[simem:s7], [sflag:s8] =	dma.local @!p0 [hbm:s6], $0xF7A  }
0x23: {  	s9 =	sor.u32 $0xD0000000, s2;
	s6 =	simm.s32 $0x108;
	_ =	swait.ge @!p0 [sflag:s8], $0x0  }
0x24: {  	s3 =	sadd.s32 $0x88, s3;
	s6 =	simm.s32 @!p1 $0x1082;
	[sflag:s4] =	ssyncset.s32 $0xFFFFF086  }
0x25: {  	[simem:s6], [sflag:s4] =	dma.local [hbm:s3], $0xF7A  }
0x26: {  	[smem:$0x3F9D] =	sst s1;
	(tag) =	ssettag s2;
	_ =	strace s9  }
0x27: {  	s1 =	sld [smem:$0x3FAD]  }
0x28: {  	s2 =	sld [smem:$0x3FAE]  }
0x29: {  	s4 =	sld [smem:$0x3FB0]  }
0x2a: {  	p0 =	seq.s32 s5, $0x0;
	s5 =	sld [smem:$0x3FB1]  }
0x2b: {  	s6 =	sld [smem:$0x3FB2]  }
0x2c: {  	s7 =	sld [smem:$0x3FB3]  }
0x2d: {  	s3 =	simm.s32 $0x108;
	s8 =	sld [smem:$0x3FB4]  }
0x2e: {  	s3 =	simm.s32 @!p0 $0x1082;
	s9 =	sld [smem:$0x3FB5]  }
0x2f: {  	lr =	sadd.s32 s0, s3;
	s0 =	sld [smem:$0x3FAC]  }
0x30: {  	s3 =	sld [smem:$0x3FAF]  }
0x31: {  	[smem:$0x3FB8] =	sst s10  }
0x32: {  	s10 =	sld [smem:$0x3FB6];
	_ =	sdelay $0x3  }
0x33: {  	p0 =	seq.s32 s10, $0x1;
	s10 =	sld [smem:$0x3FB8];
	_ =	sdelay $0x3  }
0x34: {  	[smem:$0x3FB8] =	sst s10  }
0x35: {  	s10 =	sld [smem:$0x3FB7];
	_ =	sdelay $0x3  }
0x36: {  	p1 =	seq.s32 s10, $0x1;
	s10 =	sld [smem:$0x3FB8];
	_ =	sdelay $0x3  }
0x37: {  	[smem:$0x3FB8] =	sst s10  }
0x38: {  	s10 =	sld [smem:$0x3FB9]  }
0x39: {  	_ = 	snop;
	(pc) =	sbr.ind lr, $3  }
0x3a: {  	_ = 	snop  }
0x3b: {  	_ = 	snop  }
0x3c: {  	p2 =	seq.s32 s10, $0x1;
	s10 =	sld [smem:$0x3FB8]  }
0x3d: {  	_ =	shalt  }
0x3e: {  	_ =	shalt  }
0x3f: {  	_ =	shalt  }
0x40: {  	_ =	shalt  }
0x41: {  	_ =	shalt  }
0x42: {  	_ =	shalt  }
0x43: {  	_ =	shalt  }
0x44: {  	_ =	shalt  }
0x45: {  	_ =	shalt  }
0x46: {  	_ =	shalt  }
0x47: {  	_ =	shalt  }
0x48: {  	_ =	shalt  }
0x49: {  	_ =	shalt  }
0x4a: {  	_ =	shalt  }
0x4b: {  	_ =	shalt  }
0x4c: {  	_ =	shalt  }
0x4d: {  	_ =	shalt  }
0x4e: {  	_ =	shalt  }
0x4f: {  	_ =	shalt  }
0x50: {  	_ =	shalt  }
0x51: {  	_ =	shalt  }
0x52: {  	_ =	shalt  }
0x53: {  	_ =	shalt  }
0x54: {  	_ =	shalt  }
0x55: {  	_ =	shalt  }
0x56: {  	_ =	shalt  }
0x57: {  	_ =	shalt  }
0x58: {  	_ =	shalt  }
0x59: {  	_ =	shalt  }
0x5a: {  	_ =	shalt  }
0x5b: {  	_ =	shalt  }
0x5c: {  	_ =	shalt  }
0x5d: {  	_ =	shalt  }
0x5e: {  	_ =	shalt  }
0x5f: {  	_ =	shalt  }
0x60: {  	_ =	shalt  }
0x61: {  	_ =	shalt  }
0x62: {  	_ =	shalt  }
0x63: {  	_ =	shalt  }
0x64: {  	_ =	shalt  }
0x65: {  	_ =	shalt  }
0x66: {  	_ =	shalt  }
0x67: {  	_ =	shalt  }
0x68: {  	_ =	shalt  }
0x69: {  	_ =	shalt  }
0x6a: {  	_ =	shalt  }
0x6b: {  	_ =	shalt  }
0x6c: {  	_ =	shalt  }
0x6d: {  	_ =	shalt  }
0x6e: {  	_ =	shalt  }
0x6f: {  	_ =	shalt  }
0x70: {  	_ =	shalt  }
0x71: {  	_ =	shalt  }
0x72: {  	_ =	shalt  }
0x73: {  	_ =	shalt  }
0x74: {  	_ =	shalt  }
0x75: {  	_ =	shalt  }
0x76: {  	_ =	shalt  }
0x77: {  	_ =	shalt  }
0x78: {  	_ =	shalt  }
0x79: {  	_ =	shalt  }
0x7a: {  	_ =	shalt  }
0x7b: {  	_ =	shalt  }
0x7c: {  	_ =	shalt  }
0x7d: {  	_ =	shalt  }
0x7e: {  	_ =	shalt  }
0x7f: {  	_ =	shalt  }
0x80: {  	_ =	shalt  }
0x81: {  	_ =	shalt  }
0x82: {  	_ =	shalt  }
0x83: {  	_ =	shalt  }
0x84: {  	_ =	shalt  }
0x85: {  	_ =	shalt  }
0x86: {  	_ =	shalt  }
0x87: {  	_ =	shalt  }
.Lfunc_end0:
.L_simem_size_0:
called_computation_lowered:
.L_overlay_start_0:
0x88: {  	s0 =	sld [smem:$0x3FD9]  }
0x89: {  	s1 =	sld [smem:$0x3FFE];
	_ =	sdelay $0x3  }
0x8a: {  	s0 =	sadd.s32 s1, s0  }
0x8b: {  	[smem:$0x3FC4] =	sst s0  }
0x8c: {  	_ = 	snop  }
0x8d: {  	s0 =	sld [smem:$0x3FC9]  }
0x8e: {  	s16 =	sld [smem:$0x3FD0];
	(tm) =	ssettm $0x1  }
0x8f: {  	s2 =	sld [smem:$0x3FFB];
	_ =	sdelay $0x3  }
0x90: {  	_ =	strace s2  }
0x91: {  	s2 =	sld [smem:$0x3FFC];
	_ =	sdelay $0x3  }
0x92: {  	_ =	strace s2  }
0x93: {  	s2 =	sld [smem:$0x3FFD];
	_ =	sdelay $0x3  }
0x94: {  	_ =	strace s2  }
0x95: {  	_ =	strace $0x8FFFFFFF  }
0x96: {  	s17 =	sld [smem:$0x3FDB];
	_ =	sdelay $0x1  }
0x97: {  	s3 =	simm.s32 $_scs_section_size  }
0x98: {  	s4 =	simm.s32 $_size__tile_overlayer_lowered;
	s5 =	simm.s32 $_tile_overlayer_lowered  }
0x99: {  	s20 =	simm.s32 $0x1BFF;
	s19 =	sshll.u32 s5, $0x1;
	s2 =	sadd.s32 s3, s17  }
0x9a: {  	s6 =	simm.s32 $0x0;
	s18 =	sshll.u32 s4, $0x1;
	s4 =	sadd.s32 s19, s2  }
0x9b: {  	[timem:s6], [sflag:s20] =	dma.local [hbm:s4], s18  }
0x9c: {  	_ =	swait.ge [sflag:s20], s18  }
0x9d: {  	s3 =	ssub.s32 $0x0, s18;
	[sflag:s20] =	ssyncset.done $0x0  }
0x9e: {  	[sflag:s20] =	ssyncadd.s32 s3;
	_ =	sdelay $0x1  }
0x9f: {  	s21 =	simm.s32 $0x1B8B  }
0xa0: {  	_ =	swait.ge [sflag:s21], $0x1  }
0xa1: {  	[sflag:s21] =	ssyncset.done $0x0  }
0xa2: {  	s23 =	simm.s32 $0x1B8E;
	s22 =	sld [smem:$0x3FFE];
	[sflag:s21] =	ssyncadd.s32 $0xFFFFFFFF  }
0xa3: {  	s24 =	simm.s32 $execute0_lowered;
	[smem:$0x3FD2] =	sst s23  }
0xa4: {  	s4 =	sshll.u32 s24, $0x1;
	_ =	strace $0x80000046;
	[dreg:$0x1] =	wrdreg $0xFFFFFFFF  }
0xa5: {  	s25 =	simm.s32 $_size_execute0_lowered;
	s2 =	sadd.s32 s2, s4;
	[dreg:$0x0] =	wrdreg $0x0  }
0xa6: {  	s4 =	sshll.u32 s25, $0x1;
	[dreg:$0x2] =	wrdreg s2  }
0xa7: {  	[dreg:$0x3] =	wrdreg s4  }
0xa8: {  	[dreg:$0x4] =	wrdreg $0xC0  }
0xa9: {  	_ =	task [dreg:s6], $0x5FFFF  }
0xaa: {  	[dreg:$0x1] =	wrdreg $0xFFFFFFFF  }
0xab: {  	[dreg:$0x0] =	wrdreg $0x60  }
0xac: {  	[dreg:$0x2] =	wrdreg s0  }
0xad: {  	[dreg:$0x3] =	wrdreg s22  }
0xae: {  	[dreg:$0x4] =	wrdreg s16  }
0xaf: {  	[dreg:$0x5] =	wrdreg $0x1D8800  }
0xb0: {  	[dreg:$0x6] =	wrdreg $0x194800  }
0xb1: {  	[dreg:$0x7] =	wrdreg $0x1D4800  }
0xb2: {  	[dreg:$0x8] =	wrdreg $0x9  }
0xb3: {  	_ =	task.clear_ibuf [dreg:s6], $0x9FFFF;
	_ =	strace $0x90000046  }
0xb4: {  	s26 =	simm.s32 $0x9;
	_ =	strace $0x80000048  }
0xb5: {  	_ =	swait.ge [sflag:s26], $0x1  }
0xb6: {  	[sflag:s26] =	ssyncadd.s32 $0xFFFFFFFF  }
0xb7: {  	_ =	strace $0x90000048  }
0xb8: {  	_ =	sfence  }
0xb9: {  	s28 =	sld [smem:$0x0];
	_ =	sdelay $0x1  }
0xba: {  	s29 =	srdreg.scid  }
0xbb: {  	s30 =	sshll.u32 s29, $0xD;
	s31 =	sshrl.u32 s29, $0x2  }
0xbc: {  	s1 =	sand.u32 $0x1, s29;
	s2 =	sand.u32 $0x4000, s30;
	s0 =	sadd.s32 s31, s28  }
0xbd: {  	s1 =	sor.u32 s2, s1;
	s0 =	sshll.u32 s0, $0x11  }
0xbe: {  	s0 =	sor.u32 s0, s1  }
0xbf: {  	s0 =	sadd.s32 $0x8F2B, s0  }
0xc0: {  	[sflag:s0] =	ssyncadd.remote.s32 $0x1  }
0xc1: {  	_ =	sfence.sel $0xFFFF  }
0xc2: {  	[dreg:$0x0] =	wrdreg $0xFFFFFFFF;
	(pc) =	sbr.abs _section_cstart, $3  }
0xc3: {  	[dreg:$0x1] =	wrdreg $0xFFFFFFFF  }
0xc4: {  	_ =	task.clear_ibuf [dreg:s6], $0x2FFFF;
	_ =	strace $0x9FFFFFFF  }
0xc5: {  	(tm) =	ssettm $0x7FFFFFFF  }
tec
execute0_lowered:
.L_overlay_start_1:
0x0: {  	(tag) =	ssettag $0x1  }
0x1: {  	s0 =	rddreg [dreg:$0x0]  }
0x2: {  	s4 =	rddreg [dreg:$0x1]  }
0x3: {  	s1 =	rddreg [dreg:$0x2]  }
0x4: {  	s10 =	rddreg [dreg:$0x3]  }
0x5: {  	s2 =	rddreg [dreg:$0x4];
	s5 =	simm.s32 $0x0  }
0x6: {  	s11 =	stileid.u32;
	s23 =	simm.s32 $0x12000;
	[smem:$0x7FF] =	sst s5  }
0x7: {  	s3 =	sshll.u32 s11, $0xE;
	s6 =	sshll.u32 s11, $0x7;
	s7 =	sshll.u32 s11, $0x9  }
0x8: {  	_ =	strace $0x80000047;
	s6 =	sor.u32 s6, s3;
	s0 =	sadd.s32 s0, s7  }
0x9: {  	[tilespmem:s23], [sflag:$0x2] =	stream.linear.gather [hbm4b:s0+s5], $0x1000, $0x38;
	[tilespmem:$0x1E880] =	vst v63  }
0xa: {  	s25 =	simm.s32 $0x2;
	s24 =	sand.u32 $0x20380, s6  }
0xb: {  	s26 =	simm.s32 $0x80;
	s0 =	sshrl.u32 s24, $0x3;
	_ =	swait.ge [sflag:s25], $0x1000  }
0xc: {  	s8 =	simm.s32 $0x400;
	s0 =	sadd.s32 s0, s4;
	[sflag:s25] =	ssyncset.done $0x0  }
0xd: {  	s9 =	simm.s32 $0x8000;
	s0 =	sadd.s32 $0x200, s0;
	[sflag:s25] =	ssyncadd.s32 $0xFFFFF000  }
0xe: {  	[tilespmem:s9], [sflag:$0x2] =	stream.strided.gather [hbm4b:s0+s26], $0x4000, s8, s26, $0x38;
	[tilespmem:$0x1E880] =	vst v63  }
0xf: {  	_ =	swait.ge [sflag:s25], $0x4000  }
0x10: {  	[sflag:s25] =	ssyncset.done $0x0  }
0x11: {  	s29 =	simm.s32 $0x19400;
	s28 =	sadd.s32 $0x14200, s4;
	[sflag:s25] =	ssyncadd.s32 $0xFFFFC000  }
0x12: {  	[tilespmem:s29], [sflag:$0x2] =	stream.linear.gather [hbm4b:s28+s5], $0x80, $0x38;
	[tilespmem:$0x1E880] =	vst v63  }
0x13: {  	_ =	swait.ge [sflag:s25], $0x80  }
0x14: {  	[sflag:s25] =	ssyncset.done $0x0  }
0x15: {  	s30 =	simm.s32 $0x12020;
	[sflag:s25] =	ssyncadd.s32 $0xFFFFFF80  }
0x16: {  	v4 =	vld [tilespmem:s30+$0x0]  }
0x17: {  	s31 =	sadd.s32 $0x8200, s4  }
0x18: {  	v2 =	vld [tilespmem:s30+$0xFFFFFFE0];
	[dreg:$0x7] =	wrdreg s31  }
0x19: {  	v0 =	vld [tilespmem:s30+$0xFFFFFFF0]  }
0x1a: {  	s0 =	simm.s32 $0x13020;
	v1 =	vld [tilespmem:s30+$0x10]  }
0x1b: {  	s6 =	simm.s32 $0x13020;
	s4 =	simm.s32 $0x0;
	s5 =	simm.s32 $0x12060;
	v3 =	vld [tilespmem:$0x19400];
	[tilespmem:s0+$0x0] =	vst v4  }
.LBB2_1:
0x1c: {  	s4 =	sadd.s32 $0x4, s4  }
0x1d: {  	v4 =	vld [tilespmem:s5+$0x0];
	[tilespmem:s0+$0xFFFFFFE0] =	vst v2;
	s6 =	sadd.s32 $0x40, s6;
	p0 =	slt.u32 s4, $0xFC  }
.Ltmp0:
0x1e: {  	v2 =	vld [tilespmem:s5+$0xFFFFFFE0];
	[tilespmem:s0+$0xFFFFFFF0] =	vst v0;
	(pc) =	sbr.rel @p0 .LBB2_1-.Ltmp0, $3  }
0x1f: {  	v0 =	vld [tilespmem:s5+$0xFFFFFFF0];
	[tilespmem:s0+$0x10] =	vst v1;
	s0 =	smov.u32 s6  }
0x20: {  	v1 =	vld [tilespmem:s5+$0x10];
	_ =	sdelay $0x1  }
0x21: {  	s5 =	sadd.s32 $0x40, s5;
	[tilespmem:s6+$0x0] =	vst v4  }
0x22: {  	v3 =	vsub.f32 $0.0e+00, v3;
	_ =	sdelay $0x1  }
0x23: {  	v3 =	vmul.f32 $1.442695020e+00, v3;
	_ =	sdelay $0x1  }
0x24: {  	(erf) = vpow2.f32 v3;
	_ =	sdelay $0x4  }
0x25: {  	s7 =	sadd.s32 s3, s2;
	s19 =	rddreg [dreg:$0x5]  }
0x26: {  	s5 =	sshll.u32 s11, $0xC;
	[dreg:$0xa] =	wrdreg s7  }
0x27: {  	s4 =	sshll.u32 s11, $0xA;
	s7 =	sadd.s32 $0x80, s7;
	[dreg:$0x8] =	wrdreg s5  }
0x28: {  	s20 =	sadd.s32 s4, s2;
	[dreg:$0xc] =	wrdreg s7  }
0x29: {  	s22 =	sadd.s32 $0x80, s19;
	[dreg:$0xd] =	wrdreg s20;
	v3 =	vpop (erf)  }
0x2a: {  	s1 =	sadd.s32 s1, s5;
	[dreg:$0xf] =	wrdreg s22;
	v3 =	vadd.f32 $1.000000000e+00, v3  }
0x2b: {  	s8 =	sadd.s32 s4, s19;
	[dreg:$0x10] =	wrdreg s1  }
0x2c: {  	s21 =	sadd.s32 $0x80, s8;
	[dreg:$0xb] =	wrdreg s8;
	(erf) = vrcp.f32 v3  }
0x2d: {  	s23 =	sadd.s32 $0x100, s8;
	[dreg:$0xe] =	wrdreg s21  }
0x2e: {  	s24 =	sadd.s32 $0x200, s8;
	[dreg:$0x11] =	wrdreg s23  }
0x2f: {  	s25 =	sadd.s32 $0x300, s8;
	[dreg:$0x12] =	wrdreg s24  }
0x30: {  	s26 =	sadd.s32 $0x180, s8;
	[dreg:$0x13] =	wrdreg s25  }
0x31: {  	s28 =	sadd.s32 $0x280, s8;
	[dreg:$0x14] =	wrdreg s26  }
0x32: {  	s3 =	simm.s32 $0x0;
	s30 =	sadd.s32 $0x380, s8;
	[dreg:$0x15] =	wrdreg s28  }
0x33: {  	s9 =	simm.s32 $0x14080;
	s11 =	simm.s32 $0x14100;
	[dreg:$0x16] =	wrdreg s30  }
0x34: {  	s12 =	simm.s32 $0x14180;
	s13 =	simm.s32 $0x14200;
	s29 =	simm.s32 $0xC000;
	[tilespmem:s0+$0xFFFFFFE0] =	vst v2  }
0x35: {  	s31 =	simm.s32 $0xE000;
	s14 =	simm.s32 $0x100;
	s6 =	sadd.s32 s5, s10;
	[tilespmem:s0+$0xFFFFFFF0] =	vst v0;
	v0 =	vpop (erf)  }
0x36: {  	s5 =	simm.s32 $0x11000;
	s22 =	simm.s32 $0x2;
	s7 =	simm.s32 $0x14000;
	[tilespmem:s0+$0x10] =	vst v1;
	v1 =	vsub.f32 $1.000000000e+00, v0  }
0x37: {  	s8 =	simm.s32 $0x80;
	s26 =	simm.s32 $0x1;
	v2 =	vimm.f32 $0.0e+00;
	[dreg:$0x9] =	wrdreg s6;
	v3 =	vimm.s32 $0x0  }
.LBB2_3:
0x38: {  	s0 =	simm.s32 $0x12020  }
0x39: {  	s1 =	simm.s32 $0x13020;
	v4 =	vld [tilespmem:s0+$0x10]  }
0x3a: {  	v5 =	vld [tilespmem:s1+$0x10]  }
0x3b: {  	v7 =	vld [tilespmem:s1+$0xFFFFFFE0]  }
0x3c: {  	v6 =	vld [tilespmem:s0+$0xFFFFFFF0]  }
0x3d: {  	v8 =	vld [tilespmem:s1+$0xFFFFFFF0]  }
0x3e: {  	v9 =	vld [tilespmem:s0+$0x0]  }
0x3f: {  	v10 =	vld [tilespmem:s1+$0x0]  }
0x40: {  	s4 =	simm.s32 $0x12060;
	v11 =	vld [tilespmem:s0+$0xFFFFFFE0]  }
0x41: {  	v12 =	vld [tilespmem:s4+$0x10];
	s0 =	simm.s32 $0x13060;
	v4 =	vmul.f32 v4, v1;
	v5 =	vmul.f32 v5, v0  }
0x42: {  	v13 =	vld [tilespmem:s0+$0x10]  }
0x43: {  	v14 =	vld [tilespmem:s0+$0xFFFFFFE0];
	v6 =	vmul.f32 v6, v1;
	v8 =	vmul.f32 v8, v0;
	v4 =	vadd.f32 v5, v4  }
0x44: {  	s1 =	simm.s32 $0x11020;
	v9 =	vmul.f32 v9, v1;
	v10 =	vmul.f32 v10, v0;
	v5 =	vld [tilespmem:s4+$0xFFFFFFF0]  }
0x45: {  	v15 =	vmul.f32 v7, v0;
	v8 =	vadd.f32 v8, v6;
	v6 =	vld [tilespmem:s0+$0xFFFFFFF0];
	[tilespmem:s1+$0x10] =	vst v4;
	v4 =	vmul.f32 v11, v1  }
0x46: {  	v7 =	vld [tilespmem:s4+$0x0];
	v16 =	vadd.f32 v10, v9  }
0x47: {  	v10 =	vmul.f32 v12, v1;
	v12 =	vmul.f32 v13, v0;
	[tilespmem:s1+$0xFFFFFFF0] =	vst v8;
	v8 =	vld [tilespmem:s0+$0x0];
	v11 =	vadd.f32 v15, v4  }
0x48: {  	s2 =	simm.s32 $0x4;
	v9 =	vld [tilespmem:s4+$0xFFFFFFE0];
	s4 =	simm.s32 $0x120A0;
	[tilespmem:s1+$0x0] =	vst v16;
	v4 =	vmul.f32 v14, v0  }
.LBB2_4:
0x49: {  	v13 =	vld [tilespmem:s4+$0x10];
	v14 =	vmul.f32 v5, v1;
	v5 =	vadd.f32 v12, v10;
	s0 =	sadd.s32 $0x40, s0;
	[tilespmem:s1+$0xFFFFFFE0] =	vst v11  }
0x4a: {  	s2 =	sadd.s32 $0x4, s2;
	s1 =	sadd.s32 $0x40, s1;
	v11 =	vld [tilespmem:s0+$0x10];
	v6 =	vmul.f32 v6, v0  }
0x4b: {  	p0 =	slt.u32 s2, $0xFC;
	v15 =	vld [tilespmem:s0+$0xFFFFFFE0];
	v10 =	vmul.f32 v7, v1;
	[tilespmem:s1+$0x10] =	vst v5  }
.Ltmp1:
0x4c: {  	v5 =	vld [tilespmem:s4+$0xFFFFFFF0];
	v12 =	vadd.f32 v6, v14;
	v8 =	vmul.f32 v8, v0;
	(pc) =	sbr.rel @p0 .LBB2_4-.Ltmp1, $4  }
0x4d: {  	v6 =	vld [tilespmem:s0+$0xFFFFFFF0];
	v9 =	vmul.f32 v9, v1  }
0x4e: {  	v7 =	vld [tilespmem:s4+$0x0];
	[tilespmem:s1+$0xFFFFFFF0] =	vst v12;
	v14 =	vadd.f32 v8, v10  }
0x4f: {  	v10 =	vmul.f32 v13, v1;
	v8 =	vld [tilespmem:s0+$0x0];
	v12 =	vmul.f32 v11, v0;
	v11 =	vadd.f32 v4, v9  }
0x50: {  	v9 =	vld [tilespmem:s4+$0xFFFFFFE0];
	v4 =	vmul.f32 v15, v0;
	s4 =	sadd.s32 $0x40, s4;
	[tilespmem:s1+$0x0] =	vst v14  }
0x51: {  	_ =	sdelay $0x1  }
0x52: {  	v5 =	vmul.f32 v5, v1;
	v6 =	vmul.f32 v6, v0  }
0x53: {  	v10 =	vadd.f32 v12, v10;
	v7 =	vmul.f32 v7, v1;
	v8 =	vmul.f32 v8, v0  }
0x54: {  	[tilespmem:s1+$0xFFFFFFE0] =	vst v11;
	s0 =	sadd.s32 $0x40, s1;
	v5 =	vadd.f32 v6, v5;
	v6 =	vmul.f32 v9, v1  }
0x55: {  	[tilespmem:s0+$0x10] =	vst v10;
	v7 =	vadd.f32 v8, v7  }
0x56: {  	[tilespmem:s0+$0xFFFFFFF0] =	vst v5;
	v4 =	vadd.f32 v4, v6  }
0x57: {  	[tilespmem:s0+$0x0] =	vst v7  }
0x58: {  	[tilespmem:s0+$0xFFFFFFE0] =	vst v4  }
0x59: {  	[spmem:s6] =	stream.linear.scatter [tilespmem:s5], [sflag:$0x2], $0x1000, $0x38;
	[tilespmem:$0x1E880] =	vst v63  }
0x5a: {  	[dreg:$0x17] =	wrdreg s3  }
0x5b: {  	_ =	swait.ge [sflag:s22], $0x1000  }
0x5c: {  	s3 =	sshll.u32 s3, $0x10;
	s4 =	rddreg [dreg:$0x8]  }
0x5d: {  	s0 =	sor.u32 s4, s3  }
0x5e: {  	[sflag:s22] =	ssyncset.done $0x0;
	s5 =	rddreg [dreg:$0x7];
	s0 =	sshrl.u32 s0, $0x3  }
0x5f: {  	s2 =	simm.s32 $0x0;
	[sflag:s22] =	ssyncadd.s32 $0xFFFFF000;
	s0 =	sadd.s32 s5, s0  }
0x60: {  	[tilespmem:s7], [sflag:$0x2] =	stream.linear.gather [hbm4b:s0+s2], $0x1000, $0x38;
	[tilespmem:$0x1E880] =	vst v63  }
0x61: {  	_ =	swait.ge [sflag:s22], $0x1000  }
0x62: {  	[sflag:s22] =	ssyncset.done $0x0  }
0x63: {  	[sflag:s22] =	ssyncadd.s32 $0xFFFFF000  }
0x64: {  	s6 =	simm.s32 $0x10000;
	[bflag:$0x0] =	sbarrier.arrive $0xFFFF  }
0x65: {  	[tilespmem:s6], [sflag:$0x1] =	stream.indirect.gather [spmem:s10], $0x1, s7, s8, $0xb8;
	[tilespmem:$0x1E880] =	vst v63  }
0x66: {  	s7 =	simm.s32 $0x10080  }
0x67: {  	[tilespmem:s7], [sflag:$0x1] =	stream.indirect.gather [spmem:s10], $0x1, s9, s8, $0xb8;
	[tilespmem:$0x1E880] =	vst v63  }
0x68: {  	s9 =	simm.s32 $0x10100  }
0x69: {  	[tilespmem:s9], [sflag:$0x1] =	stream.indirect.gather [spmem:s10], $0x1, s11, s8, $0xb8;
	[tilespmem:$0x1E880] =	vst v63  }
0x6a: {  	s11 =	simm.s32 $0x10180  }
0x6b: {  	[tilespmem:s11], [sflag:$0x1] =	stream.indirect.gather [spmem:s10], $0x1, s12, s8, $0xb8;
	[tilespmem:$0x1E880] =	vst v63  }
0x6c: {  	s12 =	simm.s32 $0x10200  }
0x6d: {  	[tilespmem:s12], [sflag:$0x1] =	stream.indirect.gather [spmem:s10], $0x1, s13, s8, $0xb8;
	[tilespmem:$0x1E880] =	vst v63  }
0x6e: {  	s15 =	simm.s32 $0x14280;
	s16 =	simm.s32 $0x10280  }
0x6f: {  	[tilespmem:s16], [sflag:$0x1] =	stream.indirect.gather [spmem:s10], $0x1, s15, s8, $0xb8;
	[tilespmem:$0x1E880] =	vst v63  }
0x70: {  	s17 =	simm.s32 $0x14300;
	s18 =	simm.s32 $0x10300  }
0x71: {  	[tilespmem:s18], [sflag:$0x1] =	stream.indirect.gather [spmem:s10], $0x1, s17, s8, $0xb8;
	[tilespmem:$0x1E880] =	vst v63  }
0x72: {  	s19 =	simm.s32 $0x14380;
	s20 =	simm.s32 $0x10380  }
0x73: {  	[tilespmem:s20], [sflag:$0x1] =	stream.indirect.gather [spmem:s10], $0x1, s19, s8, $0xb8;
	[tilespmem:$0x1E880] =	vst v63  }
0x74: {  	s21 =	simm.s32 $0x14400;
	s23 =	simm.s32 $0x10400  }
0x75: {  	[tilespmem:s23], [sflag:$0x1] =	stream.indirect.gather [spmem:s10], $0x1, s21, s8, $0xb8;
	[tilespmem:$0x1E880] =	vst v63  }
0x76: {  	s24 =	simm.s32 $0x14480;
	s25 =	simm.s32 $0x10480  }
0x77: {  	[tilespmem:s25], [sflag:$0x1] =	stream.indirect.gather [spmem:s10], $0x1, s24, s8, $0xb8;
	[tilespmem:$0x1E880] =	vst v63  }
0x78: {  	s28 =	simm.s32 $0x14500;
	s30 =	simm.s32 $0x10500  }
0x79: {  	[tilespmem:s30], [sflag:$0x1] =	stream.indirect.gather [spmem:s10], $0x1, s28, s8, $0xb8;
	[tilespmem:$0x1E880] =	vst v63  }
0x7a: {  	s1 =	simm.s32 $0x14580;
	s3 =	simm.s32 $0x10580  }
0x7b: {  	[tilespmem:s3], [sflag:$0x1] =	stream.indirect.gather [spmem:s10], $0x1, s1, s8, $0xb8;
	[tilespmem:$0x1E880] =	vst v63  }
0x7c: {  	s4 =	simm.s32 $0x14600;
	s5 =	simm.s32 $0x10600  }
0x7d: {  	[tilespmem:s5], [sflag:$0x1] =	stream.indirect.gather [spmem:s10], $0x1, s4, s8, $0xb8;
	[tilespmem:$0x1E880] =	vst v63  }
0x7e: {  	s6 =	simm.s32 $0x14680;
	s7 =	simm.s32 $0x10680  }
0x7f: {  	[tilespmem:s7], [sflag:$0x1] =	stream.indirect.gather [spmem:s10], $0x1, s6, s8, $0xb8;
	[tilespmem:$0x1E880] =	vst v63  }
0x80: {  	s9 =	simm.s32 $0x14700;
	s11 =	simm.s32 $0x10700  }
0x81: {  	[tilespmem:s11], [sflag:$0x1] =	stream.indirect.gather [spmem:s10], $0x1, s9, s8, $0xb8;
	[tilespmem:$0x1E880] =	vst v63  }
0x82: {  	s12 =	simm.s32 $0x14780;
	s13 =	simm.s32 $0x10780  }
0x83: {  	[tilespmem:s13], [sflag:$0x1] =	stream.indirect.gather [spmem:s10], $0x1, s12, s8, $0xb8;
	[tilespmem:$0x1E880] =	vst v63  }
0x84: {  	s15 =	simm.s32 $0x14800;
	s16 =	simm.s32 $0x10800  }
0x85: {  	[tilespmem:s16], [sflag:$0x1] =	stream.indirect.gather [spmem:s10], $0x1, s15, s8, $0xb8;
	[tilespmem:$0x1E880] =	vst v63  }
0x86: {  	s17 =	simm.s32 $0x14880;
	s18 =	simm.s32 $0x10880  }
0x87: {  	[tilespmem:s18], [sflag:$0x1] =	stream.indirect.gather [spmem:s10], $0x1, s17, s8, $0xb8;
	[tilespmem:$0x1E880] =	vst v63  }
0x88: {  	s19 =	simm.s32 $0x14900;
	s20 =	simm.s32 $0x10900  }
0x89: {  	[tilespmem:s20], [sflag:$0x1] =	stream.indirect.gather [spmem:s10], $0x1, s19, s8, $0xb8;
	[tilespmem:$0x1E880] =	vst v63  }
0x8a: {  	s21 =	simm.s32 $0x14980;
	s23 =	simm.s32 $0x10980  }
0x8b: {  	[tilespmem:s23], [sflag:$0x1] =	stream.indirect.gather [spmem:s10], $0x1, s21, s8, $0xb8;
	[tilespmem:$0x1E880] =	vst v63  }
0x8c: {  	s24 =	simm.s32 $0x14A00;
	s25 =	simm.s32 $0x10A00  }
0x8d: {  	[tilespmem:s25], [sflag:$0x1] =	stream.indirect.gather [spmem:s10], $0x1, s24, s8, $0xb8;
	[tilespmem:$0x1E880] =	vst v63  }
0x8e: {  	s28 =	simm.s32 $0x14A80;
	s30 =	simm.s32 $0x10A80  }
0x8f: {  	[tilespmem:s30], [sflag:$0x1] =	stream.indirect.gather [spmem:s10], $0x1, s28, s8, $0xb8;
	[tilespmem:$0x1E880] =	vst v63  }
0x90: {  	s3 =	simm.s32 $0x14B00;
	s4 =	simm.s32 $0x10B00  }
0x91: {  	[tilespmem:s4], [sflag:$0x1] =	stream.indirect.gather [spmem:s10], $0x1, s3, s8, $0xb8;
	[tilespmem:$0x1E880] =	vst v63  }
0x92: {  	s5 =	simm.s32 $0x14B80;
	s6 =	simm.s32 $0x10B80  }
0x93: {  	[tilespmem:s6], [sflag:$0x1] =	stream.indirect.gather [spmem:s10], $0x1, s5, s8, $0xb8;
	[tilespmem:$0x1E880] =	vst v63  }
0x94: {  	s7 =	simm.s32 $0x14C00;
	s9 =	simm.s32 $0x10C00  }
0x95: {  	[tilespmem:s9], [sflag:$0x1] =	stream.indirect.gather [spmem:s10], $0x1, s7, s8, $0xb8;
	[tilespmem:$0x1E880] =	vst v63  }
0x96: {  	s11 =	simm.s32 $0x14C80;
	s12 =	simm.s32 $0x10C80  }
0x97: {  	[tilespmem:s12], [sflag:$0x1] =	stream.indirect.gather [spmem:s10], $0x1, s11, s8, $0xb8;
	[tilespmem:$0x1E880] =	vst v63  }
0x98: {  	s13 =	simm.s32 $0x14D00;
	s15 =	simm.s32 $0x10D00  }
0x99: {  	[tilespmem:s15], [sflag:$0x1] =	stream.indirect.gather [spmem:s10], $0x1, s13, s8, $0xb8;
	[tilespmem:$0x1E880] =	vst v63  }
0x9a: {  	s16 =	simm.s32 $0x14D80;
	s17 =	simm.s32 $0x10D80  }
0x9b: {  	[tilespmem:s17], [sflag:$0x1] =	stream.indirect.gather [spmem:s10], $0x1, s16, s8, $0xb8;
	[tilespmem:$0x1E880] =	vst v63  }
0x9c: {  	s18 =	simm.s32 $0x14E00;
	s19 =	simm.s32 $0x10E00  }
0x9d: {  	[tilespmem:s19], [sflag:$0x1] =	stream.indirect.gather [spmem:s10], $0x1, s18, s8, $0xb8;
	[tilespmem:$0x1E880] =	vst v63  }
0x9e: {  	s20 =	simm.s32 $0x14E80;
	s21 =	simm.s32 $0x10E80  }
0x9f: {  	[tilespmem:s21], [sflag:$0x1] =	stream.indirect.gather [spmem:s10], $0x1, s20, s8, $0xb8;
	[tilespmem:$0x1E880] =	vst v63  }
0xa0: {  	s23 =	simm.s32 $0x14F00;
	s24 =	simm.s32 $0x10F00  }
0xa1: {  	[tilespmem:s24], [sflag:$0x1] =	stream.indirect.gather [spmem:s10], $0x1, s23, s8, $0xb8;
	[tilespmem:$0x1E880] =	vst v63  }
0xa2: {  	s25 =	simm.s32 $0x14F80;
	s28 =	simm.s32 $0x10F80  }
0xa3: {  	[tilespmem:s28], [sflag:$0x1] =	stream.indirect.gather [spmem:s10], $0x1, s25, s8, $0xb8;
	[tilespmem:$0x1E880] =	vst v63  }
0xa4: {  	_ =	swait.ge [sflag:s26], $0x80  }
0xa5: {  	[sflag:s26] =	ssyncset.done $0x0  }
0xa6: {  	[sflag:s26] =	ssyncadd.s32 $0xFFFFFF80  }
0xa7: {  	_ =	swait.ge [sflag:s26], $0x80  }
0xa8: {  	[sflag:s26] =	ssyncset.done $0x0  }
0xa9: {  	[sflag:s26] =	ssyncadd.s32 $0xFFFFFF80  }
0xaa: {  	_ =	swait.ge [sflag:s26], $0x80  }
0xab: {  	[sflag:s26] =	ssyncset.done $0x0  }
0xac: {  	[sflag:s26] =	ssyncadd.s32 $0xFFFFFF80  }
0xad: {  	_ =	swait.ge [sflag:s26], $0x80  }
0xae: {  	[sflag:s26] =	ssyncset.done $0x0  }
0xaf: {  	[sflag:s26] =	ssyncadd.s32 $0xFFFFFF80  }
0xb0: {  	_ =	swait.ge [sflag:s26], $0x80  }
0xb1: {  	[sflag:s26] =	ssyncset.done $0x0  }
0xb2: {  	[sflag:s26] =	ssyncadd.s32 $0xFFFFFF80  }
0xb3: {  	_ =	swait.ge [sflag:s26], $0x80  }
0xb4: {  	[sflag:s26] =	ssyncset.done $0x0  }
0xb5: {  	[sflag:s26] =	ssyncadd.s32 $0xFFFFFF80  }
0xb6: {  	_ =	swait.ge [sflag:s26], $0x80  }
0xb7: {  	[sflag:s26] =	ssyncset.done $0x0  }
0xb8: {  	[sflag:s26] =	ssyncadd.s32 $0xFFFFFF80  }
0xb9: {  	_ =	swait.ge [sflag:s26], $0x80  }
0xba: {  	[sflag:s26] =	ssyncset.done $0x0  }
0xbb: {  	[sflag:s26] =	ssyncadd.s32 $0xFFFFFF80  }
0xbc: {  	_ =	swait.ge [sflag:s26], $0x80  }
0xbd: {  	[sflag:s26] =	ssyncset.done $0x0  }
0xbe: {  	[sflag:s26] =	ssyncadd.s32 $0xFFFFFF80  }
0xbf: {  	_ =	swait.ge [sflag:s26], $0x80  }
0xc0: {  	[sflag:s26] =	ssyncset.done $0x0  }
0xc1: {  	[sflag:s26] =	ssyncadd.s32 $0xFFFFFF80  }
0xc2: {  	_ =	swait.ge [sflag:s26], $0x80  }
0xc3: {  	[sflag:s26] =	ssyncset.done $0x0  }
0xc4: {  	[sflag:s26] =	ssyncadd.s32 $0xFFFFFF80  }
0xc5: {  	_ =	swait.ge [sflag:s26], $0x80  }
0xc6: {  	[sflag:s26] =	ssyncset.done $0x0  }
0xc7: {  	[sflag:s26] =	ssyncadd.s32 $0xFFFFFF80  }
0xc8: {  	_ =	swait.ge [sflag:s26], $0x80  }
0xc9: {  	[sflag:s26] =	ssyncset.done $0x0  }
0xca: {  	[sflag:s26] =	ssyncadd.s32 $0xFFFFFF80  }
0xcb: {  	_ =	swait.ge [sflag:s26], $0x80  }
0xcc: {  	[sflag:s26] =	ssyncset.done $0x0  }
0xcd: {  	[sflag:s26] =	ssyncadd.s32 $0xFFFFFF80  }
0xce: {  	_ =	swait.ge [sflag:s26], $0x80  }
0xcf: {  	[sflag:s26] =	ssyncset.done $0x0  }
0xd0: {  	[sflag:s26] =	ssyncadd.s32 $0xFFFFFF80  }
0xd1: {  	_ =	swait.ge [sflag:s26], $0x80  }
0xd2: {  	[sflag:s26] =	ssyncset.done $0x0  }
0xd3: {  	[sflag:s26] =	ssyncadd.s32 $0xFFFFFF80  }
0xd4: {  	_ =	swait.ge [sflag:s26], $0x80  }
0xd5: {  	[sflag:s26] =	ssyncset.done $0x0  }
0xd6: {  	[sflag:s26] =	ssyncadd.s32 $0xFFFFFF80  }
0xd7: {  	_ =	swait.ge [sflag:s26], $0x80  }
0xd8: {  	[sflag:s26] =	ssyncset.done $0x0  }
0xd9: {  	[sflag:s26] =	ssyncadd.s32 $0xFFFFFF80  }
0xda: {  	_ =	swait.ge [sflag:s26], $0x80  }
0xdb: {  	[sflag:s26] =	ssyncset.done $0x0  }
0xdc: {  	[sflag:s26] =	ssyncadd.s32 $0xFFFFFF80  }
0xdd: {  	_ =	swait.ge [sflag:s26], $0x80  }
0xde: {  	[sflag:s26] =	ssyncset.done $0x0  }
0xdf: {  	[sflag:s26] =	ssyncadd.s32 $0xFFFFFF80  }
0xe0: {  	_ =	swait.ge [sflag:s26], $0x80  }
0xe1: {  	[sflag:s26] =	ssyncset.done $0x0  }
0xe2: {  	[sflag:s26] =	ssyncadd.s32 $0xFFFFFF80  }
0xe3: {  	_ =	swait.ge [sflag:s26], $0x80  }
0xe4: {  	[sflag:s26] =	ssyncset.done $0x0  }
0xe5: {  	[sflag:s26] =	ssyncadd.s32 $0xFFFFFF80  }
0xe6: {  	_ =	swait.ge [sflag:s26], $0x80  }
0xe7: {  	[sflag:s26] =	ssyncset.done $0x0  }
0xe8: {  	[sflag:s26] =	ssyncadd.s32 $0xFFFFFF80  }
0xe9: {  	_ =	swait.ge [sflag:s26], $0x80  }
0xea: {  	[sflag:s26] =	ssyncset.done $0x0  }
0xeb: {  	[sflag:s26] =	ssyncadd.s32 $0xFFFFFF80  }
0xec: {  	_ =	swait.ge [sflag:s26], $0x80  }
0xed: {  	[sflag:s26] =	ssyncset.done $0x0  }
0xee: {  	[sflag:s26] =	ssyncadd.s32 $0xFFFFFF80  }
0xef: {  	_ =	swait.ge [sflag:s26], $0x80  }
0xf0: {  	[sflag:s26] =	ssyncset.done $0x0  }
0xf1: {  	[sflag:s26] =	ssyncadd.s32 $0xFFFFFF80  }
0xf2: {  	_ =	swait.ge [sflag:s26], $0x80  }
0xf3: {  	[sflag:s26] =	ssyncset.done $0x0  }
0xf4: {  	[sflag:s26] =	ssyncadd.s32 $0xFFFFFF80  }
0xf5: {  	_ =	swait.ge [sflag:s26], $0x80  }
0xf6: {  	[sflag:s26] =	ssyncset.done $0x0  }
0xf7: {  	[sflag:s26] =	ssyncadd.s32 $0xFFFFFF80  }
0xf8: {  	_ =	swait.ge [sflag:s26], $0x80  }
0xf9: {  	[sflag:s26] =	ssyncset.done $0x0  }
0xfa: {  	[sflag:s26] =	ssyncadd.s32 $0xFFFFFF80  }
0xfb: {  	_ =	swait.ge [sflag:s26], $0x80  }
0xfc: {  	[sflag:s26] =	ssyncset.done $0x0  }
0xfd: {  	[sflag:s26] =	ssyncadd.s32 $0xFFFFFF80  }
0xfe: {  	_ =	swait.ge [sflag:s26], $0x80  }
0xff: {  	[sflag:s26] =	ssyncset.done $0x0  }
0x100: {  	[sflag:s26] =	ssyncadd.s32 $0xFFFFFF80  }
0x101: {  	_ =	swait.ge [sflag:s26], $0x80  }
0x102: {  	[sflag:s26] =	ssyncset.done $0x0  }
0x103: {  	s30 =	simm.s32 $0x10020;
	[sflag:s26] =	ssyncadd.s32 $0xFFFFFF80  }
0x104: {  	v4 =	vld [tilespmem:s30+$0x10]  }
0x105: {  	v6 =	vld [tilespmem:s30+$0xFFFFFFF0];
	_ =	sdelay $0x1  }
0x106: {  	v7 =	vld [tilespmem:s30+$0xFFFFFFE0]  }
0x107: {  	s0 =	simm.s32 $0x2010  }
0x108: {  	[tilespmem:s0+$0x1020] =	vst v4  }
0x109: {  	v5 =	vld [tilespmem:s30+$0x0];
	[tilespmem:s0+$0xFFFFE000] =	vst v6  }
0x10a: {  	[tilespmem:s0+$0xFFFFF000] =	vst v6  }
0x10b: {  	[tilespmem:s0+$0xFFFFDFF0] =	vst v7  }
0x10c: {  	[tilespmem:s0+$0x0] =	vst v6  }
0x10d: {  	[tilespmem:s0+$0x1000] =	vst v6  }
0x10e: {  	[tilespmem:s0+$0xFFFFE010] =	vst v5  }
0x10f: {  	s4 =	sand.u32 $0xFC0, s2;
	[tilespmem:s0+$0xFFFFF010] =	vst v5  }
0x110: {  	[tilespmem:s4+$0x1000] =	vst v7  }
0x111: {  	[tilespmem:s4+$0x2000] =	vst v7  }
0x112: {  	s1 =	simm.s32 $0x0;
	s5 =	simm.s32 $0x0;
	[tilespmem:s4+$0x3000] =	vst v7;
	s4 =	simm.s32 $0x10060  }
.LBB2_6:
0x113: {  	v6 =	vld [tilespmem:s4+$0x10];
	s1 =	sadd.s32 $0x4, s1;
	[tilespmem:s0+$0x10] =	vst v5  }
0x114: {  	v7 =	vld [tilespmem:s4+$0xFFFFFFF0];
	p0 =	slt.u32 s1, $0xFC;
	[tilespmem:s0+$0x1010] =	vst v5  }
0x115: {  	v5 =	vld [tilespmem:s4+$0x0];
	[tilespmem:s0+$0xFFFFE020] =	vst v4  }
0x116: {  	v8 =	vld [tilespmem:s4+$0xFFFFFFE0];
	[tilespmem:s0+$0xFFFFF020] =	vst v4  }
0x117: {  	[tilespmem:s0+$0x20] =	vst v4;
	s0 =	sadd.s32 $0x40, s0  }
0x118: {  	[tilespmem:s0+$0x1020] =	vst v6;
	v4 =	vmov v6  }
0x119: {  	[tilespmem:s0+$0xFFFFE000] =	vst v7  }
0x11a: {  	s5 =	sadd.s32 $0x40, s5;
	[tilespmem:s0+$0xFFFFF000] =	vst v7  }
0x11b: {  	s6 =	sand.u32 $0xFC0, s5;
	[tilespmem:s0+$0xFFFFDFF0] =	vst v8  }
0x11c: {  	[tilespmem:s6+$0x1000] =	vst v8  }
0x11d: {  	[tilespmem:s6+$0x2000] =	vst v8  }
.Ltmp2:
0x11e: {  	[tilespmem:s6+$0x3000] =	vst v8;
	(pc) =	sbr.rel @p0 .LBB2_6-.Ltmp2, $4  }
0x11f: {  	[tilespmem:s0+$0x0] =	vst v7  }
0x120: {  	[tilespmem:s0+$0x1000] =	vst v7  }
0x121: {  	[tilespmem:s0+$0xFFFFE010] =	vst v5  }
0x122: {  	s4 =	sadd.s32 $0x40, s4;
	[tilespmem:s0+$0xFFFFF010] =	vst v5  }
0x123: {  	[tilespmem:s0+$0x10] =	vst v5  }
0x124: {  	[tilespmem:s0+$0x1010] =	vst v5  }
0x125: {  	[tilespmem:s0+$0xFFFFE020] =	vst v4  }
0x126: {  	[tilespmem:s0+$0xFFFFF020] =	vst v4  }
0x127: {  	[tilespmem:s0+$0x20] =	vst v4  }
.LBB2_8:
0x128: {  	s0 =	simm.s32 $0xC020  }
0x129: {  	[tilespmem:s0+$0xFFFFFFF0] =	vst v2  }
0x12a: {  	[tilespmem:s0+$0x0] =	vst v2  }
0x12b: {  	[tilespmem:s0+$0x10] =	vst v2  }
0x12c: {  	s1 =	simm.s32 $0xE020;
	[tilespmem:s0+$0xFFFFFFE0] =	vst v2  }
0x12d: {  	[tilespmem:s1+$0xFFFFFFF0] =	vst v2  }
0x12e: {  	[tilespmem:s1+$0x0] =	vst v2  }
0x12f: {  	s5 =	simm.s32 $0x0;
	s4 =	simm.s32 $0x20;
	[tilespmem:s1+$0x10] =	vst v2  }
0x130: {  	s6 =	simm.s32 $0xC060;
	s13 =	simm.s32 $0x4020;
	s0 =	simm.s32 $0x8020;
	[tilespmem:s1+$0xFFFFFFE0] =	vst v2  }
.LBB2_9:
0x131: {  	[tilespmem:s6+$0xFFFFFFF0] =	vst v2;
	s1 =	sadd.s32 $0x40, s1  }
0x132: {  	s5 =	sadd.s32 $0x4, s5;
	[tilespmem:s1+$0xFFFFFFF0] =	vst v2  }
0x133: {  	p0 =	slt.u32 s5, $0x1FC;
	[tilespmem:s6+$0x0] =	vst v2  }
.Ltmp3:
0x134: {  	[tilespmem:s1+$0x0] =	vst v2;
	(pc) =	sbr.rel @p0 .LBB2_9-.Ltmp3, $4  }
0x135: {  	[tilespmem:s6+$0x10] =	vst v2  }
0x136: {  	[tilespmem:s1+$0x10] =	vst v2  }
0x137: {  	[tilespmem:s6+$0xFFFFFFE0] =	vst v2  }
0x138: {  	s6 =	sadd.s32 $0x40, s6;
	[tilespmem:s1+$0xFFFFFFE0] =	vst v2  }
0x139: {  	v10 =	vld [tilespmem:s4+$0x10];
	_ =	sdelay $0x2  }
0x13a: {  	v4 =	vld [tilespmem:s4+$0xFFFFFFF0]  }
0x13b: {  	v5 =	vld [tilespmem:s4+$0xFFFFFFE0]  }
0x13c: {  	v6 =	vld [tilespmem:s4+$0x0];
	v7 =	vand.u32 $0x7FFFFFFF, v10  }
0x13d: {  	v7 =	vsub.f32 $0.0e+00, v7;
	_ =	sdelay $0x1  }
0x13e: {  	v8 =	vand.u32 $0x7FFFFFFF, v4;
	v7 =	vmul.f32 $1.442695020e+00, v7  }
0x13f: {  	v9 =	vand.u32 $0x7FFFFFFF, v5;
	v8 =	vsub.f32 $0.0e+00, v8  }
0x140: {  	v11 =	vand.u32 $0x7FFFFFFF, v6;
	v9 =	vsub.f32 $0.0e+00, v9;
	(erf) = vpow2.f32 v7  }
0x141: {  	v7 =	vmul.f32 $1.442695020e+00, v8;
	v8 =	vsub.f32 $0.0e+00, v11  }
0x142: {  	v9 =	vmul.f32 $1.442695020e+00, v9  }
0x143: {  	v8 =	vmul.f32 $1.442695020e+00, v8;
	(erf) = vpow2.f32 v7  }
0x144: {  	(erf) = vpow2.f32 v9  }
0x145: {  	(erf) = vpow2.f32 v8;
	_ =	sdelay $0x3  }
0x146: {  	v7 =	vpop (erf)  }
0x147: {  	v8 =	vadd.f32 $1.000000000e+00, v7;
	_ =	sdelay $0x1  }
0x148: {  	v9 =	vpop (erf);
	(erf) = vrcp.f32 v8  }
0x149: {  	v8 =	vadd.f32 $1.000000000e+00, v9;
	v11 =	vpop (erf)  }
0x14a: {  	v12 =	vadd.f32 $1.000000000e+00, v11;
	v13 =	vpop (erf)  }
0x14b: {  	v14 =	vadd.f32 $1.000000000e+00, v13;
	(erf) = vrcp.f32 v8  }
0x14c: {  	(erf) = vrcp.f32 v12  }
0x14d: {  	(erf) = vrcp.f32 v14;
	_ =	sdelay $0x2  }
0x14e: {  	v7 =	vsub.f32 $1.000000000e+00, v7  }
0x14f: {  	v8 =	vpop (erf)  }
0x150: {  	v7 =	vmul.f32 v8, v7  }
0x151: {  	vm3 =	vlt.f32 v5, $0.0e+00;
	vm2 =	vlt.f32 v4, $0.0e+00;
	v4 =	vsub.f32 $1.000000000e+00, v9  }
0x152: {  	vm0 =	vlt.f32 v6, $0.0e+00;
	v5 =	vsub.f32 $1.000000000e+00, v11;
	v6 =	vpop (erf);
	v7 =	vadd.f32 $9.999999710e-10, v7  }
0x153: {  	v8 =	vsub.f32 $1.000000000e+00, v13;
	v4 =	vmul.f32 v6, v4;
	v6 =	vpop (erf)  }
0x154: {  	v5 =	vmul.f32 v6, v5;
	v6 =	vpop (erf);
	v9 =	vand.u32 $0x7FFFFF, v7  }
0x155: {  	v11 =	vadd.f32 $9.999999710e-10, v4;
	v4 =	vmul.f32 v6, v8;
	v6 =	vor.u32 $0x3F800000, v9  }
0x156: {  	v8 =	vmul.f32 $5.000000000e-01, v6  }
0x157: {  	vm1 =	vgt.f32 v6, $1.414213540e+00  }
0x158: {  	v17 =	vsel vm3, $0x3F800000, v2;
	v5 =	vadd.f32 $9.999999710e-10, v5;
	v6 =	vsel vm1, v8, v6  }
0x159: {  	v12 =	vsel vm3, $0x2000, v3;
	v9 =	vand.u32 $0x7FFFFF, v11;
	v14 =	vadd.f32 $1.000000000e+00, v6  }
0x15a: {  	v13 =	vadd.f32 $9.999999710e-10, v4;
	v4 =	vand.u32 $0x7FFFFF, v5;
	v9 =	vor.u32 $0x3F800000, v9  }
0x15b: {  	v5 =	vshrl.u32 v5, $0x17;
	v4 =	vor.u32 $0x3F800000, v4;
	(erf) = vrcp.f32 v14  }
0x15c: {  	v8 =	vand.u32 $0x7FFFFF, v13;
	v19 =	vmul.f32 $5.000000000e-01, v9;
	vm4 =	vgt.f32 v9, $1.414213540e+00  }
0x15d: {  	v15 =	vmul.f32 $5.000000000e-01, v4;
	v8 =	vor.u32 $0x3F800000, v8;
	vm3 =	vgt.f32 v4, $1.414213540e+00  }
0x15e: {  	v21 =	vsel vm4, $0x1, v3;
	v6 =	vadd.f32 $-1.000000000e+00, v6;
	v20 =	vmul.f32 $5.000000000e-01, v8  }
0x15f: {  	vm5 =	vgt.f32 v8, $1.414213540e+00;
	v9 =	vsel vm4, v19, v9;
	v4 =	vsel vm3, v15, v4  }
0x160: {  	v14 =	vsel vm3, $0x1, v3;
	v19 =	vadd.f32 $1.000000000e+00, v9;
	v23 =	vadd.f32 $-1.000000000e+00, v9  }
0x161: {  	s1 =	simm.s32 $0x60;
	v9 =	vshrl.u32 v11, $0x17;
	v11 =	vshrl.u32 v13, $0x17;
	v8 =	vsel vm5, v20, v8  }
0x162: {  	v15 =	vadd.f32 $1.000000000e+00, v4;
	v20 =	vadd.f32 $-1.000000000e+00, v4;
	v4 =	vld [tilespmem:s1+$0x10];
	v5 =	vadd.s32 v14, v5  }
0x163: {  	v22 =	vadd.f32 $1.000000000e+00, v8;
	v24 =	vadd.f32 $-1.000000000e+00, v8;
	v8 =	vsel vm5, $0x1, v3  }
0x164: {  	v13 =	vld [tilespmem:s1+$0xFFFFFFF0];
	v9 =	vadd.s32 v21, v9;
	v5 =	vadd.s32 $0xFFFFFF81, v5;
	v8 =	vadd.s32 v8, v11;
	v11 =	vpop (erf)  }
0x165: {  	v14 =	vld [tilespmem:s1+$0x0];
	v9 =	vadd.s32 $0xFFFFFF81, v9;
	(erf) = vrcp.f32 v15;
	v11 =	vmul.f32 v11, v6  }
0x166: {  	v5 =	vcvt.s32.f32 v5;
	v15 =	vld [tilespmem:s1+$0xFFFFFFE0];
	(erf) = vrcp.f32 v19;
	v8 =	vadd.s32 $0xFFFFFF81, v8  }
0x167: {  	v6 =	vcvt.s32.f32 v9;
	v9 =	vand.u32 $0x7FFFFFFF, v4;
	v21 =	vmul.f32 v11, v11  }
0x168: {  	(erf) = vrcp.f32 v22;
	v19 =	vmul.f32 $6.931471820e-01, v5;
	v5 =	vsub.f32 $0.0e+00, v9  }
0x169: {  	v8 =	vcvt.s32.f32 v8;
	v22 =	vand.u32 $0x7FFFFFFF, v13;
	v25 =	vmul.f32 $2.857142980e-01, v21  }
0x16a: {  	v22 =	vsub.f32 $0.0e+00, v22;
	v26 =	vand.u32 $0x7FFFFFFF, v14;
	v5 =	vmul.f32 $1.442695020e+00, v5  }
0x16b: {  	v26 =	vsub.f32 $0.0e+00, v26;
	v27 =	vand.u32 $0x7FFFFFFF, v15;
	v25 =	vadd.f32 $4.000000060e-01, v25  }
0x16c: {  	v22 =	vmul.f32 $1.442695020e+00, v22;
	v27 =	vsub.f32 $0.0e+00, v27;
	(erf) = vpow2.f32 v5  }
0x16d: {  	vm3 =	vlt.f32 v15, $0.0e+00;
	v15 =	vmul.f32 $1.442695020e+00, v26;
	v25 =	vmul.f32 v25, v21  }
0x16e: {  	v18 =	vsel vm0, $0x2000, v3;
	v27 =	vmul.f32 $1.442695020e+00, v27;
	v9 =	vmul.f32 $6.931471820e-01, v6  }
0x16f: {  	v28 =	vpop (erf);
	v5 =	vsel vm0, $0x3F800000, v2;
	vm0 =	vlt.f32 v13, $0.0e+00;
	v13 =	vadd.f32 $6.666666860e-01, v25  }
0x170: {  	v16 =	vsel vm2, $0x2000, v3;
	v20 =	vmul.f32 v28, v20;
	(erf) = vpow2.f32 v22  }
0x171: {  	v7 =	vshrl.u32 v7, $0x17;
	v22 =	vpop (erf);
	(erf) = vpow2.f32 v27;
	v13 =	vmul.f32 v13, v21  }
0x172: {  	v22 =	vmul.f32 v22, v23;
	(erf) = vpow2.f32 v15;
	v25 =	vsel vm1, $0x1, v3  }
0x173: {  	v23 =	vmul.f32 v20, v20;
	v15 =	vpop (erf);
	v7 =	vadd.s32 v25, v7;
	v13 =	vadd.f32 $2.000000000e+00, v13  }
0x174: {  	v24 =	vmul.f32 v15, v24;
	v15 =	vmul.f32 v22, v22;
	v7 =	vadd.s32 $0xFFFFFF81, v7  }
0x175: {  	vm1 =	vlt.f32 v14, $0.0e+00;
	v21 =	vld [tilespmem:s0+$0x10];
	v7 =	vcvt.s32.f32 v7;
	v26 =	vpop (erf);
	v11 =	vmul.f32 v13, v11  }
0x176: {  	v14 =	vmul.f32 $2.857142980e-01, v23;
	v25 =	vmul.f32 v24, v24;
	v13 =	vadd.f32 $1.000000000e+00, v26  }
0x177: {  	v6 =	vsel vm2, $0x3F800000, v2;
	v46 =	vmul.f32 $2.857142980e-01, v15;
	v27 =	vmul.f32 $6.931471820e-01, v7  }
0x178: {  	vm2 =	vlt.f32 v10, $0.0e+00;
	v10 =	vadd.f32 $4.000000060e-01, v14;
	(erf) = vrcp.f32 v13  }
0x179: {  	v29 =	vmul.f32 $2.857142980e-01, v25;
	v28 =	vadd.f32 $4.000000060e-01, v46;
	v27 =	vadd.f32 v11, v27;
	v11 =	vpop (erf)  }
0x17a: {  	v30 =	vand.u32 $0x1FFF, v21;
	v21 =	vld [tilespmem:s0+$0xFFFFFFE0];
	v13 =	vadd.f32 $1.000000000e+00, v11;
	v14 =	vpop (erf);
	v47 =	vsub.f32 $1.000000000e+00, v11  }
0x17b: {  	v8 =	vmul.f32 $6.931471820e-01, v8;
	v11 =	vadd.f32 $4.000000060e-01, v29;
	v32 =	vadd.f32 $1.000000000e+00, v14;
	v33 =	vpop (erf)  }
0x17c: {  	v10 =	vmul.f32 v10, v23;
	v35 =	vadd.f32 $1.000000000e+00, v33;
	(erf) = vrcp.f32 v13  }
0x17d: {  	v31 =	vsel vm2, $0x2000, v3;
	v11 =	vmul.f32 v11, v25;
	(erf) = vrcp.f32 v32  }
0x17e: {  	v34 =	vld [tilespmem:s0+$0xFFFFFFF0];
	v28 =	vmul.f32 v28, v15;
	v10 =	vadd.f32 $6.666666860e-01, v10;
	(erf) = vrcp.f32 v35  }
0x17f: {  	v48 =	vsel vm2, $0x3F800000, v2;
	v7 =	vsel vm3, $0x2000, v3;
	v49 =	vand.u32 $0x1FFF, v21  }
0x180: {  	v21 =	vmul.f32 v10, v23;
	v23 =	vsub.f32 $1.000000000e+00, v26;
	v26 =	vadd.f32 $6.666666860e-01, v28;
	v13 =	vld [tilespmem:s0+$0x0]  }
0x181: {  	v31 =	vor.u32 v31, v30;
	v36 =	vsub.f32 $1.000000000e+00, v14;
	v50 =	vadd.f32 $6.666666860e-01, v11;
	v11 =	vpop (erf)  }
0x182: {  	v21 =	vadd.f32 $2.000000000e+00, v21;
	v26 =	vmul.f32 v26, v15;
	v23 =	vmul.f32 v11, v23  }
0x183: {  	v14 =	vand.u32 $0x1FFF, v34;
	v10 =	vsel vm0, $0x2000, v3;
	v33 =	vsub.f32 $1.000000000e+00, v33  }
0x184: {  	v51 =	vor.u32 v12, v49;
	v20 =	vmul.f32 v21, v20;
	v21 =	vadd.f32 $2.000000000e+00, v26  }
0x185: {  	v25 =	vmul.f32 v50, v25;
	v13 =	vand.u32 $0x1FFF, v13;
	v15 =	vadd.f32 $9.999999710e-10, v23;
	v12 =	vpop (erf)  }
0x186: {  	v11 =	vsel vm1, $0x2000, v3;
	v52 =	vadd.f32 v20, v19;
	v21 =	vmul.f32 v21, v22;
	v23 =	vpop (erf)  }
0x187: {  	v25 =	vadd.f32 $2.000000000e+00, v25;
	v19 =	vand.u32 $0x7FFFFF, v15;
	v12 =	vmul.f32 v12, v47;
	v26 =	vpop (erf)  }
0x188: {  	[tilespmem:s13+$0xFFFFFFE0] =	vst v52;
	v19 =	vor.u32 $0x3F800000, v19;
	v23 =	vmul.f32 v23, v36;
	v22 =	vmul.f32 v26, v33  }
0x189: {  	v20 =	vmul.f32 v25, v24;
	[tilespmem:s0+$0xFFFFFFE0] =	vst v51;
	v26 =	vadd.f32 $9.999999710e-10, v12;
	v12 =	vmul.f32 $5.000000000e-01, v19  }
0x18a: {  	[tilespmem:v49+s29+$0x0] =	vst.idx.add.f32.msk $0xffff, v52;
	vm2 =	vgt.f32 v19, $1.414213540e+00;
	v53 =	vadd.f32 $9.999999710e-10, v23;
	v25 =	vadd.f32 $9.999999710e-10, v22  }
0x18b: {  	[tilespmem:v49+s31+$0x0] =	vst.idx.add.f32.msk $0xffff, v17;
	v22 =	vand.u32 $0x7FFFFF, v26;
	v23 =	vsel vm2, v12, v19;
	v17 =	vshrl.u32 v26, $0x17  }
0x18c: {  	v24 =	vand.u32 $0x7FFFFF, v53;
	v22 =	vor.u32 $0x3F800000, v22;
	v61 =	vshrl.u32 v53, $0x17  }
0x18d: {  	v12 =	vor.u32 $0x3F800000, v24;
	v19 =	vand.u32 $0x7FFFFF, v25;
	v24 =	vadd.f32 $1.000000000e+00, v23  }
0x18e: {  	vm15 =	vgt.f32 v22, $1.414213540e+00;
	v63 =	vshrl.u32 v25, $0x17;
	v54 =	vmul.f32 $5.000000000e-01, v12  }
0x18f: {  	v55 =	vor.u32 $0x3F800000, v19;
	vm14 =	vgt.f32 v12, $1.414213540e+00;
	v19 =	vmul.f32 $5.000000000e-01, v22  }
0x190: {  	v59 =	vsel vm15, $0x1, v3;
	(erf) = vrcp.f32 v24;
	v24 =	vmul.f32 $5.000000000e-01, v55  }
0x191: {  	v56 =	vsel vm14, v54, v12;
	v12 =	vsel vm3, $0x3F800000, v2;
	v22 =	vsel vm15, v19, v22  }
0x192: {  	[tilespmem:s13+$0x10] =	vst v27;
	vm3 =	vgt.f32 v55, $1.414213540e+00;
	v19 =	vor.u32 v16, v14;
	v57 =	vadd.f32 $1.000000000e+00, v56  }
0x193: {  	[tilespmem:s0+$0x10] =	vst v31;
	v16 =	vor.u32 v18, v13;
	v18 =	vsel vm3, v24, v55;
	v58 =	vadd.f32 $1.000000000e+00, v22  }
0x194: {  	[tilespmem:v30+s29+$0x0] =	vst.idx.add.f32.msk $0xffff, v27;
	v27 =	vsel vm14, $0x1, v3;
	v60 =	vadd.f32 $1.000000000e+00, v18;
	(erf) = vrcp.f32 v57  }
0x195: {  	v25 =	vadd.s32 v59, v17;
	v26 =	vadd.s32 v27, v61;
	(erf) = vrcp.f32 v58  }
0x196: {  	v24 =	vadd.f32 $-1.000000000e+00, v56;
	v62 =	vsel vm3, $0x1, v3;
	(erf) = vrcp.f32 v60  }
0x197: {  	s4 =	simm.s32 $0x4;
	s21 =	simm.s32 $0xA0;
	[tilespmem:v30+s31+$0x0] =	vst.idx.add.f32.msk $0xffff, v48;
	v22 =	vadd.f32 $-1.000000000e+00, v22;
	v18 =	vadd.f32 $-1.000000000e+00, v18;
	v17 =	vadd.s32 v62, v63  }
.LBB2_11:
0x198: {  	v27 =	vld [tilespmem:s21+$0x10];
	v26 =	vadd.s32 $0xFFFFFF81, v26;
	v25 =	vadd.s32 $0xFFFFFF81, v25;
	v23 =	vadd.f32 $-1.000000000e+00, v23  }
0x199: {  	v17 =	vadd.s32 $0xFFFFFF81, v17;
	v28 =	vld [tilespmem:s21+$0xFFFFFFF0];
	v26 =	vcvt.s32.f32 v26;
	v25 =	vcvt.s32.f32 v25;
	v29 =	vpop (erf)  }
0x19a: {  	v21 =	vadd.f32 v21, v9;
	v31 =	vcvt.s32.f32 v17;
	v30 =	vld [tilespmem:s21+$0x0];
	v23 =	vmul.f32 v29, v23  }
0x19b: {  	s4 =	sadd.s32 $0x4, s4;
	v29 =	vld [tilespmem:s21+$0xFFFFFFE0];
	v17 =	vmul.f32 $6.931471820e-01, v26;
	v9 =	vmul.f32 $6.931471820e-01, v25;
	v25 =	vadd.f32 v20, v8  }
0x19c: {  	p0 =	slt.u32 s4, $0x3FC;
	v26 =	vsel vm0, $0x3F800000, v2;
	v8 =	vmul.f32 $6.931471820e-01, v31;
	v31 =	vmul.f32 v23, v23;
	[tilespmem:s13+$0xFFFFFFF0] =	vst v21  }
0x19d: {  	v32 =	vsel vm1, $0x3F800000, v2;
	v20 =	vand.u32 $0x7FFFFFFF, v27;
	v33 =	vpop (erf);
	[tilespmem:s0+$0xFFFFFFF0] =	vst v19  }
0x19e: {  	v19 =	vand.u32 $0x7FFFFFFF, v28;
	v34 =	vsub.f32 $0.0e+00, v20;
	v35 =	vmul.f32 $2.857142980e-01, v31;
	v36 =	vpop (erf);
	[tilespmem:v14+s29+$0x0] =	vst.idx.add.f32.msk $0xffff, v21  }
0x19f: {  	v20 =	vmul.f32 v33, v24;
	v19 =	vsub.f32 $0.0e+00, v19;
	v21 =	vand.u32 $0x7FFFFFFF, v30;
	v24 =	vpop (erf);
	[tilespmem:v14+s31+$0x0] =	vst.idx.add.f32.msk $0xffff, v6  }
0x1a0: {  	v6 =	vmovc v26;
	v14 =	vand.u32 $0x7FFFFFFF, v29;
	v33 =	vmul.f32 $1.442695020e+00, v34;
	v34 =	vadd.f32 $4.000000060e-01, v35;
	[tilespmem:s13+$0x0] =	vst v25  }
0x1a1: {  	v21 =	vsub.f32 $0.0e+00, v21;
	v14 =	vsub.f32 $0.0e+00, v14;
	v19 =	vmul.f32 $1.442695020e+00, v19;
	[tilespmem:s0+$0x0] =	vst v16  }
0x1a2: {  	vm3 =	vlt.f32 v29, $0.0e+00;
	(erf) = vpow2.f32 v33;
	v16 =	vmul.f32 v34, v31;
	[tilespmem:v13+s29+$0x0] =	vst.idx.add.f32.msk $0xffff, v25  }
0x1a3: {  	vm0 =	vlt.f32 v28, $0.0e+00;
	v21 =	vmul.f32 $1.442695020e+00, v21;
	v14 =	vmul.f32 $1.442695020e+00, v14;
	[tilespmem:v13+s31+$0x0] =	vst.idx.add.f32.msk $0xffff, v5;
	v5 =	vmovc v32  }
0x1a4: {  	v22 =	vmul.f32 v36, v22;
	(erf) = vpow2.f32 v19;
	v13 =	vadd.f32 $6.666666860e-01, v16  }
0x1a5: {  	s0 =	sadd.s32 $0x40, s0;
	(erf) = vpow2.f32 v14;
	v14 =	vshrl.u32 v15, $0x17;
	v15 =	vsel vm2, $0x1, v3  }
0x1a6: {  	(erf) = vpow2.f32 v21;
	v16 =	vld [tilespmem:s0+$0x10];
	v14 =	vadd.s32 v15, v14;
	v13 =	vmul.f32 v13, v31  }
0x1a7: {  	v18 =	vmul.f32 v24, v18;
	v19 =	vmul.f32 v20, v20;
	v15 =	vld [tilespmem:s0+$0xFFFFFFE0];
	v14 =	vadd.s32 $0xFFFFFF81, v14  }
0x1a8: {  	v24 =	vmul.f32 v22, v22;
	v21 =	vld [tilespmem:s0+$0xFFFFFFF0];
	v13 =	vadd.f32 $2.000000000e+00, v13;
	v14 =	vcvt.s32.f32 v14  }
0x1a9: {  	vm1 =	vlt.f32 v30, $0.0e+00;
	v28 =	vmul.f32 v18, v18;
	v25 =	vmul.f32 $2.857142980e-01, v19;
	v26 =	vld [tilespmem:s0+$0x0]  }
0x1aa: {  	v29 =	vsel vm3, $0x2000, v3;
	v33 =	vmul.f32 $6.931471820e-01, v14;
	v13 =	vmul.f32 v13, v23  }
0x1ab: {  	v30 =	vmul.f32 $2.857142980e-01, v24;
	v31 =	vmul.f32 $2.857142980e-01, v28;
	v23 =	vpop (erf);
	v16 =	vand.u32 $0x1FFF, v16  }
0x1ac: {  	vm2 =	vlt.f32 v4, $0.0e+00;
	v4 =	vmovc v27;
	v32 =	vadd.f32 $1.000000000e+00, v23;
	v13 =	vadd.f32 v13, v33  }
0x1ad: {  	s13 =	sadd.s32 $0x40, s13;
	v27 =	vadd.f32 $4.000000060e-01, v30;
	v30 =	vsel vm2, $0x2000, v3;
	v25 =	vadd.f32 $4.000000060e-01, v25;
	v14 =	vpop (erf)  }
0x1ae: {  	v30 =	vor.u32 v30, v16;
	v33 =	vadd.f32 $1.000000000e+00, v14;
	v34 =	vpop (erf);
	(erf) = vrcp.f32 v32;
	[tilespmem:s13+$0x10] =	vst v13  }
0x1af: {  	v25 =	vmul.f32 v25, v19;
	v32 =	vsub.f32 $1.000000000e+00, v34;
	v34 =	vadd.f32 $1.000000000e+00, v34;
	v35 =	vpop (erf);
	[tilespmem:s0+$0x10] =	vst v30  }
0x1b0: {  	v30 =	vadd.f32 $1.000000000e+00, v35;
	(erf) = vrcp.f32 v33;
	v33 =	vsel vm2, $0x3F800000, v2;
	[tilespmem:v16+s29+$0x0] =	vst.idx.add.f32.msk $0xffff, v13  }
0x1b1: {  	v36 =	vsub.f32 $1.000000000e+00, v14;
	v35 =	vsub.f32 $1.000000000e+00, v35;
	(erf) = vrcp.f32 v34;
	[tilespmem:v16+s31+$0x0] =	vst.idx.add.f32.msk $0xffff, v33  }
0x1b2: {  	v13 =	vmul.f32 v27, v24;
	v16 =	vadd.f32 $4.000000060e-01, v31;
	(erf) = vrcp.f32 v30  }
0x1b3: {  	v14 =	vand.u32 $0x1FFF, v21;
	v27 =	vand.u32 $0x1FFF, v15;
	v15 =	vadd.f32 $6.666666860e-01, v25  }
0x1b4: {  	v21 =	vadd.f32 $6.666666860e-01, v13;
	v13 =	vand.u32 $0x1FFF, v26;
	v16 =	vmul.f32 v16, v28  }
0x1b5: {  	v25 =	vsel vm0, $0x2000, v3;
	v26 =	vsel vm1, $0x2000, v3;
	v15 =	vmul.f32 v15, v19  }
0x1b6: {  	v23 =	vsub.f32 $1.000000000e+00, v23;
	v21 =	vmul.f32 v21, v24;
	v16 =	vadd.f32 $6.666666860e-01, v16  }
0x1b7: {  	v30 =	vor.u32 v7, v27;
	v19 =	vor.u32 v10, v14;
	v15 =	vadd.f32 $2.000000000e+00, v15;
	v24 =	vpop (erf)  }
0x1b8: {  	v7 =	vmovc v29;
	v10 =	vmovc v25;
	v21 =	vadd.f32 $2.000000000e+00, v21;
	v31 =	vmul.f32 v24, v23;
	v24 =	vmul.f32 v16, v28  }
0x1b9: {  	v25 =	vsel vm3, $0x3F800000, v2;
	v20 =	vmul.f32 v15, v20;
	v16 =	vor.u32 v11, v13;
	v28 =	vpop (erf)  }
0x1ba: {  	v33 =	vmul.f32 v28, v36;
	v15 =	vadd.f32 $9.999999710e-10, v31;
	v23 =	vpop (erf);
	v24 =	vadd.f32 $2.000000000e+00, v24  }
0x1bb: {  	v17 =	vadd.f32 v20, v17;
	v21 =	vmul.f32 v21, v22;
	v23 =	vmul.f32 v23, v32;
	v28 =	vpop (erf)  }
0x1bc: {  	v11 =	vmovc v26;
	v29 =	vadd.f32 $9.999999710e-10, v33;
	v22 =	vmul.f32 v28, v35;
	v20 =	vand.u32 $0x7FFFFF, v15  }
0x1bd: {  	v26 =	vadd.f32 $9.999999710e-10, v23;
	v23 =	vor.u32 $0x3F800000, v20;
	[tilespmem:s13+$0xFFFFFFE0] =	vst v17;
	v20 =	vmul.f32 v24, v18  }
0x1be: {  	v18 =	vand.u32 $0x7FFFFF, v29;
	v28 =	vadd.f32 $9.999999710e-10, v22;
	v22 =	vmul.f32 $5.000000000e-01, v23;
	[tilespmem:s0+$0xFFFFFFE0] =	vst v30  }
0x1bf: {  	vm2 =	vgt.f32 v23, $1.414213540e+00;
	v24 =	vand.u32 $0x7FFFFF, v26;
	v18 =	vor.u32 $0x3F800000, v18;
	[tilespmem:v27+s29+$0x0] =	vst.idx.add.f32.msk $0xffff, v17  }
0x1c0: {  	v17 =	vor.u32 $0x3F800000, v24;
	v24 =	vand.u32 $0x7FFFFF, v28;
	v23 =	vsel vm2, v22, v23;
	[tilespmem:v27+s31+$0x0] =	vst.idx.add.f32.msk $0xffff, v12;
	v12 =	vmovc v25  }
0x1c1: {  	v22 =	vmul.f32 $5.000000000e-01, v17;
	v24 =	vor.u32 $0x3F800000, v24;
	v25 =	vadd.f32 $1.000000000e+00, v23  }
0x1c2: {  	v27 =	vmul.f32 $5.000000000e-01, v18;
	vm3 =	vgt.f32 v17, $1.414213540e+00;
	v30 =	vmul.f32 $5.000000000e-01, v24  }
0x1c3: {  	vm4 =	vgt.f32 v18, $1.414213540e+00;
	vm5 =	vgt.f32 v24, $1.414213540e+00;
	(erf) = vrcp.f32 v25  }
0x1c4: {  	v18 =	vsel vm4, v27, v18;
	v17 =	vsel vm3, v22, v17;
	v25 =	vsel vm5, v30, v24  }
0x1c5: {  	v27 =	vsel vm3, $0x1, v3;
	v31 =	vadd.f32 $1.000000000e+00, v18;
	v30 =	vadd.f32 $1.000000000e+00, v17  }
.Ltmp4:
0x1c6: {  	v24 =	vadd.f32 $-1.000000000e+00, v17;
	v17 =	vsel vm4, $0x1, v3;
	v32 =	vadd.f32 $1.000000000e+00, v25;
	(pc) =	sbr.rel @p0 .LBB2_11-.Ltmp4, $4  }
0x1c7: {  	v22 =	vadd.f32 $-1.000000000e+00, v18;
	v18 =	vadd.f32 $-1.000000000e+00, v25;
	(erf) = vrcp.f32 v30  }
0x1c8: {  	v25 =	vshrl.u32 v26, $0x17;
	v30 =	vsel vm5, $0x1, v3;
	(erf) = vrcp.f32 v31  }
0x1c9: {  	v29 =	vshrl.u32 v29, $0x17;
	v28 =	vshrl.u32 v28, $0x17;
	(erf) = vrcp.f32 v32  }
0x1ca: {  	s21 =	sadd.s32 $0x40, s21;
	v26 =	vadd.s32 v27, v25;
	v25 =	vadd.s32 v17, v29;
	v17 =	vadd.s32 v30, v28  }
0x1cb: {  	v23 =	vadd.f32 $-1.000000000e+00, v23  }
0x1cc: {  	v27 =	vpop (erf)  }
0x1cd: {  	v23 =	vmul.f32 v27, v23;
	_ =	sdelay $0x1  }
0x1ce: {  	v27 =	vmul.f32 v23, v23;
	_ =	sdelay $0x1  }
0x1cf: {  	v28 =	vmul.f32 $2.857142980e-01, v27  }
0x1d0: {  	v29 =	vpop (erf)  }
0x1d1: {  	v24 =	vmul.f32 v29, v24;
	v28 =	vadd.f32 $4.000000060e-01, v28  }
0x1d2: {  	v15 =	vshrl.u32 v15, $0x17  }
0x1d3: {  	v56 =	vsel vm2, $0x1, v3;
	v30 =	vmul.f32 v24, v24;
	v28 =	vmul.f32 v28, v27  }
0x1d4: {  	v15 =	vadd.s32 v56, v15;
	v55 =	vpop (erf)  }
0x1d5: {  	v22 =	vmul.f32 v55, v22;
	v31 =	vmul.f32 $2.857142980e-01, v30;
	v28 =	vadd.f32 $6.666666860e-01, v28  }
0x1d6: {  	v9 =	vadd.f32 v21, v9;
	v15 =	vadd.s32 $0xFFFFFF81, v15  }
0x1d7: {  	v57 =	vmul.f32 v22, v22;
	v58 =	vadd.f32 $4.000000060e-01, v31;
	v21 =	vmul.f32 v28, v27;
	v27 =	vpop (erf)  }
0x1d8: {  	v26 =	vadd.s32 $0xFFFFFF81, v26;
	s1 =	sadd.s32 $0x40, s0;
	v15 =	vcvt.s32.f32 v15;
	v18 =	vmul.f32 v27, v18  }
0x1d9: {  	v8 =	vadd.f32 v20, v8;
	v20 =	vld [tilespmem:s1+$0x10];
	[tilespmem:s13+$0xFFFFFFF0] =	vst v9;
	v29 =	vmul.f32 v58, v30;
	v27 =	vmul.f32 $2.857142980e-01, v57  }
0x1da: {  	v26 =	vcvt.s32.f32 v26;
	[tilespmem:s0+$0xFFFFFFF0] =	vst v19;
	v19 =	vadd.f32 $2.000000000e+00, v21;
	v21 =	vmul.f32 v18, v18  }
0x1db: {  	[tilespmem:v14+s29+$0x0] =	vst.idx.add.f32.msk $0xffff, v9;
	v9 =	vmul.f32 $6.931471820e-01, v15;
	v15 =	vadd.f32 $4.000000060e-01, v27;
	v27 =	vadd.f32 $6.666666860e-01, v29  }
0x1dc: {  	[tilespmem:v14+s31+$0x0] =	vst.idx.add.f32.msk $0xffff, v6;
	v6 =	vmul.f32 v19, v23;
	v14 =	vmul.f32 $2.857142980e-01, v21  }
0x1dd: {  	[tilespmem:s13+$0x0] =	vst v8;
	v19 =	vadd.s32 $0xFFFFFF81, v25;
	v23 =	vld [tilespmem:s1+$0xFFFFFFE0];
	v15 =	vmul.f32 v15, v57;
	v25 =	vmul.f32 v27, v30  }
0x1de: {  	[tilespmem:s0+$0x0] =	vst v16;
	v16 =	vand.u32 $0x1FFF, v20;
	v6 =	vadd.f32 v6, v9;
	v9 =	vadd.f32 $4.000000060e-01, v14  }
0x1df: {  	vm15 =	vlt.f32 v4, $0.0e+00;
	[tilespmem:v13+s29+$0x0] =	vst.idx.add.f32.msk $0xffff, v8;
	v4 =	vadd.f32 $6.666666860e-01, v15;
	v8 =	vadd.f32 $2.000000000e+00, v25  }
0x1e0: {  	s7 =	sadd.s32 $0x40, s13;
	[tilespmem:v13+s31+$0x0] =	vst.idx.add.f32.msk $0xffff, v5;
	v5 =	vsel vm15, $0x2000, v3;
	v14 =	vmul.f32 $6.931471820e-01, v26;
	v9 =	vmul.f32 v9, v21  }
0x1e1: {  	v13 =	vld [tilespmem:s1+$0xFFFFFFF0];
	v5 =	vor.u32 v5, v16;
	[tilespmem:s7+$0x10] =	vst v6;
	v4 =	vmul.f32 v4, v57;
	v8 =	vmul.f32 v8, v24  }
0x1e2: {  	v15 =	vcvt.s32.f32 v19;
	[tilespmem:s1+$0x10] =	vst v5;
	v5 =	vand.u32 $0x1FFF, v23;
	v9 =	vadd.f32 $6.666666860e-01, v9  }
0x1e3: {  	v19 =	vsel vm15, $0x3F800000, v2;
	[tilespmem:v16+s29+$0x0] =	vst.idx.add.f32.msk $0xffff, v6;
	v4 =	vadd.f32 $2.000000000e+00, v4;
	v6 =	vadd.f32 v8, v14  }
0x1e4: {  	v8 =	vmul.f32 $6.931471820e-01, v15;
	[tilespmem:v16+s31+$0x0] =	vst.idx.add.f32.msk $0xffff, v19  }
0x1e5: {  	v7 =	vor.u32 v7, v5;
	v14 =	vld [tilespmem:s1+$0x0];
	v9 =	vmul.f32 v9, v21;
	v4 =	vmul.f32 v4, v22;
	[tilespmem:s7+$0xFFFFFFE0] =	vst v6  }
0x1e6: {  	v13 =	vand.u32 $0x1FFF, v13;
	v15 =	vadd.s32 $0xFFFFFF81, v17;
	[tilespmem:s1+$0xFFFFFFE0] =	vst v7  }
0x1e7: {  	v7 =	vcvt.s32.f32 v15;
	v9 =	vadd.f32 $2.000000000e+00, v9;
	[tilespmem:v5+s29+$0x0] =	vst.idx.add.f32.msk $0xffff, v6;
	v4 =	vadd.f32 v4, v8  }
0x1e8: {  	[tilespmem:v5+s31+$0x0] =	vst.idx.add.f32.msk $0xffff, v12  }
0x1e9: {  	v6 =	vor.u32 v10, v13;
	v5 =	vmul.f32 $6.931471820e-01, v7;
	v7 =	vmul.f32 v9, v18;
	[tilespmem:s7+$0xFFFFFFF0] =	vst v4  }
0x1ea: {  	v8 =	vand.u32 $0x1FFF, v14;
	[tilespmem:s1+$0xFFFFFFF0] =	vst v6  }
0x1eb: {  	v6 =	vsel vm0, $0x3F800000, v2;
	v5 =	vadd.f32 v7, v5;
	[tilespmem:v13+s29+$0x0] =	vst.idx.add.f32.msk $0xffff, v4  }
0x1ec: {  	[tilespmem:v13+s31+$0x0] =	vst.idx.add.f32.msk $0xffff, v6  }
0x1ed: {  	v4 =	vor.u32 v11, v8;
	[tilespmem:s7+$0x0] =	vst v5  }
0x1ee: {  	[tilespmem:s1+$0x0] =	vst v4  }
0x1ef: {  	v4 =	vsel vm1, $0x3F800000, v2;
	[tilespmem:v8+s29+$0x0] =	vst.idx.add.f32.msk $0xffff, v5  }
0x1f0: {  	[tilespmem:v8+s31+$0x0] =	vst.idx.add.f32.msk $0xffff, v4  }
0x1f1: {  	s0 =	rddreg [dreg:$0xa]  }
0x1f2: {  	[spmem:s0] =	stream.strided.scatter [tilespmem:s29], [sflag:$0x2], $0x2000, s14, s8, $0x38;
	[tilespmem:$0x1E880] =	vst v63  }
0x1f3: {  	_ =	swait.ge [sflag:s22], $0x2000  }
0x1f4: {  	[sflag:s22] =	ssyncset.done $0x0  }
0x1f5: {  	s9 =	rddreg [dreg:$0xc];
	[sflag:s22] =	ssyncadd.s32 $0xFFFFE000  }
0x1f6: {  	[spmem:s9] =	stream.strided.scatter [tilespmem:s31], [sflag:$0x2], $0x2000, s14, s8, $0x38;
	[tilespmem:$0x1E880] =	vst v63  }
0x1f7: {  	_ =	swait.ge [sflag:s22], $0x2000  }
0x1f8: {  	[sflag:s22] =	ssyncset.done $0x0  }
0x1f9: {  	[sflag:s22] =	ssyncadd.s32 $0xFFFFE000  }
0x1fa: {  	s11 =	simm.s32 $0x400;
	s3 =	simm.s32 $0x4000;
	[bflag:$0x0] =	sbarrier.arrive $0xFFFF  }
0x1fb: {  	s4 =	simm.s32 $0x15400;
	s30 =	simm.s32 $0x0;
	s10 =	rddreg [dreg:$0xd]  }
0x1fc: {  	[tilespmem:s4], [sflag:$0x2] =	stream.strided.gather [spmem:s10], $0x4000, s3, s11, $0x38;
	[tilespmem:$0x1E880] =	vst v63  }
0x1fd: {  	s4 =	sand.u32 $0x60, s30;
	_ =	swait.ge [sflag:s22], $0x4000  }
0x1fe: {  	s1 =	sand.u32 $0x300, s30;
	s5 =	sor.u32 $0x10, s4;
	[sflag:s22] =	ssyncset.done $0x0  }
0x1ff: {  	s6 =	sor.u32 $0x15880, s1;
	s0 =	sor.u32 s1, s5;
	[sflag:s22] =	ssyncadd.s32 $0xFFFFC000  }
0x200: {  	s7 =	sor.u32 s5, s6;
	v4 =	vld [tilespmem:s0+$0x15480]  }
0x201: {  	s9 =	sor.u32 $0x15C80, s1;
	s6 =	sor.u32 s4, s6;
	v5 =	vld [tilespmem:s7+$0x0]  }
0x202: {  	s12 =	sor.u32 s5, s9;
	v9 =	vld [tilespmem:s6+$0x0]  }
0x203: {  	s14 =	sor.u32 $0x16080, s1;
	s13 =	sor.u32 s4, s1;
	v6 =	vld [tilespmem:s12+$0x0]  }
0x204: {  	s15 =	sor.u32 s5, s14;
	v10 =	vld [tilespmem:s13+$0x15480]  }
0x205: {  	s10 =	sor.u32 $0x16480, s1;
	s9 =	sor.u32 s4, s9;
	v7 =	vld [tilespmem:s15+$0x0]  }
0x206: {  	s17 =	sor.u32 $0x16880, s1;
	s16 =	sor.u32 s5, s10;
	v11 =	vld [tilespmem:s9+$0x0]  }
0x207: {  	s18 =	sor.u32 s5, s17;
	v8 =	vld [tilespmem:s16+$0x0]  }
0x208: {  	s20 =	sor.u32 $0x16C80, s1;
	s19 =	sor.u32 s4, s10;
	v12 =	vld [tilespmem:s18+$0x0]  }
0x209: {  	s21 =	sor.u32 s5, s20;
	v14 =	vld [tilespmem:s19+$0x0]  }
0x20a: {  	s24 =	sor.u32 $0x17080, s1;
	s23 =	sor.u32 s4, s17;
	v15 =	vld [tilespmem:s21+$0x0]  }
0x20b: {  	s25 =	sor.u32 s5, s24;
	v16 =	vld [tilespmem:s23+$0x0]  }
0x20c: {  	s3 =	sor.u32 s4, s20;
	v17 =	vld [tilespmem:s25+$0x0]  }
0x20d: {  	s8 =	sor.u32 $0x17480, s1;
	s7 =	sor.u32 s4, s14;
	v18 =	vld [tilespmem:s3+$0x0]  }
0x20e: {  	s11 =	sor.u32 $0x17C80, s1;
	s12 =	sor.u32 s5, s8;
	v13 =	vld [tilespmem:s7+$0x0]  }
0x20f: {  	s16 =	sor.u32 s5, s11;
	v19 =	vld [tilespmem:s12+$0x0]  }
0x210: {  	s9 =	sor.u32 s4, s24;
	v21 =	vld [tilespmem:s16+$0x0]  }
0x211: {  	s18 =	sor.u32 s4, s8;
	v22 =	vld [tilespmem:s9+$0x0]  }
0x212: {  	s20 =	sor.u32 $0x18C80, s1;
	s25 =	sor.u32 s4, s11;
	v24 =	vld [tilespmem:s18+$0x0]  }
0x213: {  	s14 =	sor.u32 $0x17880, s1;
	s3 =	sor.u32 s5, s20;
	v59 =	vld [tilespmem:s25+$0x0]  }
0x214: {  	s19 =	sor.u32 $0x18480, s1;
	s15 =	sor.u32 s5, s14;
	v60 =	vld [tilespmem:s3+$0x0];
	v4 =	vadd.f32 v5, v4  }
0x215: {  	s21 =	sor.u32 s5, s19;
	v20 =	vld [tilespmem:s15+$0x0]  }
0x216: {  	s23 =	sor.u32 $0x18880, s1;
	s7 =	sor.u32 s4, s14;
	v25 =	vld [tilespmem:s21+$0x0];
	v4 =	vadd.f32 v6, v4  }
0x217: {  	s24 =	sor.u32 s5, s23;
	v26 =	vld [tilespmem:s7+$0x0]  }
0x218: {  	s10 =	sor.u32 s4, s19;
	v27 =	vld [tilespmem:s24+$0x0];
	v4 =	vadd.f32 v7, v4  }
0x219: {  	s12 =	sor.u32 $0x18080, s1;
	s14 =	sor.u32 s4, s23;
	v32 =	vld [tilespmem:s10+$0x0]  }
0x21a: {  	s17 =	sor.u32 s5, s12;
	v33 =	vld [tilespmem:s14+$0x0];
	v4 =	vadd.f32 v8, v4  }
0x21b: {  	s6 =	sor.u32 $0x19080, s1;
	s8 =	sor.u32 s4, s12;
	v23 =	vld [tilespmem:s17+$0x0]  }
0x21c: {  	s12 =	sor.u32 s5, s6;
	s21 =	sor.u32 $0x18800, s1;
	v61 =	vld [tilespmem:s8+$0x0];
	v4 =	vadd.f32 v12, v4  }
0x21d: {  	s10 =	sor.u32 $0x18000, s1;
	v62 =	vld [tilespmem:s12+$0x0];
	s17 =	sor.u32 s5, s21  }
0x21e: {  	s9 =	sor.u32 $0x19000, s1;
	s19 =	sor.u32 s5, s10;
	v6 =	vld [tilespmem:s17+$0x0];
	v5 =	vadd.f32 v15, v4  }
0x21f: {  	s11 =	sor.u32 $0x17C00, s1;
	s15 =	sor.u32 s5, s9;
	v8 =	vld [tilespmem:s19+$0x0]  }
0x220: {  	s25 =	sor.u32 s5, s11;
	s12 =	sor.u32 $0x17800, s1;
	v4 =	vld [tilespmem:s15+$0x0];
	v7 =	vadd.f32 v17, v5  }
0x221: {  	s23 =	sor.u32 $0x18C00, s1;
	s28 =	sor.u32 s5, s12;
	v15 =	vadd.f32 v9, v10;
	v9 =	vld [tilespmem:s25+$0x0]  }
0x222: {  	s16 =	sor.u32 s5, s23;
	s14 =	sor.u32 $0x17400, s1;
	v10 =	vld [tilespmem:s28+$0x0];
	v12 =	vadd.f32 v19, v7  }
0x223: {  	s7 =	sor.u32 $0x18400, s1;
	s15 =	sor.u32 s5, s14;
	v5 =	vld [tilespmem:s16+$0x0]  }
0x224: {  	s18 =	sor.u32 s5, s7;
	s28 =	sor.u32 $0x16C00, s1;
	v15 =	vadd.f32 v11, v15;
	v11 =	vld [tilespmem:s15+$0x0];
	v12 =	vadd.f32 v20, v12  }
0x225: {  	s17 =	sor.u32 s5, s28;
	s15 =	sor.u32 $0x16800, s1;
	v7 =	vld [tilespmem:s18+$0x0]  }
0x226: {  	v13 =	vadd.f32 v13, v15;
	s18 =	sor.u32 s5, s15;
	v15 =	vld [tilespmem:s17+$0x0];
	v17 =	vadd.f32 v21, v12  }
0x227: {  	s24 =	sor.u32 $0x15C00, s1;
	s25 =	sor.u32 $0x17000, s1;
	v34 =	vld [tilespmem:s18+$0x0]  }
0x228: {  	s8 =	sor.u32 s5, s24;
	s16 =	sor.u32 s5, s25;
	v20 =	vld [tilespmem:s13+$0x15400];
	v17 =	vadd.f32 v23, v17  }
0x229: {  	s17 =	sor.u32 $0x16000, s1;
	v13 =	vadd.f32 v14, v13;
	v12 =	vld [tilespmem:s16+$0x0];
	s16 =	sor.u32 $0x16400, s1;
	s1 =	sor.u32 $0x15800, s1  }
0x22a: {  	s3 =	sor.u32 s5, s17;
	s19 =	sor.u32 s5, s16;
	s5 =	sor.u32 s5, s1;
	v23 =	vld [tilespmem:s8+$0x0];
	v14 =	vadd.f32 v25, v17  }
0x22b: {  	v13 =	vadd.f32 v16, v13;
	s1 =	sor.u32 s4, s1;
	v16 =	vld [tilespmem:s5+$0x0]  }
0x22c: {  	v19 =	vld [tilespmem:s1+$0x0];
	v14 =	vadd.f32 v27, v14  }
0x22d: {  	v13 =	vadd.f32 v18, v13;
	v18 =	vld [tilespmem:s0+$0x15400];
	s5 =	sor.u32 s4, s28  }
0x22e: {  	v21 =	vld [tilespmem:s5+$0x0];
	v14 =	vadd.f32 v60, v14  }
0x22f: {  	v25 =	vld [tilespmem:s19+$0x0];
	v13 =	vadd.f32 v22, v13  }
0x230: {  	s18 =	sor.u32 s4, s24;
	v17 =	vld [tilespmem:s3+$0x0];
	v14 =	vadd.f32 v62, v14  }
0x231: {  	v22 =	vld [tilespmem:s18+$0x0];
	s3 =	sor.u32 s4, s15;
	v13 =	vadd.f32 v24, v13  }
0x232: {  	s19 =	sor.u32 s4, s17;
	v63 =	vld [tilespmem:s3+$0x0];
	v14 =	vtrunc.f32 v14  }
0x233: {  	s24 =	sor.u32 s4, s16;
	v27 =	vld [tilespmem:s19+$0x0];
	v16 =	vadd.f32 v16, v18;
	v13 =	vadd.f32 v26, v13;
	v14 =	vcvt.f32.s32 v14  }
0x234: {  	s8 =	sor.u32 s4, s25;
	v24 =	vld [tilespmem:s24+$0x0];
	v18 =	vadd.f32 v19, v20  }
0x235: {  	s15 =	sor.u32 s4, s14;
	v20 =	vld [tilespmem:s8+$0x0];
	v16 =	vadd.f32 v23, v16;
	v13 =	vadd.f32 v59, v13;
	v14 =	vand.u32 $0x1, v14  }
0x236: {  	s16 =	sor.u32 s4, s12;
	v19 =	vld [tilespmem:s15+$0x0];
	v22 =	vadd.f32 v22, v18;
	v14 =	vcvt.s32.f32 v14  }
0x237: {  	s17 =	sor.u32 s4, s20;
	v18 =	vld [tilespmem:s16+$0x0];
	v16 =	vadd.f32 v17, v16;
	v13 =	vadd.f32 v61, v13  }
0x238: {  	s18 =	sor.u32 s4, s11;
	v23 =	vld [tilespmem:s17+$0x0];
	v26 =	vadd.f32 v27, v22;
	v14 =	vadd.f32 v14, v14  }
0x239: {  	s19 =	sor.u32 s4, s6;
	v17 =	vld [tilespmem:s18+$0x0];
	v25 =	vadd.f32 v25, v16;
	v13 =	vadd.f32 v32, v13  }
0x23a: {  	s24 =	sor.u32 s4, s7;
	v22 =	vld [tilespmem:s19+$0x0];
	v24 =	vadd.f32 v24, v26;
	v27 =	vsub.f32 $1.000000000e+00, v14  }
0x23b: {  	s28 =	sor.u32 s4, s21;
	s25 =	simm.s32 $0x0;
	s20 =	sor.u32 s4, s10;
	v25 =	vadd.f32 v34, v25;
	v16 =	vadd.f32 v33, v13;
	v13 =	vld [tilespmem:s24+$0x0]  }
0x23c: {  	s6 =	sor.u32 s4, s9;
	v24 =	vadd.f32 v63, v24;
	v14 =	vld [tilespmem:s20+$0x0];
	s20 =	sor.u32 s4, s23;
	s4 =	simm.s32 $0x20;
	[tilespmem:s0+$0x15080] =	vst v27  }
.LBB2_13:
0x23d: {  	s21 =	sand.u32 $0x60, s4;
	v26 =	vld [tilespmem:s28+$0x0];
	v16 =	vadd.f32 v23, v16;
	v15 =	vadd.f32 v15, v25;
	s30 =	sadd.s32 $0x40, s30  }
0x23e: {  	s25 =	sadd.s32 $0x2, s25;
	s23 =	sand.u32 $0x300, s30;
	s5 =	sor.u32 $0x10, s21;
	v21 =	vadd.f32 v21, v24;
	v23 =	vld [tilespmem:s20+$0x0]  }
0x23f: {  	p0 =	slt.u32 s25, $0x1E;
	s7 =	sor.u32 $0x15880, s23;
	s1 =	sor.u32 s23, s5;
	v24 =	vld [tilespmem:s6+$0x0];
	v16 =	vadd.f32 v22, v16;
	v12 =	vadd.f32 v12, v15  }
0x240: {  	s6 =	sor.u32 s21, s23;
	s9 =	sor.u32 s21, s7;
	v15 =	vld [tilespmem:s1+$0x15480];
	s7 =	sor.u32 s5, s7;
	v20 =	vadd.f32 v20, v21  }
0x241: {  	s10 =	sor.u32 $0x15C80, s23;
	v21 =	vld [tilespmem:s7+$0x0];
	v16 =	vtrunc.f32 v16;
	v11 =	vadd.f32 v11, v12  }
0x242: {  	s7 =	sor.u32 s21, s10;
	v12 =	vld [tilespmem:s9+$0x0];
	s9 =	sor.u32 s5, s10;
	v19 =	vadd.f32 v19, v20;
	v16 =	vcvt.f32.s32 v16  }
0x243: {  	s10 =	sor.u32 $0x16080, s23;
	v20 =	vld [tilespmem:s9+$0x0];
	v10 =	vadd.f32 v10, v11  }
0x244: {  	s9 =	sor.u32 s21, s10;
	s10 =	sor.u32 s5, s10;
	v11 =	vld [tilespmem:s6+$0x15480];
	v18 =	vadd.f32 v18, v19;
	v16 =	vand.u32 $0x1, v16  }
0x245: {  	s11 =	sor.u32 $0x16480, s23;
	v19 =	vld [tilespmem:s10+$0x0];
	v16 =	vcvt.s32.f32 v16;
	v9 =	vadd.f32 v9, v10  }
0x246: {  	s10 =	sor.u32 s5, s11;
	v10 =	vld [tilespmem:s7+$0x0];
	s7 =	sor.u32 s21, s11;
	v15 =	vadd.f32 v21, v15;
	v17 =	vadd.f32 v17, v18  }
0x247: {  	s11 =	sor.u32 $0x16880, s23;
	v18 =	vld [tilespmem:s10+$0x0];
	v16 =	vadd.f32 v16, v16;
	v8 =	vadd.f32 v8, v9  }
0x248: {  	s10 =	sor.u32 s5, s11;
	v9 =	vld [tilespmem:s9+$0x0];
	s9 =	sor.u32 s21, s11;
	v15 =	vadd.f32 v20, v15;
	v14 =	vadd.f32 v14, v17  }
0x249: {  	s11 =	sor.u32 $0x16C80, s23;
	v11 =	vadd.f32 v12, v11;
	v12 =	vld [tilespmem:s10+$0x0];
	v7 =	vadd.f32 v7, v8  }
0x24a: {  	s10 =	sor.u32 s5, s11;
	v8 =	vld [tilespmem:s7+$0x0];
	s7 =	sor.u32 s21, s11;
	v15 =	vadd.f32 v19, v15;
	v13 =	vadd.f32 v13, v14  }
0x24b: {  	s11 =	sor.u32 $0x17080, s23;
	v10 =	vadd.f32 v10, v11;
	v11 =	vld [tilespmem:s10+$0x0];
	v6 =	vadd.f32 v6, v7  }
0x24c: {  	s10 =	sor.u32 s5, s11;
	v7 =	vld [tilespmem:s9+$0x0];
	s9 =	sor.u32 s21, s11;
	v14 =	vadd.f32 v18, v15;
	v13 =	vadd.f32 v26, v13  }
0x24d: {  	s11 =	sor.u32 $0x17480, s23;
	v9 =	vadd.f32 v9, v10;
	v10 =	vld [tilespmem:s10+$0x0];
	v5 =	vadd.f32 v5, v6  }
0x24e: {  	s10 =	sor.u32 s5, s11;
	v6 =	vld [tilespmem:s7+$0x0];
	s7 =	sor.u32 s21, s11;
	v12 =	vadd.f32 v12, v14;
	v14 =	vadd.f32 v23, v13  }
0x24f: {  	v15 =	vsub.f32 $1.000000000e+00, v16;
	s11 =	sor.u32 $0x17880, s23;
	v8 =	vadd.f32 v8, v9;
	v9 =	vld [tilespmem:s10+$0x0]  }
0x250: {  	s10 =	sor.u32 s21, s11;
	s11 =	sor.u32 s5, s11;
	v13 =	vld [tilespmem:s1+$0x15400];
	v11 =	vadd.f32 v11, v12;
	v12 =	vadd.f32 v24, v14  }
0x251: {  	s12 =	sor.u32 $0x17C80, s23;
	v4 =	vadd.f32 v4, v5;
	v7 =	vadd.f32 v7, v8;
	v8 =	vld [tilespmem:s11+$0x0];
	[tilespmem:s13+$0x15080] =	vst v15  }
0x252: {  	s11 =	sor.u32 s21, s12;
	s12 =	sor.u32 s5, s12;
	v14 =	vld [tilespmem:s6+$0x15400];
	v5 =	vadd.f32 v10, v11;
	[tilespmem:s13+$0x15000] =	vst v12;
	s13 =	smov.u32 s6  }
0x253: {  	s6 =	sor.u32 $0x18080, s23;
	v6 =	vadd.f32 v6, v7;
	v7 =	vld [tilespmem:s12+$0x0];
	[tilespmem:s0+$0x15000] =	vst v4;
	s0 =	smov.u32 s1  }
0x254: {  	s1 =	sor.u32 s5, s6;
	v4 =	vld [tilespmem:s9+$0x0];
	s9 =	sor.u32 s21, s6;
	v5 =	vadd.f32 v9, v5  }
0x255: {  	s6 =	sor.u32 $0x18480, s23;
	v9 =	vld [tilespmem:s1+$0x0]  }
0x256: {  	s1 =	sor.u32 s5, s6;
	v10 =	vld [tilespmem:s7+$0x0];
	s7 =	sor.u32 s21, s6;
	v5 =	vadd.f32 v8, v5  }
0x257: {  	s6 =	sor.u32 $0x18880, s23;
	v8 =	vld [tilespmem:s1+$0x0]  }
0x258: {  	s1 =	sor.u32 s5, s6;
	v11 =	vld [tilespmem:s10+$0x0];
	s10 =	sor.u32 s21, s6;
	v5 =	vadd.f32 v7, v5  }
0x259: {  	s6 =	sor.u32 $0x18C80, s23;
	v4 =	vadd.f32 v4, v6;
	v6 =	vld [tilespmem:s1+$0x0]  }
0x25a: {  	s1 =	sor.u32 s21, s6;
	s6 =	sor.u32 s5, s6;
	v7 =	vld [tilespmem:s11+$0x0];
	v5 =	vadd.f32 v9, v5  }
0x25b: {  	s11 =	sor.u32 $0x19080, s23;
	v4 =	vadd.f32 v10, v4;
	v9 =	vld [tilespmem:s6+$0x0]  }
0x25c: {  	s6 =	sor.u32 s5, s11;
	v10 =	vld [tilespmem:s9+$0x0];
	s9 =	sor.u32 s21, s11;
	v5 =	vadd.f32 v8, v5  }
0x25d: {  	v4 =	vadd.f32 v11, v4;
	v8 =	vld [tilespmem:s6+$0x0]  }
0x25e: {  	v11 =	vld [tilespmem:s7+$0x0];
	s7 =	sor.u32 $0x19000, s23;
	v5 =	vadd.f32 v6, v5  }
0x25f: {  	v6 =	vadd.f32 v7, v4;
	v12 =	vld [tilespmem:s10+$0x0];
	s10 =	sor.u32 $0x18C00, s23;
	s6 =	sor.u32 s21, s7;
	s7 =	sor.u32 s5, s7  }
0x260: {  	s11 =	sor.u32 $0x18800, s23;
	s20 =	sor.u32 s21, s10;
	s10 =	sor.u32 s5, s10;
	v7 =	vadd.f32 v9, v5;
	v4 =	vld [tilespmem:s7+$0x0]  }
0x261: {  	s12 =	sor.u32 $0x18400, s23;
	s28 =	sor.u32 s21, s11;
	s11 =	sor.u32 s5, s11;
	v9 =	vadd.f32 v10, v6;
	v5 =	vld [tilespmem:s10+$0x0]  }
0x262: {  	s14 =	sor.u32 $0x18000, s23;
	s7 =	sor.u32 s21, s12;
	s12 =	sor.u32 s5, s12;
	v6 =	vld [tilespmem:s11+$0x0];
	v10 =	vadd.f32 v8, v7  }
0x263: {  	s15 =	sor.u32 $0x17C00, s23;
	s10 =	sor.u32 s21, s14;
	s14 =	sor.u32 s5, s14;
	v9 =	vadd.f32 v11, v9;
	v7 =	vld [tilespmem:s12+$0x0]  }
0x264: {  	s16 =	sor.u32 $0x17800, s23;
	s11 =	sor.u32 s21, s15;
	s15 =	sor.u32 s5, s15;
	v8 =	vld [tilespmem:s14+$0x0];
	v10 =	vtrunc.f32 v10  }
0x265: {  	s17 =	sor.u32 $0x17400, s23;
	s12 =	sor.u32 s21, s16;
	s16 =	sor.u32 s5, s16;
	v16 =	vadd.f32 v12, v9;
	v9 =	vld [tilespmem:s15+$0x0];
	v12 =	vcvt.f32.s32 v10  }
0x266: {  	s14 =	sor.u32 s21, s17;
	s17 =	sor.u32 s5, s17;
	s15 =	sor.u32 $0x17000, s23;
	v10 =	vld [tilespmem:s16+$0x0]  }
0x267: {  	s16 =	sor.u32 $0x16C00, s23;
	s18 =	sor.u32 s21, s15;
	s15 =	sor.u32 s5, s15;
	v11 =	vld [tilespmem:s17+$0x0];
	v15 =	vand.u32 $0x1, v12  }
0x268: {  	s17 =	sor.u32 $0x16800, s23;
	s19 =	sor.u32 s21, s16;
	s16 =	sor.u32 s5, s16;
	v12 =	vld [tilespmem:s15+$0x0];
	v17 =	vcvt.s32.f32 v15  }
0x269: {  	s15 =	sor.u32 $0x16400, s23;
	s8 =	sor.u32 s21, s17;
	s17 =	sor.u32 s5, s17;
	v15 =	vld [tilespmem:s16+$0x0]  }
0x26a: {  	s16 =	sor.u32 $0x16000, s23;
	s3 =	sor.u32 s21, s15;
	s15 =	sor.u32 s5, s15;
	v24 =	vld [tilespmem:s17+$0x0];
	v17 =	vadd.f32 v17, v17  }
0x26b: {  	s17 =	sor.u32 $0x15C00, s23;
	s24 =	sor.u32 s21, s16;
	s16 =	sor.u32 s5, s16;
	v22 =	vld [tilespmem:s15+$0x0]  }
0x26c: {  	s15 =	sor.u32 $0x15800, s23;
	s23 =	sor.u32 s21, s17;
	s17 =	sor.u32 s5, s17;
	v23 =	vld [tilespmem:s16+$0x0];
	v17 =	vsub.f32 $1.000000000e+00, v17  }
0x26d: {  	s16 =	sor.u32 s21, s15;
	s5 =	sor.u32 s5, s15;
	v18 =	vld [tilespmem:s17+$0x0]  }
0x26e: {  	v19 =	vld [tilespmem:s5+$0x0];
	[tilespmem:s0+$0x15080] =	vst v17  }
0x26f: {  	v17 =	vld [tilespmem:s16+$0x0]  }
0x270: {  	v25 =	vld [tilespmem:s23+$0x0]  }
0x271: {  	v26 =	vld [tilespmem:s24+$0x0]  }
0x272: {  	v27 =	vld [tilespmem:s3+$0x0]  }
0x273: {  	v28 =	vld [tilespmem:s8+$0x0];
	v13 =	vadd.f32 v19, v13  }
0x274: {  	v14 =	vadd.f32 v17, v14;
	v21 =	vld [tilespmem:s19+$0x0]  }
0x275: {  	v20 =	vld [tilespmem:s18+$0x0];
	v13 =	vadd.f32 v18, v13  }
0x276: {  	v14 =	vadd.f32 v25, v14;
	v19 =	vld [tilespmem:s14+$0x0]  }
0x277: {  	v18 =	vld [tilespmem:s12+$0x0];
	v13 =	vadd.f32 v23, v13  }
.Ltmp5:
0x278: {  	v14 =	vadd.f32 v26, v14;
	v23 =	vld [tilespmem:s1+$0x0];
	(pc) =	sbr.rel @p0 .LBB2_13-.Ltmp5, $4  }
0x279: {  	v17 =	vld [tilespmem:s11+$0x0];
	v13 =	vadd.f32 v22, v13  }
0x27a: {  	v26 =	vadd.f32 v27, v14;
	v22 =	vld [tilespmem:s9+$0x0]  }
0x27b: {  	v14 =	vld [tilespmem:s10+$0x0];
	v25 =	vadd.f32 v24, v13  }
0x27c: {  	s4 =	sadd.s32 $0x20, s4;
	v24 =	vadd.f32 v28, v26;
	v13 =	vld [tilespmem:s7+$0x0]  }
0x27d: {  	v15 =	vadd.f32 v15, v25  }
0x27e: {  	v21 =	vadd.f32 v21, v24  }
0x27f: {  	v12 =	vadd.f32 v12, v15  }
0x280: {  	v20 =	vadd.f32 v20, v21  }
0x281: {  	v11 =	vadd.f32 v11, v12  }
0x282: {  	v16 =	vadd.f32 v23, v16;
	v15 =	vadd.f32 v19, v20  }
0x283: {  	v10 =	vadd.f32 v10, v11  }
0x284: {  	v12 =	vadd.f32 v18, v15;
	v15 =	vadd.f32 v22, v16  }
0x285: {  	v9 =	vadd.f32 v9, v10  }
0x286: {  	v11 =	vadd.f32 v17, v12;
	v15 =	vtrunc.f32 v15  }
0x287: {  	v12 =	vld [tilespmem:s28+$0x0];
	v10 =	vcvt.f32.s32 v15;
	v8 =	vadd.f32 v8, v9  }
0x288: {  	v11 =	vadd.f32 v14, v11  }
0x289: {  	v14 =	vld [tilespmem:s20+$0x0];
	v9 =	vand.u32 $0x1, v10;
	v7 =	vadd.f32 v7, v8  }
0x28a: {  	v10 =	vadd.f32 v13, v11;
	v9 =	vcvt.s32.f32 v9  }
0x28b: {  	v11 =	vld [tilespmem:s6+$0x0];
	v6 =	vadd.f32 v6, v7  }
0x28c: {  	v8 =	vadd.f32 v12, v10;
	v9 =	vadd.f32 v9, v9  }
0x28d: {  	v5 =	vadd.f32 v5, v6  }
0x28e: {  	v7 =	vadd.f32 v14, v8;
	v6 =	vsub.f32 $1.000000000e+00, v9  }
0x28f: {  	v4 =	vadd.f32 v4, v5  }
0x290: {  	v7 =	vadd.f32 v11, v7;
	[tilespmem:s13+$0x15080] =	vst v6  }
0x291: {  	[tilespmem:s0+$0x15000] =	vst v4  }
0x292: {  	[tilespmem:s13+$0x15000] =	vst v7  }
0x293: {  	s1 =	simm.s32 $0x15000;
	s0 =	rddreg [dreg:$0xb]  }
0x294: {  	[spmem:s0] =	stream.linear.scatter [tilespmem:s1], [sflag:$0x2], $0x80, $0x38;
	[tilespmem:$0x1E880] =	vst v63  }
0x295: {  	s8 =	simm.s32 $0x15100;
	s7 =	rddreg [dreg:$0x11]  }
0x296: {  	[spmem:s7] =	stream.linear.scatter [tilespmem:s8], [sflag:$0x2], $0x80, $0x38;
	[tilespmem:$0x1E880] =	vst v63  }
0x297: {  	s10 =	simm.s32 $0x15200;
	s9 =	rddreg [dreg:$0x12]  }
0x298: {  	[spmem:s9] =	stream.linear.scatter [tilespmem:s10], [sflag:$0x2], $0x80, $0x38;
	[tilespmem:$0x1E880] =	vst v63  }
0x299: {  	s12 =	simm.s32 $0x15300;
	s11 =	rddreg [dreg:$0x13]  }
0x29a: {  	[spmem:s11] =	stream.linear.scatter [tilespmem:s12], [sflag:$0x2], $0x80, $0x38;
	[tilespmem:$0x1E880] =	vst v63  }
0x29b: {  	_ =	swait.ge [sflag:s22], $0x200  }
0x29c: {  	[sflag:s22] =	ssyncset.done $0x0  }
0x29d: {  	s14 =	simm.s32 $0x15080;
	s13 =	rddreg [dreg:$0xe];
	[sflag:s22] =	ssyncadd.s32 $0xFFFFFE00  }
0x29e: {  	[spmem:s13] =	stream.linear.scatter [tilespmem:s14], [sflag:$0x2], $0x80, $0x38;
	[tilespmem:$0x1E880] =	vst v63  }
0x29f: {  	s16 =	simm.s32 $0x15180;
	s15 =	rddreg [dreg:$0x14]  }
0x2a0: {  	[spmem:s15] =	stream.linear.scatter [tilespmem:s16], [sflag:$0x2], $0x80, $0x38;
	[tilespmem:$0x1E880] =	vst v63  }
0x2a1: {  	s18 =	simm.s32 $0x15280;
	s17 =	rddreg [dreg:$0x15]  }
0x2a2: {  	[spmem:s17] =	stream.linear.scatter [tilespmem:s18], [sflag:$0x2], $0x80, $0x38;
	[tilespmem:$0x1E880] =	vst v63  }
0x2a3: {  	s20 =	simm.s32 $0x15380;
	s19 =	rddreg [dreg:$0x16]  }
0x2a4: {  	[spmem:s19] =	stream.linear.scatter [tilespmem:s20], [sflag:$0x2], $0x80, $0x38;
	[tilespmem:$0x1E880] =	vst v63  }
0x2a5: {  	_ =	swait.ge [sflag:s22], $0x200  }
0x2a6: {  	[sflag:s22] =	ssyncset.done $0x0  }
0x2a7: {  	[sflag:s22] =	ssyncadd.s32 $0xFFFFFE00  }
0x2a8: {  	[bflag:$0x0] =	sbarrier.arrive $0xFFFF  }
0x2a9: {  	s8 =	simm.s32 $0x80;
	s14 =	simm.s32 $0x100;
	s21 =	rddreg [dreg:$0x5]  }
0x2aa: {  	[tilespmem:s29], [sflag:$0x2] =	stream.strided.gather [spmem:s21], $0x2000, s14, s8, $0x38;
	[tilespmem:$0x1E880] =	vst v63  }
0x2ab: {  	_ =	swait.ge [sflag:s22], $0x2000  }
0x2ac: {  	[sflag:s22] =	ssyncset.done $0x0  }
0x2ad: {  	s23 =	rddreg [dreg:$0xf];
	[sflag:s22] =	ssyncadd.s32 $0xFFFFE000  }
0x2ae: {  	[tilespmem:s31], [sflag:$0x2] =	stream.strided.gather [spmem:s23], $0x2000, s14, s8, $0x38;
	[tilespmem:$0x1E880] =	vst v63  }
0x2af: {  	_ =	swait.ge [sflag:s22], $0x2000  }
0x2b0: {  	[sflag:s22] =	ssyncset.done $0x0  }
0x2b1: {  	s24 =	simm.s32 $0x8020;
	[sflag:s22] =	ssyncadd.s32 $0xFFFFE000  }
0x2b2: {  	v4 =	vld [tilespmem:s24+$0xFFFFFFF0]  }
0x2b3: {  	v5 =	vld [tilespmem:s24+$0x0]  }
0x2b4: {  	v6 =	vld [tilespmem:s24+$0x10];
	_ =	sdelay $0x2  }
0x2b5: {  	v7 =	vld [tilespmem:s24+$0xFFFFFFE0];
	v8 =	vand.u32 $0x1FFF, v4  }
0x2b6: {  	s25 =	simm.s32 $0x4020;
	v9 =	vand.u32 $0x1FFF, v5  }
0x2b7: {  	v11 =	vld [tilespmem:s25+$0x10];
	v10 =	vand.u32 $0x1FFF, v6  }
0x2b8: {  	v13 =	vld [tilespmem:s25+$0x0]  }
0x2b9: {  	v14 =	vld [tilespmem:s25+$0xFFFFFFF0]  }
0x2ba: {  	v12 =	vand.u32 $0x1FFF, v7;
	v15 =	vld.idx.msk [tilespmem:v8+s29+$0x0], $0xffff  }
0x2bb: {  	v16 =	vld.idx.msk [tilespmem:v9+s29+$0x0], $0xffff  }
0x2bc: {  	v17 =	vld.idx.msk [tilespmem:v10+s29+$0x0], $0xffff;
	_ =	sdelay $0x1  }
0x2bd: {  	v19 =	vld [tilespmem:s25+$0xFFFFFFE0]  }
0x2be: {  	v18 =	vld.idx.msk [tilespmem:v12+s29+$0x0], $0xffff;
	v14 =	vsub.f32 v15, v14  }
0x2bf: {  	v13 =	vsub.f32 v16, v13  }
0x2c0: {  	v11 =	vsub.f32 v17, v11;
	v14 =	vmul.f32 $1.442695020e+00, v14  }
0x2c1: {  	v13 =	vmul.f32 $1.442695020e+00, v13  }
0x2c2: {  	v11 =	vmul.f32 $1.442695020e+00, v11;
	(erf) = vpow2.f32 v14  }
0x2c3: {  	v15 =	vsub.f32 v18, v19;
	(erf) = vpow2.f32 v13  }
0x2c4: {  	v6 =	vshrl.u32 v6, $0xD;
	(erf) = vpow2.f32 v11  }
0x2c5: {  	v7 =	vshrl.u32 v7, $0xD;
	v6 =	vand.u32 $0x1, v6;
	v14 =	vmul.f32 $1.442695020e+00, v15  }
0x2c6: {  	v7 =	vand.u32 $0x1, v7;
	v6 =	vcvt.s32.f32 v6  }
0x2c7: {  	v7 =	vcvt.s32.f32 v7;
	v10 =	vld.idx.msk [tilespmem:v10+s31+$0x0], $0xffff;
	(erf) = vpow2.f32 v14  }
0x2c8: {  	v4 =	vshrl.u32 v4, $0xD;
	v6 =	vadd.f32 v6, v6;
	v11 =	vld.idx.msk [tilespmem:v12+s31+$0x0], $0xffff  }
0x2c9: {  	v4 =	vand.u32 $0x1, v4;
	v7 =	vadd.f32 v7, v7  }
0x2ca: {  	v4 =	vcvt.s32.f32 v4;
	v6 =	vsub.f32 $1.000000000e+00, v6  }
0x2cb: {  	v5 =	vshrl.u32 v5, $0xD;
	v8 =	vld.idx.msk [tilespmem:v8+s31+$0x0], $0xffff;
	v7 =	vsub.f32 $1.000000000e+00, v7;
	v12 =	vpop (erf)  }
0x2cc: {  	v5 =	vand.u32 $0x1, v5;
	v4 =	vadd.f32 v4, v4;
	v6 =	vmul.f32 v6, v10;
	v10 =	vpop (erf)  }
0x2cd: {  	v5 =	vcvt.s32.f32 v5;
	v7 =	vmul.f32 v7, v11;
	v11 =	vpop (erf)  }
0x2ce: {  	v9 =	vld.idx.msk [tilespmem:v9+s31+$0x0], $0xffff;
	v4 =	vsub.f32 $1.000000000e+00, v4;
	v6 =	vmul.f32 v11, v6  }
0x2cf: {  	v5 =	vadd.f32 v5, v5  }
0x2d0: {  	v4 =	vmul.f32 v4, v8;
	v8 =	vpop (erf);
	v6 =	vmax.f32 v6, $-9.999998800e-01  }
0x2d1: {  	v5 =	vsub.f32 $1.000000000e+00, v5;
	v7 =	vmul.f32 v8, v7;
	v6 =	vmin.f32 v6, $9.999998800e-01  }
0x2d2: {  	v4 =	vmul.f32 v12, v4;
	v8 =	vsub.f32 $1.000000000e+00, v6  }
0x2d3: {  	v5 =	vmul.f32 v5, v9;
	v7 =	vmax.f32 v7, $-9.999998800e-01  }
0x2d4: {  	v4 =	vmax.f32 v4, $-9.999998800e-01;
	v7 =	vmin.f32 v7, $9.999998800e-01;
	(erf) = vrcp.f32 v8  }
0x2d5: {  	s28 =	simm.s32 $0x8060;
	v4 =	vmin.f32 v4, $9.999998800e-01;
	v9 =	vsub.f32 $1.000000000e+00, v7  }
0x2d6: {  	v14 =	vld [tilespmem:s28+$0x10];
	v5 =	vmul.f32 v10, v5;
	v8 =	vsub.f32 $1.000000000e+00, v4  }
0x2d7: {  	(erf) = vrcp.f32 v9  }
0x2d8: {  	v5 =	vmax.f32 v5, $-9.999998800e-01;
	(erf) = vrcp.f32 v8  }
0x2d9: {  	v5 =	vmin.f32 v5, $9.999998800e-01  }
0x2da: {  	v10 =	vsub.f32 $1.000000000e+00, v5  }
0x2db: {  	v18 =	vand.u32 $0x1FFF, v14  }
0x2dc: {  	v14 =	vshrl.u32 v14, $0xD;
	v6 =	vadd.f32 $1.000000000e+00, v6;
	(erf) = vrcp.f32 v10  }
0x2dd: {  	v14 =	vand.u32 $0x1, v14;
	v9 =	vld [tilespmem:s28+$0xFFFFFFF0];
	v8 =	vpop (erf)  }
0x2de: {  	s13 =	simm.s32 $0x4060;
	v14 =	vcvt.s32.f32 v14;
	v11 =	vld [tilespmem:s28+$0x0];
	v6 =	vmul.f32 v8, v6  }
0x2df: {  	v19 =	vld [tilespmem:s13+$0x10];
	v7 =	vadd.f32 $1.000000000e+00, v7  }
0x2e0: {  	v14 =	vadd.f32 v14, v14;
	v27 =	vld.idx.msk [tilespmem:v18+s29+$0x0], $0xffff;
	v4 =	vadd.f32 $1.000000000e+00, v4;
	v8 =	vpop (erf);
	v12 =	vand.u32 $0x7FFFFF, v6  }
0x2e1: {  	v10 =	vpop (erf);
	v7 =	vmul.f32 v8, v7;
	v8 =	vor.u32 $0x3F800000, v12;
	v12 =	vld [tilespmem:s28+$0xFFFFFFE0]  }
0x2e2: {  	v14 =	vsub.f32 $1.000000000e+00, v14;
	v15 =	vand.u32 $0x1FFF, v9;
	v4 =	vmul.f32 v10, v4  }
0x2e3: {  	v5 =	vadd.f32 $1.000000000e+00, v5;
	v17 =	vand.u32 $0x1FFF, v11;
	v11 =	vshrl.u32 v11, $0xD  }
0x2e4: {  	v11 =	vand.u32 $0x1, v11;
	v9 =	vshrl.u32 v9, $0xD;
	v16 =	vand.u32 $0x7FFFFF, v4  }
0x2e5: {  	v21 =	vld [tilespmem:s13+$0x0];
	v19 =	vsub.f32 v27, v19;
	v9 =	vand.u32 $0x1, v9;
	v13 =	vpop (erf);
	v16 =	vor.u32 $0x3F800000, v16  }
0x2e6: {  	v23 =	vld [tilespmem:s13+$0xFFFFFFF0];
	v5 =	vmul.f32 v13, v5;
	v22 =	vmul.f32 $5.000000000e-01, v16;
	v20 =	vand.u32 $0x1FFF, v12  }
0x2e7: {  	v11 =	vcvt.s32.f32 v11;
	v9 =	vcvt.s32.f32 v9;
	v60 =	vld.idx.msk [tilespmem:v15+s29+$0x0], $0xffff;
	vm2 =	vgt.f32 v16, $1.414213540e+00  }
0x2e8: {  	v13 =	vshrl.u32 v5, $0x17;
	v5 =	vand.u32 $0x7FFFFF, v5;
	v16 =	vsel vm2, v22, v16;
	v22 =	vld.idx.msk [tilespmem:v17+s29+$0x0], $0xffff  }
0x2e9: {  	v19 =	vmul.f32 $1.442695020e+00, v19;
	v9 =	vadd.f32 v9, v9;
	v5 =	vor.u32 $0x3F800000, v5  }
0x2ea: {  	v61 =	vld [tilespmem:s13+$0xFFFFFFE0];
	v11 =	vadd.f32 v11, v11;
	v29 =	vmul.f32 $5.000000000e-01, v5;
	v26 =	vadd.f32 $1.000000000e+00, v16  }
0x2eb: {  	v6 =	vshrl.u32 v6, $0x17;
	v9 =	vsub.f32 $1.000000000e+00, v9;
	vm1 =	vgt.f32 v5, $1.414213540e+00;
	v28 =	vld.idx.msk [tilespmem:v20+s29+$0x0], $0xffff  }
0x2ec: {  	v15 =	vld.idx.msk [tilespmem:v15+s31+$0x0], $0xffff;
	v23 =	vsub.f32 v60, v23;
	v5 =	vsel vm1, v29, v5;
	(erf) = vrcp.f32 v26  }
0x2ed: {  	vm0 =	vgt.f32 v8, $1.414213540e+00;
	v62 =	vadd.f32 $1.000000000e+00, v5;
	v21 =	vsub.f32 v22, v21  }
0x2ee: {  	v10 =	vmul.f32 $5.000000000e-01, v8;
	v4 =	vshrl.u32 v4, $0x17;
	v22 =	vmul.f32 $1.442695020e+00, v23  }
0x2ef: {  	v63 =	vsel vm0, $0x1, v3;
	(erf) = vrcp.f32 v62;
	v21 =	vmul.f32 $1.442695020e+00, v21  }
0x2f0: {  	v6 =	vadd.s32 v63, v6;
	(erf) = vpow2.f32 v22;
	v23 =	vsub.f32 v28, v61  }
0x2f1: {  	v8 =	vsel vm0, v10, v8;
	v9 =	vmul.f32 v9, v15;
	(erf) = vpow2.f32 v21  }
0x2f2: {  	v12 =	vshrl.u32 v12, $0xD;
	(erf) = vpow2.f32 v19;
	v23 =	vmul.f32 $1.442695020e+00, v23  }
0x2f3: {  	v18 =	vld.idx.msk [tilespmem:v18+s31+$0x0], $0xffff;
	v59 =	vsel vm2, $0x1, v3;
	v12 =	vand.u32 $0x1, v12;
	v19 =	vadd.f32 $1.000000000e+00, v8  }
0x2f4: {  	v4 =	vadd.s32 v59, v4;
	v17 =	vld.idx.msk [tilespmem:v17+s31+$0x0], $0xffff;
	v12 =	vcvt.s32.f32 v12;
	(erf) = vpow2.f32 v23  }
0x2f5: {  	v4 =	vadd.s32 $0xFFFFFF81, v4;
	v16 =	vadd.f32 $-1.000000000e+00, v16;
	v20 =	vld.idx.msk [tilespmem:v20+s31+$0x0], $0xffff;
	v10 =	vpop (erf);
	(erf) = vrcp.f32 v19  }
0x2f6: {  	v12 =	vadd.f32 v12, v12;
	v21 =	vcvt.s32.f32 v4;
	v4 =	vand.u32 $0x7FFFFF, v7  }
0x2f7: {  	v22 =	vor.u32 $0x3F800000, v4;
	v4 =	vadd.f32 $-1.000000000e+00, v5;
	v5 =	vsub.f32 $1.000000000e+00, v11  }
0x2f8: {  	v12 =	vsub.f32 $1.000000000e+00, v12;
	v10 =	vmul.f32 v10, v16;
	v16 =	vsel vm1, $0x1, v3;
	v23 =	vpop (erf)  }
0x2f9: {  	v14 =	vmul.f32 v14, v18;
	v6 =	vadd.s32 $0xFFFFFF81, v6;
	v5 =	vmul.f32 v5, v17;
	v17 =	vpop (erf)  }
0x2fa: {  	v12 =	vmul.f32 v12, v20;
	vm0 =	vgt.f32 v22, $1.414213540e+00;
	v9 =	vmul.f32 v17, v9;
	v17 =	vpop (erf)  }
0x2fb: {  	v13 =	vadd.s32 v16, v13;
	v19 =	vshrl.u32 v7, $0x17;
	v7 =	vmul.f32 v10, v10;
	v16 =	vpop (erf)  }
0x2fc: {  	v8 =	vadd.f32 $-1.000000000e+00, v8;
	v15 =	vsel vm0, $0x1, v3;
	v14 =	vmul.f32 v16, v14  }
0x2fd: {  	v18 =	vmul.f32 $5.000000000e-01, v22;
	v15 =	vadd.s32 v15, v19;
	v11 =	vmul.f32 $2.857142980e-01, v7;
	v16 =	vpop (erf)  }
0x2fe: {  	v5 =	vmul.f32 v17, v5;
	v9 =	vmax.f32 v9, $-9.999998800e-01;
	v14 =	vmax.f32 v14, $-9.999998800e-01;
	v17 =	vpop (erf)  }
0x2ff: {  	v12 =	vmul.f32 v16, v12;
	v16 =	vsel vm0, v18, v22;
	v17 =	vmul.f32 v17, v8  }
0x300: {  	v5 =	vmax.f32 v5, $-9.999998800e-01;
	v14 =	vmin.f32 v14, $9.999998800e-01;
	v18 =	vadd.f32 $1.000000000e+00, v16  }
0x301: {  	v8 =	vmax.f32 v12, $-9.999998800e-01;
	v12 =	vsub.f32 $1.000000000e+00, v14;
	v19 =	vmul.f32 v17, v17  }
0x302: {  	v20 =	vmin.f32 v8, $9.999998800e-01;
	v8 =	vadd.f32 $4.000000060e-01, v11;
	(erf) = vrcp.f32 v18  }
0x303: {  	v11 =	vsub.f32 $1.000000000e+00, v20;
	(erf) = vrcp.f32 v12;
	v12 =	vmul.f32 $2.857142980e-01, v19  }
0x304: {  	v6 =	vcvt.s32.f32 v6;
	v9 =	vmin.f32 v9, $9.999998800e-01;
	v22 =	vmin.f32 v5, $9.999998800e-01  }
0x305: {  	v5 =	vmul.f32 v8, v7;
	(erf) = vrcp.f32 v11;
	v11 =	vadd.f32 $4.000000060e-01, v12  }
0x306: {  	v4 =	vmul.f32 v23, v4;
	v23 =	vsub.f32 $1.000000000e+00, v22;
	v18 =	vsub.f32 $1.000000000e+00, v9  }
0x307: {  	v5 =	vadd.f32 $6.666666860e-01, v5;
	v12 =	vadd.s32 $0xFFFFFF81, v13;
	v13 =	vmul.f32 v11, v19  }
0x308: {  	v8 =	vmul.f32 v4, v4;
	(erf) = vrcp.f32 v18  }
0x309: {  	(erf) = vrcp.f32 v23;
	v5 =	vmul.f32 v5, v7;
	v7 =	vadd.f32 $6.666666860e-01, v13  }
0x30a: {  	v21 =	vmul.f32 $6.931471820e-01, v21;
	v18 =	vadd.s32 $0xFFFFFF81, v15;
	v15 =	vmul.f32 $6.931471820e-01, v6  }
0x30b: {  	v11 =	vcvt.s32.f32 v12;
	v12 =	vmul.f32 $2.857142980e-01, v8;
	v5 =	vadd.f32 $2.000000000e+00, v5  }
0x30c: {  	v6 =	vadd.f32 $-1.000000000e+00, v16;
	v13 =	vadd.f32 $1.000000000e+00, v14;
	v14 =	vcvt.s32.f32 v18  }
0x30d: {  	v12 =	vadd.f32 $4.000000060e-01, v12;
	v16 =	vmul.f32 v7, v19;
	v5 =	vmul.f32 v5, v10;
	v7 =	vpop (erf)  }
0x30e: {  	v10 =	vadd.f32 $1.000000000e+00, v20;
	v20 =	vadd.f32 $1.000000000e+00, v9;
	v18 =	vpop (erf);
	v7 =	vmul.f32 v7, v6  }
0x30f: {  	v21 =	vadd.f32 v5, v21;
	v23 =	vadd.f32 $2.000000000e+00, v16;
	v18 =	vmul.f32 v18, v13  }
0x310: {  	v16 =	vadd.f32 $1.000000000e+00, v22;
	v6 =	vmul.f32 $6.931471820e-01, v14;
	v14 =	vpop (erf);
	v13 =	vmul.f32 v7, v7  }
0x311: {  	v17 =	vmul.f32 v23, v17;
	v5 =	vmul.f32 v14, v10;
	v19 =	vpop (erf);
	v10 =	vand.u32 $0x7FFFFF, v18  }
0x312: {  	s30 =	simm.s32 $0x20;
	s4 =	simm.s32 $0x4;
	v9 =	vshrl.u32 v18, $0x17;
	v22 =	vpop (erf);
	v10 =	vor.u32 $0x3F800000, v10;
	v18 =	vmul.f32 $2.857142980e-01, v13  }
0x313: {  	s0 =	simm.s32 $0x0;
	s21 =	simm.s32 $0x80A0;
	s25 =	simm.s32 $0x20;
	[tilespmem:s30+$0xFFFFFFF0] =	vst v21;
	v16 =	vmul.f32 v22, v16;
	v14 =	vmul.f32 $5.000000000e-01, v10;
	vm0 =	vgt.f32 v10, $1.414213540e+00  }
.LBB2_15:
0x314: {  	v21 =	vld [tilespmem:s21+$0xFFFFFFF0];
	s4 =	sadd.s32 $0x4, s4;
	v19 =	vmul.f32 v19, v20;
	v18 =	vadd.f32 $4.000000060e-01, v18;
	v20 =	vmul.f32 v12, v8;
	s30 =	sadd.s32 $0x40, s30  }
0x315: {  	v22 =	vld [tilespmem:s21+$0x0];
	p0 =	slt.u32 s4, $0x3FC;
	v12 =	vshrl.u32 v16, $0x17;
	v16 =	vand.u32 $0x7FFFFF, v16;
	v15 =	vadd.f32 v17, v15  }
0x316: {  	v17 =	vld [tilespmem:s21+$0x10];
	v23 =	vand.u32 $0x7FFFFF, v19;
	v16 =	vor.u32 $0x3F800000, v16;
	v20 =	vadd.f32 $6.666666860e-01, v20  }
0x317: {  	v11 =	vmul.f32 $6.931471820e-01, v11;
	v19 =	vshrl.u32 v19, $0x17;
	v24 =	vld [tilespmem:s21+$0xFFFFFFE0];
	v23 =	vor.u32 $0x3F800000, v23  }
0x318: {  	vm1 =	vgt.f32 v16, $1.414213540e+00;
	vm2 =	vgt.f32 v23, $1.414213540e+00;
	v25 =	vmul.f32 $5.000000000e-01, v23  }
0x319: {  	v26 =	vand.u32 $0x1FFF, v21;
	v21 =	vshrl.u32 v21, $0xD;
	v27 =	vsel vm2, $0x1, v3  }
0x31a: {  	s13 =	sadd.s32 $0x40, s13;
	v18 =	vmul.f32 v18, v13;
	v21 =	vand.u32 $0x1, v21;
	v28 =	vand.u32 $0x1FFF, v22  }
0x31b: {  	v23 =	vsel vm2, v25, v23;
	v21 =	vcvt.s32.f32 v21;
	v29 =	vand.u32 $0x1FFF, v17;
	v30 =	vld [tilespmem:s13+$0x10]  }
0x31c: {  	v18 =	vadd.f32 $6.666666860e-01, v18;
	v17 =	vshrl.u32 v17, $0xD;
	v25 =	vand.u32 $0x1FFF, v24;
	v31 =	vld [tilespmem:s13+$0x0]  }
0x31d: {  	v33 =	vmul.f32 $5.000000000e-01, v16;
	v24 =	vshrl.u32 v24, $0xD;
	v17 =	vand.u32 $0x1, v17;
	v32 =	vld [tilespmem:s13+$0xFFFFFFF0]  }
0x31e: {  	v8 =	vmul.f32 v20, v8;
	v24 =	vand.u32 $0x1, v24;
	v17 =	vcvt.s32.f32 v17;
	v34 =	vld.idx.msk [tilespmem:v26+s29+$0x0], $0xffff  }
0x31f: {  	v22 =	vshrl.u32 v22, $0xD;
	v35 =	vadd.f32 $1.000000000e+00, v23;
	v20 =	vcvt.s32.f32 v24;
	v24 =	vld.idx.msk [tilespmem:v28+s29+$0x0], $0xffff  }
0x320: {  	v13 =	vmul.f32 v18, v13;
	v22 =	vand.u32 $0x1, v22;
	v17 =	vadd.f32 v17, v17;
	v36 =	vld.idx.msk [tilespmem:v29+s29+$0x0], $0xffff  }
0x321: {  	v16 =	vsel vm1, v33, v16;
	v20 =	vadd.f32 v20, v20;
	v18 =	vld.idx.msk [tilespmem:v25+s29+$0x0], $0xffff;
	(erf) = vrcp.f32 v35  }
0x322: {  	v19 =	vadd.s32 v27, v19;
	v8 =	vadd.f32 $2.000000000e+00, v8;
	v22 =	vcvt.s32.f32 v22;
	v33 =	vld [tilespmem:s13+$0xFFFFFFE0]  }
0x323: {  	v27 =	vsel vm0, $0x1, v3;
	v19 =	vadd.s32 $0xFFFFFF81, v19;
	v13 =	vadd.f32 $2.000000000e+00, v13;
	[tilespmem:s25+$0x10] =	vst v15  }
0x324: {  	v4 =	vmul.f32 v8, v4;
	v22 =	vadd.f32 v22, v22;
	v15 =	vsub.f32 v34, v32  }
0x325: {  	v9 =	vadd.s32 v27, v9;
	v8 =	vadd.f32 $1.000000000e+00, v16;
	v7 =	vmul.f32 v13, v7  }
0x326: {  	v13 =	vmul.f32 $1.442695020e+00, v15;
	v15 =	vsub.f32 v24, v31;
	v24 =	vsub.f32 v36, v30  }
0x327: {  	v6 =	vadd.f32 v7, v6;
	v18 =	vsub.f32 v18, v33;
	(erf) = vrcp.f32 v8  }
0x328: {  	v4 =	vadd.f32 v4, v11;
	v7 =	vmul.f32 $1.442695020e+00, v15;
	v8 =	vmul.f32 $1.442695020e+00, v24  }
0x329: {  	v9 =	vadd.s32 $0xFFFFFF81, v9;
	v11 =	vmul.f32 $1.442695020e+00, v18;
	(erf) = vpow2.f32 v13;
	[tilespmem:s25+$0xFFFFFFE0] =	vst v6  }
0x32a: {  	v6 =	vadd.f32 $-1.000000000e+00, v23;
	(erf) = vpow2.f32 v7;
	v7 =	vsel vm0, v14, v10;
	v10 =	vpop (erf);
	[tilespmem:s25+$0x0] =	vst v4;
	s25 =	smov.u32 s30  }
0x32b: {  	v9 =	vcvt.s32.f32 v9;
	v4 =	vld.idx.msk [tilespmem:v26+s31+$0x0], $0xffff;
	(erf) = vpow2.f32 v8;
	v8 =	vadd.f32 $1.000000000e+00, v7  }
0x32c: {  	v6 =	vmul.f32 v10, v6;
	v10 =	vsel vm1, $0x1, v3;
	v13 =	vld.idx.msk [tilespmem:v28+s31+$0x0], $0xffff;
	(erf) = vpow2.f32 v11  }
0x32d: {  	v15 =	vcvt.s32.f32 v19;
	v11 =	vadd.f32 v21, v21;
	v14 =	vld.idx.msk [tilespmem:v29+s31+$0x0], $0xffff;
	(erf) = vrcp.f32 v8  }
0x32e: {  	v18 =	vshrl.u32 v5, $0x17;
	v5 =	vand.u32 $0x7FFFFF, v5;
	v19 =	vmul.f32 v6, v6;
	v8 =	vld.idx.msk [tilespmem:v25+s31+$0x0], $0xffff  }
0x32f: {  	v16 =	vadd.f32 $-1.000000000e+00, v16;
	v5 =	vor.u32 $0x3F800000, v5;
	v11 =	vsub.f32 $1.000000000e+00, v11  }
0x330: {  	vm0 =	vgt.f32 v5, $1.414213540e+00;
	v25 =	vsub.f32 $1.000000000e+00, v22;
	v22 =	vmul.f32 $2.857142980e-01, v19;
	v23 =	vpop (erf)  }
0x331: {  	v17 =	vsub.f32 $1.000000000e+00, v17;
	v24 =	vsel vm0, $0x1, v3;
	v11 =	vmul.f32 v11, v4  }
0x332: {  	v20 =	vsub.f32 $1.000000000e+00, v20;
	v13 =	vmul.f32 v25, v13;
	v4 =	vmul.f32 v23, v16;
	v21 =	vpop (erf)  }
0x333: {  	v10 =	vadd.s32 v10, v12;
	v23 =	vmul.f32 v21, v11;
	v21 =	vmul.f32 v17, v14;
	v16 =	vpop (erf)  }
0x334: {  	v7 =	vadd.f32 $-1.000000000e+00, v7;
	v8 =	vmul.f32 v20, v8;
	v17 =	vmul.f32 $5.000000000e-01, v5;
	v12 =	vpop (erf)  }
0x335: {  	v13 =	vmul.f32 v16, v13;
	v20 =	vmax.f32 v23, $-9.999998800e-01;
	v12 =	vmul.f32 v12, v21;
	v14 =	vpop (erf)  }
0x336: {  	v5 =	vsel vm0, v17, v5;
	v8 =	vmul.f32 v14, v8;
	v14 =	vmin.f32 v20, $9.999998800e-01;
	v11 =	vpop (erf)  }
0x337: {  	v16 =	vadd.f32 $1.000000000e+00, v5;
	v12 =	vmax.f32 v12, $-9.999998800e-01;
	v17 =	vmul.f32 v11, v7  }
0x338: {  	v7 =	vmax.f32 v13, $-9.999998800e-01;
	v11 =	vadd.s32 v24, v18;
	v12 =	vmin.f32 v12, $9.999998800e-01  }
0x339: {  	v8 =	vmax.f32 v8, $-9.999998800e-01;
	v13 =	vsub.f32 $1.000000000e+00, v12;
	v18 =	vmul.f32 v17, v17  }
0x33a: {  	v20 =	vmin.f32 v8, $9.999998800e-01;
	v8 =	vadd.f32 $4.000000060e-01, v22;
	(erf) = vrcp.f32 v16  }
0x33b: {  	v16 =	vsub.f32 $1.000000000e+00, v20;
	(erf) = vrcp.f32 v13;
	v13 =	vmul.f32 $2.857142980e-01, v18  }
0x33c: {  	v21 =	vsub.f32 $1.000000000e+00, v14;
	v22 =	vmin.f32 v7, $9.999998800e-01;
	v7 =	vmul.f32 v8, v19  }
0x33d: {  	v23 =	vsub.f32 $1.000000000e+00, v22;
	(erf) = vrcp.f32 v16;
	v13 =	vadd.f32 $4.000000060e-01, v13  }
0x33e: {  	v8 =	vmul.f32 v4, v4;
	v7 =	vadd.f32 $6.666666860e-01, v7;
	(erf) = vrcp.f32 v21  }
0x33f: {  	v10 =	vadd.s32 $0xFFFFFF81, v10;
	(erf) = vrcp.f32 v23;
	v13 =	vmul.f32 v13, v18  }
0x340: {  	v16 =	vadd.s32 $0xFFFFFF81, v11;
	v11 =	vcvt.s32.f32 v10;
	v23 =	vmul.f32 v7, v19  }
0x341: {  	v10 =	vmul.f32 $6.931471820e-01, v15;
	v15 =	vmul.f32 $6.931471820e-01, v9;
	v24 =	vadd.f32 $6.666666860e-01, v13  }
0x342: {  	v5 =	vadd.f32 $-1.000000000e+00, v5;
	v19 =	vmul.f32 $2.857142980e-01, v8;
	v9 =	vadd.f32 $2.000000000e+00, v23  }
0x343: {  	v21 =	vadd.f32 $1.000000000e+00, v12;
	v23 =	vcvt.s32.f32 v16;
	v18 =	vmul.f32 v24, v18;
	v7 =	vpop (erf)  }
0x344: {  	v12 =	vadd.f32 $4.000000060e-01, v19;
	v13 =	vpop (erf);
	v7 =	vmul.f32 v7, v5;
	v5 =	vmul.f32 v9, v6  }
0x345: {  	v9 =	vadd.f32 $1.000000000e+00, v20;
	v6 =	vmul.f32 $6.931471820e-01, v23;
	v25 =	vmul.f32 v13, v21  }
.Ltmp6:
0x346: {  	v24 =	vadd.f32 $2.000000000e+00, v18;
	v16 =	vpop (erf);
	v13 =	vmul.f32 v7, v7;
	v23 =	vadd.f32 v5, v10;
	(pc) =	sbr.rel @p0 .LBB2_15-.Ltmp6, $4  }
0x347: {  	v5 =	vmul.f32 v16, v9;
	v16 =	vadd.f32 $1.000000000e+00, v22;
	v10 =	vand.u32 $0x7FFFFF, v25;
	v19 =	vpop (erf)  }
0x348: {  	v20 =	vadd.f32 $1.000000000e+00, v14;
	v9 =	vshrl.u32 v25, $0x17;
	v10 =	vor.u32 $0x3F800000, v10;
	v21 =	vpop (erf);
	[tilespmem:s30+$0xFFFFFFF0] =	vst v23  }
0x349: {  	v18 =	vmul.f32 $2.857142980e-01, v13;
	vm0 =	vgt.f32 v10, $1.414213540e+00;
	v14 =	vmul.f32 $5.000000000e-01, v10  }
0x34a: {  	s21 =	sadd.s32 $0x40, s21;
	v17 =	vmul.f32 v24, v17;
	v16 =	vmul.f32 v21, v16  }
0x34b: {  	v19 =	vmul.f32 v19, v20;
	_ =	sdelay $0x1  }
0x34c: {  	v20 =	vand.u32 $0x7FFFFF, v19  }
0x34d: {  	v46 =	vand.u32 $0x7FFFFF, v5;
	v21 =	vand.u32 $0x7FFFFF, v16;
	v20 =	vor.u32 $0x3F800000, v20  }
0x34e: {  	v10 =	vsel vm0, v14, v10;
	v21 =	vor.u32 $0x3F800000, v21;
	v22 =	vmul.f32 $5.000000000e-01, v20  }
0x34f: {  	v18 =	vadd.f32 $4.000000060e-01, v18;
	v23 =	vmul.f32 $5.000000000e-01, v21;
	vm3 =	vgt.f32 v20, $1.414213540e+00  }
0x350: {  	vm1 =	vgt.f32 v21, $1.414213540e+00;
	v20 =	vsel vm3, v22, v20;
	v22 =	vor.u32 $0x3F800000, v46  }
0x351: {  	v21 =	vsel vm1, v23, v21;
	v24 =	vadd.f32 $1.000000000e+00, v20;
	v14 =	vmul.f32 $5.000000000e-01, v22  }
0x352: {  	v12 =	vmul.f32 v12, v8;
	v23 =	vadd.f32 $1.000000000e+00, v21;
	vm2 =	vgt.f32 v22, $1.414213540e+00  }
0x353: {  	v47 =	vadd.f32 $1.000000000e+00, v10;
	(erf) = vrcp.f32 v24;
	v14 =	vsel vm2, v14, v22  }
0x354: {  	v18 =	vmul.f32 v18, v13;
	(erf) = vrcp.f32 v23;
	v22 =	vadd.f32 $1.000000000e+00, v14  }
0x355: {  	(erf) = vrcp.f32 v47  }
0x356: {  	v12 =	vadd.f32 $6.666666860e-01, v12;
	v18 =	vadd.f32 $6.666666860e-01, v18;
	(erf) = vrcp.f32 v22;
	_ =	sdelay $0x1  }
0x357: {  	v8 =	vmul.f32 v12, v8;
	v12 =	vmul.f32 v18, v13  }
0x358: {  	v11 =	vmul.f32 $6.931471820e-01, v11  }
0x359: {  	v51 =	vsel vm0, $0x1, v3;
	v5 =	vshrl.u32 v5, $0x17;
	v12 =	vadd.f32 $2.000000000e+00, v12  }
0x35a: {  	v15 =	vadd.f32 v17, v15;
	v9 =	vadd.s32 v51, v9;
	v8 =	vadd.f32 $2.000000000e+00, v8  }
0x35b: {  	v49 =	vshrl.u32 v19, $0x17;
	v9 =	vadd.s32 $0xFFFFFF81, v9;
	v52 =	vadd.f32 $-1.000000000e+00, v20;
	v50 =	vpop (erf)  }
0x35c: {  	v4 =	vmul.f32 v8, v4;
	v8 =	vadd.f32 $-1.000000000e+00, v10;
	v7 =	vmul.f32 v12, v7;
	v53 =	vpop (erf)  }
0x35d: {  	v9 =	vcvt.s32.f32 v9;
	v14 =	vadd.f32 $-1.000000000e+00, v14;
	v10 =	vmul.f32 v50, v52;
	v12 =	vpop (erf)  }
0x35e: {  	v6 =	vadd.f32 v7, v6;
	v7 =	vadd.f32 $-1.000000000e+00, v21;
	v8 =	vmul.f32 v12, v8;
	v12 =	vpop (erf)  }
0x35f: {  	v4 =	vadd.f32 v4, v11;
	v11 =	vmul.f32 v10, v10;
	v12 =	vmul.f32 v12, v14  }
0x360: {  	v48 =	vsel vm3, $0x1, v3;
	v7 =	vmul.f32 v53, v7;
	v54 =	vmul.f32 v8, v8  }
0x361: {  	v13 =	vshrl.u32 v16, $0x17;
	v55 =	vmul.f32 $2.857142980e-01, v11;
	v56 =	vmul.f32 v12, v12  }
0x362: {  	v14 =	vsel vm1, $0x1, v3;
	v59 =	vmul.f32 v7, v7;
	v58 =	vmul.f32 $2.857142980e-01, v54  }
0x363: {  	v13 =	vadd.s32 v14, v13;
	v14 =	vadd.f32 $4.000000060e-01, v55;
	v60 =	vmul.f32 $2.857142980e-01, v56  }
0x364: {  	v9 =	vmul.f32 $6.931471820e-01, v9;
	v62 =	vmul.f32 $2.857142980e-01, v59;
	v61 =	vadd.f32 $4.000000060e-01, v58  }
0x365: {  	v16 =	vadd.s32 v48, v49;
	v14 =	vmul.f32 v14, v11;
	v18 =	vadd.f32 $4.000000060e-01, v60  }
0x366: {  	v16 =	vadd.s32 $0xFFFFFF81, v16;
	v21 =	vadd.f32 $4.000000060e-01, v62;
	v20 =	vmul.f32 v61, v54  }
0x367: {  	v57 =	vsel vm2, $0x1, v3;
	v14 =	vadd.f32 $6.666666860e-01, v14;
	v18 =	vmul.f32 v18, v56  }
0x368: {  	v16 =	vcvt.s32.f32 v16;
	v21 =	vmul.f32 v21, v59;
	v20 =	vadd.f32 $6.666666860e-01, v20  }
0x369: {  	v5 =	vadd.s32 v57, v5;
	v11 =	vmul.f32 v14, v11;
	v14 =	vadd.f32 $6.666666860e-01, v18  }
0x36a: {  	v5 =	vadd.s32 $0xFFFFFF81, v5;
	v63 =	vadd.f32 $6.666666860e-01, v21;
	v17 =	vmul.f32 v20, v54  }
0x36b: {  	v16 =	vmul.f32 $6.931471820e-01, v16;
	v11 =	vadd.f32 $2.000000000e+00, v11;
	v14 =	vmul.f32 v14, v56  }
0x36c: {  	v5 =	vcvt.s32.f32 v5;
	v18 =	vmul.f32 v63, v59;
	v17 =	vadd.f32 $2.000000000e+00, v17  }
0x36d: {  	v13 =	vadd.s32 $0xFFFFFF81, v13;
	v10 =	vmul.f32 v11, v10;
	v11 =	vadd.f32 $2.000000000e+00, v14  }
0x36e: {  	[tilespmem:s25+$0x10] =	vst v15;
	v13 =	vcvt.s32.f32 v13;
	v14 =	vadd.f32 $2.000000000e+00, v18;
	v8 =	vmul.f32 v17, v8  }
0x36f: {  	v5 =	vmul.f32 $6.931471820e-01, v5;
	[tilespmem:s25+$0xFFFFFFE0] =	vst v6;
	v6 =	vadd.f32 v10, v16;
	v10 =	vmul.f32 v11, v12  }
0x370: {  	s1 =	sadd.s32 $0x40, s30;
	[tilespmem:s25+$0x0] =	vst v4;
	v7 =	vmul.f32 v14, v7;
	v4 =	vadd.f32 v8, v9;
	v8 =	vmul.f32 $6.931471820e-01, v13  }
0x371: {  	[tilespmem:s1+$0xFFFFFFF0] =	vst v6;
	v5 =	vadd.f32 v10, v5  }
0x372: {  	[tilespmem:s1+$0x10] =	vst v4;
	v4 =	vadd.f32 v7, v8  }
0x373: {  	[tilespmem:s1+$0xFFFFFFE0] =	vst v5  }
0x374: {  	s3 =	simm.s32 $0x10020;
	[tilespmem:s1+$0x0] =	vst v4  }
0x375: {  	s4 =	simm.s32 $0x2010;
	v4 =	vld [tilespmem:s3+$0xFFFFFFE0]  }
0x376: {  	s5 =	simm.s32 $0x0;
	v5 =	vld [tilespmem:s4+$0xFFFFDFF0]  }
0x377: {  	s30 =	sand.u32 $0xFC0, s5  }
0x378: {  	v6 =	vld [tilespmem:s30+$0x1000];
	_ =	sdelay $0x1  }
0x379: {  	v7 =	vld [tilespmem:s30+$0x2000]  }
0x37a: {  	v8 =	vld [tilespmem:s3+$0xFFFFFFF0];
	v4 =	vadd.f32 v5, v4  }
0x37b: {  	v5 =	vld [tilespmem:s30+$0x3000]  }
0x37c: {  	v9 =	vld [tilespmem:s4+$0xFFFFE000];
	v4 =	vadd.f32 v6, v4  }
0x37d: {  	v10 =	vld [tilespmem:s4+$0xFFFFE010]  }
0x37e: {  	v11 =	vld [tilespmem:s4+$0xFFFFE020];
	v4 =	vadd.f32 v7, v4  }
0x37f: {  	v14 =	vld [tilespmem:s4+$0x0]  }
0x380: {  	v15 =	vld [tilespmem:s4+$0x1000];
	v12 =	vadd.f32 v5, v4  }
0x381: {  	s13 =	simm.s32 $0x11020;
	v6 =	vld [tilespmem:s3+$0x0]  }
0x382: {  	v4 =	vld [tilespmem:s4+$0xFFFFF000];
	[tilespmem:s13+$0xFFFFFFE0] =	vst v12  }
0x383: {  	v13 =	vld [tilespmem:s4+$0xFFFFDFF0]  }
0x384: {  	v7 =	vld [tilespmem:s3+$0x10]  }
0x385: {  	v8 =	vadd.f32 v9, v8;
	v5 =	vld [tilespmem:s4+$0xFFFFF010]  }
0x386: {  	v9 =	vld [tilespmem:s4+$0xFFFFF020]  }
0x387: {  	v4 =	vadd.f32 v4, v8;
	v8 =	vld [tilespmem:s4+$0x10]  }
0x388: {  	v6 =	vadd.f32 v10, v6;
	v10 =	vld [tilespmem:s4+$0x20];
	v13 =	vsub.f32 v12, v13  }
0x389: {  	v7 =	vadd.f32 v11, v7;
	v11 =	vld [tilespmem:s4+$0x1010];
	v4 =	vadd.f32 v14, v4  }
0x38a: {  	v5 =	vadd.f32 v5, v6;
	v6 =	vld [tilespmem:s4+$0x1020];
	[tilespmem:s4+$0xFFFFDFF0] =	vst v13  }
0x38b: {  	v7 =	vadd.f32 v9, v7;
	v13 =	vadd.f32 v15, v4;
	v9 =	vld [tilespmem:s30+$0x3000]  }
0x38c: {  	v4 =	vadd.f32 v8, v5;
	v8 =	vld [tilespmem:s30+$0x1000]  }
0x38d: {  	v7 =	vadd.f32 v10, v7;
	v10 =	vld [tilespmem:s30+$0x2000];
	[tilespmem:s13+$0xFFFFFFF0] =	vst v13  }
0x38e: {  	v5 =	vadd.f32 v11, v4;
	v11 =	vld [tilespmem:s4+$0xFFFFE000]  }
0x38f: {  	v4 =	vadd.f32 v6, v7;
	v6 =	vld [tilespmem:s4+$0xFFFFF000]  }
0x390: {  	[tilespmem:s13+$0x0] =	vst v5;
	v7 =	vsub.f32 v12, v9;
	v9 =	vld [tilespmem:s4+$0x0]  }
0x391: {  	v14 =	vld [tilespmem:s4+$0x1000];
	[tilespmem:s13+$0x10] =	vst v4;
	v8 =	vsub.f32 v12, v8  }
0x392: {  	v15 =	vld [tilespmem:s4+$0xFFFFE010];
	v10 =	vsub.f32 v12, v10;
	[tilespmem:s30+$0x3000] =	vst v7  }
0x393: {  	[tilespmem:s30+$0x1000] =	vst v8;
	v11 =	vsub.f32 v13, v11;
	v8 =	vld [tilespmem:s4+$0xFFFFF010]  }
0x394: {  	[tilespmem:s30+$0x2000] =	vst v10;
	v10 =	vsub.f32 v13, v6;
	v7 =	vld [tilespmem:s4+$0x10]  }
0x395: {  	v6 =	vld [tilespmem:s4+$0x1010];
	[tilespmem:s4+$0xFFFFE000] =	vst v11;
	v11 =	vsub.f32 v13, v9  }
0x396: {  	v12 =	vsub.f32 v13, v14;
	[tilespmem:s4+$0xFFFFF000] =	vst v10;
	v9 =	vld [tilespmem:s4+$0xFFFFE020]  }
0x397: {  	s6 =	simm.s32 $0x10060;
	s20 =	simm.s32 $0x2010;
	v10 =	vld [tilespmem:s4+$0xFFFFF020];
	[tilespmem:s4+$0x0] =	vst v11;
	v11 =	vsub.f32 v5, v15  }
.LBB2_17:
0x398: {  	v13 =	vld [tilespmem:s6+$0xFFFFFFE0];
	[tilespmem:s4+$0x1000] =	vst v12;
	v8 =	vsub.f32 v5, v8;
	s20 =	sadd.s32 $0x40, s20  }
0x399: {  	s0 =	sadd.s32 $0x4, s0;
	s5 =	sadd.s32 $0x40, s5;
	v12 =	vld [tilespmem:s20+$0xFFFFDFF0];
	[tilespmem:s4+$0xFFFFE010] =	vst v11;
	v7 =	vsub.f32 v5, v7  }
0x39a: {  	s1 =	sand.u32 $0xFC0, s5;
	p0 =	slt.u32 s0, $0xFC;
	v11 =	vld [tilespmem:s6+$0xFFFFFFF0];
	[tilespmem:s4+$0xFFFFF010] =	vst v8;
	v5 =	vsub.f32 v5, v6  }
0x39b: {  	v6 =	vld [tilespmem:s1+$0x1000];
	[tilespmem:s4+$0x10] =	vst v7;
	v7 =	vsub.f32 v4, v9  }
0x39c: {  	v8 =	vld [tilespmem:s20+$0xFFFFE000];
	[tilespmem:s4+$0x1010] =	vst v5;
	v5 =	vsub.f32 v4, v10  }
0x39d: {  	v9 =	vld [tilespmem:s1+$0x2000];
	[tilespmem:s4+$0xFFFFE020] =	vst v7  }
0x39e: {  	v7 =	vadd.f32 v12, v13;
	v10 =	vld [tilespmem:s6+$0x0];
	[tilespmem:s4+$0xFFFFF020] =	vst v5  }
0x39f: {  	v5 =	vld [tilespmem:s1+$0x3000]  }
0x3a0: {  	v6 =	vadd.f32 v6, v7;
	v7 =	vld [tilespmem:s20+$0xFFFFE010]  }
0x3a1: {  	v8 =	vadd.f32 v8, v11;
	v11 =	vld [tilespmem:s6+$0x10]  }
0x3a2: {  	v6 =	vadd.f32 v9, v6;
	v9 =	vld [tilespmem:s20+$0xFFFFE020]  }
0x3a3: {  	v12 =	vld [tilespmem:s20+$0xFFFFF000]  }
0x3a4: {  	v6 =	vadd.f32 v5, v6;
	v5 =	vld [tilespmem:s20+$0xFFFFF010]  }
0x3a5: {  	s13 =	sadd.s32 $0x40, s13;
	v7 =	vadd.f32 v7, v10;
	v10 =	vld [tilespmem:s20+$0xFFFFF020]  }
0x3a6: {  	[tilespmem:s13+$0xFFFFFFE0] =	vst v6;
	v13 =	vld [tilespmem:s20+$0x0]  }
0x3a7: {  	v14 =	vld [tilespmem:s20+$0xFFFFDFF0];
	v9 =	vadd.f32 v9, v11  }
0x3a8: {  	v8 =	vadd.f32 v12, v8;
	v11 =	vld [tilespmem:s20+$0x10]  }
0x3a9: {  	v5 =	vadd.f32 v5, v7;
	v7 =	vld [tilespmem:s20+$0x20]  }
0x3aa: {  	v12 =	vld [tilespmem:s20+$0x1000];
	v9 =	vadd.f32 v10, v9  }
0x3ab: {  	v8 =	vadd.f32 v13, v8;
	v10 =	vld [tilespmem:s20+$0x1010]  }
0x3ac: {  	v13 =	vsub.f32 v6, v14;
	v14 =	vld [tilespmem:s20+$0x1020]  }
0x3ad: {  	v5 =	vadd.f32 v11, v5;
	v11 =	vld [tilespmem:s4+$0x20]  }
0x3ae: {  	[tilespmem:s20+$0xFFFFDFF0] =	vst v13;
	v7 =	vadd.f32 v7, v9;
	v9 =	vld [tilespmem:s4+$0x1020]  }
0x3af: {  	v13 =	vld [tilespmem:s1+$0x3000];
	v12 =	vadd.f32 v12, v8  }
0x3b0: {  	v8 =	vld [tilespmem:s1+$0x1000];
	v5 =	vadd.f32 v10, v5  }
0x3b1: {  	v10 =	vld [tilespmem:s1+$0x2000];
	[tilespmem:s13+$0xFFFFFFF0] =	vst v12;
	v7 =	vadd.f32 v14, v7  }
0x3b2: {  	v14 =	vld [tilespmem:s20+$0xFFFFE000];
	[tilespmem:s13+$0x0] =	vst v5;
	v11 =	vsub.f32 v4, v11  }
0x3b3: {  	v15 =	vld [tilespmem:s20+$0xFFFFF000];
	[tilespmem:s13+$0x10] =	vst v7;
	v9 =	vsub.f32 v4, v9;
	v4 =	vmov v7  }
0x3b4: {  	v7 =	vsub.f32 v6, v13;
	v13 =	vld [tilespmem:s20+$0x0];
	[tilespmem:s4+$0x20] =	vst v11  }
0x3b5: {  	v8 =	vsub.f32 v6, v8;
	v11 =	vld [tilespmem:s20+$0x1000];
	[tilespmem:s4+$0x1020] =	vst v9;
	s4 =	smov.u32 s20  }
0x3b6: {  	v6 =	vsub.f32 v6, v10;
	[tilespmem:s1+$0x3000] =	vst v7;
	v10 =	vld [tilespmem:s20+$0xFFFFE010]  }
.Ltmp7:
0x3b7: {  	[tilespmem:s1+$0x1000] =	vst v8;
	v9 =	vsub.f32 v12, v14;
	v8 =	vld [tilespmem:s20+$0xFFFFF010];
	(pc) =	sbr.rel @p0 .LBB2_17-.Ltmp7, $4  }
0x3b8: {  	[tilespmem:s1+$0x2000] =	vst v6;
	v14 =	vsub.f32 v12, v15;
	v7 =	vld [tilespmem:s20+$0x10]  }
0x3b9: {  	[tilespmem:s20+$0xFFFFE000] =	vst v9;
	v13 =	vsub.f32 v12, v13;
	v6 =	vld [tilespmem:s20+$0x1010]  }
0x3ba: {  	[tilespmem:s20+$0xFFFFF000] =	vst v14;
	v12 =	vsub.f32 v12, v11;
	v9 =	vld [tilespmem:s20+$0xFFFFE020]  }
0x3bb: {  	s6 =	sadd.s32 $0x40, s6;
	[tilespmem:s20+$0x0] =	vst v13;
	v11 =	vsub.f32 v5, v10;
	v10 =	vld [tilespmem:s20+$0xFFFFF020]  }
0x3bc: {  	v61 =	vld [tilespmem:s4+$0x20];
	[tilespmem:s4+$0x1000] =	vst v12;
	v8 =	vsub.f32 v5, v8  }
0x3bd: {  	v62 =	vld [tilespmem:s4+$0x1020];
	[tilespmem:s4+$0xFFFFE010] =	vst v11;
	v7 =	vsub.f32 v5, v7  }
0x3be: {  	s2 =	sadd.s32 $0x1, s2;
	[tilespmem:s4+$0xFFFFF010] =	vst v8;
	v5 =	vsub.f32 v5, v6  }
0x3bf: {  	p0 =	sne.s32 s2, $0x5;
	v9 =	vsub.f32 v4, v9;
	[tilespmem:s4+$0x10] =	vst v7  }
.Ltmp8:
0x3c0: {  	v10 =	vsub.f32 v4, v10;
	[tilespmem:s4+$0x1010] =	vst v5;
	(pc) =	sbr.rel @p0 .LBB2_8-.Ltmp8, $4  }
0x3c1: {  	[tilespmem:s4+$0xFFFFE020] =	vst v9;
	v63 =	vsub.f32 v4, v61  }
0x3c2: {  	v4 =	vsub.f32 v4, v62;
	[tilespmem:s4+$0xFFFFF020] =	vst v10  }
0x3c3: {  	[tilespmem:s4+$0x20] =	vst v63  }
0x3c4: {  	[tilespmem:s4+$0x1020] =	vst v4  }
0x3c5: {  	s10 =	rddreg [dreg:$0x3];
	s5 =	simm.s32 $0x11000;
	s7 =	simm.s32 $0x14000  }
0x3c6: {  	[spmem:s10] =	stream.indirect.scatter [tilespmem:s5], [sflag:$0x1], $0x1, s7, s8, $0xb8;
	[tilespmem:$0x1E880] =	vst v63  }
0x3c7: {  	s9 =	simm.s32 $0x14080;
	s0 =	simm.s32 $0x11080  }
0x3c8: {  	[spmem:s10] =	stream.indirect.scatter [tilespmem:s0], [sflag:$0x1], $0x1, s9, s8, $0xb8;
	[tilespmem:$0x1E880] =	vst v63  }
0x3c9: {  	s11 =	simm.s32 $0x14100;
	s17 =	simm.s32 $0x11100  }
0x3ca: {  	[spmem:s10] =	stream.indirect.scatter [tilespmem:s17], [sflag:$0x1], $0x1, s11, s8, $0xb8;
	[tilespmem:$0x1E880] =	vst v63  }
0x3cb: {  	s12 =	simm.s32 $0x14180;
	s18 =	simm.s32 $0x11180  }
0x3cc: {  	[spmem:s10] =	stream.indirect.scatter [tilespmem:s18], [sflag:$0x1], $0x1, s12, s8, $0xb8;
	[tilespmem:$0x1E880] =	vst v63  }
0x3cd: {  	s13 =	simm.s32 $0x14200;
	s19 =	simm.s32 $0x11200  }
0x3ce: {  	[spmem:s10] =	stream.indirect.scatter [tilespmem:s19], [sflag:$0x1], $0x1, s13, s8, $0xb8;
	[tilespmem:$0x1E880] =	vst v63  }
0x3cf: {  	s20 =	simm.s32 $0x14280;
	s1 =	simm.s32 $0x11280  }
0x3d0: {  	[spmem:s10] =	stream.indirect.scatter [tilespmem:s1], [sflag:$0x1], $0x1, s20, s8, $0xb8;
	[tilespmem:$0x1E880] =	vst v63  }
0x3d1: {  	s21 =	simm.s32 $0x14300;
	s23 =	simm.s32 $0x11300  }
0x3d2: {  	[spmem:s10] =	stream.indirect.scatter [tilespmem:s23], [sflag:$0x1], $0x1, s21, s8, $0xb8;
	[tilespmem:$0x1E880] =	vst v63  }
0x3d3: {  	s24 =	simm.s32 $0x14380;
	s25 =	simm.s32 $0x11380  }
0x3d4: {  	[spmem:s10] =	stream.indirect.scatter [tilespmem:s25], [sflag:$0x1], $0x1, s24, s8, $0xb8;
	[tilespmem:$0x1E880] =	vst v63  }
0x3d5: {  	s28 =	simm.s32 $0x14400;
	s30 =	simm.s32 $0x11400  }
0x3d6: {  	[spmem:s10] =	stream.indirect.scatter [tilespmem:s30], [sflag:$0x1], $0x1, s28, s8, $0xb8;
	[tilespmem:$0x1E880] =	vst v63  }
0x3d7: {  	s2 =	simm.s32 $0x14480;
	s3 =	simm.s32 $0x11480  }
0x3d8: {  	[spmem:s10] =	stream.indirect.scatter [tilespmem:s3], [sflag:$0x1], $0x1, s2, s8, $0xb8;
	[tilespmem:$0x1E880] =	vst v63  }
0x3d9: {  	s4 =	simm.s32 $0x14500;
	s6 =	simm.s32 $0x11500  }
0x3da: {  	[spmem:s10] =	stream.indirect.scatter [tilespmem:s6], [sflag:$0x1], $0x1, s4, s8, $0xb8;
	[tilespmem:$0x1E880] =	vst v63  }
0x3db: {  	s15 =	simm.s32 $0x14580;
	s16 =	simm.s32 $0x11580  }
0x3dc: {  	[spmem:s10] =	stream.indirect.scatter [tilespmem:s16], [sflag:$0x1], $0x1, s15, s8, $0xb8;
	[tilespmem:$0x1E880] =	vst v63  }
0x3dd: {  	s17 =	simm.s32 $0x14600;
	s18 =	simm.s32 $0x11600  }
0x3de: {  	[spmem:s10] =	stream.indirect.scatter [tilespmem:s18], [sflag:$0x1], $0x1, s17, s8, $0xb8;
	[tilespmem:$0x1E880] =	vst v63  }
0x3df: {  	s19 =	simm.s32 $0x14680;
	s20 =	simm.s32 $0x11680  }
0x3e0: {  	[spmem:s10] =	stream.indirect.scatter [tilespmem:s20], [sflag:$0x1], $0x1, s19, s8, $0xb8;
	[tilespmem:$0x1E880] =	vst v63  }
0x3e1: {  	s21 =	simm.s32 $0x14700;
	s23 =	simm.s32 $0x11700  }
0x3e2: {  	[spmem:s10] =	stream.indirect.scatter [tilespmem:s23], [sflag:$0x1], $0x1, s21, s8, $0xb8;
	[tilespmem:$0x1E880] =	vst v63  }
0x3e3: {  	s24 =	simm.s32 $0x14780;
	s25 =	simm.s32 $0x11780  }
0x3e4: {  	[spmem:s10] =	stream.indirect.scatter [tilespmem:s25], [sflag:$0x1], $0x1, s24, s8, $0xb8;
	[tilespmem:$0x1E880] =	vst v63  }
0x3e5: {  	s28 =	simm.s32 $0x14800;
	s30 =	simm.s32 $0x11800  }
0x3e6: {  	[spmem:s10] =	stream.indirect.scatter [tilespmem:s30], [sflag:$0x1], $0x1, s28, s8, $0xb8;
	[tilespmem:$0x1E880] =	vst v63  }
0x3e7: {  	s2 =	simm.s32 $0x14880;
	s3 =	simm.s32 $0x11880  }
0x3e8: {  	[spmem:s10] =	stream.indirect.scatter [tilespmem:s3], [sflag:$0x1], $0x1, s2, s8, $0xb8;
	[tilespmem:$0x1E880] =	vst v63  }
0x3e9: {  	s4 =	simm.s32 $0x14900;
	s6 =	simm.s32 $0x11900  }
0x3ea: {  	[spmem:s10] =	stream.indirect.scatter [tilespmem:s6], [sflag:$0x1], $0x1, s4, s8, $0xb8;
	[tilespmem:$0x1E880] =	vst v63  }
0x3eb: {  	s15 =	simm.s32 $0x14980;
	s16 =	simm.s32 $0x11980  }
0x3ec: {  	[spmem:s10] =	stream.indirect.scatter [tilespmem:s16], [sflag:$0x1], $0x1, s15, s8, $0xb8;
	[tilespmem:$0x1E880] =	vst v63  }
0x3ed: {  	s17 =	simm.s32 $0x14A00;
	s18 =	simm.s32 $0x11A00  }
0x3ee: {  	[spmem:s10] =	stream.indirect.scatter [tilespmem:s18], [sflag:$0x1], $0x1, s17, s8, $0xb8;
	[tilespmem:$0x1E880] =	vst v63  }
0x3ef: {  	s19 =	simm.s32 $0x14A80;
	s20 =	simm.s32 $0x11A80  }
0x3f0: {  	[spmem:s10] =	stream.indirect.scatter [tilespmem:s20], [sflag:$0x1], $0x1, s19, s8, $0xb8;
	[tilespmem:$0x1E880] =	vst v63  }
0x3f1: {  	s21 =	simm.s32 $0x14B00;
	s23 =	simm.s32 $0x11B00  }
0x3f2: {  	[spmem:s10] =	stream.indirect.scatter [tilespmem:s23], [sflag:$0x1], $0x1, s21, s8, $0xb8;
	[tilespmem:$0x1E880] =	vst v63  }
0x3f3: {  	s24 =	simm.s32 $0x14B80;
	s25 =	simm.s32 $0x11B80  }
0x3f4: {  	[spmem:s10] =	stream.indirect.scatter [tilespmem:s25], [sflag:$0x1], $0x1, s24, s8, $0xb8;
	[tilespmem:$0x1E880] =	vst v63  }
0x3f5: {  	s28 =	simm.s32 $0x14C00;
	s30 =	simm.s32 $0x11C00  }
0x3f6: {  	[spmem:s10] =	stream.indirect.scatter [tilespmem:s30], [sflag:$0x1], $0x1, s28, s8, $0xb8;
	[tilespmem:$0x1E880] =	vst v63  }
0x3f7: {  	s1 =	simm.s32 $0x14C80;
	s2 =	simm.s32 $0x11C80  }
0x3f8: {  	[spmem:s10] =	stream.indirect.scatter [tilespmem:s2], [sflag:$0x1], $0x1, s1, s8, $0xb8;
	[tilespmem:$0x1E880] =	vst v63  }
0x3f9: {  	s3 =	simm.s32 $0x14D00;
	s4 =	simm.s32 $0x11D00  }
0x3fa: {  	[spmem:s10] =	stream.indirect.scatter [tilespmem:s4], [sflag:$0x1], $0x1, s3, s8, $0xb8;
	[tilespmem:$0x1E880] =	vst v63  }
0x3fb: {  	s6 =	simm.s32 $0x14D80;
	s15 =	simm.s32 $0x11D80  }
0x3fc: {  	[spmem:s10] =	stream.indirect.scatter [tilespmem:s15], [sflag:$0x1], $0x1, s6, s8, $0xb8;
	[tilespmem:$0x1E880] =	vst v63  }
0x3fd: {  	s16 =	simm.s32 $0x14E00;
	s17 =	simm.s32 $0x11E00  }
0x3fe: {  	[spmem:s10] =	stream.indirect.scatter [tilespmem:s17], [sflag:$0x1], $0x1, s16, s8, $0xb8;
	[tilespmem:$0x1E880] =	vst v63  }
0x3ff: {  	s18 =	simm.s32 $0x14E80;
	s19 =	simm.s32 $0x11E80  }
0x400: {  	[spmem:s10] =	stream.indirect.scatter [tilespmem:s19], [sflag:$0x1], $0x1, s18, s8, $0xb8;
	[tilespmem:$0x1E880] =	vst v63  }
0x401: {  	s20 =	simm.s32 $0x14F00;
	s21 =	simm.s32 $0x11F00  }
0x402: {  	[spmem:s10] =	stream.indirect.scatter [tilespmem:s21], [sflag:$0x1], $0x1, s20, s8, $0xb8;
	[tilespmem:$0x1E880] =	vst v63  }
0x403: {  	s23 =	simm.s32 $0x14F80;
	s24 =	simm.s32 $0x11F80  }
0x404: {  	[spmem:s10] =	stream.indirect.scatter [tilespmem:s24], [sflag:$0x1], $0x1, s23, s8, $0xb8;
	[tilespmem:$0x1E880] =	vst v63  }
0x405: {  	_ =	swait.ge [sflag:s26], $0x80  }
0x406: {  	[sflag:s26] =	ssyncset.done $0x0  }
0x407: {  	[sflag:s26] =	ssyncadd.s32 $0xFFFFFF80  }
0x408: {  	_ =	swait.ge [sflag:s26], $0x80  }
0x409: {  	[sflag:s26] =	ssyncset.done $0x0  }
0x40a: {  	[sflag:s26] =	ssyncadd.s32 $0xFFFFFF80  }
0x40b: {  	_ =	swait.ge [sflag:s26], $0x80  }
0x40c: {  	[sflag:s26] =	ssyncset.done $0x0  }
0x40d: {  	[sflag:s26] =	ssyncadd.s32 $0xFFFFFF80  }
0x40e: {  	_ =	swait.ge [sflag:s26], $0x80  }
0x40f: {  	[sflag:s26] =	ssyncset.done $0x0  }
0x410: {  	[sflag:s26] =	ssyncadd.s32 $0xFFFFFF80  }
0x411: {  	_ =	swait.ge [sflag:s26], $0x80  }
0x412: {  	[sflag:s26] =	ssyncset.done $0x0  }
0x413: {  	[sflag:s26] =	ssyncadd.s32 $0xFFFFFF80  }
0x414: {  	_ =	swait.ge [sflag:s26], $0x80  }
0x415: {  	[sflag:s26] =	ssyncset.done $0x0  }
0x416: {  	[sflag:s26] =	ssyncadd.s32 $0xFFFFFF80  }
0x417: {  	_ =	swait.ge [sflag:s26], $0x80  }
0x418: {  	[sflag:s26] =	ssyncset.done $0x0  }
0x419: {  	[sflag:s26] =	ssyncadd.s32 $0xFFFFFF80  }
0x41a: {  	_ =	swait.ge [sflag:s26], $0x80  }
0x41b: {  	[sflag:s26] =	ssyncset.done $0x0  }
0x41c: {  	[sflag:s26] =	ssyncadd.s32 $0xFFFFFF80  }
0x41d: {  	_ =	swait.ge [sflag:s26], $0x80  }
0x41e: {  	[sflag:s26] =	ssyncset.done $0x0  }
0x41f: {  	[sflag:s26] =	ssyncadd.s32 $0xFFFFFF80  }
0x420: {  	_ =	swait.ge [sflag:s26], $0x80  }
0x421: {  	[sflag:s26] =	ssyncset.done $0x0  }
0x422: {  	[sflag:s26] =	ssyncadd.s32 $0xFFFFFF80  }
0x423: {  	_ =	swait.ge [sflag:s26], $0x80  }
0x424: {  	[sflag:s26] =	ssyncset.done $0x0  }
0x425: {  	[sflag:s26] =	ssyncadd.s32 $0xFFFFFF80  }
0x426: {  	_ =	swait.ge [sflag:s26], $0x80  }
0x427: {  	[sflag:s26] =	ssyncset.done $0x0  }
0x428: {  	[sflag:s26] =	ssyncadd.s32 $0xFFFFFF80  }
0x429: {  	_ =	swait.ge [sflag:s26], $0x80  }
0x42a: {  	[sflag:s26] =	ssyncset.done $0x0  }
0x42b: {  	[sflag:s26] =	ssyncadd.s32 $0xFFFFFF80  }
0x42c: {  	_ =	swait.ge [sflag:s26], $0x80  }
0x42d: {  	[sflag:s26] =	ssyncset.done $0x0  }
0x42e: {  	[sflag:s26] =	ssyncadd.s32 $0xFFFFFF80  }
0x42f: {  	_ =	swait.ge [sflag:s26], $0x80  }
0x430: {  	[sflag:s26] =	ssyncset.done $0x0  }
0x431: {  	[sflag:s26] =	ssyncadd.s32 $0xFFFFFF80  }
0x432: {  	_ =	swait.ge [sflag:s26], $0x80  }
0x433: {  	[sflag:s26] =	ssyncset.done $0x0  }
0x434: {  	[sflag:s26] =	ssyncadd.s32 $0xFFFFFF80  }
0x435: {  	_ =	swait.ge [sflag:s26], $0x80  }
0x436: {  	[sflag:s26] =	ssyncset.done $0x0  }
0x437: {  	[sflag:s26] =	ssyncadd.s32 $0xFFFFFF80  }
0x438: {  	_ =	swait.ge [sflag:s26], $0x80  }
0x439: {  	[sflag:s26] =	ssyncset.done $0x0  }
0x43a: {  	[sflag:s26] =	ssyncadd.s32 $0xFFFFFF80  }
0x43b: {  	_ =	swait.ge [sflag:s26], $0x80  }
0x43c: {  	[sflag:s26] =	ssyncset.done $0x0  }
0x43d: {  	[sflag:s26] =	ssyncadd.s32 $0xFFFFFF80  }
0x43e: {  	_ =	swait.ge [sflag:s26], $0x80  }
0x43f: {  	[sflag:s26] =	ssyncset.done $0x0  }
0x440: {  	[sflag:s26] =	ssyncadd.s32 $0xFFFFFF80  }
0x441: {  	_ =	swait.ge [sflag:s26], $0x80  }
0x442: {  	[sflag:s26] =	ssyncset.done $0x0  }
0x443: {  	[sflag:s26] =	ssyncadd.s32 $0xFFFFFF80  }
0x444: {  	_ =	swait.ge [sflag:s26], $0x80  }
0x445: {  	[sflag:s26] =	ssyncset.done $0x0  }
0x446: {  	[sflag:s26] =	ssyncadd.s32 $0xFFFFFF80  }
0x447: {  	_ =	swait.ge [sflag:s26], $0x80  }
0x448: {  	[sflag:s26] =	ssyncset.done $0x0  }
0x449: {  	[sflag:s26] =	ssyncadd.s32 $0xFFFFFF80  }
0x44a: {  	_ =	swait.ge [sflag:s26], $0x80  }
0x44b: {  	[sflag:s26] =	ssyncset.done $0x0  }
0x44c: {  	[sflag:s26] =	ssyncadd.s32 $0xFFFFFF80  }
0x44d: {  	_ =	swait.ge [sflag:s26], $0x80  }
0x44e: {  	[sflag:s26] =	ssyncset.done $0x0  }
0x44f: {  	[sflag:s26] =	ssyncadd.s32 $0xFFFFFF80  }
0x450: {  	_ =	swait.ge [sflag:s26], $0x80  }
0x451: {  	[sflag:s26] =	ssyncset.done $0x0  }
0x452: {  	[sflag:s26] =	ssyncadd.s32 $0xFFFFFF80  }
0x453: {  	_ =	swait.ge [sflag:s26], $0x80  }
0x454: {  	[sflag:s26] =	ssyncset.done $0x0  }
0x455: {  	[sflag:s26] =	ssyncadd.s32 $0xFFFFFF80  }
0x456: {  	_ =	swait.ge [sflag:s26], $0x80  }
0x457: {  	[sflag:s26] =	ssyncset.done $0x0  }
0x458: {  	[sflag:s26] =	ssyncadd.s32 $0xFFFFFF80  }
0x459: {  	_ =	swait.ge [sflag:s26], $0x80  }
0x45a: {  	[sflag:s26] =	ssyncset.done $0x0  }
0x45b: {  	[sflag:s26] =	ssyncadd.s32 $0xFFFFFF80  }
0x45c: {  	_ =	swait.ge [sflag:s26], $0x80  }
0x45d: {  	[sflag:s26] =	ssyncset.done $0x0  }
0x45e: {  	[sflag:s26] =	ssyncadd.s32 $0xFFFFFF80  }
0x45f: {  	_ =	swait.ge [sflag:s26], $0x80  }
0x460: {  	[sflag:s26] =	ssyncset.done $0x0  }
0x461: {  	[sflag:s26] =	ssyncadd.s32 $0xFFFFFF80  }
0x462: {  	_ =	swait.ge [sflag:s26], $0x80  }
0x463: {  	[sflag:s26] =	ssyncset.done $0x0  }
0x464: {  	[sflag:s26] =	ssyncadd.s32 $0xFFFFFF80  }
0x465: {  	[bflag:$0x0] =	sbarrier.arrive $0xFFFF  }
0x466: {  	s2 =	simm.s32 $0x13000;
	s6 =	rddreg [dreg:$0x9]  }
0x467: {  	[tilespmem:s2], [sflag:$0x2] =	stream.linear.gather [spmem:s6], $0x1000, $0x38;
	[tilespmem:$0x1E880] =	vst v63  }
0x468: {  	_ =	swait.ge [sflag:s22], $0x1000  }
0x469: {  	s3 =	rddreg [dreg:$0x17]  }
0x46a: {  	s30 =	simm.s32 $0x400;
	s25 =	sshll.u32 s3, $0x4;
	s3 =	sadd.s32 $0x1, s3  }
0x46b: {  	[sflag:s22] =	ssyncset.done $0x0;
	s28 =	rddreg [dreg:$0x10];
	p0 =	sne.s32 s3, $0x6  }
.Ltmp9:
0x46c: {  	[sflag:s22] =	ssyncadd.s32 $0xFFFFF000;
	s0 =	sadd.s32 s25, s28;
	(pc) =	sbr.rel @p0 .LBB2_3-.Ltmp9, $4  }
0x46d: {  	[hbm4b:s0+s8] =	stream.strided.scatter [tilespmem:s2], [sflag:$0x2], $0x1000, s30, s8, $0x38;
	[tilespmem:$0x1E880] =	vst v63  }
0x46e: {  	_ =	swait.ge [sflag:s22], $0x1000  }
0x46f: {  	[sflag:s22] =	ssyncset.done $0x0  }
0x470: {  	[sflag:s22] =	ssyncadd.s32 $0xFFFFF000  }
0x471: {  	_ =	sfence.sel $0x180000  }
0x472: {  	[bflag:$0x0] =	sbarrier.arrive $0xFFFF  }
0x473: {  	_ =	strace $0x90000047  }
0x474: {  	s0 =	stileid.u32;
	[bflag:$0x2] =	sbarrier.arrive $0xFFFF  }
0x475: {  	p0 =	sne.s32 s0, $0x0;
	s0 =	rddreg [dreg:$0x6]  }
0x476: {  	s0 =	sadd.s32 @!p0 $0x100000, s0  }
0x477: {  	[sflag:s0] =	ssyncadd.tile.s32 @!p0 $0x1;
	_ =	shalt  }
.Lfunc_end2:
_tile_overlayer_lowered:
.L_overlay_start_2:
0x478: {  	(tag) =	ssettag $0x2  }
0x479: {  	s0 =	rddreg [dreg:$0x0];
	s2 =	stileid.u32  }
0x47a: {  	s1 =	rddreg [dreg:$0x1];
	p0 =	sne.s32 s2, $0x0  }
0x47b: {  	s3 =	rddreg [dreg:$0x2];
	[bflag:$0x3] =	sbarrier.arrive $0xFFFF;
	s2 =	simm.s32 @!p0 $0x1C02  }
0x47c: {  	[timem:s3], [sflag:s2] =	dma.local @!p0 [hbm:s0], s1  }
0x47d: {  	s0 =	simm.s32 @!p0 $0x2  }
0x47e: {  	_ =	swait.ge @!p0 [sflag:s0], s1  }
0x47f: {  	s1 =	ssub.s32 @!p0 $0x0, s1;
	[sflag:s0] =	ssyncset.done @!p0 $0x0  }
0x480: {  	[sflag:s0] =	ssyncadd.s32 @!p0 s1  }
0x481: {  	[bflag:$0x3] =	sbarrier.arrive $0xFFFF  }
0x482: {  	_ =	shalt  }

</sc_bundles>
